<compile_context>
chip_gen: v7x
topology: tpu7x:2x2x1
jax: 0.10.2.dev20260603
libtpu: 0.0.44.dev20260713+nightly
codegen_flags: <defaults>
</compile_context>

<pallas_src>
import math

import jax
import jax.numpy as jnp
from jax import lax
from jax.experimental import pallas as pl
from jax.experimental.pallas import tpu as pltpu
from jax.experimental.pallas import tpu_sc as plsc

D_MODEL = 64
SCALE = math.sqrt(D_MODEL)

NUM_CORES = 2
NUM_SUBCORES = 16
NUM_WORKERS = NUM_CORES * NUM_SUBCORES

BATCH_PER_CHUNK = 16
LANES = 16



def _flatten_idx(x):
    batch, hist = x.shape
    n = batch * hist
    b_per_w = batch // NUM_WORKERS
    GROUP = 4
    flat_len = GROUP * hist

    def body(x_hbm, out_hbm, xv, fv, sem):
        wid = lax.axis_index("s") * NUM_CORES + lax.axis_index("c")
        b0 = wid * b_per_w
        pltpu.sync_copy(x_hbm.at[pl.ds(b0, b_per_w)], xv)

        def group_body(g, _):
            for r in range(GROUP):
                row = g * GROUP + r
                for off in (0, 16, 32, hist - 16):
                    fv[pl.ds(r * hist + off, 16)] = xv[row, pl.ds(off, 16)]
            pltpu.async_copy(
                fv, out_hbm.at[pl.ds((b0 + g * GROUP) * hist, flat_len)],
                sem).wait()
            return 0

        lax.fori_loop(0, b_per_w // GROUP, group_body, 0)

    mesh = plsc.VectorSubcoreMesh(core_axis_name="c", subcore_axis_name="s")
    run = pl.kernel(
        body,
        out_type=jax.ShapeDtypeStruct((n,), jnp.int32),
        mesh=mesh,
        scratch_types=[
            pltpu.VMEM((b_per_w, hist), jnp.int32),
            pltpu.VMEM((flat_len,), jnp.int32),
            pltpu.SemaphoreType.DMA,
        ],
        compiler_params=pltpu.CompilerParams(use_tc_tiling_on_sc=True),
    )
    return run(x)


def kernel(x, weight):
    batch, hist = x.shape
    vocab, d = weight.shape
    n = batch * hist
    idx = _flatten_idx(x)
    wdense = lax.optimization_barrier(weight.reshape(vocab // 2, 2 * d))
    table = wdense.reshape(vocab, d)

    b_per_w = batch // NUM_WORKERS
    rows_per_w = b_per_w * hist
    chunk_rows = BATCH_PER_CHUNK * hist
    num_chunks = b_per_w // BATCH_PER_CHUNK

    def emb_kernel(table_hbm, idx_hbm, out_hbm,
                   idx_v, rows_a, rows_b, gsem_a, gsem_b, osem_a, osem_b):
        wid = lax.axis_index("s") * NUM_CORES + lax.axis_index("c")
        row_base = wid * rows_per_w
        batch_base = wid * b_per_w

        pltpu.sync_copy(idx_hbm.at[pl.ds(row_base, rows_per_w)], idx_v)

        def gather_start(g, buf, sem):
            return pltpu.async_copy(
                table_hbm.at[idx_v.at[pl.ds(g * chunk_rows, chunk_rows)]],
                buf, sem)

        def gather_wait(buf, sem):
            pltpu.make_async_copy(
                table_hbm.at[idx_v.at[pl.ds(0, chunk_rows)]], buf, sem).wait()

        def scale_chunk(buf):
            @plsc.parallel_loop(0, chunk_rows, step=1, unroll=4)
            def _(r):
                for c in range(d // LANES):
                    sl = pl.ds(c * LANES, LANES)
                    buf[r, sl] = buf[r, sl] * SCALE

        def store_start(g, buf, sem):
            b0 = batch_base + g * BATCH_PER_CHUNK
            for k in range(BATCH_PER_CHUNK):
                pltpu.async_copy(
                    buf.at[pl.ds(k * hist, hist)],
                    out_hbm.at[b0 + k, pl.ds(0, hist), pl.ds(0, d)], sem)

        def store_wait(buf, sem):
            for k in range(BATCH_PER_CHUNK):
                pltpu.make_async_copy(
                    buf.at[pl.ds(k * hist, hist)],
                    out_hbm.at[0, pl.ds(0, hist), pl.ds(0, d)], sem).wait()

        m = num_chunks

        gather_start(0, rows_a, gsem_a)
        gather_start(1, rows_b, gsem_b)
        gather_wait(rows_a, gsem_a)
        scale_chunk(rows_a)
        store_start(0, rows_a, osem_a)

        def pair_body(p, _):
            g1 = 1 + 2 * p
            store_wait(rows_a, osem_a)
            gather_start(g1 + 1, rows_a, gsem_a)
            gather_wait(rows_b, gsem_b)
            scale_chunk(rows_b)
            store_start(g1, rows_b, osem_b)
            store_wait(rows_b, osem_b)
            gather_start(g1 + 2, rows_b, gsem_b)
            gather_wait(rows_a, gsem_a)
            scale_chunk(rows_a)
            store_start(g1 + 1, rows_a, osem_a)
            return 0

        lax.fori_loop(0, (m - 2) // 2, pair_body, 0)

        gather_wait(rows_b, gsem_b)
        scale_chunk(rows_b)
        store_start(m - 1, rows_b, osem_b)
        store_wait(rows_a, osem_a)
        store_wait(rows_b, osem_b)

    hist_pad = (hist + 7) // 8 * 8
    d_pad = 128
    mesh = plsc.VectorSubcoreMesh(core_axis_name="c", subcore_axis_name="s")
    run = pl.kernel(
        emb_kernel,
        out_type=jax.ShapeDtypeStruct((batch, hist_pad, d_pad), jnp.float32),
        mesh=mesh,
        scratch_types=[
            pltpu.VMEM((rows_per_w,), jnp.int32),
            pltpu.VMEM((chunk_rows, d), jnp.float32),
            pltpu.VMEM((chunk_rows, d), jnp.float32),
            pltpu.SemaphoreType.DMA,
            pltpu.SemaphoreType.DMA,
            pltpu.SemaphoreType.DMA,
            pltpu.SemaphoreType.DMA,
        ],
        compiler_params=pltpu.CompilerParams(use_tc_tiling_on_sc=False),
    )
    out = run(table, idx)
    return out[:, :hist, :d]

# --- scband reference (transcript-rebuilt; emitter-appended) ---
"""Pipeline reference for scband-embedding-30580167147536 (READ-ONLY COPY).

The authoritative reference and input builder live on the scoring server;
editing this copy changes nothing except your own understanding.
"""

import jax, jax.numpy as jnp
import numpy as np
import math

VOCAB = 1000000
D_MODEL = 64
BATCH = 4096
HIST = 50

def setup_inputs(seed: int = 0) -> dict:
    key = jax.random.key(seed)
    k_idx, k_w = jax.random.split(key)
    x = jax.random.randint(k_idx, (BATCH, HIST), 0, VOCAB, dtype=jnp.int64 if jax.config.jax_enable_x64 else jnp.int32)
    weight = jax.random.normal(k_w, (VOCAB, D_MODEL), dtype=jnp.float32) * 0.02
    return {"x": x, "weight": weight}

def reference(x, weight):
    # torch.nn.Embedding lookup followed by scaling by sqrt(d_model)
    emb = jnp.take(weight, x, axis=0)
    return emb * math.sqrt(D_MODEL)

if __name__ == "__main__":
    import jax
    _d = setup_inputs()
    print(jax.jit(kernel)(*tuple(_d.values())))

</pallas_src>

<mosaic_0001>
#map = affine_map<(d0, d1) -> (0, 0)>
#map1 = affine_map<(d0, d1) -> (0)>
module attributes {stable_mosaic.version = 14 : i64} {
  func.func @body(%arg0: i32, %arg1: i32, %arg2: memref<4096x50xi32, #tpu.memory_space<hbm>>, %arg3: memref<204800xi32, #tpu.memory_space<hbm>>, %arg4: memref<128x50xi32, #tpu.memory_space<vmem>>, %arg5: memref<200xi32, #tpu.memory_space<vmem>>, %arg6: memref<!tpu.dma_semaphore, #tpu.memory_space<semaphore_mem>>) attributes {dimension_semantics = [#tpu.dimension_semantics<core_parallel>, #tpu.dimension_semantics<subcore_parallel>], iteration_bounds = array<i64: 2, 16>, scalar_prefetch = 0 : i64, scratch_operands = 3 : i64, tpu.core_type = #tpu.core_type<sc_vector_subcore>, window_params = [{transform_indices = #map}, {transform_indices = #map1}]} {
    %mul3A = arith.constant 2 : i32
    %mul3A_0 = arith.muli %arg1, %mul3A : i32
    %add3A = arith.addi %mul3A_0, %arg0 : i32
    %mul3A_1 = arith.constant 128 : i32
    %mul3A_2 = arith.muli %add3A, %mul3A_1 : i32
    "tpu.region"() ({
      %run_scoped3A = tpu.sem_alloc : memref<!tpu.dma_semaphore, #tpu.memory_space<semaphore_mem>>
      %dma_start3A = arith.constant 0 : i32
      %dma_start3A_9 = tpu.memref_slice %arg2[%mul3A_2, %dma_start3A] : memref<4096x50xi32, #tpu.memory_space<hbm>> -> memref<128x50xi32, #tpu.memory_space<hbm>>
      %dma_start3A_10 = arith.constant 0 : i32
      %dma_start3A_11 = tpu.memref_slice %arg2[%mul3A_2, %dma_start3A_10] : memref<4096x50xi32, #tpu.memory_space<hbm>> -> memref<128x50xi32, #tpu.memory_space<hbm>>
      tpu.enqueue_dma source(%dma_start3A_11 : memref<128x50xi32, #tpu.memory_space<hbm>>) target(%arg4 : memref<128x50xi32, #tpu.memory_space<vmem>>) target_semaphore(%run_scoped3A : memref<!tpu.dma_semaphore, #tpu.memory_space<semaphore_mem>>)
      %dma_wait3A = arith.constant 0 : i32
      %dma_wait3A_12 = tpu.memref_slice %arg2[%mul3A_2, %dma_wait3A] : memref<4096x50xi32, #tpu.memory_space<hbm>> -> memref<128x50xi32, #tpu.memory_space<hbm>>
      %dma_wait3A_13 = arith.constant 0 : i32
      %dma_wait3A_14 = tpu.memref_slice %arg2[%mul3A_2, %dma_wait3A_13] : memref<4096x50xi32, #tpu.memory_space<hbm>> -> memref<128x50xi32, #tpu.memory_space<hbm>>
      tpu.wait_dma2 semaphore(%run_scoped3A : memref<!tpu.dma_semaphore, #tpu.memory_space<semaphore_mem>>) src(%dma_wait3A_14 : memref<128x50xi32, #tpu.memory_space<hbm>>) dst(%arg4 : memref<128x50xi32, #tpu.memory_space<vmem>>)
      tpu.yield
    }) : () -> ()
    %scan3A = arith.constant 0 : i32
    %scan3A_3 = arith.constant 0 : i32
    %scan3A_4 = arith.constant 32 : i32
    %scan3A_5 = arith.addi %scan3A_3, %scan3A_4 : i32
    %scan3A_6 = arith.constant 1 : i32
    %scan3A_7 = scf.for %scan3A_9 = %scan3A_3 to %scan3A_5 step %scan3A_6 iter_args(%scan3A_10 = %scan3A) -> (i32)  : i32 {
      %mul3A_11 = arith.constant 4 : i32
      %mul3A_12 = arith.muli %scan3A_9, %mul3A_11 : i32
      %add3A_13 = arith.constant 0 : i32
      %add3A_14 = arith.addi %mul3A_12, %add3A_13 : i32
      %get3A = arith.index_cast %add3A_14 : i32 to index
      %get3A_15 = arith.constant 0 : index
      %get3A_16 = tpu.vector_load %arg4[%get3A, %get3A_15] {strides = array<i32>} : memref<128x50xi32, #tpu.memory_space<vmem>>, vector<1x16xi32>,
      %get3A_17 = vector.shape_cast %get3A_16 : vector<1x16xi32> to vector<16xi32>
      %swap3A = arith.constant 0 : index
      %swap3A_18 = tpu.vector_load %arg5[%swap3A] {strides = array<i32>} : memref<200xi32, #tpu.memory_space<vmem>>, vector<16xi32>,
      %swap3A_19 = vector.shape_cast %swap3A_18 : vector<16xi32> to vector<16xi32>
      %swap3A_20 = vector.shape_cast %get3A_17 : vector<16xi32> to vector<16xi32>
      tpu.vector_store %arg5[%swap3A], %swap3A_20 {strides = array<i32>} : memref<200xi32, #tpu.memory_space<vmem>>, vector<16xi32>,
      %get3A_21 = arith.index_cast %add3A_14 : i32 to index
      %get3A_22 = arith.constant 16 : index
      %get3A_23 = tpu.vector_load %arg4[%get3A_21, %get3A_22] {strides = array<i32>} : memref<128x50xi32, #tpu.memory_space<vmem>>, vector<1x16xi32>,
      %get3A_24 = vector.shape_cast %get3A_23 : vector<1x16xi32> to vector<16xi32>
      %swap3A_25 = arith.constant 16 : index
      %swap3A_26 = tpu.vector_load %arg5[%swap3A_25] {strides = array<i32>} : memref<200xi32, #tpu.memory_space<vmem>>, vector<16xi32>,
      %swap3A_27 = vector.shape_cast %swap3A_26 : vector<16xi32> to vector<16xi32>
      %swap3A_28 = vector.shape_cast %get3A_24 : vector<16xi32> to vector<16xi32>
      tpu.vector_store %arg5[%swap3A_25], %swap3A_28 {strides = array<i32>} : memref<200xi32, #tpu.memory_space<vmem>>, vector<16xi32>,
      %get3A_29 = arith.index_cast %add3A_14 : i32 to index
      %get3A_30 = arith.constant 32 : index
      %get3A_31 = tpu.vector_load %arg4[%get3A_29, %get3A_30] {strides = array<i32>} : memref<128x50xi32, #tpu.memory_space<vmem>>, vector<1x16xi32>,
      %get3A_32 = vector.shape_cast %get3A_31 : vector<1x16xi32> to vector<16xi32>
      %swap3A_33 = arith.constant 32 : index
      %swap3A_34 = tpu.vector_load %arg5[%swap3A_33] {strides = array<i32>} : memref<200xi32, #tpu.memory_space<vmem>>, vector<16xi32>,
      %swap3A_35 = vector.shape_cast %swap3A_34 : vector<16xi32> to vector<16xi32>
      %swap3A_36 = vector.shape_cast %get3A_32 : vector<16xi32> to vector<16xi32>
      tpu.vector_store %arg5[%swap3A_33], %swap3A_36 {strides = array<i32>} : memref<200xi32, #tpu.memory_space<vmem>>, vector<16xi32>,
      %get3A_37 = arith.index_cast %add3A_14 : i32 to index
      %get3A_38 = arith.constant 34 : index
      %get3A_39 = tpu.vector_load %arg4[%get3A_37, %get3A_38] {strides = array<i32>} : memref<128x50xi32, #tpu.memory_space<vmem>>, vector<1x16xi32>,
      %get3A_40 = vector.shape_cast %get3A_39 : vector<1x16xi32> to vector<16xi32>
      %swap3A_41 = arith.constant 34 : index
      %swap3A_42 = tpu.vector_load %arg5[%swap3A_41] {strides = array<i32>} : memref<200xi32, #tpu.memory_space<vmem>>, vector<16xi32>,
      %swap3A_43 = vector.shape_cast %swap3A_42 : vector<16xi32> to vector<16xi32>
      %swap3A_44 = vector.shape_cast %get3A_40 : vector<16xi32> to vector<16xi32>
      tpu.vector_store %arg5[%swap3A_41], %swap3A_44 {strides = array<i32>} : memref<200xi32, #tpu.memory_space<vmem>>, vector<16xi32>,
      %mul3A_45 = arith.constant 4 : i32
      %mul3A_46 = arith.muli %scan3A_9, %mul3A_45 : i32
      %add3A_47 = arith.constant 1 : i32
      %add3A_48 = arith.addi %mul3A_46, %add3A_47 : i32
      %get3A_49 = arith.index_cast %add3A_48 : i32 to index
      %get3A_50 = arith.constant 0 : index
      %get3A_51 = tpu.vector_load %arg4[%get3A_49, %get3A_50] {strides = array<i32>} : memref<128x50xi32, #tpu.memory_space<vmem>>, vector<1x16xi32>,
      %get3A_52 = vector.shape_cast %get3A_51 : vector<1x16xi32> to vector<16xi32>
      %swap3A_53 = arith.constant 50 : index
      %swap3A_54 = tpu.vector_load %arg5[%swap3A_53] {strides = array<i32>} : memref<200xi32, #tpu.memory_space<vmem>>, vector<16xi32>,
      %swap3A_55 = vector.shape_cast %swap3A_54 : vector<16xi32> to vector<16xi32>
      %swap3A_56 = vector.shape_cast %get3A_52 : vector<16xi32> to vector<16xi32>
      tpu.vector_store %arg5[%swap3A_53], %swap3A_56 {strides = array<i32>} : memref<200xi32, #tpu.memory_space<vmem>>, vector<16xi32>,
      %get3A_57 = arith.index_cast %add3A_48 : i32 to index
      %get3A_58 = arith.constant 16 : index
      %get3A_59 = tpu.vector_load %arg4[%get3A_57, %get3A_58] {strides = array<i32>} : memref<128x50xi32, #tpu.memory_space<vmem>>, vector<1x16xi32>,
      %get3A_60 = vector.shape_cast %get3A_59 : vector<1x16xi32> to vector<16xi32>
      %swap3A_61 = arith.constant 66 : index
      %swap3A_62 = tpu.vector_load %arg5[%swap3A_61] {strides = array<i32>} : memref<200xi32, #tpu.memory_space<vmem>>, vector<16xi32>,
      %swap3A_63 = vector.shape_cast %swap3A_62 : vector<16xi32> to vector<16xi32>
      %swap3A_64 = vector.shape_cast %get3A_60 : vector<16xi32> to vector<16xi32>
      tpu.vector_store %arg5[%swap3A_61], %swap3A_64 {strides = array<i32>} : memref<200xi32, #tpu.memory_space<vmem>>, vector<16xi32>,
      %get3A_65 = arith.index_cast %add3A_48 : i32 to index
      %get3A_66 = arith.constant 32 : index
      %get3A_67 = tpu.vector_load %arg4[%get3A_65, %get3A_66] {strides = array<i32>} : memref<128x50xi32, #tpu.memory_space<vmem>>, vector<1x16xi32>,
      %get3A_68 = vector.shape_cast %get3A_67 : vector<1x16xi32> to vector<16xi32>
      %swap3A_69 = arith.constant 82 : index
      %swap3A_70 = tpu.vector_load %arg5[%swap3A_69] {strides = array<i32>} : memref<200xi32, #tpu.memory_space<vmem>>, vector<16xi32>,
      %swap3A_71 = vector.shape_cast %swap3A_70 : vector<16xi32> to vector<16xi32>
      %swap3A_72 = vector.shape_cast %get3A_68 : vector<16xi32> to vector<16xi32>
      tpu.vector_store %arg5[%swap3A_69], %swap3A_72 {strides = array<i32>} : memref<200xi32, #tpu.memory_space<vmem>>, vector<16xi32>,
      %get3A_73 = arith.index_cast %add3A_48 : i32 to index
      %get3A_74 = arith.constant 34 : index
      %get3A_75 = tpu.vector_load %arg4[%get3A_73, %get3A_74] {strides = array<i32>} : memref<128x50xi32, #tpu.memory_space<vmem>>, vector<1x16xi32>,
      %get3A_76 = vector.shape_cast %get3A_75 : vector<1x16xi32> to vector<16xi32>
      %swap3A_77 = arith.constant 84 : index
      %swap3A_78 = tpu.vector_load %arg5[%swap3A_77] {strides = array<i32>} : memref<200xi32, #tpu.memory_space<vmem>>, vector<16xi32>,
      %swap3A_79 = vector.shape_cast %swap3A_78 : vector<16xi32> to vector<16xi32>
      %swap3A_80 = vector.shape_cast %get3A_76 : vector<16xi32> to vector<16xi32>
      tpu.vector_store %arg5[%swap3A_77], %swap3A_80 {strides = array<i32>} : memref<200xi32, #tpu.memory_space<vmem>>, vector<16xi32>,
      %mul3A_81 = arith.constant 4 : i32
      %mul3A_82 = arith.muli %scan3A_9, %mul3A_81 : i32
      %add3A_83 = arith.constant 2 : i32
      %add3A_84 = arith.addi %mul3A_82, %add3A_83 : i32
      %get3A_85 = arith.index_cast %add3A_84 : i32 to index
      %get3A_86 = arith.constant 0 : index
      %get3A_87 = tpu.vector_load %arg4[%get3A_85, %get3A_86] {strides = array<i32>} : memref<128x50xi32, #tpu.memory_space<vmem>>, vector<1x16xi32>,
      %get3A_88 = vector.shape_cast %get3A_87 : vector<1x16xi32> to vector<16xi32>
      %swap3A_89 = arith.constant 100 : index
      %swap3A_90 = tpu.vector_load %arg5[%swap3A_89] {strides = array<i32>} : memref<200xi32, #tpu.memory_space<vmem>>, vector<16xi32>,
      %swap3A_91 = vector.shape_cast %swap3A_90 : vector<16xi32> to vector<16xi32>
      %swap3A_92 = vector.shape_cast %get3A_88 : vector<16xi32> to vector<16xi32>
      tpu.vector_store %arg5[%swap3A_89], %swap3A_92 {strides = array<i32>} : memref<200xi32, #tpu.memory_space<vmem>>, vector<16xi32>,
      %get3A_93 = arith.index_cast %add3A_84 : i32 to index
      %get3A_94 = arith.constant 16 : index
      %get3A_95 = tpu.vector_load %arg4[%get3A_93, %get3A_94] {strides = array<i32>} : memref<128x50xi32, #tpu.memory_space<vmem>>, vector<1x16xi32>,
      %get3A_96 = vector.shape_cast %get3A_95 : vector<1x16xi32> to vector<16xi32>
      %swap3A_97 = arith.constant 116 : index
      %swap3A_98 = tpu.vector_load %arg5[%swap3A_97] {strides = array<i32>} : memref<200xi32, #tpu.memory_space<vmem>>, vector<16xi32>,
      %swap3A_99 = vector.shape_cast %swap3A_98 : vector<16xi32> to vector<16xi32>
      %swap3A_100 = vector.shape_cast %get3A_96 : vector<16xi32> to vector<16xi32>
      tpu.vector_store %arg5[%swap3A_97], %swap3A_100 {strides = array<i32>} : memref<200xi32, #tpu.memory_space<vmem>>, vector<16xi32>,
      %get3A_101 = arith.index_cast %add3A_84 : i32 to index
      %get3A_102 = arith.constant 32 : index
      %get3A_103 = tpu.vector_load %arg4[%get3A_101, %get3A_102] {strides = array<i32>} : memref<128x50xi32, #tpu.memory_space<vmem>>, vector<1x16xi32>,
      %get3A_104 = vector.shape_cast %get3A_103 : vector<1x16xi32> to vector<16xi32>
      %swap3A_105 = arith.constant 132 : index
      %swap3A_106 = tpu.vector_load %arg5[%swap3A_105] {strides = array<i32>} : memref<200xi32, #tpu.memory_space<vmem>>, vector<16xi32>,
      %swap3A_107 = vector.shape_cast %swap3A_106 : vector<16xi32> to vector<16xi32>
      %swap3A_108 = vector.shape_cast %get3A_104 : vector<16xi32> to vector<16xi32>
      tpu.vector_store %arg5[%swap3A_105], %swap3A_108 {strides = array<i32>} : memref<200xi32, #tpu.memory_space<vmem>>, vector<16xi32>,
      %get3A_109 = arith.index_cast %add3A_84 : i32 to index
      %get3A_110 = arith.constant 34 : index
      %get3A_111 = tpu.vector_load %arg4[%get3A_109, %get3A_110] {strides = array<i32>} : memref<128x50xi32, #tpu.memory_space<vmem>>, vector<1x16xi32>,
      %get3A_112 = vector.shape_cast %get3A_111 : vector<1x16xi32> to vector<16xi32>
      %swap3A_113 = arith.constant 134 : index
      %swap3A_114 = tpu.vector_load %arg5[%swap3A_113] {strides = array<i32>} : memref<200xi32, #tpu.memory_space<vmem>>, vector<16xi32>,
      %swap3A_115 = vector.shape_cast %swap3A_114 : vector<16xi32> to vector<16xi32>
      %swap3A_116 = vector.shape_cast %get3A_112 : vector<16xi32> to vector<16xi32>
      tpu.vector_store %arg5[%swap3A_113], %swap3A_116 {strides = array<i32>} : memref<200xi32, #tpu.memory_space<vmem>>, vector<16xi32>,
      %mul3A_117 = arith.constant 4 : i32
      %mul3A_118 = arith.muli %scan3A_9, %mul3A_117 : i32
      %add3A_119 = arith.constant 3 : i32
      %add3A_120 = arith.addi %mul3A_118, %add3A_119 : i32
      %get3A_121 = arith.index_cast %add3A_120 : i32 to index
      %get3A_122 = arith.constant 0 : index
      %get3A_123 = tpu.vector_load %arg4[%get3A_121, %get3A_122] {strides = array<i32>} : memref<128x50xi32, #tpu.memory_space<vmem>>, vector<1x16xi32>,
      %get3A_124 = vector.shape_cast %get3A_123 : vector<1x16xi32> to vector<16xi32>
      %swap3A_125 = arith.constant 150 : index
      %swap3A_126 = tpu.vector_load %arg5[%swap3A_125] {strides = array<i32>} : memref<200xi32, #tpu.memory_space<vmem>>, vector<16xi32>,
      %swap3A_127 = vector.shape_cast %swap3A_126 : vector<16xi32> to vector<16xi32>
      %swap3A_128 = vector.shape_cast %get3A_124 : vector<16xi32> to vector<16xi32>
      tpu.vector_store %arg5[%swap3A_125], %swap3A_128 {strides = array<i32>} : memref<200xi32, #tpu.memory_space<vmem>>, vector<16xi32>,
      %get3A_129 = arith.index_cast %add3A_120 : i32 to index
      %get3A_130 = arith.constant 16 : index
      %get3A_131 = tpu.vector_load %arg4[%get3A_129, %get3A_130] {strides = array<i32>} : memref<128x50xi32, #tpu.memory_space<vmem>>, vector<1x16xi32>,
      %get3A_132 = vector.shape_cast %get3A_131 : vector<1x16xi32> to vector<16xi32>
      %swap3A_133 = arith.constant 166 : index
      %swap3A_134 = tpu.vector_load %arg5[%swap3A_133] {strides = array<i32>} : memref<200xi32, #tpu.memory_space<vmem>>, vector<16xi32>,
      %swap3A_135 = vector.shape_cast %swap3A_134 : vector<16xi32> to vector<16xi32>
      %swap3A_136 = vector.shape_cast %get3A_132 : vector<16xi32> to vector<16xi32>
      tpu.vector_store %arg5[%swap3A_133], %swap3A_136 {strides = array<i32>} : memref<200xi32, #tpu.memory_space<vmem>>, vector<16xi32>,
      %get3A_137 = arith.index_cast %add3A_120 : i32 to index
      %get3A_138 = arith.constant 32 : index
      %get3A_139 = tpu.vector_load %arg4[%get3A_137, %get3A_138] {strides = array<i32>} : memref<128x50xi32, #tpu.memory_space<vmem>>, vector<1x16xi32>,
      %get3A_140 = vector.shape_cast %get3A_139 : vector<1x16xi32> to vector<16xi32>
      %swap3A_141 = arith.constant 182 : index
      %swap3A_142 = tpu.vector_load %arg5[%swap3A_141] {strides = array<i32>} : memref<200xi32, #tpu.memory_space<vmem>>, vector<16xi32>,
      %swap3A_143 = vector.shape_cast %swap3A_142 : vector<16xi32> to vector<16xi32>
      %swap3A_144 = vector.shape_cast %get3A_140 : vector<16xi32> to vector<16xi32>
      tpu.vector_store %arg5[%swap3A_141], %swap3A_144 {strides = array<i32>} : memref<200xi32, #tpu.memory_space<vmem>>, vector<16xi32>,
      %get3A_145 = arith.index_cast %add3A_120 : i32 to index
      %get3A_146 = arith.constant 34 : index
      %get3A_147 = tpu.vector_load %arg4[%get3A_145, %get3A_146] {strides = array<i32>} : memref<128x50xi32, #tpu.memory_space<vmem>>, vector<1x16xi32>,
      %get3A_148 = vector.shape_cast %get3A_147 : vector<1x16xi32> to vector<16xi32>
      %swap3A_149 = arith.constant 184 : index
      %swap3A_150 = tpu.vector_load %arg5[%swap3A_149] {strides = array<i32>} : memref<200xi32, #tpu.memory_space<vmem>>, vector<16xi32>,
      %swap3A_151 = vector.shape_cast %swap3A_150 : vector<16xi32> to vector<16xi32>
      %swap3A_152 = vector.shape_cast %get3A_148 : vector<16xi32> to vector<16xi32>
      tpu.vector_store %arg5[%swap3A_149], %swap3A_152 {strides = array<i32>} : memref<200xi32, #tpu.memory_space<vmem>>, vector<16xi32>,
      %mul3A_153 = arith.constant 4 : i32
      %mul3A_154 = arith.muli %scan3A_9, %mul3A_153 : i32
      %add3A_155 = arith.addi %mul3A_2, %mul3A_154 : i32
      %mul3A_156 = arith.constant 50 : i32
      %mul3A_157 = arith.muli %add3A_155, %mul3A_156 : i32
      %dma_start3A = tpu.memref_slice %arg3[%mul3A_157] : memref<204800xi32, #tpu.memory_space<hbm>> -> memref<200xi32, #tpu.memory_space<hbm>>
      %dma_start3A_158 = tpu.memref_slice %arg3[%mul3A_157] : memref<204800xi32, #tpu.memory_space<hbm>> -> memref<200xi32, #tpu.memory_space<hbm>>
      tpu.enqueue_dma source(%arg5 : memref<200xi32, #tpu.memory_space<vmem>>) target(%dma_start3A_158 : memref<200xi32, #tpu.memory_space<hbm>>) target_semaphore(%arg6 : memref<!tpu.dma_semaphore, #tpu.memory_space<semaphore_mem>>)
      %dma_wait3A = tpu.memref_slice %arg3[%mul3A_157] : memref<204800xi32, #tpu.memory_space<hbm>> -> memref<200xi32, #tpu.memory_space<hbm>>
      %dma_wait3A_159 = tpu.memref_slice %arg3[%mul3A_157] : memref<204800xi32, #tpu.memory_space<hbm>> -> memref<200xi32, #tpu.memory_space<hbm>>
      tpu.wait_dma2 semaphore(%arg6 : memref<!tpu.dma_semaphore, #tpu.memory_space<semaphore_mem>>) src(%arg5 : memref<200xi32, #tpu.memory_space<vmem>>) dst(%dma_wait3A_159 : memref<200xi32, #tpu.memory_space<hbm>>)
      %scan3A_160 = arith.constant 0 : i32
      scf.yield %scan3A_160 : i32
    }
    %scan3A_8 = arith.constant 32 : i32
    return
  }
}

#map = affine_map<(d0, d1) -> (0, 0)>
#map1 = affine_map<(d0, d1) -> (0)>
#map2 = affine_map<(d0, d1) -> (0, 0, 0)>
module attributes {stable_mosaic.version = 14 : i64} {
  func.func @emb_kernel(%arg0: i32, %arg1: i32, %arg2: memref<1000000x64xf32, #tpu.memory_space<hbm>>, %arg3: memref<204800xi32, #tpu.memory_space<hbm>>, %arg4: memref<4096x56x128xf32, #tpu.memory_space<hbm>>, %arg5: memref<6400xi32, #tpu.memory_space<vmem>>, %arg6: memref<800x64xf32, #tpu.memory_space<vmem>>, %arg7: memref<800x64xf32, #tpu.memory_space<vmem>>, %arg8: memref<!tpu.dma_semaphore, #tpu.memory_space<semaphore_mem>>, %arg9: memref<!tpu.dma_semaphore, #tpu.memory_space<semaphore_mem>>, %arg10: memref<!tpu.dma_semaphore, #tpu.memory_space<semaphore_mem>>, %arg11: memref<!tpu.dma_semaphore, #tpu.memory_space<semaphore_mem>>) attributes {dimension_semantics = [#tpu.dimension_semantics<core_parallel>, #tpu.dimension_semantics<subcore_parallel>], iteration_bounds = array<i64: 2, 16>, scalar_prefetch = 0 : i64, scratch_operands = 7 : i64, tpu.core_type = #tpu.core_type<sc_vector_subcore>, window_params = [{transform_indices = #map}, {transform_indices = #map1}, {transform_indices = #map2}]} {
    %mul3A = arith.constant 2 : i32
    %mul3A_0 = arith.muli %arg1, %mul3A : i32
    %add3A = arith.addi %mul3A_0, %arg0 : i32
    %mul3A_1 = arith.constant 6400 : i32
    %mul3A_2 = arith.muli %add3A, %mul3A_1 : i32
    %mul3A_3 = arith.constant 128 : i32
    %mul3A_4 = arith.muli %add3A, %mul3A_3 : i32
    "tpu.region"() ({
      %run_scoped3A = tpu.sem_alloc : memref<!tpu.dma_semaphore, #tpu.memory_space<semaphore_mem>>
      %dma_start3A_1030 = tpu.memref_slice %arg3[%mul3A_2] : memref<204800xi32, #tpu.memory_space<hbm>> -> memref<6400xi32, #tpu.memory_space<hbm>>
      %dma_start3A_1031 = tpu.memref_slice %arg3[%mul3A_2] : memref<204800xi32, #tpu.memory_space<hbm>> -> memref<6400xi32, #tpu.memory_space<hbm>>
      tpu.enqueue_dma source(%dma_start3A_1031 : memref<6400xi32, #tpu.memory_space<hbm>>) target(%arg5 : memref<6400xi32, #tpu.memory_space<vmem>>) target_semaphore(%run_scoped3A : memref<!tpu.dma_semaphore, #tpu.memory_space<semaphore_mem>>)
      %dma_wait3A_1032 = tpu.memref_slice %arg3[%mul3A_2] : memref<204800xi32, #tpu.memory_space<hbm>> -> memref<6400xi32, #tpu.memory_space<hbm>>
      %dma_wait3A_1033 = tpu.memref_slice %arg3[%mul3A_2] : memref<204800xi32, #tpu.memory_space<hbm>> -> memref<6400xi32, #tpu.memory_space<hbm>>
      tpu.wait_dma2 semaphore(%run_scoped3A : memref<!tpu.dma_semaphore, #tpu.memory_space<semaphore_mem>>) src(%dma_wait3A_1033 : memref<6400xi32, #tpu.memory_space<hbm>>) dst(%arg5 : memref<6400xi32, #tpu.memory_space<vmem>>)
      tpu.yield
    }) : () -> ()
    %dma_start3A = arith.constant 0 : i32
    %dma_start3A_5 = tpu.memref_slice %arg5[%dma_start3A] : memref<6400xi32, #tpu.memory_space<vmem>> -> memref<800xi32, #tpu.memory_space<vmem>>
    %dma_start3A_6 = arith.constant 0 : i32
    %dma_start3A_7 = arith.constant 0 : i32
    %dma_start3A_8 = tpu.memref_slice %arg2[%dma_start3A_6, %dma_start3A_7] : memref<1000000x64xf32, #tpu.memory_space<hbm>> -> memref<1000000x64xf32, #tpu.memory_space<hbm>>
    tpu.enqueue_indirect_dma source(%dma_start3A_8 : memref<1000000x64xf32, #tpu.memory_space<hbm>>) target(%arg6 : memref<800x64xf32, #tpu.memory_space<vmem>>) offsets(%dma_start3A_5 : memref<800xi32, #tpu.memory_space<vmem>>) semaphore(%arg8 : memref<!tpu.dma_semaphore, #tpu.memory_space<semaphore_mem>>)
    %dma_start3A_9 = arith.constant 800 : i32
    %dma_start3A_10 = tpu.memref_slice %arg5[%dma_start3A_9] : memref<6400xi32, #tpu.memory_space<vmem>> -> memref<800xi32, #tpu.memory_space<vmem>>
    %dma_start3A_11 = arith.constant 0 : i32
    %dma_start3A_12 = arith.constant 0 : i32
    %dma_start3A_13 = tpu.memref_slice %arg2[%dma_start3A_11, %dma_start3A_12] : memref<1000000x64xf32, #tpu.memory_space<hbm>> -> memref<1000000x64xf32, #tpu.memory_space<hbm>>
    tpu.enqueue_indirect_dma source(%dma_start3A_13 : memref<1000000x64xf32, #tpu.memory_space<hbm>>) target(%arg7 : memref<800x64xf32, #tpu.memory_space<vmem>>) offsets(%dma_start3A_10 : memref<800xi32, #tpu.memory_space<vmem>>) semaphore(%arg9 : memref<!tpu.dma_semaphore, #tpu.memory_space<semaphore_mem>>)
    %dma_wait3A = arith.constant 0 : i32
    %dma_wait3A_14 = tpu.memref_slice %arg5[%dma_wait3A] : memref<6400xi32, #tpu.memory_space<vmem>> -> memref<800xi32, #tpu.memory_space<vmem>>
    %dma_wait3A_15 = arith.constant 0 : i32
    %dma_wait3A_16 = arith.constant 0 : i32
    %dma_wait3A_17 = tpu.memref_slice %arg2[%dma_wait3A_15, %dma_wait3A_16] : memref<1000000x64xf32, #tpu.memory_space<hbm>> -> memref<1000000x64xf32, #tpu.memory_space<hbm>>
    tpu.wait_indirect_dma semaphore(%arg8 : memref<!tpu.dma_semaphore, #tpu.memory_space<semaphore_mem>>) src(%dma_wait3A_17 : memref<1000000x64xf32, #tpu.memory_space<hbm>>) dst(%arg6 : memref<800x64xf32, #tpu.memory_space<vmem>>)
    %parallel_loop3A = arith.constant 0 : i32
    %parallel_loop3A_18 = arith.constant 800 : i32
    %parallel_loop3A_19 = arith.constant 1 : i32
    scf.for %parallel_loop3A_1030 = %parallel_loop3A to %parallel_loop3A_18 step %parallel_loop3A_19  : i32 {
      %parallel_loop3A_1031 = arith.index_cast %parallel_loop3A_1030 : i32 to index
      %parallel_loop3A_1032 = arith.constant 0 : index
      %parallel_loop3A_1033 = tpu.vector_load %arg6[%parallel_loop3A_1031, %parallel_loop3A_1032] {strides = array<i32>} : memref<800x64xf32, #tpu.memory_space<vmem>>, vector<1x16xf32>,
      %parallel_loop3A_1034 = vector.shape_cast %parallel_loop3A_1033 : vector<1x16xf32> to vector<16xf32>
      %parallel_loop3A_1035 = arith.constant 8.000000e+00 : f32
      %parallel_loop3A_1036 = vector.broadcast %parallel_loop3A_1035 : f32 to vector<16xf32>
      %parallel_loop3A_1037 = arith.mulf %parallel_loop3A_1034, %parallel_loop3A_1036 : vector<16xf32>
      %parallel_loop3A_1038 = arith.index_cast %parallel_loop3A_1030 : i32 to index
      %parallel_loop3A_1039 = arith.constant 0 : index
      %parallel_loop3A_1040 = tpu.vector_load %arg6[%parallel_loop3A_1038, %parallel_loop3A_1039] {strides = array<i32>} : memref<800x64xf32, #tpu.memory_space<vmem>>, vector<1x16xf32>,
      %parallel_loop3A_1041 = vector.shape_cast %parallel_loop3A_1040 : vector<1x16xf32> to vector<16xf32>
      %parallel_loop3A_1042 = vector.shape_cast %parallel_loop3A_1037 : vector<16xf32> to vector<1x16xf32>
      tpu.vector_store %arg6[%parallel_loop3A_1038, %parallel_loop3A_1039], %parallel_loop3A_1042 {strides = array<i32>} : memref<800x64xf32, #tpu.memory_space<vmem>>, vector<1x16xf32>,
      %parallel_loop3A_1043 = arith.index_cast %parallel_loop3A_1030 : i32 to index
      %parallel_loop3A_1044 = arith.constant 16 : index
      %parallel_loop3A_1045 = tpu.vector_load %arg6[%parallel_loop3A_1043, %parallel_loop3A_1044] {strides = array<i32>} : memref<800x64xf32, #tpu.memory_space<vmem>>, vector<1x16xf32>,
      %parallel_loop3A_1046 = vector.shape_cast %parallel_loop3A_1045 : vector<1x16xf32> to vector<16xf32>
      %parallel_loop3A_1047 = arith.constant 8.000000e+00 : f32
      %parallel_loop3A_1048 = vector.broadcast %parallel_loop3A_1047 : f32 to vector<16xf32>
      %parallel_loop3A_1049 = arith.mulf %parallel_loop3A_1046, %parallel_loop3A_1048 : vector<16xf32>
      %parallel_loop3A_1050 = arith.index_cast %parallel_loop3A_1030 : i32 to index
      %parallel_loop3A_1051 = arith.constant 16 : index
      %parallel_loop3A_1052 = tpu.vector_load %arg6[%parallel_loop3A_1050, %parallel_loop3A_1051] {strides = array<i32>} : memref<800x64xf32, #tpu.memory_space<vmem>>, vector<1x16xf32>,
      %parallel_loop3A_1053 = vector.shape_cast %parallel_loop3A_1052 : vector<1x16xf32> to vector<16xf32>
      %parallel_loop3A_1054 = vector.shape_cast %parallel_loop3A_1049 : vector<16xf32> to vector<1x16xf32>
      tpu.vector_store %arg6[%parallel_loop3A_1050, %parallel_loop3A_1051], %parallel_loop3A_1054 {strides = array<i32>} : memref<800x64xf32, #tpu.memory_space<vmem>>, vector<1x16xf32>,
      %parallel_loop3A_1055 = arith.index_cast %parallel_loop3A_1030 : i32 to index
      %parallel_loop3A_1056 = arith.constant 32 : index
      %parallel_loop3A_1057 = tpu.vector_load %arg6[%parallel_loop3A_1055, %parallel_loop3A_1056] {strides = array<i32>} : memref<800x64xf32, #tpu.memory_space<vmem>>, vector<1x16xf32>,
      %parallel_loop3A_1058 = vector.shape_cast %parallel_loop3A_1057 : vector<1x16xf32> to vector<16xf32>
      %parallel_loop3A_1059 = arith.constant 8.000000e+00 : f32
      %parallel_loop3A_1060 = vector.broadcast %parallel_loop3A_1059 : f32 to vector<16xf32>
      %parallel_loop3A_1061 = arith.mulf %parallel_loop3A_1058, %parallel_loop3A_1060 : vector<16xf32>
      %parallel_loop3A_1062 = arith.index_cast %parallel_loop3A_1030 : i32 to index
      %parallel_loop3A_1063 = arith.constant 32 : index
      %parallel_loop3A_1064 = tpu.vector_load %arg6[%parallel_loop3A_1062, %parallel_loop3A_1063] {strides = array<i32>} : memref<800x64xf32, #tpu.memory_space<vmem>>, vector<1x16xf32>,
      %parallel_loop3A_1065 = vector.shape_cast %parallel_loop3A_1064 : vector<1x16xf32> to vector<16xf32>
      %parallel_loop3A_1066 = vector.shape_cast %parallel_loop3A_1061 : vector<16xf32> to vector<1x16xf32>
      tpu.vector_store %arg6[%parallel_loop3A_1062, %parallel_loop3A_1063], %parallel_loop3A_1066 {strides = array<i32>} : memref<800x64xf32, #tpu.memory_space<vmem>>, vector<1x16xf32>,
      %parallel_loop3A_1067 = arith.index_cast %parallel_loop3A_1030 : i32 to index
      %parallel_loop3A_1068 = arith.constant 48 : index
      %parallel_loop3A_1069 = tpu.vector_load %arg6[%parallel_loop3A_1067, %parallel_loop3A_1068] {strides = array<i32>} : memref<800x64xf32, #tpu.memory_space<vmem>>, vector<1x16xf32>,
      %parallel_loop3A_1070 = vector.shape_cast %parallel_loop3A_1069 : vector<1x16xf32> to vector<16xf32>
      %parallel_loop3A_1071 = arith.constant 8.000000e+00 : f32
      %parallel_loop3A_1072 = vector.broadcast %parallel_loop3A_1071 : f32 to vector<16xf32>
      %parallel_loop3A_1073 = arith.mulf %parallel_loop3A_1070, %parallel_loop3A_1072 : vector<16xf32>
      %parallel_loop3A_1074 = arith.index_cast %parallel_loop3A_1030 : i32 to index
      %parallel_loop3A_1075 = arith.constant 48 : index
      %parallel_loop3A_1076 = tpu.vector_load %arg6[%parallel_loop3A_1074, %parallel_loop3A_1075] {strides = array<i32>} : memref<800x64xf32, #tpu.memory_space<vmem>>, vector<1x16xf32>,
      %parallel_loop3A_1077 = vector.shape_cast %parallel_loop3A_1076 : vector<1x16xf32> to vector<16xf32>
      %parallel_loop3A_1078 = vector.shape_cast %parallel_loop3A_1073 : vector<16xf32> to vector<1x16xf32>
      tpu.vector_store %arg6[%parallel_loop3A_1074, %parallel_loop3A_1075], %parallel_loop3A_1078 {strides = array<i32>} : memref<800x64xf32, #tpu.memory_space<vmem>>, vector<1x16xf32>,
    } {sc.loop_unroll_factor = 4 : i64, sc.parallel_access}
    %add3A_20 = arith.constant 0 : i32
    %add3A_21 = arith.addi %mul3A_4, %add3A_20 : i32
    %add3A_22 = arith.constant 0 : i32
    %add3A_23 = arith.addi %add3A_21, %add3A_22 : i32
    %dma_start3A_24 = arith.constant 0 : i32
    %dma_start3A_25 = arith.constant 0 : i32
    %dma_start3A_26 = tpu.memref_slice %arg6[%dma_start3A_24, %dma_start3A_25] : memref<800x64xf32, #tpu.memory_space<vmem>> -> memref<50x64xf32, #tpu.memory_space<vmem>>
    %dma_start3A_27 = arith.constant 0 : i32
    %dma_start3A_28 = arith.constant 0 : i32
    %dma_start3A_29 = tpu.memref_slice %arg4[%add3A_23, %dma_start3A_27, %dma_start3A_28] : memref<4096x56x128xf32, #tpu.memory_space<hbm>> -> memref<1x50x64xf32, #tpu.memory_space<hbm>>
    %dma_start3A_30 = tpu.memref_squeeze %dma_start3A_29 : memref<1x50x64xf32, #tpu.memory_space<hbm>> -> memref<50x64xf32, #tpu.memory_space<hbm>>
    %dma_start3A_31 = arith.constant 0 : i32
    %dma_start3A_32 = arith.constant 0 : i32
    %dma_start3A_33 = tpu.memref_slice %arg4[%add3A_23, %dma_start3A_31, %dma_start3A_32] : memref<4096x56x128xf32, #tpu.memory_space<hbm>> -> memref<1x50x64xf32, #tpu.memory_space<hbm>>
    %dma_start3A_34 = tpu.memref_squeeze %dma_start3A_33 : memref<1x50x64xf32, #tpu.memory_space<hbm>> -> memref<50x64xf32, #tpu.memory_space<hbm>>
    %dma_start3A_35 = arith.constant 0 : i32
    %dma_start3A_36 = arith.constant 0 : i32
    %dma_start3A_37 = tpu.memref_slice %arg6[%dma_start3A_35, %dma_start3A_36] : memref<800x64xf32, #tpu.memory_space<vmem>> -> memref<50x64xf32, #tpu.memory_space<vmem>>
    tpu.enqueue_dma source(%dma_start3A_37 : memref<50x64xf32, #tpu.memory_space<vmem>>) target(%dma_start3A_34 : memref<50x64xf32, #tpu.memory_space<hbm>>) target_semaphore(%arg10 : memref<!tpu.dma_semaphore, #tpu.memory_space<semaphore_mem>>)
    %add3A_38 = arith.constant 1 : i32
    %add3A_39 = arith.addi %add3A_21, %add3A_38 : i32
    %dma_start3A_40 = arith.constant 50 : i32
    %dma_start3A_41 = arith.constant 0 : i32
    %dma_start3A_42 = tpu.memref_slice %arg6[%dma_start3A_40, %dma_start3A_41] : memref<800x64xf32, #tpu.memory_space<vmem>> -> memref<50x64xf32, #tpu.memory_space<vmem>>
    %dma_start3A_43 = arith.constant 0 : i32
    %dma_start3A_44 = arith.constant 0 : i32
    %dma_start3A_45 = tpu.memref_slice %arg4[%add3A_39, %dma_start3A_43, %dma_start3A_44] : memref<4096x56x128xf32, #tpu.memory_space<hbm>> -> memref<1x50x64xf32, #tpu.memory_space<hbm>>
    %dma_start3A_46 = tpu.memref_squeeze %dma_start3A_45 : memref<1x50x64xf32, #tpu.memory_space<hbm>> -> memref<50x64xf32, #tpu.memory_space<hbm>>
    %dma_start3A_47 = arith.constant 0 : i32
    %dma_start3A_48 = arith.constant 0 : i32
    %dma_start3A_49 = tpu.memref_slice %arg4[%add3A_39, %dma_start3A_47, %dma_start3A_48] : memref<4096x56x128xf32, #tpu.memory_space<hbm>> -> memref<1x50x64xf32, #tpu.memory_space<hbm>>
    %dma_start3A_50 = tpu.memref_squeeze %dma_start3A_49 : memref<1x50x64xf32, #tpu.memory_space<hbm>> -> memref<50x64xf32, #tpu.memory_space<hbm>>
    %dma_start3A_51 = arith.constant 50 : i32
    %dma_start3A_52 = arith.constant 0 : i32
    %dma_start3A_53 = tpu.memref_slice %arg6[%dma_start3A_51, %dma_start3A_52] : memref<800x64xf32, #tpu.memory_space<vmem>> -> memref<50x64xf32, #tpu.memory_space<vmem>>
    tpu.enqueue_dma source(%dma_start3A_53 : memref<50x64xf32, #tpu.memory_space<vmem>>) target(%dma_start3A_50 : memref<50x64xf32, #tpu.memory_space<hbm>>) target_semaphore(%arg10 : memref<!tpu.dma_semaphore, #tpu.memory_space<semaphore_mem>>)
    %add3A_54 = arith.constant 2 : i32
    %add3A_55 = arith.addi %add3A_21, %add3A_54 : i32
    %dma_start3A_56 = arith.constant 100 : i32
    %dma_start3A_57 = arith.constant 0 : i32
    %dma_start3A_58 = tpu.memref_slice %arg6[%dma_start3A_56, %dma_start3A_57] : memref<800x64xf32, #tpu.memory_space<vmem>> -> memref<50x64xf32, #tpu.memory_space<vmem>>
    %dma_start3A_59 = arith.constant 0 : i32
    %dma_start3A_60 = arith.constant 0 : i32
    %dma_start3A_61 = tpu.memref_slice %arg4[%add3A_55, %dma_start3A_59, %dma_start3A_60] : memref<4096x56x128xf32, #tpu.memory_space<hbm>> -> memref<1x50x64xf32, #tpu.memory_space<hbm>>
    %dma_start3A_62 = tpu.memref_squeeze %dma_start3A_61 : memref<1x50x64xf32, #tpu.memory_space<hbm>> -> memref<50x64xf32, #tpu.memory_space<hbm>>
    %dma_start3A_63 = arith.constant 0 : i32
    %dma_start3A_64 = arith.constant 0 : i32
    %dma_start3A_65 = tpu.memref_slice %arg4[%add3A_55, %dma_start3A_63, %dma_start3A_64] : memref<4096x56x128xf32, #tpu.memory_space<hbm>> -> memref<1x50x64xf32, #tpu.memory_space<hbm>>
    %dma_start3A_66 = tpu.memref_squeeze %dma_start3A_65 : memref<1x50x64xf32, #tpu.memory_space<hbm>> -> memref<50x64xf32, #tpu.memory_space<hbm>>
    %dma_start3A_67 = arith.constant 100 : i32
    %dma_start3A_68 = arith.constant 0 : i32
    %dma_start3A_69 = tpu.memref_slice %arg6[%dma_start3A_67, %dma_start3A_68] : memref<800x64xf32, #tpu.memory_space<vmem>> -> memref<50x64xf32, #tpu.memory_space<vmem>>
    tpu.enqueue_dma source(%dma_start3A_69 : memref<50x64xf32, #tpu.memory_space<vmem>>) target(%dma_start3A_66 : memref<50x64xf32, #tpu.memory_space<hbm>>) target_semaphore(%arg10 : memref<!tpu.dma_semaphore, #tpu.memory_space<semaphore_mem>>)
    %add3A_70 = arith.constant 3 : i32
    %add3A_71 = arith.addi %add3A_21, %add3A_70 : i32
    %dma_start3A_72 = arith.constant 150 : i32
    %dma_start3A_73 = arith.constant 0 : i32
    %dma_start3A_74 = tpu.memref_slice %arg6[%dma_start3A_72, %dma_start3A_73] : memref<800x64xf32, #tpu.memory_space<vmem>> -> memref<50x64xf32, #tpu.memory_space<vmem>>
    %dma_start3A_75 = arith.constant 0 : i32
    %dma_start3A_76 = arith.constant 0 : i32
    %dma_start3A_77 = tpu.memref_slice %arg4[%add3A_71, %dma_start3A_75, %dma_start3A_76] : memref<4096x56x128xf32, #tpu.memory_space<hbm>> -> memref<1x50x64xf32, #tpu.memory_space<hbm>>
    %dma_start3A_78 = tpu.memref_squeeze %dma_start3A_77 : memref<1x50x64xf32, #tpu.memory_space<hbm>> -> memref<50x64xf32, #tpu.memory_space<hbm>>
    %dma_start3A_79 = arith.constant 0 : i32
    %dma_start3A_80 = arith.constant 0 : i32
    %dma_start3A_81 = tpu.memref_slice %arg4[%add3A_71, %dma_start3A_79, %dma_start3A_80] : memref<4096x56x128xf32, #tpu.memory_space<hbm>> -> memref<1x50x64xf32, #tpu.memory_space<hbm>>
    %dma_start3A_82 = tpu.memref_squeeze %dma_start3A_81 : memref<1x50x64xf32, #tpu.memory_space<hbm>> -> memref<50x64xf32, #tpu.memory_space<hbm>>
    %dma_start3A_83 = arith.constant 150 : i32
    %dma_start3A_84 = arith.constant 0 : i32
    %dma_start3A_85 = tpu.memref_slice %arg6[%dma_start3A_83, %dma_start3A_84] : memref<800x64xf32, #tpu.memory_space<vmem>> -> memref<50x64xf32, #tpu.memory_space<vmem>>
    tpu.enqueue_dma source(%dma_start3A_85 : memref<50x64xf32, #tpu.memory_space<vmem>>) target(%dma_start3A_82 : memref<50x64xf32, #tpu.memory_space<hbm>>) target_semaphore(%arg10 : memref<!tpu.dma_semaphore, #tpu.memory_space<semaphore_mem>>)
    %add3A_86 = arith.constant 4 : i32
    %add3A_87 = arith.addi %add3A_21, %add3A_86 : i32
    %dma_start3A_88 = arith.constant 200 : i32
    %dma_start3A_89 = arith.constant 0 : i32
    %dma_start3A_90 = tpu.memref_slice %arg6[%dma_start3A_88, %dma_start3A_89] : memref<800x64xf32, #tpu.memory_space<vmem>> -> memref<50x64xf32, #tpu.memory_space<vmem>>
    %dma_start3A_91 = arith.constant 0 : i32
    %dma_start3A_92 = arith.constant 0 : i32
    %dma_start3A_93 = tpu.memref_slice %arg4[%add3A_87, %dma_start3A_91, %dma_start3A_92] : memref<4096x56x128xf32, #tpu.memory_space<hbm>> -> memref<1x50x64xf32, #tpu.memory_space<hbm>>
    %dma_start3A_94 = tpu.memref_squeeze %dma_start3A_93 : memref<1x50x64xf32, #tpu.memory_space<hbm>> -> memref<50x64xf32, #tpu.memory_space<hbm>>
    %dma_start3A_95 = arith.constant 0 : i32
    %dma_start3A_96 = arith.constant 0 : i32
    %dma_start3A_97 = tpu.memref_slice %arg4[%add3A_87, %dma_start3A_95, %dma_start3A_96] : memref<4096x56x128xf32, #tpu.memory_space<hbm>> -> memref<1x50x64xf32, #tpu.memory_space<hbm>>
    %dma_start3A_98 = tpu.memref_squeeze %dma_start3A_97 : memref<1x50x64xf32, #tpu.memory_space<hbm>> -> memref<50x64xf32, #tpu.memory_space<hbm>>
    %dma_start3A_99 = arith.constant 200 : i32
    %dma_start3A_100 = arith.constant 0 : i32
    %dma_start3A_101 = tpu.memref_slice %arg6[%dma_start3A_99, %dma_start3A_100] : memref<800x64xf32, #tpu.memory_space<vmem>> -> memref<50x64xf32, #tpu.memory_space<vmem>>
    tpu.enqueue_dma source(%dma_start3A_101 : memref<50x64xf32, #tpu.memory_space<vmem>>) target(%dma_start3A_98 : memref<50x64xf32, #tpu.memory_space<hbm>>) target_semaphore(%arg10 : memref<!tpu.dma_semaphore, #tpu.memory_space<semaphore_mem>>)
    %add3A_102 = arith.constant 5 : i32
    %add3A_103 = arith.addi %add3A_21, %add3A_102 : i32
    %dma_start3A_104 = arith.constant 250 : i32
    %dma_start3A_105 = arith.constant 0 : i32
    %dma_start3A_106 = tpu.memref_slice %arg6[%dma_start3A_104, %dma_start3A_105] : memref<800x64xf32, #tpu.memory_space<vmem>> -> memref<50x64xf32, #tpu.memory_space<vmem>>
    %dma_start3A_107 = arith.constant 0 : i32
    %dma_start3A_108 = arith.constant 0 : i32
    %dma_start3A_109 = tpu.memref_slice %arg4[%add3A_103, %dma_start3A_107, %dma_start3A_108] : memref<4096x56x128xf32, #tpu.memory_space<hbm>> -> memref<1x50x64xf32, #tpu.memory_space<hbm>>
    %dma_start3A_110 = tpu.memref_squeeze %dma_start3A_109 : memref<1x50x64xf32, #tpu.memory_space<hbm>> -> memref<50x64xf32, #tpu.memory_space<hbm>>
    %dma_start3A_111 = arith.constant 0 : i32
    %dma_start3A_112 = arith.constant 0 : i32
    %dma_start3A_113 = tpu.memref_slice %arg4[%add3A_103, %dma_start3A_111, %dma_start3A_112] : memref<4096x56x128xf32, #tpu.memory_space<hbm>> -> memref<1x50x64xf32, #tpu.memory_space<hbm>>
    %dma_start3A_114 = tpu.memref_squeeze %dma_start3A_113 : memref<1x50x64xf32, #tpu.memory_space<hbm>> -> memref<50x64xf32, #tpu.memory_space<hbm>>
    %dma_start3A_115 = arith.constant 250 : i32
    %dma_start3A_116 = arith.constant 0 : i32
    %dma_start3A_117 = tpu.memref_slice %arg6[%dma_start3A_115, %dma_start3A_116] : memref<800x64xf32, #tpu.memory_space<vmem>> -> memref<50x64xf32, #tpu.memory_space<vmem>>
    tpu.enqueue_dma source(%dma_start3A_117 : memref<50x64xf32, #tpu.memory_space<vmem>>) target(%dma_start3A_114 : memref<50x64xf32, #tpu.memory_space<hbm>>) target_semaphore(%arg10 : memref<!tpu.dma_semaphore, #tpu.memory_space<semaphore_mem>>)
    %add3A_118 = arith.constant 6 : i32
    %add3A_119 = arith.addi %add3A_21, %add3A_118 : i32
    %dma_start3A_120 = arith.constant 300 : i32
    %dma_start3A_121 = arith.constant 0 : i32
    %dma_start3A_122 = tpu.memref_slice %arg6[%dma_start3A_120, %dma_start3A_121] : memref<800x64xf32, #tpu.memory_space<vmem>> -> memref<50x64xf32, #tpu.memory_space<vmem>>
    %dma_start3A_123 = arith.constant 0 : i32
    %dma_start3A_124 = arith.constant 0 : i32
    %dma_start3A_125 = tpu.memref_slice %arg4[%add3A_119, %dma_start3A_123, %dma_start3A_124] : memref<4096x56x128xf32, #tpu.memory_space<hbm>> -> memref<1x50x64xf32, #tpu.memory_space<hbm>>
    %dma_start3A_126 = tpu.memref_squeeze %dma_start3A_125 : memref<1x50x64xf32, #tpu.memory_space<hbm>> -> memref<50x64xf32, #tpu.memory_space<hbm>>
    %dma_start3A_127 = arith.constant 0 : i32
    %dma_start3A_128 = arith.constant 0 : i32
    %dma_start3A_129 = tpu.memref_slice %arg4[%add3A_119, %dma_start3A_127, %dma_start3A_128] : memref<4096x56x128xf32, #tpu.memory_space<hbm>> -> memref<1x50x64xf32, #tpu.memory_space<hbm>>
    %dma_start3A_130 = tpu.memref_squeeze %dma_start3A_129 : memref<1x50x64xf32, #tpu.memory_space<hbm>> -> memref<50x64xf32, #tpu.memory_space<hbm>>
    %dma_start3A_131 = arith.constant 300 : i32
    %dma_start3A_132 = arith.constant 0 : i32
    %dma_start3A_133 = tpu.memref_slice %arg6[%dma_start3A_131, %dma_start3A_132] : memref<800x64xf32, #tpu.memory_space<vmem>> -> memref<50x64xf32, #tpu.memory_space<vmem>>
    tpu.enqueue_dma source(%dma_start3A_133 : memref<50x64xf32, #tpu.memory_space<vmem>>) target(%dma_start3A_130 : memref<50x64xf32, #tpu.memory_space<hbm>>) target_semaphore(%arg10 : memref<!tpu.dma_semaphore, #tpu.memory_space<semaphore_mem>>)
    %add3A_134 = arith.constant 7 : i32
    %add3A_135 = arith.addi %add3A_21, %add3A_134 : i32
    %dma_start3A_136 = arith.constant 350 : i32
    %dma_start3A_137 = arith.constant 0 : i32
    %dma_start3A_138 = tpu.memref_slice %arg6[%dma_start3A_136, %dma_start3A_137] : memref<800x64xf32, #tpu.memory_space<vmem>> -> memref<50x64xf32, #tpu.memory_space<vmem>>
    %dma_start3A_139 = arith.constant 0 : i32
    %dma_start3A_140 = arith.constant 0 : i32
    %dma_start3A_141 = tpu.memref_slice %arg4[%add3A_135, %dma_start3A_139, %dma_start3A_140] : memref<4096x56x128xf32, #tpu.memory_space<hbm>> -> memref<1x50x64xf32, #tpu.memory_space<hbm>>
    %dma_start3A_142 = tpu.memref_squeeze %dma_start3A_141 : memref<1x50x64xf32, #tpu.memory_space<hbm>> -> memref<50x64xf32, #tpu.memory_space<hbm>>
    %dma_start3A_143 = arith.constant 0 : i32
    %dma_start3A_144 = arith.constant 0 : i32
    %dma_start3A_145 = tpu.memref_slice %arg4[%add3A_135, %dma_start3A_143, %dma_start3A_144] : memref<4096x56x128xf32, #tpu.memory_space<hbm>> -> memref<1x50x64xf32, #tpu.memory_space<hbm>>
    %dma_start3A_146 = tpu.memref_squeeze %dma_start3A_145 : memref<1x50x64xf32, #tpu.memory_space<hbm>> -> memref<50x64xf32, #tpu.memory_space<hbm>>
    %dma_start3A_147 = arith.constant 350 : i32
    %dma_start3A_148 = arith.constant 0 : i32
    %dma_start3A_149 = tpu.memref_slice %arg6[%dma_start3A_147, %dma_start3A_148] : memref<800x64xf32, #tpu.memory_space<vmem>> -> memref<50x64xf32, #tpu.memory_space<vmem>>
    tpu.enqueue_dma source(%dma_start3A_149 : memref<50x64xf32, #tpu.memory_space<vmem>>) target(%dma_start3A_146 : memref<50x64xf32, #tpu.memory_space<hbm>>) target_semaphore(%arg10 : memref<!tpu.dma_semaphore, #tpu.memory_space<semaphore_mem>>)
    %add3A_150 = arith.constant 8 : i32
    %add3A_151 = arith.addi %add3A_21, %add3A_150 : i32
    %dma_start3A_152 = arith.constant 400 : i32
    %dma_start3A_153 = arith.constant 0 : i32
    %dma_start3A_154 = tpu.memref_slice %arg6[%dma_start3A_152, %dma_start3A_153] : memref<800x64xf32, #tpu.memory_space<vmem>> -> memref<50x64xf32, #tpu.memory_space<vmem>>
    %dma_start3A_155 = arith.constant 0 : i32
    %dma_start3A_156 = arith.constant 0 : i32
    %dma_start3A_157 = tpu.memref_slice %arg4[%add3A_151, %dma_start3A_155, %dma_start3A_156] : memref<4096x56x128xf32, #tpu.memory_space<hbm>> -> memref<1x50x64xf32, #tpu.memory_space<hbm>>
    %dma_start3A_158 = tpu.memref_squeeze %dma_start3A_157 : memref<1x50x64xf32, #tpu.memory_space<hbm>> -> memref<50x64xf32, #tpu.memory_space<hbm>>
    %dma_start3A_159 = arith.constant 0 : i32
    %dma_start3A_160 = arith.constant 0 : i32
    %dma_start3A_161 = tpu.memref_slice %arg4[%add3A_151, %dma_start3A_159, %dma_start3A_160] : memref<4096x56x128xf32, #tpu.memory_space<hbm>> -> memref<1x50x64xf32, #tpu.memory_space<hbm>>
    %dma_start3A_162 = tpu.memref_squeeze %dma_start3A_161 : memref<1x50x64xf32, #tpu.memory_space<hbm>> -> memref<50x64xf32, #tpu.memory_space<hbm>>
    %dma_start3A_163 = arith.constant 400 : i32
    %dma_start3A_164 = arith.constant 0 : i32
    %dma_start3A_165 = tpu.memref_slice %arg6[%dma_start3A_163, %dma_start3A_164] : memref<800x64xf32, #tpu.memory_space<vmem>> -> memref<50x64xf32, #tpu.memory_space<vmem>>
    tpu.enqueue_dma source(%dma_start3A_165 : memref<50x64xf32, #tpu.memory_space<vmem>>) target(%dma_start3A_162 : memref<50x64xf32, #tpu.memory_space<hbm>>) target_semaphore(%arg10 : memref<!tpu.dma_semaphore, #tpu.memory_space<semaphore_mem>>)
    %add3A_166 = arith.constant 9 : i32
    %add3A_167 = arith.addi %add3A_21, %add3A_166 : i32
    %dma_start3A_168 = arith.constant 450 : i32
    %dma_start3A_169 = arith.constant 0 : i32
    %dma_start3A_170 = tpu.memref_slice %arg6[%dma_start3A_168, %dma_start3A_169] : memref<800x64xf32, #tpu.memory_space<vmem>> -> memref<50x64xf32, #tpu.memory_space<vmem>>
    %dma_start3A_171 = arith.constant 0 : i32
    %dma_start3A_172 = arith.constant 0 : i32
    %dma_start3A_173 = tpu.memref_slice %arg4[%add3A_167, %dma_start3A_171, %dma_start3A_172] : memref<4096x56x128xf32, #tpu.memory_space<hbm>> -> memref<1x50x64xf32, #tpu.memory_space<hbm>>
    %dma_start3A_174 = tpu.memref_squeeze %dma_start3A_173 : memref<1x50x64xf32, #tpu.memory_space<hbm>> -> memref<50x64xf32, #tpu.memory_space<hbm>>
    %dma_start3A_175 = arith.constant 0 : i32
    %dma_start3A_176 = arith.constant 0 : i32
    %dma_start3A_177 = tpu.memref_slice %arg4[%add3A_167, %dma_start3A_175, %dma_start3A_176] : memref<4096x56x128xf32, #tpu.memory_space<hbm>> -> memref<1x50x64xf32, #tpu.memory_space<hbm>>
    %dma_start3A_178 = tpu.memref_squeeze %dma_start3A_177 : memref<1x50x64xf32, #tpu.memory_space<hbm>> -> memref<50x64xf32, #tpu.memory_space<hbm>>
    %dma_start3A_179 = arith.constant 450 : i32
    %dma_start3A_180 = arith.constant 0 : i32
    %dma_start3A_181 = tpu.memref_slice %arg6[%dma_start3A_179, %dma_start3A_180] : memref<800x64xf32, #tpu.memory_space<vmem>> -> memref<50x64xf32, #tpu.memory_space<vmem>>
    tpu.enqueue_dma source(%dma_start3A_181 : memref<50x64xf32, #tpu.memory_space<vmem>>) target(%dma_start3A_178 : memref<50x64xf32, #tpu.memory_space<hbm>>) target_semaphore(%arg10 : memref<!tpu.dma_semaphore, #tpu.memory_space<semaphore_mem>>)
    %add3A_182 = arith.constant 10 : i32
    %add3A_183 = arith.addi %add3A_21, %add3A_182 : i32
    %dma_start3A_184 = arith.constant 500 : i32
    %dma_start3A_185 = arith.constant 0 : i32
    %dma_start3A_186 = tpu.memref_slice %arg6[%dma_start3A_184, %dma_start3A_185] : memref<800x64xf32, #tpu.memory_space<vmem>> -> memref<50x64xf32, #tpu.memory_space<vmem>>
    %dma_start3A_187 = arith.constant 0 : i32
    %dma_start3A_188 = arith.constant 0 : i32
    %dma_start3A_189 = tpu.memref_slice %arg4[%add3A_183, %dma_start3A_187, %dma_start3A_188] : memref<4096x56x128xf32, #tpu.memory_space<hbm>> -> memref<1x50x64xf32, #tpu.memory_space<hbm>>
    %dma_start3A_190 = tpu.memref_squeeze %dma_start3A_189 : memref<1x50x64xf32, #tpu.memory_space<hbm>> -> memref<50x64xf32, #tpu.memory_space<hbm>>
    %dma_start3A_191 = arith.constant 0 : i32
    %dma_start3A_192 = arith.constant 0 : i32
    %dma_start3A_193 = tpu.memref_slice %arg4[%add3A_183, %dma_start3A_191, %dma_start3A_192] : memref<4096x56x128xf32, #tpu.memory_space<hbm>> -> memref<1x50x64xf32, #tpu.memory_space<hbm>>
    %dma_start3A_194 = tpu.memref_squeeze %dma_start3A_193 : memref<1x50x64xf32, #tpu.memory_space<hbm>> -> memref<50x64xf32, #tpu.memory_space<hbm>>
    %dma_start3A_195 = arith.constant 500 : i32
    %dma_start3A_196 = arith.constant 0 : i32
    %dma_start3A_197 = tpu.memref_slice %arg6[%dma_start3A_195, %dma_start3A_196] : memref<800x64xf32, #tpu.memory_space<vmem>> -> memref<50x64xf32, #tpu.memory_space<vmem>>
    tpu.enqueue_dma source(%dma_start3A_197 : memref<50x64xf32, #tpu.memory_space<vmem>>) target(%dma_start3A_194 : memref<50x64xf32, #tpu.memory_space<hbm>>) target_semaphore(%arg10 : memref<!tpu.dma_semaphore, #tpu.memory_space<semaphore_mem>>)
    %add3A_198 = arith.constant 11 : i32
    %add3A_199 = arith.addi %add3A_21, %add3A_198 : i32
    %dma_start3A_200 = arith.constant 550 : i32
    %dma_start3A_201 = arith.constant 0 : i32
    %dma_start3A_202 = tpu.memref_slice %arg6[%dma_start3A_200, %dma_start3A_201] : memref<800x64xf32, #tpu.memory_space<vmem>> -> memref<50x64xf32, #tpu.memory_space<vmem>>
    %dma_start3A_203 = arith.constant 0 : i32
    %dma_start3A_204 = arith.constant 0 : i32
    %dma_start3A_205 = tpu.memref_slice %arg4[%add3A_199, %dma_start3A_203, %dma_start3A_204] : memref<4096x56x128xf32, #tpu.memory_space<hbm>> -> memref<1x50x64xf32, #tpu.memory_space<hbm>>
    %dma_start3A_206 = tpu.memref_squeeze %dma_start3A_205 : memref<1x50x64xf32, #tpu.memory_space<hbm>> -> memref<50x64xf32, #tpu.memory_space<hbm>>
    %dma_start3A_207 = arith.constant 0 : i32
    %dma_start3A_208 = arith.constant 0 : i32
    %dma_start3A_209 = tpu.memref_slice %arg4[%add3A_199, %dma_start3A_207, %dma_start3A_208] : memref<4096x56x128xf32, #tpu.memory_space<hbm>> -> memref<1x50x64xf32, #tpu.memory_space<hbm>>
    %dma_start3A_210 = tpu.memref_squeeze %dma_start3A_209 : memref<1x50x64xf32, #tpu.memory_space<hbm>> -> memref<50x64xf32, #tpu.memory_space<hbm>>
    %dma_start3A_211 = arith.constant 550 : i32
    %dma_start3A_212 = arith.constant 0 : i32
    %dma_start3A_213 = tpu.memref_slice %arg6[%dma_start3A_211, %dma_start3A_212] : memref<800x64xf32, #tpu.memory_space<vmem>> -> memref<50x64xf32, #tpu.memory_space<vmem>>
    tpu.enqueue_dma source(%dma_start3A_213 : memref<50x64xf32, #tpu.memory_space<vmem>>) target(%dma_start3A_210 : memref<50x64xf32, #tpu.memory_space<hbm>>) target_semaphore(%arg10 : memref<!tpu.dma_semaphore, #tpu.memory_space<semaphore_mem>>)
    %add3A_214 = arith.constant 12 : i32
    %add3A_215 = arith.addi %add3A_21, %add3A_214 : i32
    %dma_start3A_216 = arith.constant 600 : i32
    %dma_start3A_217 = arith.constant 0 : i32
    %dma_start3A_218 = tpu.memref_slice %arg6[%dma_start3A_216, %dma_start3A_217] : memref<800x64xf32, #tpu.memory_space<vmem>> -> memref<50x64xf32, #tpu.memory_space<vmem>>
    %dma_start3A_219 = arith.constant 0 : i32
    %dma_start3A_220 = arith.constant 0 : i32
    %dma_start3A_221 = tpu.memref_slice %arg4[%add3A_215, %dma_start3A_219, %dma_start3A_220] : memref<4096x56x128xf32, #tpu.memory_space<hbm>> -> memref<1x50x64xf32, #tpu.memory_space<hbm>>
    %dma_start3A_222 = tpu.memref_squeeze %dma_start3A_221 : memref<1x50x64xf32, #tpu.memory_space<hbm>> -> memref<50x64xf32, #tpu.memory_space<hbm>>
    %dma_start3A_223 = arith.constant 0 : i32
    %dma_start3A_224 = arith.constant 0 : i32
    %dma_start3A_225 = tpu.memref_slice %arg4[%add3A_215, %dma_start3A_223, %dma_start3A_224] : memref<4096x56x128xf32, #tpu.memory_space<hbm>> -> memref<1x50x64xf32, #tpu.memory_space<hbm>>
    %dma_start3A_226 = tpu.memref_squeeze %dma_start3A_225 : memref<1x50x64xf32, #tpu.memory_space<hbm>> -> memref<50x64xf32, #tpu.memory_space<hbm>>
    %dma_start3A_227 = arith.constant 600 : i32
    %dma_start3A_228 = arith.constant 0 : i32
    %dma_start3A_229 = tpu.memref_slice %arg6[%dma_start3A_227, %dma_start3A_228] : memref<800x64xf32, #tpu.memory_space<vmem>> -> memref<50x64xf32, #tpu.memory_space<vmem>>
    tpu.enqueue_dma source(%dma_start3A_229 : memref<50x64xf32, #tpu.memory_space<vmem>>) target(%dma_start3A_226 : memref<50x64xf32, #tpu.memory_space<hbm>>) target_semaphore(%arg10 : memref<!tpu.dma_semaphore, #tpu.memory_space<semaphore_mem>>)
    %add3A_230 = arith.constant 13 : i32
    %add3A_231 = arith.addi %add3A_21, %add3A_230 : i32
    %dma_start3A_232 = arith.constant 650 : i32
    %dma_start3A_233 = arith.constant 0 : i32
    %dma_start3A_234 = tpu.memref_slice %arg6[%dma_start3A_232, %dma_start3A_233] : memref<800x64xf32, #tpu.memory_space<vmem>> -> memref<50x64xf32, #tpu.memory_space<vmem>>
    %dma_start3A_235 = arith.constant 0 : i32
    %dma_start3A_236 = arith.constant 0 : i32
    %dma_start3A_237 = tpu.memref_slice %arg4[%add3A_231, %dma_start3A_235, %dma_start3A_236] : memref<4096x56x128xf32, #tpu.memory_space<hbm>> -> memref<1x50x64xf32, #tpu.memory_space<hbm>>
    %dma_start3A_238 = tpu.memref_squeeze %dma_start3A_237 : memref<1x50x64xf32, #tpu.memory_space<hbm>> -> memref<50x64xf32, #tpu.memory_space<hbm>>
    %dma_start3A_239 = arith.constant 0 : i32
    %dma_start3A_240 = arith.constant 0 : i32
    %dma_start3A_241 = tpu.memref_slice %arg4[%add3A_231, %dma_start3A_239, %dma_start3A_240] : memref<4096x56x128xf32, #tpu.memory_space<hbm>> -> memref<1x50x64xf32, #tpu.memory_space<hbm>>
    %dma_start3A_242 = tpu.memref_squeeze %dma_start3A_241 : memref<1x50x64xf32, #tpu.memory_space<hbm>> -> memref<50x64xf32, #tpu.memory_space<hbm>>
    %dma_start3A_243 = arith.constant 650 : i32
    %dma_start3A_244 = arith.constant 0 : i32
    %dma_start3A_245 = tpu.memref_slice %arg6[%dma_start3A_243, %dma_start3A_244] : memref<800x64xf32, #tpu.memory_space<vmem>> -> memref<50x64xf32, #tpu.memory_space<vmem>>
    tpu.enqueue_dma source(%dma_start3A_245 : memref<50x64xf32, #tpu.memory_space<vmem>>) target(%dma_start3A_242 : memref<50x64xf32, #tpu.memory_space<hbm>>) target_semaphore(%arg10 : memref<!tpu.dma_semaphore, #tpu.memory_space<semaphore_mem>>)
    %add3A_246 = arith.constant 14 : i32
    %add3A_247 = arith.addi %add3A_21, %add3A_246 : i32
    %dma_start3A_248 = arith.constant 700 : i32
    %dma_start3A_249 = arith.constant 0 : i32
    %dma_start3A_250 = tpu.memref_slice %arg6[%dma_start3A_248, %dma_start3A_249] : memref<800x64xf32, #tpu.memory_space<vmem>> -> memref<50x64xf32, #tpu.memory_space<vmem>>
    %dma_start3A_251 = arith.constant 0 : i32
    %dma_start3A_252 = arith.constant 0 : i32
    %dma_start3A_253 = tpu.memref_slice %arg4[%add3A_247, %dma_start3A_251, %dma_start3A_252] : memref<4096x56x128xf32, #tpu.memory_space<hbm>> -> memref<1x50x64xf32, #tpu.memory_space<hbm>>
    %dma_start3A_254 = tpu.memref_squeeze %dma_start3A_253 : memref<1x50x64xf32, #tpu.memory_space<hbm>> -> memref<50x64xf32, #tpu.memory_space<hbm>>
    %dma_start3A_255 = arith.constant 0 : i32
    %dma_start3A_256 = arith.constant 0 : i32
    %dma_start3A_257 = tpu.memref_slice %arg4[%add3A_247, %dma_start3A_255, %dma_start3A_256] : memref<4096x56x128xf32, #tpu.memory_space<hbm>> -> memref<1x50x64xf32, #tpu.memory_space<hbm>>
    %dma_start3A_258 = tpu.memref_squeeze %dma_start3A_257 : memref<1x50x64xf32, #tpu.memory_space<hbm>> -> memref<50x64xf32, #tpu.memory_space<hbm>>
    %dma_start3A_259 = arith.constant 700 : i32
    %dma_start3A_260 = arith.constant 0 : i32
    %dma_start3A_261 = tpu.memref_slice %arg6[%dma_start3A_259, %dma_start3A_260] : memref<800x64xf32, #tpu.memory_space<vmem>> -> memref<50x64xf32, #tpu.memory_space<vmem>>
    tpu.enqueue_dma source(%dma_start3A_261 : memref<50x64xf32, #tpu.memory_space<vmem>>) target(%dma_start3A_258 : memref<50x64xf32, #tpu.memory_space<hbm>>) target_semaphore(%arg10 : memref<!tpu.dma_semaphore, #tpu.memory_space<semaphore_mem>>)
    %add3A_262 = arith.constant 15 : i32
    %add3A_263 = arith.addi %add3A_21, %add3A_262 : i32
    %dma_start3A_264 = arith.constant 750 : i32
    %dma_start3A_265 = arith.constant 0 : i32
    %dma_start3A_266 = tpu.memref_slice %arg6[%dma_start3A_264, %dma_start3A_265] : memref<800x64xf32, #tpu.memory_space<vmem>> -> memref<50x64xf32, #tpu.memory_space<vmem>>
    %dma_start3A_267 = arith.constant 0 : i32
    %dma_start3A_268 = arith.constant 0 : i32
    %dma_start3A_269 = tpu.memref_slice %arg4[%add3A_263, %dma_start3A_267, %dma_start3A_268] : memref<4096x56x128xf32, #tpu.memory_space<hbm>> -> memref<1x50x64xf32, #tpu.memory_space<hbm>>
    %dma_start3A_270 = tpu.memref_squeeze %dma_start3A_269 : memref<1x50x64xf32, #tpu.memory_space<hbm>> -> memref<50x64xf32, #tpu.memory_space<hbm>>
    %dma_start3A_271 = arith.constant 0 : i32
    %dma_start3A_272 = arith.constant 0 : i32
    %dma_start3A_273 = tpu.memref_slice %arg4[%add3A_263, %dma_start3A_271, %dma_start3A_272] : memref<4096x56x128xf32, #tpu.memory_space<hbm>> -> memref<1x50x64xf32, #tpu.memory_space<hbm>>
    %dma_start3A_274 = tpu.memref_squeeze %dma_start3A_273 : memref<1x50x64xf32, #tpu.memory_space<hbm>> -> memref<50x64xf32, #tpu.memory_space<hbm>>
    %dma_start3A_275 = arith.constant 750 : i32
    %dma_start3A_276 = arith.constant 0 : i32
    %dma_start3A_277 = tpu.memref_slice %arg6[%dma_start3A_275, %dma_start3A_276] : memref<800x64xf32, #tpu.memory_space<vmem>> -> memref<50x64xf32, #tpu.memory_space<vmem>>
    tpu.enqueue_dma source(%dma_start3A_277 : memref<50x64xf32, #tpu.memory_space<vmem>>) target(%dma_start3A_274 : memref<50x64xf32, #tpu.memory_space<hbm>>) target_semaphore(%arg10 : memref<!tpu.dma_semaphore, #tpu.memory_space<semaphore_mem>>)
    %scan3A = arith.constant 0 : i32
    %scan3A_278 = arith.constant 0 : i32
    %scan3A_279 = arith.constant 3 : i32
    %scan3A_280 = arith.addi %scan3A_278, %scan3A_279 : i32
    %scan3A_281 = arith.constant 1 : i32
    %scan3A_282 = scf.for %scan3A_1030 = %scan3A_278 to %scan3A_280 step %scan3A_281 iter_args(%scan3A_1031 = %scan3A) -> (i32)  : i32 {
      %mul3A_1032 = arith.constant 2 : i32
      %mul3A_1033 = arith.muli %mul3A_1032, %scan3A_1030 : i32
      %add3A_1034 = arith.constant 1 : i32
      %add3A_1035 = arith.addi %add3A_1034, %mul3A_1033 : i32
      %dma_wait3A_1036 = arith.constant 0 : i32
      %dma_wait3A_1037 = arith.constant 0 : i32
      %dma_wait3A_1038 = arith.constant 0 : i32
      %dma_wait3A_1039 = tpu.memref_slice %arg6[%dma_wait3A_1037, %dma_wait3A_1038] : memref<800x64xf32, #tpu.memory_space<vmem>> -> memref<50x64xf32, #tpu.memory_space<vmem>>
      %dma_wait3A_1040 = arith.constant 0 : i32
      %dma_wait3A_1041 = arith.constant 0 : i32
      %dma_wait3A_1042 = tpu.memref_slice %arg4[%dma_wait3A_1036, %dma_wait3A_1040, %dma_wait3A_1041] : memref<4096x56x128xf32, #tpu.memory_space<hbm>> -> memref<1x50x64xf32, #tpu.memory_space<hbm>>
      %dma_wait3A_1043 = tpu.memref_squeeze %dma_wait3A_1042 : memref<1x50x64xf32, #tpu.memory_space<hbm>> -> memref<50x64xf32, #tpu.memory_space<hbm>>
      %dma_wait3A_1044 = arith.constant 0 : i32
      %dma_wait3A_1045 = arith.constant 0 : i32
      %dma_wait3A_1046 = tpu.memref_slice %arg4[%dma_wait3A_1036, %dma_wait3A_1044, %dma_wait3A_1045] : memref<4096x56x128xf32, #tpu.memory_space<hbm>> -> memref<1x50x64xf32, #tpu.memory_space<hbm>>
      %dma_wait3A_1047 = tpu.memref_squeeze %dma_wait3A_1046 : memref<1x50x64xf32, #tpu.memory_space<hbm>> -> memref<50x64xf32, #tpu.memory_space<hbm>>
      %dma_wait3A_1048 = arith.constant 0 : i32
      %dma_wait3A_1049 = arith.constant 0 : i32
      %dma_wait3A_1050 = tpu.memref_slice %arg6[%dma_wait3A_1048, %dma_wait3A_1049] : memref<800x64xf32, #tpu.memory_space<vmem>> -> memref<50x64xf32, #tpu.memory_space<vmem>>
      tpu.wait_dma2 semaphore(%arg10 : memref<!tpu.dma_semaphore, #tpu.memory_space<semaphore_mem>>) src(%dma_wait3A_1050 : memref<50x64xf32, #tpu.memory_space<vmem>>) dst(%dma_wait3A_1047 : memref<50x64xf32, #tpu.memory_space<hbm>>)
      %dma_wait3A_1051 = arith.constant 0 : i32
      %dma_wait3A_1052 = arith.constant 50 : i32
      %dma_wait3A_1053 = arith.constant 0 : i32
      %dma_wait3A_1054 = tpu.memref_slice %arg6[%dma_wait3A_1052, %dma_wait3A_1053] : memref<800x64xf32, #tpu.memory_space<vmem>> -> memref<50x64xf32, #tpu.memory_space<vmem>>
      %dma_wait3A_1055 = arith.constant 0 : i32
      %dma_wait3A_1056 = arith.constant 0 : i32
      %dma_wait3A_1057 = tpu.memref_slice %arg4[%dma_wait3A_1051, %dma_wait3A_1055, %dma_wait3A_1056] : memref<4096x56x128xf32, #tpu.memory_space<hbm>> -> memref<1x50x64xf32, #tpu.memory_space<hbm>>
      %dma_wait3A_1058 = tpu.memref_squeeze %dma_wait3A_1057 : memref<1x50x64xf32, #tpu.memory_space<hbm>> -> memref<50x64xf32, #tpu.memory_space<hbm>>
      %dma_wait3A_1059 = arith.constant 0 : i32
      %dma_wait3A_1060 = arith.constant 0 : i32
      %dma_wait3A_1061 = tpu.memref_slice %arg4[%dma_wait3A_1051, %dma_wait3A_1059, %dma_wait3A_1060] : memref<4096x56x128xf32, #tpu.memory_space<hbm>> -> memref<1x50x64xf32, #tpu.memory_space<hbm>>
      %dma_wait3A_1062 = tpu.memref_squeeze %dma_wait3A_1061 : memref<1x50x64xf32, #tpu.memory_space<hbm>> -> memref<50x64xf32, #tpu.memory_space<hbm>>
      %dma_wait3A_1063 = arith.constant 50 : i32
      %dma_wait3A_1064 = arith.constant 0 : i32
      %dma_wait3A_1065 = tpu.memref_slice %arg6[%dma_wait3A_1063, %dma_wait3A_1064] : memref<800x64xf32, #tpu.memory_space<vmem>> -> memref<50x64xf32, #tpu.memory_space<vmem>>
      tpu.wait_dma2 semaphore(%arg10 : memref<!tpu.dma_semaphore, #tpu.memory_space<semaphore_mem>>) src(%dma_wait3A_1065 : memref<50x64xf32, #tpu.memory_space<vmem>>) dst(%dma_wait3A_1062 : memref<50x64xf32, #tpu.memory_space<hbm>>)
      %dma_wait3A_1066 = arith.constant 0 : i32
      %dma_wait3A_1067 = arith.constant 100 : i32
      %dma_wait3A_1068 = arith.constant 0 : i32
      %dma_wait3A_1069 = tpu.memref_slice %arg6[%dma_wait3A_1067, %dma_wait3A_1068] : memref<800x64xf32, #tpu.memory_space<vmem>> -> memref<50x64xf32, #tpu.memory_space<vmem>>
      %dma_wait3A_1070 = arith.constant 0 : i32
      %dma_wait3A_1071 = arith.constant 0 : i32
      %dma_wait3A_1072 = tpu.memref_slice %arg4[%dma_wait3A_1066, %dma_wait3A_1070, %dma_wait3A_1071] : memref<4096x56x128xf32, #tpu.memory_space<hbm>> -> memref<1x50x64xf32, #tpu.memory_space<hbm>>
      %dma_wait3A_1073 = tpu.memref_squeeze %dma_wait3A_1072 : memref<1x50x64xf32, #tpu.memory_space<hbm>> -> memref<50x64xf32, #tpu.memory_space<hbm>>
      %dma_wait3A_1074 = arith.constant 0 : i32
      %dma_wait3A_1075 = arith.constant 0 : i32
      %dma_wait3A_1076 = tpu.memref_slice %arg4[%dma_wait3A_1066, %dma_wait3A_1074, %dma_wait3A_1075] : memref<4096x56x128xf32, #tpu.memory_space<hbm>> -> memref<1x50x64xf32, #tpu.memory_space<hbm>>
      %dma_wait3A_1077 = tpu.memref_squeeze %dma_wait3A_1076 : memref<1x50x64xf32, #tpu.memory_space<hbm>> -> memref<50x64xf32, #tpu.memory_space<hbm>>
      %dma_wait3A_1078 = arith.constant 100 : i32
      %dma_wait3A_1079 = arith.constant 0 : i32
      %dma_wait3A_1080 = tpu.memref_slice %arg6[%dma_wait3A_1078, %dma_wait3A_1079] : memref<800x64xf32, #tpu.memory_space<vmem>> -> memref<50x64xf32, #tpu.memory_space<vmem>>
      tpu.wait_dma2 semaphore(%arg10 : memref<!tpu.dma_semaphore, #tpu.memory_space<semaphore_mem>>) src(%dma_wait3A_1080 : memref<50x64xf32, #tpu.memory_space<vmem>>) dst(%dma_wait3A_1077 : memref<50x64xf32, #tpu.memory_space<hbm>>)
      %dma_wait3A_1081 = arith.constant 0 : i32
      %dma_wait3A_1082 = arith.constant 150 : i32
      %dma_wait3A_1083 = arith.constant 0 : i32
      %dma_wait3A_1084 = tpu.memref_slice %arg6[%dma_wait3A_1082, %dma_wait3A_1083] : memref<800x64xf32, #tpu.memory_space<vmem>> -> memref<50x64xf32, #tpu.memory_space<vmem>>
      %dma_wait3A_1085 = arith.constant 0 : i32
      %dma_wait3A_1086 = arith.constant 0 : i32
      %dma_wait3A_1087 = tpu.memref_slice %arg4[%dma_wait3A_1081, %dma_wait3A_1085, %dma_wait3A_1086] : memref<4096x56x128xf32, #tpu.memory_space<hbm>> -> memref<1x50x64xf32, #tpu.memory_space<hbm>>
      %dma_wait3A_1088 = tpu.memref_squeeze %dma_wait3A_1087 : memref<1x50x64xf32, #tpu.memory_space<hbm>> -> memref<50x64xf32, #tpu.memory_space<hbm>>
      %dma_wait3A_1089 = arith.constant 0 : i32
      %dma_wait3A_1090 = arith.constant 0 : i32
      %dma_wait3A_1091 = tpu.memref_slice %arg4[%dma_wait3A_1081, %dma_wait3A_1089, %dma_wait3A_1090] : memref<4096x56x128xf32, #tpu.memory_space<hbm>> -> memref<1x50x64xf32, #tpu.memory_space<hbm>>
      %dma_wait3A_1092 = tpu.memref_squeeze %dma_wait3A_1091 : memref<1x50x64xf32, #tpu.memory_space<hbm>> -> memref<50x64xf32, #tpu.memory_space<hbm>>
      %dma_wait3A_1093 = arith.constant 150 : i32
      %dma_wait3A_1094 = arith.constant 0 : i32
      %dma_wait3A_1095 = tpu.memref_slice %arg6[%dma_wait3A_1093, %dma_wait3A_1094] : memref<800x64xf32, #tpu.memory_space<vmem>> -> memref<50x64xf32, #tpu.memory_space<vmem>>
      tpu.wait_dma2 semaphore(%arg10 : memref<!tpu.dma_semaphore, #tpu.memory_space<semaphore_mem>>) src(%dma_wait3A_1095 : memref<50x64xf32, #tpu.memory_space<vmem>>) dst(%dma_wait3A_1092 : memref<50x64xf32, #tpu.memory_space<hbm>>)
      %dma_wait3A_1096 = arith.constant 0 : i32
      %dma_wait3A_1097 = arith.constant 200 : i32
      %dma_wait3A_1098 = arith.constant 0 : i32
      %dma_wait3A_1099 = tpu.memref_slice %arg6[%dma_wait3A_1097, %dma_wait3A_1098] : memref<800x64xf32, #tpu.memory_space<vmem>> -> memref<50x64xf32, #tpu.memory_space<vmem>>
      %dma_wait3A_1100 = arith.constant 0 : i32
      %dma_wait3A_1101 = arith.constant 0 : i32
      %dma_wait3A_1102 = tpu.memref_slice %arg4[%dma_wait3A_1096, %dma_wait3A_1100, %dma_wait3A_1101] : memref<4096x56x128xf32, #tpu.memory_space<hbm>> -> memref<1x50x64xf32, #tpu.memory_space<hbm>>
      %dma_wait3A_1103 = tpu.memref_squeeze %dma_wait3A_1102 : memref<1x50x64xf32, #tpu.memory_space<hbm>> -> memref<50x64xf32, #tpu.memory_space<hbm>>
      %dma_wait3A_1104 = arith.constant 0 : i32
      %dma_wait3A_1105 = arith.constant 0 : i32
      %dma_wait3A_1106 = tpu.memref_slice %arg4[%dma_wait3A_1096, %dma_wait3A_1104, %dma_wait3A_1105] : memref<4096x56x128xf32, #tpu.memory_space<hbm>> -> memref<1x50x64xf32, #tpu.memory_space<hbm>>
      %dma_wait3A_1107 = tpu.memref_squeeze %dma_wait3A_1106 : memref<1x50x64xf32, #tpu.memory_space<hbm>> -> memref<50x64xf32, #tpu.memory_space<hbm>>
      %dma_wait3A_1108 = arith.constant 200 : i32
      %dma_wait3A_1109 = arith.constant 0 : i32
      %dma_wait3A_1110 = tpu.memref_slice %arg6[%dma_wait3A_1108, %dma_wait3A_1109] : memref<800x64xf32, #tpu.memory_space<vmem>> -> memref<50x64xf32, #tpu.memory_space<vmem>>
      tpu.wait_dma2 semaphore(%arg10 : memref<!tpu.dma_semaphore, #tpu.memory_space<semaphore_mem>>) src(%dma_wait3A_1110 : memref<50x64xf32, #tpu.memory_space<vmem>>) dst(%dma_wait3A_1107 : memref<50x64xf32, #tpu.memory_space<hbm>>)
      %dma_wait3A_1111 = arith.constant 0 : i32
      %dma_wait3A_1112 = arith.constant 250 : i32
      %dma_wait3A_1113 = arith.constant 0 : i32
      %dma_wait3A_1114 = tpu.memref_slice %arg6[%dma_wait3A_1112, %dma_wait3A_1113] : memref<800x64xf32, #tpu.memory_space<vmem>> -> memref<50x64xf32, #tpu.memory_space<vmem>>
      %dma_wait3A_1115 = arith.constant 0 : i32
      %dma_wait3A_1116 = arith.constant 0 : i32
      %dma_wait3A_1117 = tpu.memref_slice %arg4[%dma_wait3A_1111, %dma_wait3A_1115, %dma_wait3A_1116] : memref<4096x56x128xf32, #tpu.memory_space<hbm>> -> memref<1x50x64xf32, #tpu.memory_space<hbm>>
      %dma_wait3A_1118 = tpu.memref_squeeze %dma_wait3A_1117 : memref<1x50x64xf32, #tpu.memory_space<hbm>> -> memref<50x64xf32, #tpu.memory_space<hbm>>
      %dma_wait3A_1119 = arith.constant 0 : i32
      %dma_wait3A_1120 = arith.constant 0 : i32
      %dma_wait3A_1121 = tpu.memref_slice %arg4[%dma_wait3A_1111, %dma_wait3A_1119, %dma_wait3A_1120] : memref<4096x56x128xf32, #tpu.memory_space<hbm>> -> memref<1x50x64xf32, #tpu.memory_space<hbm>>
      %dma_wait3A_1122 = tpu.memref_squeeze %dma_wait3A_1121 : memref<1x50x64xf32, #tpu.memory_space<hbm>> -> memref<50x64xf32, #tpu.memory_space<hbm>>
      %dma_wait3A_1123 = arith.constant 250 : i32
      %dma_wait3A_1124 = arith.constant 0 : i32
      %dma_wait3A_1125 = tpu.memref_slice %arg6[%dma_wait3A_1123, %dma_wait3A_1124] : memref<800x64xf32, #tpu.memory_space<vmem>> -> memref<50x64xf32, #tpu.memory_space<vmem>>
      tpu.wait_dma2 semaphore(%arg10 : memref<!tpu.dma_semaphore, #tpu.memory_space<semaphore_mem>>) src(%dma_wait3A_1125 : memref<50x64xf32, #tpu.memory_space<vmem>>) dst(%dma_wait3A_1122 : memref<50x64xf32, #tpu.memory_space<hbm>>)
      %dma_wait3A_1126 = arith.constant 0 : i32
      %dma_wait3A_1127 = arith.constant 300 : i32
      %dma_wait3A_1128 = arith.constant 0 : i32
      %dma_wait3A_1129 = tpu.memref_slice %arg6[%dma_wait3A_1127, %dma_wait3A_1128] : memref<800x64xf32, #tpu.memory_space<vmem>> -> memref<50x64xf32, #tpu.memory_space<vmem>>
      %dma_wait3A_1130 = arith.constant 0 : i32
      %dma_wait3A_1131 = arith.constant 0 : i32
      %dma_wait3A_1132 = tpu.memref_slice %arg4[%dma_wait3A_1126, %dma_wait3A_1130, %dma_wait3A_1131] : memref<4096x56x128xf32, #tpu.memory_space<hbm>> -> memref<1x50x64xf32, #tpu.memory_space<hbm>>
      %dma_wait3A_1133 = tpu.memref_squeeze %dma_wait3A_1132 : memref<1x50x64xf32, #tpu.memory_space<hbm>> -> memref<50x64xf32, #tpu.memory_space<hbm>>
      %dma_wait3A_1134 = arith.constant 0 : i32
      %dma_wait3A_1135 = arith.constant 0 : i32
      %dma_wait3A_1136 = tpu.memref_slice %arg4[%dma_wait3A_1126, %dma_wait3A_1134, %dma_wait3A_1135] : memref<4096x56x128xf32, #tpu.memory_space<hbm>> -> memref<1x50x64xf32, #tpu.memory_space<hbm>>
      %dma_wait3A_1137 = tpu.memref_squeeze %dma_wait3A_1136 : memref<1x50x64xf32, #tpu.memory_space<hbm>> -> memref<50x64xf32, #tpu.memory_space<hbm>>
      %dma_wait3A_1138 = arith.constant 300 : i32
      %dma_wait3A_1139 = arith.constant 0 : i32
      %dma_wait3A_1140 = tpu.memref_slice %arg6[%dma_wait3A_1138, %dma_wait3A_1139] : memref<800x64xf32, #tpu.memory_space<vmem>> -> memref<50x64xf32, #tpu.memory_space<vmem>>
      tpu.wait_dma2 semaphore(%arg10 : memref<!tpu.dma_semaphore, #tpu.memory_space<semaphore_mem>>) src(%dma_wait3A_1140 : memref<50x64xf32, #tpu.memory_space<vmem>>) dst(%dma_wait3A_1137 : memref<50x64xf32, #tpu.memory_space<hbm>>)
      %dma_wait3A_1141 = arith.constant 0 : i32
      %dma_wait3A_1142 = arith.constant 350 : i32
      %dma_wait3A_1143 = arith.constant 0 : i32
      %dma_wait3A_1144 = tpu.memref_slice %arg6[%dma_wait3A_1142, %dma_wait3A_1143] : memref<800x64xf32, #tpu.memory_space<vmem>> -> memref<50x64xf32, #tpu.memory_space<vmem>>
      %dma_wait3A_1145 = arith.constant 0 : i32
      %dma_wait3A_1146 = arith.constant 0 : i32
      %dma_wait3A_1147 = tpu.memref_slice %arg4[%dma_wait3A_1141, %dma_wait3A_1145, %dma_wait3A_1146] : memref<4096x56x128xf32, #tpu.memory_space<hbm>> -> memref<1x50x64xf32, #tpu.memory_space<hbm>>
      %dma_wait3A_1148 = tpu.memref_squeeze %dma_wait3A_1147 : memref<1x50x64xf32, #tpu.memory_space<hbm>> -> memref<50x64xf32, #tpu.memory_space<hbm>>
      %dma_wait3A_1149 = arith.constant 0 : i32
      %dma_wait3A_1150 = arith.constant 0 : i32
      %dma_wait3A_1151 = tpu.memref_slice %arg4[%dma_wait3A_1141, %dma_wait3A_1149, %dma_wait3A_1150] : memref<4096x56x128xf32, #tpu.memory_space<hbm>> -> memref<1x50x64xf32, #tpu.memory_space<hbm>>
      %dma_wait3A_1152 = tpu.memref_squeeze %dma_wait3A_1151 : memref<1x50x64xf32, #tpu.memory_space<hbm>> -> memref<50x64xf32, #tpu.memory_space<hbm>>
      %dma_wait3A_1153 = arith.constant 350 : i32
      %dma_wait3A_1154 = arith.constant 0 : i32
      %dma_wait3A_1155 = tpu.memref_slice %arg6[%dma_wait3A_1153, %dma_wait3A_1154] : memref<800x64xf32, #tpu.memory_space<vmem>> -> memref<50x64xf32, #tpu.memory_space<vmem>>
      tpu.wait_dma2 semaphore(%arg10 : memref<!tpu.dma_semaphore, #tpu.memory_space<semaphore_mem>>) src(%dma_wait3A_1155 : memref<50x64xf32, #tpu.memory_space<vmem>>) dst(%dma_wait3A_1152 : memref<50x64xf32, #tpu.memory_space<hbm>>)
      %dma_wait3A_1156 = arith.constant 0 : i32
      %dma_wait3A_1157 = arith.constant 400 : i32
      %dma_wait3A_1158 = arith.constant 0 : i32
      %dma_wait3A_1159 = tpu.memref_slice %arg6[%dma_wait3A_1157, %dma_wait3A_1158] : memref<800x64xf32, #tpu.memory_space<vmem>> -> memref<50x64xf32, #tpu.memory_space<vmem>>
      %dma_wait3A_1160 = arith.constant 0 : i32
      %dma_wait3A_1161 = arith.constant 0 : i32
      %dma_wait3A_1162 = tpu.memref_slice %arg4[%dma_wait3A_1156, %dma_wait3A_1160, %dma_wait3A_1161] : memref<4096x56x128xf32, #tpu.memory_space<hbm>> -> memref<1x50x64xf32, #tpu.memory_space<hbm>>
      %dma_wait3A_1163 = tpu.memref_squeeze %dma_wait3A_1162 : memref<1x50x64xf32, #tpu.memory_space<hbm>> -> memref<50x64xf32, #tpu.memory_space<hbm>>
      %dma_wait3A_1164 = arith.constant 0 : i32
      %dma_wait3A_1165 = arith.constant 0 : i32
      %dma_wait3A_1166 = tpu.memref_slice %arg4[%dma_wait3A_1156, %dma_wait3A_1164, %dma_wait3A_1165] : memref<4096x56x128xf32, #tpu.memory_space<hbm>> -> memref<1x50x64xf32, #tpu.memory_space<hbm>>
      %dma_wait3A_1167 = tpu.memref_squeeze %dma_wait3A_1166 : memref<1x50x64xf32, #tpu.memory_space<hbm>> -> memref<50x64xf32, #tpu.memory_space<hbm>>
      %dma_wait3A_1168 = arith.constant 400 : i32
      %dma_wait3A_1169 = arith.constant 0 : i32
      %dma_wait3A_1170 = tpu.memref_slice %arg6[%dma_wait3A_1168, %dma_wait3A_1169] : memref<800x64xf32, #tpu.memory_space<vmem>> -> memref<50x64xf32, #tpu.memory_space<vmem>>
      tpu.wait_dma2 semaphore(%arg10 : memref<!tpu.dma_semaphore, #tpu.memory_space<semaphore_mem>>) src(%dma_wait3A_1170 : memref<50x64xf32, #tpu.memory_space<vmem>>) dst(%dma_wait3A_1167 : memref<50x64xf32, #tpu.memory_space<hbm>>)
      %dma_wait3A_1171 = arith.constant 0 : i32
      %dma_wait3A_1172 = arith.constant 450 : i32
      %dma_wait3A_1173 = arith.constant 0 : i32
      %dma_wait3A_1174 = tpu.memref_slice %arg6[%dma_wait3A_1172, %dma_wait3A_1173] : memref<800x64xf32, #tpu.memory_space<vmem>> -> memref<50x64xf32, #tpu.memory_space<vmem>>
      %dma_wait3A_1175 = arith.constant 0 : i32
      %dma_wait3A_1176 = arith.constant 0 : i32
      %dma_wait3A_1177 = tpu.memref_slice %arg4[%dma_wait3A_1171, %dma_wait3A_1175, %dma_wait3A_1176] : memref<4096x56x128xf32, #tpu.memory_space<hbm>> -> memref<1x50x64xf32, #tpu.memory_space<hbm>>
      %dma_wait3A_1178 = tpu.memref_squeeze %dma_wait3A_1177 : memref<1x50x64xf32, #tpu.memory_space<hbm>> -> memref<50x64xf32, #tpu.memory_space<hbm>>
      %dma_wait3A_1179 = arith.constant 0 : i32
      %dma_wait3A_1180 = arith.constant 0 : i32
      %dma_wait3A_1181 = tpu.memref_slice %arg4[%dma_wait3A_1171, %dma_wait3A_1179, %dma_wait3A_1180] : memref<4096x56x128xf32, #tpu.memory_space<hbm>> -> memref<1x50x64xf32, #tpu.memory_space<hbm>>
      %dma_wait3A_1182 = tpu.memref_squeeze %dma_wait3A_1181 : memref<1x50x64xf32, #tpu.memory_space<hbm>> -> memref<50x64xf32, #tpu.memory_space<hbm>>
      %dma_wait3A_1183 = arith.constant 450 : i32
      %dma_wait3A_1184 = arith.constant 0 : i32
      %dma_wait3A_1185 = tpu.memref_slice %arg6[%dma_wait3A_1183, %dma_wait3A_1184] : memref<800x64xf32, #tpu.memory_space<vmem>> -> memref<50x64xf32, #tpu.memory_space<vmem>>
      tpu.wait_dma2 semaphore(%arg10 : memref<!tpu.dma_semaphore, #tpu.memory_space<semaphore_mem>>) src(%dma_wait3A_1185 : memref<50x64xf32, #tpu.memory_space<vmem>>) dst(%dma_wait3A_1182 : memref<50x64xf32, #tpu.memory_space<hbm>>)
      %dma_wait3A_1186 = arith.constant 0 : i32
      %dma_wait3A_1187 = arith.constant 500 : i32
      %dma_wait3A_1188 = arith.constant 0 : i32
      %dma_wait3A_1189 = tpu.memref_slice %arg6[%dma_wait3A_1187, %dma_wait3A_1188] : memref<800x64xf32, #tpu.memory_space<vmem>> -> memref<50x64xf32, #tpu.memory_space<vmem>>
      %dma_wait3A_1190 = arith.constant 0 : i32
      %dma_wait3A_1191 = arith.constant 0 : i32
      %dma_wait3A_1192 = tpu.memref_slice %arg4[%dma_wait3A_1186, %dma_wait3A_1190, %dma_wait3A_1191] : memref<4096x56x128xf32, #tpu.memory_space<hbm>> -> memref<1x50x64xf32, #tpu.memory_space<hbm>>
      %dma_wait3A_1193 = tpu.memref_squeeze %dma_wait3A_1192 : memref<1x50x64xf32, #tpu.memory_space<hbm>> -> memref<50x64xf32, #tpu.memory_space<hbm>>
      %dma_wait3A_1194 = arith.constant 0 : i32
      %dma_wait3A_1195 = arith.constant 0 : i32
      %dma_wait3A_1196 = tpu.memref_slice %arg4[%dma_wait3A_1186, %dma_wait3A_1194, %dma_wait3A_1195] : memref<4096x56x128xf32, #tpu.memory_space<hbm>> -> memref<1x50x64xf32, #tpu.memory_space<hbm>>
      %dma_wait3A_1197 = tpu.memref_squeeze %dma_wait3A_1196 : memref<1x50x64xf32, #tpu.memory_space<hbm>> -> memref<50x64xf32, #tpu.memory_space<hbm>>
      %dma_wait3A_1198 = arith.constant 500 : i32
      %dma_wait3A_1199 = arith.constant 0 : i32
      %dma_wait3A_1200 = tpu.memref_slice %arg6[%dma_wait3A_1198, %dma_wait3A_1199] : memref<800x64xf32, #tpu.memory_space<vmem>> -> memref<50x64xf32, #tpu.memory_space<vmem>>
      tpu.wait_dma2 semaphore(%arg10 : memref<!tpu.dma_semaphore, #tpu.memory_space<semaphore_mem>>) src(%dma_wait3A_1200 : memref<50x64xf32, #tpu.memory_space<vmem>>) dst(%dma_wait3A_1197 : memref<50x64xf32, #tpu.memory_space<hbm>>)
      %dma_wait3A_1201 = arith.constant 0 : i32
      %dma_wait3A_1202 = arith.constant 550 : i32
      %dma_wait3A_1203 = arith.constant 0 : i32
      %dma_wait3A_1204 = tpu.memref_slice %arg6[%dma_wait3A_1202, %dma_wait3A_1203] : memref<800x64xf32, #tpu.memory_space<vmem>> -> memref<50x64xf32, #tpu.memory_space<vmem>>
      %dma_wait3A_1205 = arith.constant 0 : i32
      %dma_wait3A_1206 = arith.constant 0 : i32
      %dma_wait3A_1207 = tpu.memref_slice %arg4[%dma_wait3A_1201, %dma_wait3A_1205, %dma_wait3A_1206] : memref<4096x56x128xf32, #tpu.memory_space<hbm>> -> memref<1x50x64xf32, #tpu.memory_space<hbm>>
      %dma_wait3A_1208 = tpu.memref_squeeze %dma_wait3A_1207 : memref<1x50x64xf32, #tpu.memory_space<hbm>> -> memref<50x64xf32, #tpu.memory_space<hbm>>
      %dma_wait3A_1209 = arith.constant 0 : i32
      %dma_wait3A_1210 = arith.constant 0 : i32
      %dma_wait3A_1211 = tpu.memref_slice %arg4[%dma_wait3A_1201, %dma_wait3A_1209, %dma_wait3A_1210] : memref<4096x56x128xf32, #tpu.memory_space<hbm>> -> memref<1x50x64xf32, #tpu.memory_space<hbm>>
      %dma_wait3A_1212 = tpu.memref_squeeze %dma_wait3A_1211 : memref<1x50x64xf32, #tpu.memory_space<hbm>> -> memref<50x64xf32, #tpu.memory_space<hbm>>
      %dma_wait3A_1213 = arith.constant 550 : i32
      %dma_wait3A_1214 = arith.constant 0 : i32
      %dma_wait3A_1215 = tpu.memref_slice %arg6[%dma_wait3A_1213, %dma_wait3A_1214] : memref<800x64xf32, #tpu.memory_space<vmem>> -> memref<50x64xf32, #tpu.memory_space<vmem>>
      tpu.wait_dma2 semaphore(%arg10 : memref<!tpu.dma_semaphore, #tpu.memory_space<semaphore_mem>>) src(%dma_wait3A_1215 : memref<50x64xf32, #tpu.memory_space<vmem>>) dst(%dma_wait3A_1212 : memref<50x64xf32, #tpu.memory_space<hbm>>)
      %dma_wait3A_1216 = arith.constant 0 : i32
      %dma_wait3A_1217 = arith.constant 600 : i32
      %dma_wait3A_1218 = arith.constant 0 : i32
      %dma_wait3A_1219 = tpu.memref_slice %arg6[%dma_wait3A_1217, %dma_wait3A_1218] : memref<800x64xf32, #tpu.memory_space<vmem>> -> memref<50x64xf32, #tpu.memory_space<vmem>>
      %dma_wait3A_1220 = arith.constant 0 : i32
      %dma_wait3A_1221 = arith.constant 0 : i32
      %dma_wait3A_1222 = tpu.memref_slice %arg4[%dma_wait3A_1216, %dma_wait3A_1220, %dma_wait3A_1221] : memref<4096x56x128xf32, #tpu.memory_space<hbm>> -> memref<1x50x64xf32, #tpu.memory_space<hbm>>
      %dma_wait3A_1223 = tpu.memref_squeeze %dma_wait3A_1222 : memref<1x50x64xf32, #tpu.memory_space<hbm>> -> memref<50x64xf32, #tpu.memory_space<hbm>>
      %dma_wait3A_1224 = arith.constant 0 : i32
      %dma_wait3A_1225 = arith.constant 0 : i32
      %dma_wait3A_1226 = tpu.memref_slice %arg4[%dma_wait3A_1216, %dma_wait3A_1224, %dma_wait3A_1225] : memref<4096x56x128xf32, #tpu.memory_space<hbm>> -> memref<1x50x64xf32, #tpu.memory_space<hbm>>
      %dma_wait3A_1227 = tpu.memref_squeeze %dma_wait3A_1226 : memref<1x50x64xf32, #tpu.memory_space<hbm>> -> memref<50x64xf32, #tpu.memory_space<hbm>>
      %dma_wait3A_1228 = arith.constant 600 : i32
      %dma_wait3A_1229 = arith.constant 0 : i32
      %dma_wait3A_1230 = tpu.memref_slice %arg6[%dma_wait3A_1228, %dma_wait3A_1229] : memref<800x64xf32, #tpu.memory_space<vmem>> -> memref<50x64xf32, #tpu.memory_space<vmem>>
      tpu.wait_dma2 semaphore(%arg10 : memref<!tpu.dma_semaphore, #tpu.memory_space<semaphore_mem>>) src(%dma_wait3A_1230 : memref<50x64xf32, #tpu.memory_space<vmem>>) dst(%dma_wait3A_1227 : memref<50x64xf32, #tpu.memory_space<hbm>>)
      %dma_wait3A_1231 = arith.constant 0 : i32
      %dma_wait3A_1232 = arith.constant 650 : i32
      %dma_wait3A_1233 = arith.constant 0 : i32
      %dma_wait3A_1234 = tpu.memref_slice %arg6[%dma_wait3A_1232, %dma_wait3A_1233] : memref<800x64xf32, #tpu.memory_space<vmem>> -> memref<50x64xf32, #tpu.memory_space<vmem>>
      %dma_wait3A_1235 = arith.constant 0 : i32
      %dma_wait3A_1236 = arith.constant 0 : i32
      %dma_wait3A_1237 = tpu.memref_slice %arg4[%dma_wait3A_1231, %dma_wait3A_1235, %dma_wait3A_1236] : memref<4096x56x128xf32, #tpu.memory_space<hbm>> -> memref<1x50x64xf32, #tpu.memory_space<hbm>>
      %dma_wait3A_1238 = tpu.memref_squeeze %dma_wait3A_1237 : memref<1x50x64xf32, #tpu.memory_space<hbm>> -> memref<50x64xf32, #tpu.memory_space<hbm>>
      %dma_wait3A_1239 = arith.constant 0 : i32
      %dma_wait3A_1240 = arith.constant 0 : i32
      %dma_wait3A_1241 = tpu.memref_slice %arg4[%dma_wait3A_1231, %dma_wait3A_1239, %dma_wait3A_1240] : memref<4096x56x128xf32, #tpu.memory_space<hbm>> -> memref<1x50x64xf32, #tpu.memory_space<hbm>>
      %dma_wait3A_1242 = tpu.memref_squeeze %dma_wait3A_1241 : memref<1x50x64xf32, #tpu.memory_space<hbm>> -> memref<50x64xf32, #tpu.memory_space<hbm>>
      %dma_wait3A_1243 = arith.constant 650 : i32
      %dma_wait3A_1244 = arith.constant 0 : i32
      %dma_wait3A_1245 = tpu.memref_slice %arg6[%dma_wait3A_1243, %dma_wait3A_1244] : memref<800x64xf32, #tpu.memory_space<vmem>> -> memref<50x64xf32, #tpu.memory_space<vmem>>
      tpu.wait_dma2 semaphore(%arg10 : memref<!tpu.dma_semaphore, #tpu.memory_space<semaphore_mem>>) src(%dma_wait3A_1245 : memref<50x64xf32, #tpu.memory_space<vmem>>) dst(%dma_wait3A_1242 : memref<50x64xf32, #tpu.memory_space<hbm>>)
      %dma_wait3A_1246 = arith.constant 0 : i32
      %dma_wait3A_1247 = arith.constant 700 : i32
      %dma_wait3A_1248 = arith.constant 0 : i32
      %dma_wait3A_1249 = tpu.memref_slice %arg6[%dma_wait3A_1247, %dma_wait3A_1248] : memref<800x64xf32, #tpu.memory_space<vmem>> -> memref<50x64xf32, #tpu.memory_space<vmem>>
      %dma_wait3A_1250 = arith.constant 0 : i32
      %dma_wait3A_1251 = arith.constant 0 : i32
      %dma_wait3A_1252 = tpu.memref_slice %arg4[%dma_wait3A_1246, %dma_wait3A_1250, %dma_wait3A_1251] : memref<4096x56x128xf32, #tpu.memory_space<hbm>> -> memref<1x50x64xf32, #tpu.memory_space<hbm>>
      %dma_wait3A_1253 = tpu.memref_squeeze %dma_wait3A_1252 : memref<1x50x64xf32, #tpu.memory_space<hbm>> -> memref<50x64xf32, #tpu.memory_space<hbm>>
      %dma_wait3A_1254 = arith.constant 0 : i32
      %dma_wait3A_1255 = arith.constant 0 : i32
      %dma_wait3A_1256 = tpu.memref_slice %arg4[%dma_wait3A_1246, %dma_wait3A_1254, %dma_wait3A_1255] : memref<4096x56x128xf32, #tpu.memory_space<hbm>> -> memref<1x50x64xf32, #tpu.memory_space<hbm>>
      %dma_wait3A_1257 = tpu.memref_squeeze %dma_wait3A_1256 : memref<1x50x64xf32, #tpu.memory_space<hbm>> -> memref<50x64xf32, #tpu.memory_space<hbm>>
      %dma_wait3A_1258 = arith.constant 700 : i32
      %dma_wait3A_1259 = arith.constant 0 : i32
      %dma_wait3A_1260 = tpu.memref_slice %arg6[%dma_wait3A_1258, %dma_wait3A_1259] : memref<800x64xf32, #tpu.memory_space<vmem>> -> memref<50x64xf32, #tpu.memory_space<vmem>>
      tpu.wait_dma2 semaphore(%arg10 : memref<!tpu.dma_semaphore, #tpu.memory_space<semaphore_mem>>) src(%dma_wait3A_1260 : memref<50x64xf32, #tpu.memory_space<vmem>>) dst(%dma_wait3A_1257 : memref<50x64xf32, #tpu.memory_space<hbm>>)
      %dma_wait3A_1261 = arith.constant 0 : i32
      %dma_wait3A_1262 = arith.constant 750 : i32
      %dma_wait3A_1263 = arith.constant 0 : i32
      %dma_wait3A_1264 = tpu.memref_slice %arg6[%dma_wait3A_1262, %dma_wait3A_1263] : memref<800x64xf32, #tpu.memory_space<vmem>> -> memref<50x64xf32, #tpu.memory_space<vmem>>
      %dma_wait3A_1265 = arith.constant 0 : i32
      %dma_wait3A_1266 = arith.constant 0 : i32
      %dma_wait3A_1267 = tpu.memref_slice %arg4[%dma_wait3A_1261, %dma_wait3A_1265, %dma_wait3A_1266] : memref<4096x56x128xf32, #tpu.memory_space<hbm>> -> memref<1x50x64xf32, #tpu.memory_space<hbm>>
      %dma_wait3A_1268 = tpu.memref_squeeze %dma_wait3A_1267 : memref<1x50x64xf32, #tpu.memory_space<hbm>> -> memref<50x64xf32, #tpu.memory_space<hbm>>
      %dma_wait3A_1269 = arith.constant 0 : i32
      %dma_wait3A_1270 = arith.constant 0 : i32
      %dma_wait3A_1271 = tpu.memref_slice %arg4[%dma_wait3A_1261, %dma_wait3A_1269, %dma_wait3A_1270] : memref<4096x56x128xf32, #tpu.memory_space<hbm>> -> memref<1x50x64xf32, #tpu.memory_space<hbm>>
      %dma_wait3A_1272 = tpu.memref_squeeze %dma_wait3A_1271 : memref<1x50x64xf32, #tpu.memory_space<hbm>> -> memref<50x64xf32, #tpu.memory_space<hbm>>
      %dma_wait3A_1273 = arith.constant 750 : i32
      %dma_wait3A_1274 = arith.constant 0 : i32
      %dma_wait3A_1275 = tpu.memref_slice %arg6[%dma_wait3A_1273, %dma_wait3A_1274] : memref<800x64xf32, #tpu.memory_space<vmem>> -> memref<50x64xf32, #tpu.memory_space<vmem>>
      tpu.wait_dma2 semaphore(%arg10 : memref<!tpu.dma_semaphore, #tpu.memory_space<semaphore_mem>>) src(%dma_wait3A_1275 : memref<50x64xf32, #tpu.memory_space<vmem>>) dst(%dma_wait3A_1272 : memref<50x64xf32, #tpu.memory_space<hbm>>)
      %add3A_1276 = arith.constant 1 : i32
      %add3A_1277 = arith.addi %add3A_1035, %add3A_1276 : i32
      %mul3A_1278 = arith.constant 800 : i32
      %mul3A_1279 = arith.muli %add3A_1277, %mul3A_1278 : i32
      %dma_start3A_1280 = tpu.memref_slice %arg5[%mul3A_1279] : memref<6400xi32, #tpu.memory_space<vmem>> -> memref<800xi32, #tpu.memory_space<vmem>>
      %dma_start3A_1281 = arith.constant 0 : i32
      %dma_start3A_1282 = arith.constant 0 : i32
      %dma_start3A_1283 = tpu.memref_slice %arg2[%dma_start3A_1281, %dma_start3A_1282] : memref<1000000x64xf32, #tpu.memory_space<hbm>> -> memref<1000000x64xf32, #tpu.memory_space<hbm>>
      tpu.enqueue_indirect_dma source(%dma_start3A_1283 : memref<1000000x64xf32, #tpu.memory_space<hbm>>) target(%arg6 : memref<800x64xf32, #tpu.memory_space<vmem>>) offsets(%dma_start3A_1280 : memref<800xi32, #tpu.memory_space<vmem>>) semaphore(%arg8 : memref<!tpu.dma_semaphore, #tpu.memory_space<semaphore_mem>>)
      %dma_wait3A_1284 = arith.constant 0 : i32
      %dma_wait3A_1285 = tpu.memref_slice %arg5[%dma_wait3A_1284] : memref<6400xi32, #tpu.memory_space<vmem>> -> memref<800xi32, #tpu.memory_space<vmem>>
      %dma_wait3A_1286 = arith.constant 0 : i32
      %dma_wait3A_1287 = arith.constant 0 : i32
      %dma_wait3A_1288 = tpu.memref_slice %arg2[%dma_wait3A_1286, %dma_wait3A_1287] : memref<1000000x64xf32, #tpu.memory_space<hbm>> -> memref<1000000x64xf32, #tpu.memory_space<hbm>>
      tpu.wait_indirect_dma semaphore(%arg9 : memref<!tpu.dma_semaphore, #tpu.memory_space<semaphore_mem>>) src(%dma_wait3A_1288 : memref<1000000x64xf32, #tpu.memory_space<hbm>>) dst(%arg7 : memref<800x64xf32, #tpu.memory_space<vmem>>)
      %parallel_loop3A_1289 = arith.constant 0 : i32
      %parallel_loop3A_1290 = arith.constant 800 : i32
      %parallel_loop3A_1291 = arith.constant 1 : i32
      scf.for %parallel_loop3A_2069 = %parallel_loop3A_1289 to %parallel_loop3A_1290 step %parallel_loop3A_1291  : i32 {
        %parallel_loop3A_2070 = arith.index_cast %parallel_loop3A_2069 : i32 to index
        %parallel_loop3A_2071 = arith.constant 0 : index
        %parallel_loop3A_2072 = tpu.vector_load %arg7[%parallel_loop3A_2070, %parallel_loop3A_2071] {strides = array<i32>} : memref<800x64xf32, #tpu.memory_space<vmem>>, vector<1x16xf32>,
        %parallel_loop3A_2073 = vector.shape_cast %parallel_loop3A_2072 : vector<1x16xf32> to vector<16xf32>
        %parallel_loop3A_2074 = arith.constant 8.000000e+00 : f32
        %parallel_loop3A_2075 = vector.broadcast %parallel_loop3A_2074 : f32 to vector<16xf32>
        %parallel_loop3A_2076 = arith.mulf %parallel_loop3A_2073, %parallel_loop3A_2075 : vector<16xf32>
        %parallel_loop3A_2077 = arith.index_cast %parallel_loop3A_2069 : i32 to index
        %parallel_loop3A_2078 = arith.constant 0 : index
        %parallel_loop3A_2079 = tpu.vector_load %arg7[%parallel_loop3A_2077, %parallel_loop3A_2078] {strides = array<i32>} : memref<800x64xf32, #tpu.memory_space<vmem>>, vector<1x16xf32>,
        %parallel_loop3A_2080 = vector.shape_cast %parallel_loop3A_2079 : vector<1x16xf32> to vector<16xf32>
        %parallel_loop3A_2081 = vector.shape_cast %parallel_loop3A_2076 : vector<16xf32> to vector<1x16xf32>
        tpu.vector_store %arg7[%parallel_loop3A_2077, %parallel_loop3A_2078], %parallel_loop3A_2081 {strides = array<i32>} : memref<800x64xf32, #tpu.memory_space<vmem>>, vector<1x16xf32>,
        %parallel_loop3A_2082 = arith.index_cast %parallel_loop3A_2069 : i32 to index
        %parallel_loop3A_2083 = arith.constant 16 : index
        %parallel_loop3A_2084 = tpu.vector_load %arg7[%parallel_loop3A_2082, %parallel_loop3A_2083] {strides = array<i32>} : memref<800x64xf32, #tpu.memory_space<vmem>>, vector<1x16xf32>,
        %parallel_loop3A_2085 = vector.shape_cast %parallel_loop3A_2084 : vector<1x16xf32> to vector<16xf32>
        %parallel_loop3A_2086 = arith.constant 8.000000e+00 : f32
        %parallel_loop3A_2087 = vector.broadcast %parallel_loop3A_2086 : f32 to vector<16xf32>
        %parallel_loop3A_2088 = arith.mulf %parallel_loop3A_2085, %parallel_loop3A_2087 : vector<16xf32>
        %parallel_loop3A_2089 = arith.index_cast %parallel_loop3A_2069 : i32 to index
        %parallel_loop3A_2090 = arith.constant 16 : index
        %parallel_loop3A_2091 = tpu.vector_load %arg7[%parallel_loop3A_2089, %parallel_loop3A_2090] {strides = array<i32>} : memref<800x64xf32, #tpu.memory_space<vmem>>, vector<1x16xf32>,
        %parallel_loop3A_2092 = vector.shape_cast %parallel_loop3A_2091 : vector<1x16xf32> to vector<16xf32>
        %parallel_loop3A_2093 = vector.shape_cast %parallel_loop3A_2088 : vector<16xf32> to vector<1x16xf32>
        tpu.vector_store %arg7[%parallel_loop3A_2089, %parallel_loop3A_2090], %parallel_loop3A_2093 {strides = array<i32>} : memref<800x64xf32, #tpu.memory_space<vmem>>, vector<1x16xf32>,
        %parallel_loop3A_2094 = arith.index_cast %parallel_loop3A_2069 : i32 to index
        %parallel_loop3A_2095 = arith.constant 32 : index
        %parallel_loop3A_2096 = tpu.vector_load %arg7[%parallel_loop3A_2094, %parallel_loop3A_2095] {strides = array<i32>} : memref<800x64xf32, #tpu.memory_space<vmem>>, vector<1x16xf32>,
        %parallel_loop3A_2097 = vector.shape_cast %parallel_loop3A_2096 : vector<1x16xf32> to vector<16xf32>
        %parallel_loop3A_2098 = arith.constant 8.000000e+00 : f32
        %parallel_loop3A_2099 = vector.broadcast %parallel_loop3A_2098 : f32 to vector<16xf32>
        %parallel_loop3A_2100 = arith.mulf %parallel_loop3A_2097, %parallel_loop3A_2099 : vector<16xf32>
        %parallel_loop3A_2101 = arith.index_cast %parallel_loop3A_2069 : i32 to index
        %parallel_loop3A_2102 = arith.constant 32 : index
        %parallel_loop3A_2103 = tpu.vector_load %arg7[%parallel_loop3A_2101, %parallel_loop3A_2102] {strides = array<i32>} : memref<800x64xf32, #tpu.memory_space<vmem>>, vector<1x16xf32>,
        %parallel_loop3A_2104 = vector.shape_cast %parallel_loop3A_2103 : vector<1x16xf32> to vector<16xf32>
        %parallel_loop3A_2105 = vector.shape_cast %parallel_loop3A_2100 : vector<16xf32> to vector<1x16xf32>
        tpu.vector_store %arg7[%parallel_loop3A_2101, %parallel_loop3A_2102], %parallel_loop3A_2105 {strides = array<i32>} : memref<800x64xf32, #tpu.memory_space<vmem>>, vector<1x16xf32>,
        %parallel_loop3A_2106 = arith.index_cast %parallel_loop3A_2069 : i32 to index
        %parallel_loop3A_2107 = arith.constant 48 : index
        %parallel_loop3A_2108 = tpu.vector_load %arg7[%parallel_loop3A_2106, %parallel_loop3A_2107] {strides = array<i32>} : memref<800x64xf32, #tpu.memory_space<vmem>>, vector<1x16xf32>,
        %parallel_loop3A_2109 = vector.shape_cast %parallel_loop3A_2108 : vector<1x16xf32> to vector<16xf32>
        %parallel_loop3A_2110 = arith.constant 8.000000e+00 : f32
        %parallel_loop3A_2111 = vector.broadcast %parallel_loop3A_2110 : f32 to vector<16xf32>
        %parallel_loop3A_2112 = arith.mulf %parallel_loop3A_2109, %parallel_loop3A_2111 : vector<16xf32>
        %parallel_loop3A_2113 = arith.index_cast %parallel_loop3A_2069 : i32 to index
        %parallel_loop3A_2114 = arith.constant 48 : index
        %parallel_loop3A_2115 = tpu.vector_load %arg7[%parallel_loop3A_2113, %parallel_loop3A_2114] {strides = array<i32>} : memref<800x64xf32, #tpu.memory_space<vmem>>, vector<1x16xf32>,
        %parallel_loop3A_2116 = vector.shape_cast %parallel_loop3A_2115 : vector<1x16xf32> to vector<16xf32>
        %parallel_loop3A_2117 = vector.shape_cast %parallel_loop3A_2112 : vector<16xf32> to vector<1x16xf32>
        tpu.vector_store %arg7[%parallel_loop3A_2113, %parallel_loop3A_2114], %parallel_loop3A_2117 {strides = array<i32>} : memref<800x64xf32, #tpu.memory_space<vmem>>, vector<1x16xf32>,
      } {sc.loop_unroll_factor = 4 : i64, sc.parallel_access}
      %mul3A_1292 = arith.constant 16 : i32
      %mul3A_1293 = arith.muli %add3A_1035, %mul3A_1292 : i32
      %add3A_1294 = arith.addi %mul3A_4, %mul3A_1293 : i32
      %add3A_1295 = arith.constant 0 : i32
      %add3A_1296 = arith.addi %add3A_1294, %add3A_1295 : i32
      %dma_start3A_1297 = arith.constant 0 : i32
      %dma_start3A_1298 = arith.constant 0 : i32
      %dma_start3A_1299 = tpu.memref_slice %arg7[%dma_start3A_1297, %dma_start3A_1298] : memref<800x64xf32, #tpu.memory_space<vmem>> -> memref<50x64xf32, #tpu.memory_space<vmem>>
      %dma_start3A_1300 = arith.constant 0 : i32
      %dma_start3A_1301 = arith.constant 0 : i32
      %dma_start3A_1302 = tpu.memref_slice %arg4[%add3A_1296, %dma_start3A_1300, %dma_start3A_1301] : memref<4096x56x128xf32, #tpu.memory_space<hbm>> -> memref<1x50x64xf32, #tpu.memory_space<hbm>>
      %dma_start3A_1303 = tpu.memref_squeeze %dma_start3A_1302 : memref<1x50x64xf32, #tpu.memory_space<hbm>> -> memref<50x64xf32, #tpu.memory_space<hbm>>
      %dma_start3A_1304 = arith.constant 0 : i32
      %dma_start3A_1305 = arith.constant 0 : i32
      %dma_start3A_1306 = tpu.memref_slice %arg4[%add3A_1296, %dma_start3A_1304, %dma_start3A_1305] : memref<4096x56x128xf32, #tpu.memory_space<hbm>> -> memref<1x50x64xf32, #tpu.memory_space<hbm>>
      %dma_start3A_1307 = tpu.memref_squeeze %dma_start3A_1306 : memref<1x50x64xf32, #tpu.memory_space<hbm>> -> memref<50x64xf32, #tpu.memory_space<hbm>>
      %dma_start3A_1308 = arith.constant 0 : i32
      %dma_start3A_1309 = arith.constant 0 : i32
      %dma_start3A_1310 = tpu.memref_slice %arg7[%dma_start3A_1308, %dma_start3A_1309] : memref<800x64xf32, #tpu.memory_space<vmem>> -> memref<50x64xf32, #tpu.memory_space<vmem>>
      tpu.enqueue_dma source(%dma_start3A_1310 : memref<50x64xf32, #tpu.memory_space<vmem>>) target(%dma_start3A_1307 : memref<50x64xf32, #tpu.memory_space<hbm>>) target_semaphore(%arg11 : memref<!tpu.dma_semaphore, #tpu.memory_space<semaphore_mem>>)
      %add3A_1311 = arith.constant 1 : i32
      %add3A_1312 = arith.addi %add3A_1294, %add3A_1311 : i32
      %dma_start3A_1313 = arith.constant 50 : i32
      %dma_start3A_1314 = arith.constant 0 : i32
      %dma_start3A_1315 = tpu.memref_slice %arg7[%dma_start3A_1313, %dma_start3A_1314] : memref<800x64xf32, #tpu.memory_space<vmem>> -> memref<50x64xf32, #tpu.memory_space<vmem>>
      %dma_start3A_1316 = arith.constant 0 : i32
      %dma_start3A_1317 = arith.constant 0 : i32
      %dma_start3A_1318 = tpu.memref_slice %arg4[%add3A_1312, %dma_start3A_1316, %dma_start3A_1317] : memref<4096x56x128xf32, #tpu.memory_space<hbm>> -> memref<1x50x64xf32, #tpu.memory_space<hbm>>
      %dma_start3A_1319 = tpu.memref_squeeze %dma_start3A_1318 : memref<1x50x64xf32, #tpu.memory_space<hbm>> -> memref<50x64xf32, #tpu.memory_space<hbm>>
      %dma_start3A_1320 = arith.constant 0 : i32
      %dma_start3A_1321 = arith.constant 0 : i32
      %dma_start3A_1322 = tpu.memref_slice %arg4[%add3A_1312, %dma_start3A_1320, %dma_start3A_1321] : memref<4096x56x128xf32, #tpu.memory_space<hbm>> -> memref<1x50x64xf32, #tpu.memory_space<hbm>>
      %dma_start3A_1323 = tpu.memref_squeeze %dma_start3A_1322 : memref<1x50x64xf32, #tpu.memory_space<hbm>> -> memref<50x64xf32, #tpu.memory_space<hbm>>
      %dma_start3A_1324 = arith.constant 50 : i32
      %dma_start3A_1325 = arith.constant 0 : i32
      %dma_start3A_1326 = tpu.memref_slice %arg7[%dma_start3A_1324, %dma_start3A_1325] : memref<800x64xf32, #tpu.memory_space<vmem>> -> memref<50x64xf32, #tpu.memory_space<vmem>>
      tpu.enqueue_dma source(%dma_start3A_1326 : memref<50x64xf32, #tpu.memory_space<vmem>>) target(%dma_start3A_1323 : memref<50x64xf32, #tpu.memory_space<hbm>>) target_semaphore(%arg11 : memref<!tpu.dma_semaphore, #tpu.memory_space<semaphore_mem>>)
      %add3A_1327 = arith.constant 2 : i32
      %add3A_1328 = arith.addi %add3A_1294, %add3A_1327 : i32
      %dma_start3A_1329 = arith.constant 100 : i32
      %dma_start3A_1330 = arith.constant 0 : i32
      %dma_start3A_1331 = tpu.memref_slice %arg7[%dma_start3A_1329, %dma_start3A_1330] : memref<800x64xf32, #tpu.memory_space<vmem>> -> memref<50x64xf32, #tpu.memory_space<vmem>>
      %dma_start3A_1332 = arith.constant 0 : i32
      %dma_start3A_1333 = arith.constant 0 : i32
      %dma_start3A_1334 = tpu.memref_slice %arg4[%add3A_1328, %dma_start3A_1332, %dma_start3A_1333] : memref<4096x56x128xf32, #tpu.memory_space<hbm>> -> memref<1x50x64xf32, #tpu.memory_space<hbm>>
      %dma_start3A_1335 = tpu.memref_squeeze %dma_start3A_1334 : memref<1x50x64xf32, #tpu.memory_space<hbm>> -> memref<50x64xf32, #tpu.memory_space<hbm>>
      %dma_start3A_1336 = arith.constant 0 : i32
      %dma_start3A_1337 = arith.constant 0 : i32
      %dma_start3A_1338 = tpu.memref_slice %arg4[%add3A_1328, %dma_start3A_1336, %dma_start3A_1337] : memref<4096x56x128xf32, #tpu.memory_space<hbm>> -> memref<1x50x64xf32, #tpu.memory_space<hbm>>
      %dma_start3A_1339 = tpu.memref_squeeze %dma_start3A_1338 : memref<1x50x64xf32, #tpu.memory_space<hbm>> -> memref<50x64xf32, #tpu.memory_space<hbm>>
      %dma_start3A_1340 = arith.constant 100 : i32
      %dma_start3A_1341 = arith.constant 0 : i32
      %dma_start3A_1342 = tpu.memref_slice %arg7[%dma_start3A_1340, %dma_start3A_1341] : memref<800x64xf32, #tpu.memory_space<vmem>> -> memref<50x64xf32, #tpu.memory_space<vmem>>
      tpu.enqueue_dma source(%dma_start3A_1342 : memref<50x64xf32, #tpu.memory_space<vmem>>) target(%dma_start3A_1339 : memref<50x64xf32, #tpu.memory_space<hbm>>) target_semaphore(%arg11 : memref<!tpu.dma_semaphore, #tpu.memory_space<semaphore_mem>>)
      %add3A_1343 = arith.constant 3 : i32
      %add3A_1344 = arith.addi %add3A_1294, %add3A_1343 : i32
      %dma_start3A_1345 = arith.constant 150 : i32
      %dma_start3A_1346 = arith.constant 0 : i32
      %dma_start3A_1347 = tpu.memref_slice %arg7[%dma_start3A_1345, %dma_start3A_1346] : memref<800x64xf32, #tpu.memory_space<vmem>> -> memref<50x64xf32, #tpu.memory_space<vmem>>
      %dma_start3A_1348 = arith.constant 0 : i32
      %dma_start3A_1349 = arith.constant 0 : i32
      %dma_start3A_1350 = tpu.memref_slice %arg4[%add3A_1344, %dma_start3A_1348, %dma_start3A_1349] : memref<4096x56x128xf32, #tpu.memory_space<hbm>> -> memref<1x50x64xf32, #tpu.memory_space<hbm>>
      %dma_start3A_1351 = tpu.memref_squeeze %dma_start3A_1350 : memref<1x50x64xf32, #tpu.memory_space<hbm>> -> memref<50x64xf32, #tpu.memory_space<hbm>>
      %dma_start3A_1352 = arith.constant 0 : i32
      %dma_start3A_1353 = arith.constant 0 : i32
      %dma_start3A_1354 = tpu.memref_slice %arg4[%add3A_1344, %dma_start3A_1352, %dma_start3A_1353] : memref<4096x56x128xf32, #tpu.memory_space<hbm>> -> memref<1x50x64xf32, #tpu.memory_space<hbm>>
      %dma_start3A_1355 = tpu.memref_squeeze %dma_start3A_1354 : memref<1x50x64xf32, #tpu.memory_space<hbm>> -> memref<50x64xf32, #tpu.memory_space<hbm>>
      %dma_start3A_1356 = arith.constant 150 : i32
      %dma_start3A_1357 = arith.constant 0 : i32
      %dma_start3A_1358 = tpu.memref_slice %arg7[%dma_start3A_1356, %dma_start3A_1357] : memref<800x64xf32, #tpu.memory_space<vmem>> -> memref<50x64xf32, #tpu.memory_space<vmem>>
      tpu.enqueue_dma source(%dma_start3A_1358 : memref<50x64xf32, #tpu.memory_space<vmem>>) target(%dma_start3A_1355 : memref<50x64xf32, #tpu.memory_space<hbm>>) target_semaphore(%arg11 : memref<!tpu.dma_semaphore, #tpu.memory_space<semaphore_mem>>)
      %add3A_1359 = arith.constant 4 : i32
      %add3A_1360 = arith.addi %add3A_1294, %add3A_1359 : i32
      %dma_start3A_1361 = arith.constant 200 : i32
      %dma_start3A_1362 = arith.constant 0 : i32
      %dma_start3A_1363 = tpu.memref_slice %arg7[%dma_start3A_1361, %dma_start3A_1362] : memref<800x64xf32, #tpu.memory_space<vmem>> -> memref<50x64xf32, #tpu.memory_space<vmem>>
      %dma_start3A_1364 = arith.constant 0 : i32
      %dma_start3A_1365 = arith.constant 0 : i32
      %dma_start3A_1366 = tpu.memref_slice %arg4[%add3A_1360, %dma_start3A_1364, %dma_start3A_1365] : memref<4096x56x128xf32, #tpu.memory_space<hbm>> -> memref<1x50x64xf32, #tpu.memory_space<hbm>>
      %dma_start3A_1367 = tpu.memref_squeeze %dma_start3A_1366 : memref<1x50x64xf32, #tpu.memory_space<hbm>> -> memref<50x64xf32, #tpu.memory_space<hbm>>
      %dma_start3A_1368 = arith.constant 0 : i32
      %dma_start3A_1369 = arith.constant 0 : i32
      %dma_start3A_1370 = tpu.memref_slice %arg4[%add3A_1360, %dma_start3A_1368, %dma_start3A_1369] : memref<4096x56x128xf32, #tpu.memory_space<hbm>> -> memref<1x50x64xf32, #tpu.memory_space<hbm>>
      %dma_start3A_1371 = tpu.memref_squeeze %dma_start3A_1370 : memref<1x50x64xf32, #tpu.memory_space<hbm>> -> memref<50x64xf32, #tpu.memory_space<hbm>>
      %dma_start3A_1372 = arith.constant 200 : i32
      %dma_start3A_1373 = arith.constant 0 : i32
      %dma_start3A_1374 = tpu.memref_slice %arg7[%dma_start3A_1372, %dma_start3A_1373] : memref<800x64xf32, #tpu.memory_space<vmem>> -> memref<50x64xf32, #tpu.memory_space<vmem>>
      tpu.enqueue_dma source(%dma_start3A_1374 : memref<50x64xf32, #tpu.memory_space<vmem>>) target(%dma_start3A_1371 : memref<50x64xf32, #tpu.memory_space<hbm>>) target_semaphore(%arg11 : memref<!tpu.dma_semaphore, #tpu.memory_space<semaphore_mem>>)
      %add3A_1375 = arith.constant 5 : i32
      %add3A_1376 = arith.addi %add3A_1294, %add3A_1375 : i32
      %dma_start3A_1377 = arith.constant 250 : i32
      %dma_start3A_1378 = arith.constant 0 : i32
      %dma_start3A_1379 = tpu.memref_slice %arg7[%dma_start3A_1377, %dma_start3A_1378] : memref<800x64xf32, #tpu.memory_space<vmem>> -> memref<50x64xf32, #tpu.memory_space<vmem>>
      %dma_start3A_1380 = arith.constant 0 : i32
      %dma_start3A_1381 = arith.constant 0 : i32
      %dma_start3A_1382 = tpu.memref_slice %arg4[%add3A_1376, %dma_start3A_1380, %dma_start3A_1381] : memref<4096x56x128xf32, #tpu.memory_space<hbm>> -> memref<1x50x64xf32, #tpu.memory_space<hbm>>
      %dma_start3A_1383 = tpu.memref_squeeze %dma_start3A_1382 : memref<1x50x64xf32, #tpu.memory_space<hbm>> -> memref<50x64xf32, #tpu.memory_space<hbm>>
      %dma_start3A_1384 = arith.constant 0 : i32
      %dma_start3A_1385 = arith.constant 0 : i32
      %dma_start3A_1386 = tpu.memref_slice %arg4[%add3A_1376, %dma_start3A_1384, %dma_start3A_1385] : memref<4096x56x128xf32, #tpu.memory_space<hbm>> -> memref<1x50x64xf32, #tpu.memory_space<hbm>>
      %dma_start3A_1387 = tpu.memref_squeeze %dma_start3A_1386 : memref<1x50x64xf32, #tpu.memory_space<hbm>> -> memref<50x64xf32, #tpu.memory_space<hbm>>
      %dma_start3A_1388 = arith.constant 250 : i32
      %dma_start3A_1389 = arith.constant 0 : i32
      %dma_start3A_1390 = tpu.memref_slice %arg7[%dma_start3A_1388, %dma_start3A_1389] : memref<800x64xf32, #tpu.memory_space<vmem>> -> memref<50x64xf32, #tpu.memory_space<vmem>>
      tpu.enqueue_dma source(%dma_start3A_1390 : memref<50x64xf32, #tpu.memory_space<vmem>>) target(%dma_start3A_1387 : memref<50x64xf32, #tpu.memory_space<hbm>>) target_semaphore(%arg11 : memref<!tpu.dma_semaphore, #tpu.memory_space<semaphore_mem>>)
      %add3A_1391 = arith.constant 6 : i32
      %add3A_1392 = arith.addi %add3A_1294, %add3A_1391 : i32
      %dma_start3A_1393 = arith.constant 300 : i32
      %dma_start3A_1394 = arith.constant 0 : i32
      %dma_start3A_1395 = tpu.memref_slice %arg7[%dma_start3A_1393, %dma_start3A_1394] : memref<800x64xf32, #tpu.memory_space<vmem>> -> memref<50x64xf32, #tpu.memory_space<vmem>>
      %dma_start3A_1396 = arith.constant 0 : i32
      %dma_start3A_1397 = arith.constant 0 : i32
      %dma_start3A_1398 = tpu.memref_slice %arg4[%add3A_1392, %dma_start3A_1396, %dma_start3A_1397] : memref<4096x56x128xf32, #tpu.memory_space<hbm>> -> memref<1x50x64xf32, #tpu.memory_space<hbm>>
      %dma_start3A_1399 = tpu.memref_squeeze %dma_start3A_1398 : memref<1x50x64xf32, #tpu.memory_space<hbm>> -> memref<50x64xf32, #tpu.memory_space<hbm>>
      %dma_start3A_1400 = arith.constant 0 : i32
      %dma_start3A_1401 = arith.constant 0 : i32
      %dma_start3A_1402 = tpu.memref_slice %arg4[%add3A_1392, %dma_start3A_1400, %dma_start3A_1401] : memref<4096x56x128xf32, #tpu.memory_space<hbm>> -> memref<1x50x64xf32, #tpu.memory_space<hbm>>
      %dma_start3A_1403 = tpu.memref_squeeze %dma_start3A_1402 : memref<1x50x64xf32, #tpu.memory_space<hbm>> -> memref<50x64xf32, #tpu.memory_space<hbm>>
      %dma_start3A_1404 = arith.constant 300 : i32
      %dma_start3A_1405 = arith.constant 0 : i32
      %dma_start3A_1406 = tpu.memref_slice %arg7[%dma_start3A_1404, %dma_start3A_1405] : memref<800x64xf32, #tpu.memory_space<vmem>> -> memref<50x64xf32, #tpu.memory_space<vmem>>
      tpu.enqueue_dma source(%dma_start3A_1406 : memref<50x64xf32, #tpu.memory_space<vmem>>) target(%dma_start3A_1403 : memref<50x64xf32, #tpu.memory_space<hbm>>) target_semaphore(%arg11 : memref<!tpu.dma_semaphore, #tpu.memory_space<semaphore_mem>>)
      %add3A_1407 = arith.constant 7 : i32
      %add3A_1408 = arith.addi %add3A_1294, %add3A_1407 : i32
      %dma_start3A_1409 = arith.constant 350 : i32
      %dma_start3A_1410 = arith.constant 0 : i32
      %dma_start3A_1411 = tpu.memref_slice %arg7[%dma_start3A_1409, %dma_start3A_1410] : memref<800x64xf32, #tpu.memory_space<vmem>> -> memref<50x64xf32, #tpu.memory_space<vmem>>
      %dma_start3A_1412 = arith.constant 0 : i32
      %dma_start3A_1413 = arith.constant 0 : i32
      %dma_start3A_1414 = tpu.memref_slice %arg4[%add3A_1408, %dma_start3A_1412, %dma_start3A_1413] : memref<4096x56x128xf32, #tpu.memory_space<hbm>> -> memref<1x50x64xf32, #tpu.memory_space<hbm>>
      %dma_start3A_1415 = tpu.memref_squeeze %dma_start3A_1414 : memref<1x50x64xf32, #tpu.memory_space<hbm>> -> memref<50x64xf32, #tpu.memory_space<hbm>>
      %dma_start3A_1416 = arith.constant 0 : i32
      %dma_start3A_1417 = arith.constant 0 : i32
      %dma_start3A_1418 = tpu.memref_slice %arg4[%add3A_1408, %dma_start3A_1416, %dma_start3A_1417] : memref<4096x56x128xf32, #tpu.memory_space<hbm>> -> memref<1x50x64xf32, #tpu.memory_space<hbm>>
      %dma_start3A_1419 = tpu.memref_squeeze %dma_start3A_1418 : memref<1x50x64xf32, #tpu.memory_space<hbm>> -> memref<50x64xf32, #tpu.memory_space<hbm>>
      %dma_start3A_1420 = arith.constant 350 : i32
      %dma_start3A_1421 = arith.constant 0 : i32
      %dma_start3A_1422 = tpu.memref_slice %arg7[%dma_start3A_1420, %dma_start3A_1421] : memref<800x64xf32, #tpu.memory_space<vmem>> -> memref<50x64xf32, #tpu.memory_space<vmem>>
      tpu.enqueue_dma source(%dma_start3A_1422 : memref<50x64xf32, #tpu.memory_space<vmem>>) target(%dma_start3A_1419 : memref<50x64xf32, #tpu.memory_space<hbm>>) target_semaphore(%arg11 : memref<!tpu.dma_semaphore, #tpu.memory_space<semaphore_mem>>)
      %add3A_1423 = arith.constant 8 : i32
      %add3A_1424 = arith.addi %add3A_1294, %add3A_1423 : i32
      %dma_start3A_1425 = arith.constant 400 : i32
      %dma_start3A_1426 = arith.constant 0 : i32
      %dma_start3A_1427 = tpu.memref_slice %arg7[%dma_start3A_1425, %dma_start3A_1426] : memref<800x64xf32, #tpu.memory_space<vmem>> -> memref<50x64xf32, #tpu.memory_space<vmem>>
      %dma_start3A_1428 = arith.constant 0 : i32
      %dma_start3A_1429 = arith.constant 0 : i32
      %dma_start3A_1430 = tpu.memref_slice %arg4[%add3A_1424, %dma_start3A_1428, %dma_start3A_1429] : memref<4096x56x128xf32, #tpu.memory_space<hbm>> -> memref<1x50x64xf32, #tpu.memory_space<hbm>>
      %dma_start3A_1431 = tpu.memref_squeeze %dma_start3A_1430 : memref<1x50x64xf32, #tpu.memory_space<hbm>> -> memref<50x64xf32, #tpu.memory_space<hbm>>
      %dma_start3A_1432 = arith.constant 0 : i32
      %dma_start3A_1433 = arith.constant 0 : i32
      %dma_start3A_1434 = tpu.memref_slice %arg4[%add3A_1424, %dma_start3A_1432, %dma_start3A_1433] : memref<4096x56x128xf32, #tpu.memory_space<hbm>> -> memref<1x50x64xf32, #tpu.memory_space<hbm>>
      %dma_start3A_1435 = tpu.memref_squeeze %dma_start3A_1434 : memref<1x50x64xf32, #tpu.memory_space<hbm>> -> memref<50x64xf32, #tpu.memory_space<hbm>>
      %dma_start3A_1436 = arith.constant 400 : i32
      %dma_start3A_1437 = arith.constant 0 : i32
      %dma_start3A_1438 = tpu.memref_slice %arg7[%dma_start3A_1436, %dma_start3A_1437] : memref<800x64xf32, #tpu.memory_space<vmem>> -> memref<50x64xf32, #tpu.memory_space<vmem>>
      tpu.enqueue_dma source(%dma_start3A_1438 : memref<50x64xf32, #tpu.memory_space<vmem>>) target(%dma_start3A_1435 : memref<50x64xf32, #tpu.memory_space<hbm>>) target_semaphore(%arg11 : memref<!tpu.dma_semaphore, #tpu.memory_space<semaphore_mem>>)
      %add3A_1439 = arith.constant 9 : i32
      %add3A_1440 = arith.addi %add3A_1294, %add3A_1439 : i32
      %dma_start3A_1441 = arith.constant 450 : i32
      %dma_start3A_1442 = arith.constant 0 : i32
      %dma_start3A_1443 = tpu.memref_slice %arg7[%dma_start3A_1441, %dma_start3A_1442] : memref<800x64xf32, #tpu.memory_space<vmem>> -> memref<50x64xf32, #tpu.memory_space<vmem>>
      %dma_start3A_1444 = arith.constant 0 : i32
      %dma_start3A_1445 = arith.constant 0 : i32
      %dma_start3A_1446 = tpu.memref_slice %arg4[%add3A_1440, %dma_start3A_1444, %dma_start3A_1445] : memref<4096x56x128xf32, #tpu.memory_space<hbm>> -> memref<1x50x64xf32, #tpu.memory_space<hbm>>
      %dma_start3A_1447 = tpu.memref_squeeze %dma_start3A_1446 : memref<1x50x64xf32, #tpu.memory_space<hbm>> -> memref<50x64xf32, #tpu.memory_space<hbm>>
      %dma_start3A_1448 = arith.constant 0 : i32
      %dma_start3A_1449 = arith.constant 0 : i32
      %dma_start3A_1450 = tpu.memref_slice %arg4[%add3A_1440, %dma_start3A_1448, %dma_start3A_1449] : memref<4096x56x128xf32, #tpu.memory_space<hbm>> -> memref<1x50x64xf32, #tpu.memory_space<hbm>>
      %dma_start3A_1451 = tpu.memref_squeeze %dma_start3A_1450 : memref<1x50x64xf32, #tpu.memory_space<hbm>> -> memref<50x64xf32, #tpu.memory_space<hbm>>
      %dma_start3A_1452 = arith.constant 450 : i32
      %dma_start3A_1453 = arith.constant 0 : i32
      %dma_start3A_1454 = tpu.memref_slice %arg7[%dma_start3A_1452, %dma_start3A_1453] : memref<800x64xf32, #tpu.memory_space<vmem>> -> memref<50x64xf32, #tpu.memory_space<vmem>>
      tpu.enqueue_dma source(%dma_start3A_1454 : memref<50x64xf32, #tpu.memory_space<vmem>>) target(%dma_start3A_1451 : memref<50x64xf32, #tpu.memory_space<hbm>>) target_semaphore(%arg11 : memref<!tpu.dma_semaphore, #tpu.memory_space<semaphore_mem>>)
      %add3A_1455 = arith.constant 10 : i32
      %add3A_1456 = arith.addi %add3A_1294, %add3A_1455 : i32
      %dma_start3A_1457 = arith.constant 500 : i32
      %dma_start3A_1458 = arith.constant 0 : i32
      %dma_start3A_1459 = tpu.memref_slice %arg7[%dma_start3A_1457, %dma_start3A_1458] : memref<800x64xf32, #tpu.memory_space<vmem>> -> memref<50x64xf32, #tpu.memory_space<vmem>>
      %dma_start3A_1460 = arith.constant 0 : i32
      %dma_start3A_1461 = arith.constant 0 : i32
      %dma_start3A_1462 = tpu.memref_slice %arg4[%add3A_1456, %dma_start3A_1460, %dma_start3A_1461] : memref<4096x56x128xf32, #tpu.memory_space<hbm>> -> memref<1x50x64xf32, #tpu.memory_space<hbm>>
      %dma_start3A_1463 = tpu.memref_squeeze %dma_start3A_1462 : memref<1x50x64xf32, #tpu.memory_space<hbm>> -> memref<50x64xf32, #tpu.memory_space<hbm>>
      %dma_start3A_1464 = arith.constant 0 : i32
      %dma_start3A_1465 = arith.constant 0 : i32
      %dma_start3A_1466 = tpu.memref_slice %arg4[%add3A_1456, %dma_start3A_1464, %dma_start3A_1465] : memref<4096x56x128xf32, #tpu.memory_space<hbm>> -> memref<1x50x64xf32, #tpu.memory_space<hbm>>
      %dma_start3A_1467 = tpu.memref_squeeze %dma_start3A_1466 : memref<1x50x64xf32, #tpu.memory_space<hbm>> -> memref<50x64xf32, #tpu.memory_space<hbm>>
      %dma_start3A_1468 = arith.constant 500 : i32
      %dma_start3A_1469 = arith.constant 0 : i32
      %dma_start3A_1470 = tpu.memref_slice %arg7[%dma_start3A_1468, %dma_start3A_1469] : memref<800x64xf32, #tpu.memory_space<vmem>> -> memref<50x64xf32, #tpu.memory_space<vmem>>
      tpu.enqueue_dma source(%dma_start3A_1470 : memref<50x64xf32, #tpu.memory_space<vmem>>) target(%dma_start3A_1467 : memref<50x64xf32, #tpu.memory_space<hbm>>) target_semaphore(%arg11 : memref<!tpu.dma_semaphore, #tpu.memory_space<semaphore_mem>>)
      %add3A_1471 = arith.constant 11 : i32
      %add3A_1472 = arith.addi %add3A_1294, %add3A_1471 : i32
      %dma_start3A_1473 = arith.constant 550 : i32
      %dma_start3A_1474 = arith.constant 0 : i32
      %dma_start3A_1475 = tpu.memref_slice %arg7[%dma_start3A_1473, %dma_start3A_1474] : memref<800x64xf32, #tpu.memory_space<vmem>> -> memref<50x64xf32, #tpu.memory_space<vmem>>
      %dma_start3A_1476 = arith.constant 0 : i32
      %dma_start3A_1477 = arith.constant 0 : i32
      %dma_start3A_1478 = tpu.memref_slice %arg4[%add3A_1472, %dma_start3A_1476, %dma_start3A_1477] : memref<4096x56x128xf32, #tpu.memory_space<hbm>> -> memref<1x50x64xf32, #tpu.memory_space<hbm>>
      %dma_start3A_1479 = tpu.memref_squeeze %dma_start3A_1478 : memref<1x50x64xf32, #tpu.memory_space<hbm>> -> memref<50x64xf32, #tpu.memory_space<hbm>>
      %dma_start3A_1480 = arith.constant 0 : i32
      %dma_start3A_1481 = arith.constant 0 : i32
      %dma_start3A_1482 = tpu.memref_slice %arg4[%add3A_1472, %dma_start3A_1480, %dma_start3A_1481] : memref<4096x56x128xf32, #tpu.memory_space<hbm>> -> memref<1x50x64xf32, #tpu.memory_space<hbm>>
      %dma_start3A_1483 = tpu.memref_squeeze %dma_start3A_1482 : memref<1x50x64xf32, #tpu.memory_space<hbm>> -> memref<50x64xf32, #tpu.memory_space<hbm>>
      %dma_start3A_1484 = arith.constant 550 : i32
      %dma_start3A_1485 = arith.constant 0 : i32
      %dma_start3A_1486 = tpu.memref_slice %arg7[%dma_start3A_1484, %dma_start3A_1485] : memref<800x64xf32, #tpu.memory_space<vmem>> -> memref<50x64xf32, #tpu.memory_space<vmem>>
      tpu.enqueue_dma source(%dma_start3A_1486 : memref<50x64xf32, #tpu.memory_space<vmem>>) target(%dma_start3A_1483 : memref<50x64xf32, #tpu.memory_space<hbm>>) target_semaphore(%arg11 : memref<!tpu.dma_semaphore, #tpu.memory_space<semaphore_mem>>)
      %add3A_1487 = arith.constant 12 : i32
      %add3A_1488 = arith.addi %add3A_1294, %add3A_1487 : i32
      %dma_start3A_1489 = arith.constant 600 : i32
      %dma_start3A_1490 = arith.constant 0 : i32
      %dma_start3A_1491 = tpu.memref_slice %arg7[%dma_start3A_1489, %dma_start3A_1490] : memref<800x64xf32, #tpu.memory_space<vmem>> -> memref<50x64xf32, #tpu.memory_space<vmem>>
      %dma_start3A_1492 = arith.constant 0 : i32
      %dma_start3A_1493 = arith.constant 0 : i32
      %dma_start3A_1494 = tpu.memref_slice %arg4[%add3A_1488, %dma_start3A_1492, %dma_start3A_1493] : memref<4096x56x128xf32, #tpu.memory_space<hbm>> -> memref<1x50x64xf32, #tpu.memory_space<hbm>>
      %dma_start3A_1495 = tpu.memref_squeeze %dma_start3A_1494 : memref<1x50x64xf32, #tpu.memory_space<hbm>> -> memref<50x64xf32, #tpu.memory_space<hbm>>
      %dma_start3A_1496 = arith.constant 0 : i32
      %dma_start3A_1497 = arith.constant 0 : i32
      %dma_start3A_1498 = tpu.memref_slice %arg4[%add3A_1488, %dma_start3A_1496, %dma_start3A_1497] : memref<4096x56x128xf32, #tpu.memory_space<hbm>> -> memref<1x50x64xf32, #tpu.memory_space<hbm>>
      %dma_start3A_1499 = tpu.memref_squeeze %dma_start3A_1498 : memref<1x50x64xf32, #tpu.memory_space<hbm>> -> memref<50x64xf32, #tpu.memory_space<hbm>>
      %dma_start3A_1500 = arith.constant 600 : i32
      %dma_start3A_1501 = arith.constant 0 : i32
      %dma_start3A_1502 = tpu.memref_slice %arg7[%dma_start3A_1500, %dma_start3A_1501] : memref<800x64xf32, #tpu.memory_space<vmem>> -> memref<50x64xf32, #tpu.memory_space<vmem>>
      tpu.enqueue_dma source(%dma_start3A_1502 : memref<50x64xf32, #tpu.memory_space<vmem>>) target(%dma_start3A_1499 : memref<50x64xf32, #tpu.memory_space<hbm>>) target_semaphore(%arg11 : memref<!tpu.dma_semaphore, #tpu.memory_space<semaphore_mem>>)
      %add3A_1503 = arith.constant 13 : i32
      %add3A_1504 = arith.addi %add3A_1294, %add3A_1503 : i32
      %dma_start3A_1505 = arith.constant 650 : i32
      %dma_start3A_1506 = arith.constant 0 : i32
      %dma_start3A_1507 = tpu.memref_slice %arg7[%dma_start3A_1505, %dma_start3A_1506] : memref<800x64xf32, #tpu.memory_space<vmem>> -> memref<50x64xf32, #tpu.memory_space<vmem>>
      %dma_start3A_1508 = arith.constant 0 : i32
      %dma_start3A_1509 = arith.constant 0 : i32
      %dma_start3A_1510 = tpu.memref_slice %arg4[%add3A_1504, %dma_start3A_1508, %dma_start3A_1509] : memref<4096x56x128xf32, #tpu.memory_space<hbm>> -> memref<1x50x64xf32, #tpu.memory_space<hbm>>
      %dma_start3A_1511 = tpu.memref_squeeze %dma_start3A_1510 : memref<1x50x64xf32, #tpu.memory_space<hbm>> -> memref<50x64xf32, #tpu.memory_space<hbm>>
      %dma_start3A_1512 = arith.constant 0 : i32
      %dma_start3A_1513 = arith.constant 0 : i32
      %dma_start3A_1514 = tpu.memref_slice %arg4[%add3A_1504, %dma_start3A_1512, %dma_start3A_1513] : memref<4096x56x128xf32, #tpu.memory_space<hbm>> -> memref<1x50x64xf32, #tpu.memory_space<hbm>>
      %dma_start3A_1515 = tpu.memref_squeeze %dma_start3A_1514 : memref<1x50x64xf32, #tpu.memory_space<hbm>> -> memref<50x64xf32, #tpu.memory_space<hbm>>
      %dma_start3A_1516 = arith.constant 650 : i32
      %dma_start3A_1517 = arith.constant 0 : i32
      %dma_start3A_1518 = tpu.memref_slice %arg7[%dma_start3A_1516, %dma_start3A_1517] : memref<800x64xf32, #tpu.memory_space<vmem>> -> memref<50x64xf32, #tpu.memory_space<vmem>>
      tpu.enqueue_dma source(%dma_start3A_1518 : memref<50x64xf32, #tpu.memory_space<vmem>>) target(%dma_start3A_1515 : memref<50x64xf32, #tpu.memory_space<hbm>>) target_semaphore(%arg11 : memref<!tpu.dma_semaphore, #tpu.memory_space<semaphore_mem>>)
      %add3A_1519 = arith.constant 14 : i32
      %add3A_1520 = arith.addi %add3A_1294, %add3A_1519 : i32
      %dma_start3A_1521 = arith.constant 700 : i32
      %dma_start3A_1522 = arith.constant 0 : i32
      %dma_start3A_1523 = tpu.memref_slice %arg7[%dma_start3A_1521, %dma_start3A_1522] : memref<800x64xf32, #tpu.memory_space<vmem>> -> memref<50x64xf32, #tpu.memory_space<vmem>>
      %dma_start3A_1524 = arith.constant 0 : i32
      %dma_start3A_1525 = arith.constant 0 : i32
      %dma_start3A_1526 = tpu.memref_slice %arg4[%add3A_1520, %dma_start3A_1524, %dma_start3A_1525] : memref<4096x56x128xf32, #tpu.memory_space<hbm>> -> memref<1x50x64xf32, #tpu.memory_space<hbm>>
      %dma_start3A_1527 = tpu.memref_squeeze %dma_start3A_1526 : memref<1x50x64xf32, #tpu.memory_space<hbm>> -> memref<50x64xf32, #tpu.memory_space<hbm>>
      %dma_start3A_1528 = arith.constant 0 : i32
      %dma_start3A_1529 = arith.constant 0 : i32
      %dma_start3A_1530 = tpu.memref_slice %arg4[%add3A_1520, %dma_start3A_1528, %dma_start3A_1529] : memref<4096x56x128xf32, #tpu.memory_space<hbm>> -> memref<1x50x64xf32, #tpu.memory_space<hbm>>
      %dma_start3A_1531 = tpu.memref_squeeze %dma_start3A_1530 : memref<1x50x64xf32, #tpu.memory_space<hbm>> -> memref<50x64xf32, #tpu.memory_space<hbm>>
      %dma_start3A_1532 = arith.constant 700 : i32
      %dma_start3A_1533 = arith.constant 0 : i32
      %dma_start3A_1534 = tpu.memref_slice %arg7[%dma_start3A_1532, %dma_start3A_1533] : memref<800x64xf32, #tpu.memory_space<vmem>> -> memref<50x64xf32, #tpu.memory_space<vmem>>
      tpu.enqueue_dma source(%dma_start3A_1534 : memref<50x64xf32, #tpu.memory_space<vmem>>) target(%dma_start3A_1531 : memref<50x64xf32, #tpu.memory_space<hbm>>) target_semaphore(%arg11 : memref<!tpu.dma_semaphore, #tpu.memory_space<semaphore_mem>>)
      %add3A_1535 = arith.constant 15 : i32
      %add3A_1536 = arith.addi %add3A_1294, %add3A_1535 : i32
      %dma_start3A_1537 = arith.constant 750 : i32
      %dma_start3A_1538 = arith.constant 0 : i32
      %dma_start3A_1539 = tpu.memref_slice %arg7[%dma_start3A_1537, %dma_start3A_1538] : memref<800x64xf32, #tpu.memory_space<vmem>> -> memref<50x64xf32, #tpu.memory_space<vmem>>
      %dma_start3A_1540 = arith.constant 0 : i32
      %dma_start3A_1541 = arith.constant 0 : i32
      %dma_start3A_1542 = tpu.memref_slice %arg4[%add3A_1536, %dma_start3A_1540, %dma_start3A_1541] : memref<4096x56x128xf32, #tpu.memory_space<hbm>> -> memref<1x50x64xf32, #tpu.memory_space<hbm>>
      %dma_start3A_1543 = tpu.memref_squeeze %dma_start3A_1542 : memref<1x50x64xf32, #tpu.memory_space<hbm>> -> memref<50x64xf32, #tpu.memory_space<hbm>>
      %dma_start3A_1544 = arith.constant 0 : i32
      %dma_start3A_1545 = arith.constant 0 : i32
      %dma_start3A_1546 = tpu.memref_slice %arg4[%add3A_1536, %dma_start3A_1544, %dma_start3A_1545] : memref<4096x56x128xf32, #tpu.memory_space<hbm>> -> memref<1x50x64xf32, #tpu.memory_space<hbm>>
      %dma_start3A_1547 = tpu.memref_squeeze %dma_start3A_1546 : memref<1x50x64xf32, #tpu.memory_space<hbm>> -> memref<50x64xf32, #tpu.memory_space<hbm>>
      %dma_start3A_1548 = arith.constant 750 : i32
      %dma_start3A_1549 = arith.constant 0 : i32
      %dma_start3A_1550 = tpu.memref_slice %arg7[%dma_start3A_1548, %dma_start3A_1549] : memref<800x64xf32, #tpu.memory_space<vmem>> -> memref<50x64xf32, #tpu.memory_space<vmem>>
      tpu.enqueue_dma source(%dma_start3A_1550 : memref<50x64xf32, #tpu.memory_space<vmem>>) target(%dma_start3A_1547 : memref<50x64xf32, #tpu.memory_space<hbm>>) target_semaphore(%arg11 : memref<!tpu.dma_semaphore, #tpu.memory_space<semaphore_mem>>)
      %dma_wait3A_1551 = arith.constant 0 : i32
      %dma_wait3A_1552 = arith.constant 0 : i32
      %dma_wait3A_1553 = arith.constant 0 : i32
      %dma_wait3A_1554 = tpu.memref_slice %arg7[%dma_wait3A_1552, %dma_wait3A_1553] : memref<800x64xf32, #tpu.memory_space<vmem>> -> memref<50x64xf32, #tpu.memory_space<vmem>>
      %dma_wait3A_1555 = arith.constant 0 : i32
      %dma_wait3A_1556 = arith.constant 0 : i32
      %dma_wait3A_1557 = tpu.memref_slice %arg4[%dma_wait3A_1551, %dma_wait3A_1555, %dma_wait3A_1556] : memref<4096x56x128xf32, #tpu.memory_space<hbm>> -> memref<1x50x64xf32, #tpu.memory_space<hbm>>
      %dma_wait3A_1558 = tpu.memref_squeeze %dma_wait3A_1557 : memref<1x50x64xf32, #tpu.memory_space<hbm>> -> memref<50x64xf32, #tpu.memory_space<hbm>>
      %dma_wait3A_1559 = arith.constant 0 : i32
      %dma_wait3A_1560 = arith.constant 0 : i32
      %dma_wait3A_1561 = tpu.memref_slice %arg4[%dma_wait3A_1551, %dma_wait3A_1559, %dma_wait3A_1560] : memref<4096x56x128xf32, #tpu.memory_space<hbm>> -> memref<1x50x64xf32, #tpu.memory_space<hbm>>
      %dma_wait3A_1562 = tpu.memref_squeeze %dma_wait3A_1561 : memref<1x50x64xf32, #tpu.memory_space<hbm>> -> memref<50x64xf32, #tpu.memory_space<hbm>>
      %dma_wait3A_1563 = arith.constant 0 : i32
      %dma_wait3A_1564 = arith.constant 0 : i32
      %dma_wait3A_1565 = tpu.memref_slice %arg7[%dma_wait3A_1563, %dma_wait3A_1564] : memref<800x64xf32, #tpu.memory_space<vmem>> -> memref<50x64xf32, #tpu.memory_space<vmem>>
      tpu.wait_dma2 semaphore(%arg11 : memref<!tpu.dma_semaphore, #tpu.memory_space<semaphore_mem>>) src(%dma_wait3A_1565 : memref<50x64xf32, #tpu.memory_space<vmem>>) dst(%dma_wait3A_1562 : memref<50x64xf32, #tpu.memory_space<hbm>>)
      %dma_wait3A_1566 = arith.constant 0 : i32
      %dma_wait3A_1567 = arith.constant 50 : i32
      %dma_wait3A_1568 = arith.constant 0 : i32
      %dma_wait3A_1569 = tpu.memref_slice %arg7[%dma_wait3A_1567, %dma_wait3A_1568] : memref<800x64xf32, #tpu.memory_space<vmem>> -> memref<50x64xf32, #tpu.memory_space<vmem>>
      %dma_wait3A_1570 = arith.constant 0 : i32
      %dma_wait3A_1571 = arith.constant 0 : i32
      %dma_wait3A_1572 = tpu.memref_slice %arg4[%dma_wait3A_1566, %dma_wait3A_1570, %dma_wait3A_1571] : memref<4096x56x128xf32, #tpu.memory_space<hbm>> -> memref<1x50x64xf32, #tpu.memory_space<hbm>>
      %dma_wait3A_1573 = tpu.memref_squeeze %dma_wait3A_1572 : memref<1x50x64xf32, #tpu.memory_space<hbm>> -> memref<50x64xf32, #tpu.memory_space<hbm>>
      %dma_wait3A_1574 = arith.constant 0 : i32
      %dma_wait3A_1575 = arith.constant 0 : i32
      %dma_wait3A_1576 = tpu.memref_slice %arg4[%dma_wait3A_1566, %dma_wait3A_1574, %dma_wait3A_1575] : memref<4096x56x128xf32, #tpu.memory_space<hbm>> -> memref<1x50x64xf32, #tpu.memory_space<hbm>>
      %dma_wait3A_1577 = tpu.memref_squeeze %dma_wait3A_1576 : memref<1x50x64xf32, #tpu.memory_space<hbm>> -> memref<50x64xf32, #tpu.memory_space<hbm>>
      %dma_wait3A_1578 = arith.constant 50 : i32
      %dma_wait3A_1579 = arith.constant 0 : i32
      %dma_wait3A_1580 = tpu.memref_slice %arg7[%dma_wait3A_1578, %dma_wait3A_1579] : memref<800x64xf32, #tpu.memory_space<vmem>> -> memref<50x64xf32, #tpu.memory_space<vmem>>
      tpu.wait_dma2 semaphore(%arg11 : memref<!tpu.dma_semaphore, #tpu.memory_space<semaphore_mem>>) src(%dma_wait3A_1580 : memref<50x64xf32, #tpu.memory_space<vmem>>) dst(%dma_wait3A_1577 : memref<50x64xf32, #tpu.memory_space<hbm>>)
      %dma_wait3A_1581 = arith.constant 0 : i32
      %dma_wait3A_1582 = arith.constant 100 : i32
      %dma_wait3A_1583 = arith.constant 0 : i32
      %dma_wait3A_1584 = tpu.memref_slice %arg7[%dma_wait3A_1582, %dma_wait3A_1583] : memref<800x64xf32, #tpu.memory_space<vmem>> -> memref<50x64xf32, #tpu.memory_space<vmem>>
      %dma_wait3A_1585 = arith.constant 0 : i32
      %dma_wait3A_1586 = arith.constant 0 : i32
      %dma_wait3A_1587 = tpu.memref_slice %arg4[%dma_wait3A_1581, %dma_wait3A_1585, %dma_wait3A_1586] : memref<4096x56x128xf32, #tpu.memory_space<hbm>> -> memref<1x50x64xf32, #tpu.memory_space<hbm>>
      %dma_wait3A_1588 = tpu.memref_squeeze %dma_wait3A_1587 : memref<1x50x64xf32, #tpu.memory_space<hbm>> -> memref<50x64xf32, #tpu.memory_space<hbm>>
      %dma_wait3A_1589 = arith.constant 0 : i32
      %dma_wait3A_1590 = arith.constant 0 : i32
      %dma_wait3A_1591 = tpu.memref_slice %arg4[%dma_wait3A_1581, %dma_wait3A_1589, %dma_wait3A_1590] : memref<4096x56x128xf32, #tpu.memory_space<hbm>> -> memref<1x50x64xf32, #tpu.memory_space<hbm>>
      %dma_wait3A_1592 = tpu.memref_squeeze %dma_wait3A_1591 : memref<1x50x64xf32, #tpu.memory_space<hbm>> -> memref<50x64xf32, #tpu.memory_space<hbm>>
      %dma_wait3A_1593 = arith.constant 100 : i32
      %dma_wait3A_1594 = arith.constant 0 : i32
      %dma_wait3A_1595 = tpu.memref_slice %arg7[%dma_wait3A_1593, %dma_wait3A_1594] : memref<800x64xf32, #tpu.memory_space<vmem>> -> memref<50x64xf32, #tpu.memory_space<vmem>>
      tpu.wait_dma2 semaphore(%arg11 : memref<!tpu.dma_semaphore, #tpu.memory_space<semaphore_mem>>) src(%dma_wait3A_1595 : memref<50x64xf32, #tpu.memory_space<vmem>>) dst(%dma_wait3A_1592 : memref<50x64xf32, #tpu.memory_space<hbm>>)
      %dma_wait3A_1596 = arith.constant 0 : i32
      %dma_wait3A_1597 = arith.constant 150 : i32
      %dma_wait3A_1598 = arith.constant 0 : i32
      %dma_wait3A_1599 = tpu.memref_slice %arg7[%dma_wait3A_1597, %dma_wait3A_1598] : memref<800x64xf32, #tpu.memory_space<vmem>> -> memref<50x64xf32, #tpu.memory_space<vmem>>
      %dma_wait3A_1600 = arith.constant 0 : i32
      %dma_wait3A_1601 = arith.constant 0 : i32
      %dma_wait3A_1602 = tpu.memref_slice %arg4[%dma_wait3A_1596, %dma_wait3A_1600, %dma_wait3A_1601] : memref<4096x56x128xf32, #tpu.memory_space<hbm>> -> memref<1x50x64xf32, #tpu.memory_space<hbm>>
      %dma_wait3A_1603 = tpu.memref_squeeze %dma_wait3A_1602 : memref<1x50x64xf32, #tpu.memory_space<hbm>> -> memref<50x64xf32, #tpu.memory_space<hbm>>
      %dma_wait3A_1604 = arith.constant 0 : i32
      %dma_wait3A_1605 = arith.constant 0 : i32
      %dma_wait3A_1606 = tpu.memref_slice %arg4[%dma_wait3A_1596, %dma_wait3A_1604, %dma_wait3A_1605] : memref<4096x56x128xf32, #tpu.memory_space<hbm>> -> memref<1x50x64xf32, #tpu.memory_space<hbm>>
      %dma_wait3A_1607 = tpu.memref_squeeze %dma_wait3A_1606 : memref<1x50x64xf32, #tpu.memory_space<hbm>> -> memref<50x64xf32, #tpu.memory_space<hbm>>
      %dma_wait3A_1608 = arith.constant 150 : i32
      %dma_wait3A_1609 = arith.constant 0 : i32
      %dma_wait3A_1610 = tpu.memref_slice %arg7[%dma_wait3A_1608, %dma_wait3A_1609] : memref<800x64xf32, #tpu.memory_space<vmem>> -> memref<50x64xf32, #tpu.memory_space<vmem>>
      tpu.wait_dma2 semaphore(%arg11 : memref<!tpu.dma_semaphore, #tpu.memory_space<semaphore_mem>>) src(%dma_wait3A_1610 : memref<50x64xf32, #tpu.memory_space<vmem>>) dst(%dma_wait3A_1607 : memref<50x64xf32, #tpu.memory_space<hbm>>)
      %dma_wait3A_1611 = arith.constant 0 : i32
      %dma_wait3A_1612 = arith.constant 200 : i32
      %dma_wait3A_1613 = arith.constant 0 : i32
      %dma_wait3A_1614 = tpu.memref_slice %arg7[%dma_wait3A_1612, %dma_wait3A_1613] : memref<800x64xf32, #tpu.memory_space<vmem>> -> memref<50x64xf32, #tpu.memory_space<vmem>>
      %dma_wait3A_1615 = arith.constant 0 : i32
      %dma_wait3A_1616 = arith.constant 0 : i32
      %dma_wait3A_1617 = tpu.memref_slice %arg4[%dma_wait3A_1611, %dma_wait3A_1615, %dma_wait3A_1616] : memref<4096x56x128xf32, #tpu.memory_space<hbm>> -> memref<1x50x64xf32, #tpu.memory_space<hbm>>
      %dma_wait3A_1618 = tpu.memref_squeeze %dma_wait3A_1617 : memref<1x50x64xf32, #tpu.memory_space<hbm>> -> memref<50x64xf32, #tpu.memory_space<hbm>>
      %dma_wait3A_1619 = arith.constant 0 : i32
      %dma_wait3A_1620 = arith.constant 0 : i32
      %dma_wait3A_1621 = tpu.memref_slice %arg4[%dma_wait3A_1611, %dma_wait3A_1619, %dma_wait3A_1620] : memref<4096x56x128xf32, #tpu.memory_space<hbm>> -> memref<1x50x64xf32, #tpu.memory_space<hbm>>
      %dma_wait3A_1622 = tpu.memref_squeeze %dma_wait3A_1621 : memref<1x50x64xf32, #tpu.memory_space<hbm>> -> memref<50x64xf32, #tpu.memory_space<hbm>>
      %dma_wait3A_1623 = arith.constant 200 : i32
      %dma_wait3A_1624 = arith.constant 0 : i32
      %dma_wait3A_1625 = tpu.memref_slice %arg7[%dma_wait3A_1623, %dma_wait3A_1624] : memref<800x64xf32, #tpu.memory_space<vmem>> -> memref<50x64xf32, #tpu.memory_space<vmem>>
      tpu.wait_dma2 semaphore(%arg11 : memref<!tpu.dma_semaphore, #tpu.memory_space<semaphore_mem>>) src(%dma_wait3A_1625 : memref<50x64xf32, #tpu.memory_space<vmem>>) dst(%dma_wait3A_1622 : memref<50x64xf32, #tpu.memory_space<hbm>>)
      %dma_wait3A_1626 = arith.constant 0 : i32
      %dma_wait3A_1627 = arith.constant 250 : i32
      %dma_wait3A_1628 = arith.constant 0 : i32
      %dma_wait3A_1629 = tpu.memref_slice %arg7[%dma_wait3A_1627, %dma_wait3A_1628] : memref<800x64xf32, #tpu.memory_space<vmem>> -> memref<50x64xf32, #tpu.memory_space<vmem>>
      %dma_wait3A_1630 = arith.constant 0 : i32
      %dma_wait3A_1631 = arith.constant 0 : i32
      %dma_wait3A_1632 = tpu.memref_slice %arg4[%dma_wait3A_1626, %dma_wait3A_1630, %dma_wait3A_1631] : memref<4096x56x128xf32, #tpu.memory_space<hbm>> -> memref<1x50x64xf32, #tpu.memory_space<hbm>>
      %dma_wait3A_1633 = tpu.memref_squeeze %dma_wait3A_1632 : memref<1x50x64xf32, #tpu.memory_space<hbm>> -> memref<50x64xf32, #tpu.memory_space<hbm>>
      %dma_wait3A_1634 = arith.constant 0 : i32
      %dma_wait3A_1635 = arith.constant 0 : i32
      %dma_wait3A_1636 = tpu.memref_slice %arg4[%dma_wait3A_1626, %dma_wait3A_1634, %dma_wait3A_1635] : memref<4096x56x128xf32, #tpu.memory_space<hbm>> -> memref<1x50x64xf32, #tpu.memory_space<hbm>>
      %dma_wait3A_1637 = tpu.memref_squeeze %dma_wait3A_1636 : memref<1x50x64xf32, #tpu.memory_space<hbm>> -> memref<50x64xf32, #tpu.memory_space<hbm>>
      %dma_wait3A_1638 = arith.constant 250 : i32
      %dma_wait3A_1639 = arith.constant 0 : i32
      %dma_wait3A_1640 = tpu.memref_slice %arg7[%dma_wait3A_1638, %dma_wait3A_1639] : memref<800x64xf32, #tpu.memory_space<vmem>> -> memref<50x64xf32, #tpu.memory_space<vmem>>
      tpu.wait_dma2 semaphore(%arg11 : memref<!tpu.dma_semaphore, #tpu.memory_space<semaphore_mem>>) src(%dma_wait3A_1640 : memref<50x64xf32, #tpu.memory_space<vmem>>) dst(%dma_wait3A_1637 : memref<50x64xf32, #tpu.memory_space<hbm>>)
      %dma_wait3A_1641 = arith.constant 0 : i32
      %dma_wait3A_1642 = arith.constant 300 : i32
      %dma_wait3A_1643 = arith.constant 0 : i32
      %dma_wait3A_1644 = tpu.memref_slice %arg7[%dma_wait3A_1642, %dma_wait3A_1643] : memref<800x64xf32, #tpu.memory_space<vmem>> -> memref<50x64xf32, #tpu.memory_space<vmem>>
      %dma_wait3A_1645 = arith.constant 0 : i32
      %dma_wait3A_1646 = arith.constant 0 : i32
      %dma_wait3A_1647 = tpu.memref_slice %arg4[%dma_wait3A_1641, %dma_wait3A_1645, %dma_wait3A_1646] : memref<4096x56x128xf32, #tpu.memory_space<hbm>> -> memref<1x50x64xf32, #tpu.memory_space<hbm>>
      %dma_wait3A_1648 = tpu.memref_squeeze %dma_wait3A_1647 : memref<1x50x64xf32, #tpu.memory_space<hbm>> -> memref<50x64xf32, #tpu.memory_space<hbm>>
      %dma_wait3A_1649 = arith.constant 0 : i32
      %dma_wait3A_1650 = arith.constant 0 : i32
      %dma_wait3A_1651 = tpu.memref_slice %arg4[%dma_wait3A_1641, %dma_wait3A_1649, %dma_wait3A_1650] : memref<4096x56x128xf32, #tpu.memory_space<hbm>> -> memref<1x50x64xf32, #tpu.memory_space<hbm>>
      %dma_wait3A_1652 = tpu.memref_squeeze %dma_wait3A_1651 : memref<1x50x64xf32, #tpu.memory_space<hbm>> -> memref<50x64xf32, #tpu.memory_space<hbm>>
      %dma_wait3A_1653 = arith.constant 300 : i32
      %dma_wait3A_1654 = arith.constant 0 : i32
      %dma_wait3A_1655 = tpu.memref_slice %arg7[%dma_wait3A_1653, %dma_wait3A_1654] : memref<800x64xf32, #tpu.memory_space<vmem>> -> memref<50x64xf32, #tpu.memory_space<vmem>>
      tpu.wait_dma2 semaphore(%arg11 : memref<!tpu.dma_semaphore, #tpu.memory_space<semaphore_mem>>) src(%dma_wait3A_1655 : memref<50x64xf32, #tpu.memory_space<vmem>>) dst(%dma_wait3A_1652 : memref<50x64xf32, #tpu.memory_space<hbm>>)
      %dma_wait3A_1656 = arith.constant 0 : i32
      %dma_wait3A_1657 = arith.constant 350 : i32
      %dma_wait3A_1658 = arith.constant 0 : i32
      %dma_wait3A_1659 = tpu.memref_slice %arg7[%dma_wait3A_1657, %dma_wait3A_1658] : memref<800x64xf32, #tpu.memory_space<vmem>> -> memref<50x64xf32, #tpu.memory_space<vmem>>
      %dma_wait3A_1660 = arith.constant 0 : i32
      %dma_wait3A_1661 = arith.constant 0 : i32
      %dma_wait3A_1662 = tpu.memref_slice %arg4[%dma_wait3A_1656, %dma_wait3A_1660, %dma_wait3A_1661] : memref<4096x56x128xf32, #tpu.memory_space<hbm>> -> memref<1x50x64xf32, #tpu.memory_space<hbm>>
      %dma_wait3A_1663 = tpu.memref_squeeze %dma_wait3A_1662 : memref<1x50x64xf32, #tpu.memory_space<hbm>> -> memref<50x64xf32, #tpu.memory_space<hbm>>
      %dma_wait3A_1664 = arith.constant 0 : i32
      %dma_wait3A_1665 = arith.constant 0 : i32
      %dma_wait3A_1666 = tpu.memref_slice %arg4[%dma_wait3A_1656, %dma_wait3A_1664, %dma_wait3A_1665] : memref<4096x56x128xf32, #tpu.memory_space<hbm>> -> memref<1x50x64xf32, #tpu.memory_space<hbm>>
      %dma_wait3A_1667 = tpu.memref_squeeze %dma_wait3A_1666 : memref<1x50x64xf32, #tpu.memory_space<hbm>> -> memref<50x64xf32, #tpu.memory_space<hbm>>
      %dma_wait3A_1668 = arith.constant 350 : i32
      %dma_wait3A_1669 = arith.constant 0 : i32
      %dma_wait3A_1670 = tpu.memref_slice %arg7[%dma_wait3A_1668, %dma_wait3A_1669] : memref<800x64xf32, #tpu.memory_space<vmem>> -> memref<50x64xf32, #tpu.memory_space<vmem>>
      tpu.wait_dma2 semaphore(%arg11 : memref<!tpu.dma_semaphore, #tpu.memory_space<semaphore_mem>>) src(%dma_wait3A_1670 : memref<50x64xf32, #tpu.memory_space<vmem>>) dst(%dma_wait3A_1667 : memref<50x64xf32, #tpu.memory_space<hbm>>)
      %dma_wait3A_1671 = arith.constant 0 : i32
      %dma_wait3A_1672 = arith.constant 400 : i32
      %dma_wait3A_1673 = arith.constant 0 : i32
      %dma_wait3A_1674 = tpu.memref_slice %arg7[%dma_wait3A_1672, %dma_wait3A_1673] : memref<800x64xf32, #tpu.memory_space<vmem>> -> memref<50x64xf32, #tpu.memory_space<vmem>>
      %dma_wait3A_1675 = arith.constant 0 : i32
      %dma_wait3A_1676 = arith.constant 0 : i32
      %dma_wait3A_1677 = tpu.memref_slice %arg4[%dma_wait3A_1671, %dma_wait3A_1675, %dma_wait3A_1676] : memref<4096x56x128xf32, #tpu.memory_space<hbm>> -> memref<1x50x64xf32, #tpu.memory_space<hbm>>
      %dma_wait3A_1678 = tpu.memref_squeeze %dma_wait3A_1677 : memref<1x50x64xf32, #tpu.memory_space<hbm>> -> memref<50x64xf32, #tpu.memory_space<hbm>>
      %dma_wait3A_1679 = arith.constant 0 : i32
      %dma_wait3A_1680 = arith.constant 0 : i32
      %dma_wait3A_1681 = tpu.memref_slice %arg4[%dma_wait3A_1671, %dma_wait3A_1679, %dma_wait3A_1680] : memref<4096x56x128xf32, #tpu.memory_space<hbm>> -> memref<1x50x64xf32, #tpu.memory_space<hbm>>
      %dma_wait3A_1682 = tpu.memref_squeeze %dma_wait3A_1681 : memref<1x50x64xf32, #tpu.memory_space<hbm>> -> memref<50x64xf32, #tpu.memory_space<hbm>>
      %dma_wait3A_1683 = arith.constant 400 : i32
      %dma_wait3A_1684 = arith.constant 0 : i32
      %dma_wait3A_1685 = tpu.memref_slice %arg7[%dma_wait3A_1683, %dma_wait3A_1684] : memref<800x64xf32, #tpu.memory_space<vmem>> -> memref<50x64xf32, #tpu.memory_space<vmem>>
      tpu.wait_dma2 semaphore(%arg11 : memref<!tpu.dma_semaphore, #tpu.memory_space<semaphore_mem>>) src(%dma_wait3A_1685 : memref<50x64xf32, #tpu.memory_space<vmem>>) dst(%dma_wait3A_1682 : memref<50x64xf32, #tpu.memory_space<hbm>>)
      %dma_wait3A_1686 = arith.constant 0 : i32
      %dma_wait3A_1687 = arith.constant 450 : i32
      %dma_wait3A_1688 = arith.constant 0 : i32
      %dma_wait3A_1689 = tpu.memref_slice %arg7[%dma_wait3A_1687, %dma_wait3A_1688] : memref<800x64xf32, #tpu.memory_space<vmem>> -> memref<50x64xf32, #tpu.memory_space<vmem>>
      %dma_wait3A_1690 = arith.constant 0 : i32
      %dma_wait3A_1691 = arith.constant 0 : i32
      %dma_wait3A_1692 = tpu.memref_slice %arg4[%dma_wait3A_1686, %dma_wait3A_1690, %dma_wait3A_1691] : memref<4096x56x128xf32, #tpu.memory_space<hbm>> -> memref<1x50x64xf32, #tpu.memory_space<hbm>>
      %dma_wait3A_1693 = tpu.memref_squeeze %dma_wait3A_1692 : memref<1x50x64xf32, #tpu.memory_space<hbm>> -> memref<50x64xf32, #tpu.memory_space<hbm>>
      %dma_wait3A_1694 = arith.constant 0 : i32
      %dma_wait3A_1695 = arith.constant 0 : i32
      %dma_wait3A_1696 = tpu.memref_slice %arg4[%dma_wait3A_1686, %dma_wait3A_1694, %dma_wait3A_1695] : memref<4096x56x128xf32, #tpu.memory_space<hbm>> -> memref<1x50x64xf32, #tpu.memory_space<hbm>>
      %dma_wait3A_1697 = tpu.memref_squeeze %dma_wait3A_1696 : memref<1x50x64xf32, #tpu.memory_space<hbm>> -> memref<50x64xf32, #tpu.memory_space<hbm>>
      %dma_wait3A_1698 = arith.constant 450 : i32
      %dma_wait3A_1699 = arith.constant 0 : i32
      %dma_wait3A_1700 = tpu.memref_slice %arg7[%dma_wait3A_1698, %dma_wait3A_1699] : memref<800x64xf32, #tpu.memory_space<vmem>> -> memref<50x64xf32, #tpu.memory_space<vmem>>
      tpu.wait_dma2 semaphore(%arg11 : memref<!tpu.dma_semaphore, #tpu.memory_space<semaphore_mem>>) src(%dma_wait3A_1700 : memref<50x64xf32, #tpu.memory_space<vmem>>) dst(%dma_wait3A_1697 : memref<50x64xf32, #tpu.memory_space<hbm>>)
      %dma_wait3A_1701 = arith.constant 0 : i32
      %dma_wait3A_1702 = arith.constant 500 : i32
      %dma_wait3A_1703 = arith.constant 0 : i32
      %dma_wait3A_1704 = tpu.memref_slice %arg7[%dma_wait3A_1702, %dma_wait3A_1703] : memref<800x64xf32, #tpu.memory_space<vmem>> -> memref<50x64xf32, #tpu.memory_space<vmem>>
      %dma_wait3A_1705 = arith.constant 0 : i32
      %dma_wait3A_1706 = arith.constant 0 : i32
      %dma_wait3A_1707 = tpu.memref_slice %arg4[%dma_wait3A_1701, %dma_wait3A_1705, %dma_wait3A_1706] : memref<4096x56x128xf32, #tpu.memory_space<hbm>> -> memref<1x50x64xf32, #tpu.memory_space<hbm>>
      %dma_wait3A_1708 = tpu.memref_squeeze %dma_wait3A_1707 : memref<1x50x64xf32, #tpu.memory_space<hbm>> -> memref<50x64xf32, #tpu.memory_space<hbm>>
      %dma_wait3A_1709 = arith.constant 0 : i32
      %dma_wait3A_1710 = arith.constant 0 : i32
      %dma_wait3A_1711 = tpu.memref_slice %arg4[%dma_wait3A_1701, %dma_wait3A_1709, %dma_wait3A_1710] : memref<4096x56x128xf32, #tpu.memory_space<hbm>> -> memref<1x50x64xf32, #tpu.memory_space<hbm>>
      %dma_wait3A_1712 = tpu.memref_squeeze %dma_wait3A_1711 : memref<1x50x64xf32, #tpu.memory_space<hbm>> -> memref<50x64xf32, #tpu.memory_space<hbm>>
      %dma_wait3A_1713 = arith.constant 500 : i32
      %dma_wait3A_1714 = arith.constant 0 : i32
      %dma_wait3A_1715 = tpu.memref_slice %arg7[%dma_wait3A_1713, %dma_wait3A_1714] : memref<800x64xf32, #tpu.memory_space<vmem>> -> memref<50x64xf32, #tpu.memory_space<vmem>>
      tpu.wait_dma2 semaphore(%arg11 : memref<!tpu.dma_semaphore, #tpu.memory_space<semaphore_mem>>) src(%dma_wait3A_1715 : memref<50x64xf32, #tpu.memory_space<vmem>>) dst(%dma_wait3A_1712 : memref<50x64xf32, #tpu.memory_space<hbm>>)
      %dma_wait3A_1716 = arith.constant 0 : i32
      %dma_wait3A_1717 = arith.constant 550 : i32
      %dma_wait3A_1718 = arith.constant 0 : i32
      %dma_wait3A_1719 = tpu.memref_slice %arg7[%dma_wait3A_1717, %dma_wait3A_1718] : memref<800x64xf32, #tpu.memory_space<vmem>> -> memref<50x64xf32, #tpu.memory_space<vmem>>
      %dma_wait3A_1720 = arith.constant 0 : i32
      %dma_wait3A_1721 = arith.constant 0 : i32
      %dma_wait3A_1722 = tpu.memref_slice %arg4[%dma_wait3A_1716, %dma_wait3A_1720, %dma_wait3A_1721] : memref<4096x56x128xf32, #tpu.memory_space<hbm>> -> memref<1x50x64xf32, #tpu.memory_space<hbm>>
      %dma_wait3A_1723 = tpu.memref_squeeze %dma_wait3A_1722 : memref<1x50x64xf32, #tpu.memory_space<hbm>> -> memref<50x64xf32, #tpu.memory_space<hbm>>
      %dma_wait3A_1724 = arith.constant 0 : i32
      %dma_wait3A_1725 = arith.constant 0 : i32
      %dma_wait3A_1726 = tpu.memref_slice %arg4[%dma_wait3A_1716, %dma_wait3A_1724, %dma_wait3A_1725] : memref<4096x56x128xf32, #tpu.memory_space<hbm>> -> memref<1x50x64xf32, #tpu.memory_space<hbm>>
      %dma_wait3A_1727 = tpu.memref_squeeze %dma_wait3A_1726 : memref<1x50x64xf32, #tpu.memory_space<hbm>> -> memref<50x64xf32, #tpu.memory_space<hbm>>
      %dma_wait3A_1728 = arith.constant 550 : i32
      %dma_wait3A_1729 = arith.constant 0 : i32
      %dma_wait3A_1730 = tpu.memref_slice %arg7[%dma_wait3A_1728, %dma_wait3A_1729] : memref<800x64xf32, #tpu.memory_space<vmem>> -> memref<50x64xf32, #tpu.memory_space<vmem>>
      tpu.wait_dma2 semaphore(%arg11 : memref<!tpu.dma_semaphore, #tpu.memory_space<semaphore_mem>>) src(%dma_wait3A_1730 : memref<50x64xf32, #tpu.memory_space<vmem>>) dst(%dma_wait3A_1727 : memref<50x64xf32, #tpu.memory_space<hbm>>)
      %dma_wait3A_1731 = arith.constant 0 : i32
      %dma_wait3A_1732 = arith.constant 600 : i32
      %dma_wait3A_1733 = arith.constant 0 : i32
      %dma_wait3A_1734 = tpu.memref_slice %arg7[%dma_wait3A_1732, %dma_wait3A_1733] : memref<800x64xf32, #tpu.memory_space<vmem>> -> memref<50x64xf32, #tpu.memory_space<vmem>>
      %dma_wait3A_1735 = arith.constant 0 : i32
      %dma_wait3A_1736 = arith.constant 0 : i32
      %dma_wait3A_1737 = tpu.memref_slice %arg4[%dma_wait3A_1731, %dma_wait3A_1735, %dma_wait3A_1736] : memref<4096x56x128xf32, #tpu.memory_space<hbm>> -> memref<1x50x64xf32, #tpu.memory_space<hbm>>
      %dma_wait3A_1738 = tpu.memref_squeeze %dma_wait3A_1737 : memref<1x50x64xf32, #tpu.memory_space<hbm>> -> memref<50x64xf32, #tpu.memory_space<hbm>>
      %dma_wait3A_1739 = arith.constant 0 : i32
      %dma_wait3A_1740 = arith.constant 0 : i32
      %dma_wait3A_1741 = tpu.memref_slice %arg4[%dma_wait3A_1731, %dma_wait3A_1739, %dma_wait3A_1740] : memref<4096x56x128xf32, #tpu.memory_space<hbm>> -> memref<1x50x64xf32, #tpu.memory_space<hbm>>
      %dma_wait3A_1742 = tpu.memref_squeeze %dma_wait3A_1741 : memref<1x50x64xf32, #tpu.memory_space<hbm>> -> memref<50x64xf32, #tpu.memory_space<hbm>>
      %dma_wait3A_1743 = arith.constant 600 : i32
      %dma_wait3A_1744 = arith.constant 0 : i32
      %dma_wait3A_1745 = tpu.memref_slice %arg7[%dma_wait3A_1743, %dma_wait3A_1744] : memref<800x64xf32, #tpu.memory_space<vmem>> -> memref<50x64xf32, #tpu.memory_space<vmem>>
      tpu.wait_dma2 semaphore(%arg11 : memref<!tpu.dma_semaphore, #tpu.memory_space<semaphore_mem>>) src(%dma_wait3A_1745 : memref<50x64xf32, #tpu.memory_space<vmem>>) dst(%dma_wait3A_1742 : memref<50x64xf32, #tpu.memory_space<hbm>>)
      %dma_wait3A_1746 = arith.constant 0 : i32
      %dma_wait3A_1747 = arith.constant 650 : i32
      %dma_wait3A_1748 = arith.constant 0 : i32
      %dma_wait3A_1749 = tpu.memref_slice %arg7[%dma_wait3A_1747, %dma_wait3A_1748] : memref<800x64xf32, #tpu.memory_space<vmem>> -> memref<50x64xf32, #tpu.memory_space<vmem>>
      %dma_wait3A_1750 = arith.constant 0 : i32
      %dma_wait3A_1751 = arith.constant 0 : i32
      %dma_wait3A_1752 = tpu.memref_slice %arg4[%dma_wait3A_1746, %dma_wait3A_1750, %dma_wait3A_1751] : memref<4096x56x128xf32, #tpu.memory_space<hbm>> -> memref<1x50x64xf32, #tpu.memory_space<hbm>>
      %dma_wait3A_1753 = tpu.memref_squeeze %dma_wait3A_1752 : memref<1x50x64xf32, #tpu.memory_space<hbm>> -> memref<50x64xf32, #tpu.memory_space<hbm>>
      %dma_wait3A_1754 = arith.constant 0 : i32
      %dma_wait3A_1755 = arith.constant 0 : i32
      %dma_wait3A_1756 = tpu.memref_slice %arg4[%dma_wait3A_1746, %dma_wait3A_1754, %dma_wait3A_1755] : memref<4096x56x128xf32, #tpu.memory_space<hbm>> -> memref<1x50x64xf32, #tpu.memory_space<hbm>>
      %dma_wait3A_1757 = tpu.memref_squeeze %dma_wait3A_1756 : memref<1x50x64xf32, #tpu.memory_space<hbm>> -> memref<50x64xf32, #tpu.memory_space<hbm>>
      %dma_wait3A_1758 = arith.constant 650 : i32
      %dma_wait3A_1759 = arith.constant 0 : i32
      %dma_wait3A_1760 = tpu.memref_slice %arg7[%dma_wait3A_1758, %dma_wait3A_1759] : memref<800x64xf32, #tpu.memory_space<vmem>> -> memref<50x64xf32, #tpu.memory_space<vmem>>
      tpu.wait_dma2 semaphore(%arg11 : memref<!tpu.dma_semaphore, #tpu.memory_space<semaphore_mem>>) src(%dma_wait3A_1760 : memref<50x64xf32, #tpu.memory_space<vmem>>) dst(%dma_wait3A_1757 : memref<50x64xf32, #tpu.memory_space<hbm>>)
      %dma_wait3A_1761 = arith.constant 0 : i32
      %dma_wait3A_1762 = arith.constant 700 : i32
      %dma_wait3A_1763 = arith.constant 0 : i32
      %dma_wait3A_1764 = tpu.memref_slice %arg7[%dma_wait3A_1762, %dma_wait3A_1763] : memref<800x64xf32, #tpu.memory_space<vmem>> -> memref<50x64xf32, #tpu.memory_space<vmem>>
      %dma_wait3A_1765 = arith.constant 0 : i32
      %dma_wait3A_1766 = arith.constant 0 : i32
      %dma_wait3A_1767 = tpu.memref_slice %arg4[%dma_wait3A_1761, %dma_wait3A_1765, %dma_wait3A_1766] : memref<4096x56x128xf32, #tpu.memory_space<hbm>> -> memref<1x50x64xf32, #tpu.memory_space<hbm>>
      %dma_wait3A_1768 = tpu.memref_squeeze %dma_wait3A_1767 : memref<1x50x64xf32, #tpu.memory_space<hbm>> -> memref<50x64xf32, #tpu.memory_space<hbm>>
      %dma_wait3A_1769 = arith.constant 0 : i32
      %dma_wait3A_1770 = arith.constant 0 : i32
      %dma_wait3A_1771 = tpu.memref_slice %arg4[%dma_wait3A_1761, %dma_wait3A_1769, %dma_wait3A_1770] : memref<4096x56x128xf32, #tpu.memory_space<hbm>> -> memref<1x50x64xf32, #tpu.memory_space<hbm>>
      %dma_wait3A_1772 = tpu.memref_squeeze %dma_wait3A_1771 : memref<1x50x64xf32, #tpu.memory_space<hbm>> -> memref<50x64xf32, #tpu.memory_space<hbm>>
      %dma_wait3A_1773 = arith.constant 700 : i32
      %dma_wait3A_1774 = arith.constant 0 : i32
      %dma_wait3A_1775 = tpu.memref_slice %arg7[%dma_wait3A_1773, %dma_wait3A_1774] : memref<800x64xf32, #tpu.memory_space<vmem>> -> memref<50x64xf32, #tpu.memory_space<vmem>>
      tpu.wait_dma2 semaphore(%arg11 : memref<!tpu.dma_semaphore, #tpu.memory_space<semaphore_mem>>) src(%dma_wait3A_1775 : memref<50x64xf32, #tpu.memory_space<vmem>>) dst(%dma_wait3A_1772 : memref<50x64xf32, #tpu.memory_space<hbm>>)
      %dma_wait3A_1776 = arith.constant 0 : i32
      %dma_wait3A_1777 = arith.constant 750 : i32
      %dma_wait3A_1778 = arith.constant 0 : i32
      %dma_wait3A_1779 = tpu.memref_slice %arg7[%dma_wait3A_1777, %dma_wait3A_1778] : memref<800x64xf32, #tpu.memory_space<vmem>> -> memref<50x64xf32, #tpu.memory_space<vmem>>
      %dma_wait3A_1780 = arith.constant 0 : i32
      %dma_wait3A_1781 = arith.constant 0 : i32
      %dma_wait3A_1782 = tpu.memref_slice %arg4[%dma_wait3A_1776, %dma_wait3A_1780, %dma_wait3A_1781] : memref<4096x56x128xf32, #tpu.memory_space<hbm>> -> memref<1x50x64xf32, #tpu.memory_space<hbm>>
      %dma_wait3A_1783 = tpu.memref_squeeze %dma_wait3A_1782 : memref<1x50x64xf32, #tpu.memory_space<hbm>> -> memref<50x64xf32, #tpu.memory_space<hbm>>
      %dma_wait3A_1784 = arith.constant 0 : i32
      %dma_wait3A_1785 = arith.constant 0 : i32
      %dma_wait3A_1786 = tpu.memref_slice %arg4[%dma_wait3A_1776, %dma_wait3A_1784, %dma_wait3A_1785] : memref<4096x56x128xf32, #tpu.memory_space<hbm>> -> memref<1x50x64xf32, #tpu.memory_space<hbm>>
      %dma_wait3A_1787 = tpu.memref_squeeze %dma_wait3A_1786 : memref<1x50x64xf32, #tpu.memory_space<hbm>> -> memref<50x64xf32, #tpu.memory_space<hbm>>
      %dma_wait3A_1788 = arith.constant 750 : i32
      %dma_wait3A_1789 = arith.constant 0 : i32
      %dma_wait3A_1790 = tpu.memref_slice %arg7[%dma_wait3A_1788, %dma_wait3A_1789] : memref<800x64xf32, #tpu.memory_space<vmem>> -> memref<50x64xf32, #tpu.memory_space<vmem>>
      tpu.wait_dma2 semaphore(%arg11 : memref<!tpu.dma_semaphore, #tpu.memory_space<semaphore_mem>>) src(%dma_wait3A_1790 : memref<50x64xf32, #tpu.memory_space<vmem>>) dst(%dma_wait3A_1787 : memref<50x64xf32, #tpu.memory_space<hbm>>)
      %add3A_1791 = arith.constant 2 : i32
      %add3A_1792 = arith.addi %add3A_1035, %add3A_1791 : i32
      %mul3A_1793 = arith.constant 800 : i32
      %mul3A_1794 = arith.muli %add3A_1792, %mul3A_1793 : i32
      %dma_start3A_1795 = tpu.memref_slice %arg5[%mul3A_1794] : memref<6400xi32, #tpu.memory_space<vmem>> -> memref<800xi32, #tpu.memory_space<vmem>>
      %dma_start3A_1796 = arith.constant 0 : i32
      %dma_start3A_1797 = arith.constant 0 : i32
      %dma_start3A_1798 = tpu.memref_slice %arg2[%dma_start3A_1796, %dma_start3A_1797] : memref<1000000x64xf32, #tpu.memory_space<hbm>> -> memref<1000000x64xf32, #tpu.memory_space<hbm>>
      tpu.enqueue_indirect_dma source(%dma_start3A_1798 : memref<1000000x64xf32, #tpu.memory_space<hbm>>) target(%arg7 : memref<800x64xf32, #tpu.memory_space<vmem>>) offsets(%dma_start3A_1795 : memref<800xi32, #tpu.memory_space<vmem>>) semaphore(%arg9 : memref<!tpu.dma_semaphore, #tpu.memory_space<semaphore_mem>>)
      %dma_wait3A_1799 = arith.constant 0 : i32
      %dma_wait3A_1800 = tpu.memref_slice %arg5[%dma_wait3A_1799] : memref<6400xi32, #tpu.memory_space<vmem>> -> memref<800xi32, #tpu.memory_space<vmem>>
      %dma_wait3A_1801 = arith.constant 0 : i32
      %dma_wait3A_1802 = arith.constant 0 : i32
      %dma_wait3A_1803 = tpu.memref_slice %arg2[%dma_wait3A_1801, %dma_wait3A_1802] : memref<1000000x64xf32, #tpu.memory_space<hbm>> -> memref<1000000x64xf32, #tpu.memory_space<hbm>>
      tpu.wait_indirect_dma semaphore(%arg8 : memref<!tpu.dma_semaphore, #tpu.memory_space<semaphore_mem>>) src(%dma_wait3A_1803 : memref<1000000x64xf32, #tpu.memory_space<hbm>>) dst(%arg6 : memref<800x64xf32, #tpu.memory_space<vmem>>)
      %parallel_loop3A_1804 = arith.constant 0 : i32
      %parallel_loop3A_1805 = arith.constant 800 : i32
      %parallel_loop3A_1806 = arith.constant 1 : i32
      scf.for %parallel_loop3A_2069 = %parallel_loop3A_1804 to %parallel_loop3A_1805 step %parallel_loop3A_1806  : i32 {
        %parallel_loop3A_2070 = arith.index_cast %parallel_loop3A_2069 : i32 to index
        %parallel_loop3A_2071 = arith.constant 0 : index
        %parallel_loop3A_2072 = tpu.vector_load %arg6[%parallel_loop3A_2070, %parallel_loop3A_2071] {strides = array<i32>} : memref<800x64xf32, #tpu.memory_space<vmem>>, vector<1x16xf32>,
        %parallel_loop3A_2073 = vector.shape_cast %parallel_loop3A_2072 : vector<1x16xf32> to vector<16xf32>
        %parallel_loop3A_2074 = arith.constant 8.000000e+00 : f32
        %parallel_loop3A_2075 = vector.broadcast %parallel_loop3A_2074 : f32 to vector<16xf32>
        %parallel_loop3A_2076 = arith.mulf %parallel_loop3A_2073, %parallel_loop3A_2075 : vector<16xf32>
        %parallel_loop3A_2077 = arith.index_cast %parallel_loop3A_2069 : i32 to index
        %parallel_loop3A_2078 = arith.constant 0 : index
        %parallel_loop3A_2079 = tpu.vector_load %arg6[%parallel_loop3A_2077, %parallel_loop3A_2078] {strides = array<i32>} : memref<800x64xf32, #tpu.memory_space<vmem>>, vector<1x16xf32>,
        %parallel_loop3A_2080 = vector.shape_cast %parallel_loop3A_2079 : vector<1x16xf32> to vector<16xf32>
        %parallel_loop3A_2081 = vector.shape_cast %parallel_loop3A_2076 : vector<16xf32> to vector<1x16xf32>
        tpu.vector_store %arg6[%parallel_loop3A_2077, %parallel_loop3A_2078], %parallel_loop3A_2081 {strides = array<i32>} : memref<800x64xf32, #tpu.memory_space<vmem>>, vector<1x16xf32>,
        %parallel_loop3A_2082 = arith.index_cast %parallel_loop3A_2069 : i32 to index
        %parallel_loop3A_2083 = arith.constant 16 : index
        %parallel_loop3A_2084 = tpu.vector_load %arg6[%parallel_loop3A_2082, %parallel_loop3A_2083] {strides = array<i32>} : memref<800x64xf32, #tpu.memory_space<vmem>>, vector<1x16xf32>,
        %parallel_loop3A_2085 = vector.shape_cast %parallel_loop3A_2084 : vector<1x16xf32> to vector<16xf32>
        %parallel_loop3A_2086 = arith.constant 8.000000e+00 : f32
        %parallel_loop3A_2087 = vector.broadcast %parallel_loop3A_2086 : f32 to vector<16xf32>
        %parallel_loop3A_2088 = arith.mulf %parallel_loop3A_2085, %parallel_loop3A_2087 : vector<16xf32>
        %parallel_loop3A_2089 = arith.index_cast %parallel_loop3A_2069 : i32 to index
        %parallel_loop3A_2090 = arith.constant 16 : index
        %parallel_loop3A_2091 = tpu.vector_load %arg6[%parallel_loop3A_2089, %parallel_loop3A_2090] {strides = array<i32>} : memref<800x64xf32, #tpu.memory_space<vmem>>, vector<1x16xf32>,
        %parallel_loop3A_2092 = vector.shape_cast %parallel_loop3A_2091 : vector<1x16xf32> to vector<16xf32>
        %parallel_loop3A_2093 = vector.shape_cast %parallel_loop3A_2088 : vector<16xf32> to vector<1x16xf32>
        tpu.vector_store %arg6[%parallel_loop3A_2089, %parallel_loop3A_2090], %parallel_loop3A_2093 {strides = array<i32>} : memref<800x64xf32, #tpu.memory_space<vmem>>, vector<1x16xf32>,
        %parallel_loop3A_2094 = arith.index_cast %parallel_loop3A_2069 : i32 to index
        %parallel_loop3A_2095 = arith.constant 32 : index
        %parallel_loop3A_2096 = tpu.vector_load %arg6[%parallel_loop3A_2094, %parallel_loop3A_2095] {strides = array<i32>} : memref<800x64xf32, #tpu.memory_space<vmem>>, vector<1x16xf32>,
        %parallel_loop3A_2097 = vector.shape_cast %parallel_loop3A_2096 : vector<1x16xf32> to vector<16xf32>
        %parallel_loop3A_2098 = arith.constant 8.000000e+00 : f32
        %parallel_loop3A_2099 = vector.broadcast %parallel_loop3A_2098 : f32 to vector<16xf32>
        %parallel_loop3A_2100 = arith.mulf %parallel_loop3A_2097, %parallel_loop3A_2099 : vector<16xf32>
        %parallel_loop3A_2101 = arith.index_cast %parallel_loop3A_2069 : i32 to index
        %parallel_loop3A_2102 = arith.constant 32 : index
        %parallel_loop3A_2103 = tpu.vector_load %arg6[%parallel_loop3A_2101, %parallel_loop3A_2102] {strides = array<i32>} : memref<800x64xf32, #tpu.memory_space<vmem>>, vector<1x16xf32>,
        %parallel_loop3A_2104 = vector.shape_cast %parallel_loop3A_2103 : vector<1x16xf32> to vector<16xf32>
        %parallel_loop3A_2105 = vector.shape_cast %parallel_loop3A_2100 : vector<16xf32> to vector<1x16xf32>
        tpu.vector_store %arg6[%parallel_loop3A_2101, %parallel_loop3A_2102], %parallel_loop3A_2105 {strides = array<i32>} : memref<800x64xf32, #tpu.memory_space<vmem>>, vector<1x16xf32>,
        %parallel_loop3A_2106 = arith.index_cast %parallel_loop3A_2069 : i32 to index
        %parallel_loop3A_2107 = arith.constant 48 : index
        %parallel_loop3A_2108 = tpu.vector_load %arg6[%parallel_loop3A_2106, %parallel_loop3A_2107] {strides = array<i32>} : memref<800x64xf32, #tpu.memory_space<vmem>>, vector<1x16xf32>,
        %parallel_loop3A_2109 = vector.shape_cast %parallel_loop3A_2108 : vector<1x16xf32> to vector<16xf32>
        %parallel_loop3A_2110 = arith.constant 8.000000e+00 : f32
        %parallel_loop3A_2111 = vector.broadcast %parallel_loop3A_2110 : f32 to vector<16xf32>
        %parallel_loop3A_2112 = arith.mulf %parallel_loop3A_2109, %parallel_loop3A_2111 : vector<16xf32>
        %parallel_loop3A_2113 = arith.index_cast %parallel_loop3A_2069 : i32 to index
        %parallel_loop3A_2114 = arith.constant 48 : index
        %parallel_loop3A_2115 = tpu.vector_load %arg6[%parallel_loop3A_2113, %parallel_loop3A_2114] {strides = array<i32>} : memref<800x64xf32, #tpu.memory_space<vmem>>, vector<1x16xf32>,
        %parallel_loop3A_2116 = vector.shape_cast %parallel_loop3A_2115 : vector<1x16xf32> to vector<16xf32>
        %parallel_loop3A_2117 = vector.shape_cast %parallel_loop3A_2112 : vector<16xf32> to vector<1x16xf32>
        tpu.vector_store %arg6[%parallel_loop3A_2113, %parallel_loop3A_2114], %parallel_loop3A_2117 {strides = array<i32>} : memref<800x64xf32, #tpu.memory_space<vmem>>, vector<1x16xf32>,
      } {sc.loop_unroll_factor = 4 : i64, sc.parallel_access}
      %add3A_1807 = arith.constant 1 : i32
      %add3A_1808 = arith.addi %add3A_1035, %add3A_1807 : i32
      %mul3A_1809 = arith.constant 16 : i32
      %mul3A_1810 = arith.muli %add3A_1808, %mul3A_1809 : i32
      %add3A_1811 = arith.addi %mul3A_4, %mul3A_1810 : i32
      %add3A_1812 = arith.constant 0 : i32
      %add3A_1813 = arith.addi %add3A_1811, %add3A_1812 : i32
      %dma_start3A_1814 = arith.constant 0 : i32
      %dma_start3A_1815 = arith.constant 0 : i32
      %dma_start3A_1816 = tpu.memref_slice %arg6[%dma_start3A_1814, %dma_start3A_1815] : memref<800x64xf32, #tpu.memory_space<vmem>> -> memref<50x64xf32, #tpu.memory_space<vmem>>
      %dma_start3A_1817 = arith.constant 0 : i32
      %dma_start3A_1818 = arith.constant 0 : i32
      %dma_start3A_1819 = tpu.memref_slice %arg4[%add3A_1813, %dma_start3A_1817, %dma_start3A_1818] : memref<4096x56x128xf32, #tpu.memory_space<hbm>> -> memref<1x50x64xf32, #tpu.memory_space<hbm>>
      %dma_start3A_1820 = tpu.memref_squeeze %dma_start3A_1819 : memref<1x50x64xf32, #tpu.memory_space<hbm>> -> memref<50x64xf32, #tpu.memory_space<hbm>>
      %dma_start3A_1821 = arith.constant 0 : i32
      %dma_start3A_1822 = arith.constant 0 : i32
      %dma_start3A_1823 = tpu.memref_slice %arg4[%add3A_1813, %dma_start3A_1821, %dma_start3A_1822] : memref<4096x56x128xf32, #tpu.memory_space<hbm>> -> memref<1x50x64xf32, #tpu.memory_space<hbm>>
      %dma_start3A_1824 = tpu.memref_squeeze %dma_start3A_1823 : memref<1x50x64xf32, #tpu.memory_space<hbm>> -> memref<50x64xf32, #tpu.memory_space<hbm>>
      %dma_start3A_1825 = arith.constant 0 : i32
      %dma_start3A_1826 = arith.constant 0 : i32
      %dma_start3A_1827 = tpu.memref_slice %arg6[%dma_start3A_1825, %dma_start3A_1826] : memref<800x64xf32, #tpu.memory_space<vmem>> -> memref<50x64xf32, #tpu.memory_space<vmem>>
      tpu.enqueue_dma source(%dma_start3A_1827 : memref<50x64xf32, #tpu.memory_space<vmem>>) target(%dma_start3A_1824 : memref<50x64xf32, #tpu.memory_space<hbm>>) target_semaphore(%arg10 : memref<!tpu.dma_semaphore, #tpu.memory_space<semaphore_mem>>)
      %add3A_1828 = arith.constant 1 : i32
      %add3A_1829 = arith.addi %add3A_1811, %add3A_1828 : i32
      %dma_start3A_1830 = arith.constant 50 : i32
      %dma_start3A_1831 = arith.constant 0 : i32
      %dma_start3A_1832 = tpu.memref_slice %arg6[%dma_start3A_1830, %dma_start3A_1831] : memref<800x64xf32, #tpu.memory_space<vmem>> -> memref<50x64xf32, #tpu.memory_space<vmem>>
      %dma_start3A_1833 = arith.constant 0 : i32
      %dma_start3A_1834 = arith.constant 0 : i32
      %dma_start3A_1835 = tpu.memref_slice %arg4[%add3A_1829, %dma_start3A_1833, %dma_start3A_1834] : memref<4096x56x128xf32, #tpu.memory_space<hbm>> -> memref<1x50x64xf32, #tpu.memory_space<hbm>>
      %dma_start3A_1836 = tpu.memref_squeeze %dma_start3A_1835 : memref<1x50x64xf32, #tpu.memory_space<hbm>> -> memref<50x64xf32, #tpu.memory_space<hbm>>
      %dma_start3A_1837 = arith.constant 0 : i32
      %dma_start3A_1838 = arith.constant 0 : i32
      %dma_start3A_1839 = tpu.memref_slice %arg4[%add3A_1829, %dma_start3A_1837, %dma_start3A_1838] : memref<4096x56x128xf32, #tpu.memory_space<hbm>> -> memref<1x50x64xf32, #tpu.memory_space<hbm>>
      %dma_start3A_1840 = tpu.memref_squeeze %dma_start3A_1839 : memref<1x50x64xf32, #tpu.memory_space<hbm>> -> memref<50x64xf32, #tpu.memory_space<hbm>>
      %dma_start3A_1841 = arith.constant 50 : i32
      %dma_start3A_1842 = arith.constant 0 : i32
      %dma_start3A_1843 = tpu.memref_slice %arg6[%dma_start3A_1841, %dma_start3A_1842] : memref<800x64xf32, #tpu.memory_space<vmem>> -> memref<50x64xf32, #tpu.memory_space<vmem>>
      tpu.enqueue_dma source(%dma_start3A_1843 : memref<50x64xf32, #tpu.memory_space<vmem>>) target(%dma_start3A_1840 : memref<50x64xf32, #tpu.memory_space<hbm>>) target_semaphore(%arg10 : memref<!tpu.dma_semaphore, #tpu.memory_space<semaphore_mem>>)
      %add3A_1844 = arith.constant 2 : i32
      %add3A_1845 = arith.addi %add3A_1811, %add3A_1844 : i32
      %dma_start3A_1846 = arith.constant 100 : i32
      %dma_start3A_1847 = arith.constant 0 : i32
      %dma_start3A_1848 = tpu.memref_slice %arg6[%dma_start3A_1846, %dma_start3A_1847] : memref<800x64xf32, #tpu.memory_space<vmem>> -> memref<50x64xf32, #tpu.memory_space<vmem>>
      %dma_start3A_1849 = arith.constant 0 : i32
      %dma_start3A_1850 = arith.constant 0 : i32
      %dma_start3A_1851 = tpu.memref_slice %arg4[%add3A_1845, %dma_start3A_1849, %dma_start3A_1850] : memref<4096x56x128xf32, #tpu.memory_space<hbm>> -> memref<1x50x64xf32, #tpu.memory_space<hbm>>
      %dma_start3A_1852 = tpu.memref_squeeze %dma_start3A_1851 : memref<1x50x64xf32, #tpu.memory_space<hbm>> -> memref<50x64xf32, #tpu.memory_space<hbm>>
      %dma_start3A_1853 = arith.constant 0 : i32
      %dma_start3A_1854 = arith.constant 0 : i32
      %dma_start3A_1855 = tpu.memref_slice %arg4[%add3A_1845, %dma_start3A_1853, %dma_start3A_1854] : memref<4096x56x128xf32, #tpu.memory_space<hbm>> -> memref<1x50x64xf32, #tpu.memory_space<hbm>>
      %dma_start3A_1856 = tpu.memref_squeeze %dma_start3A_1855 : memref<1x50x64xf32, #tpu.memory_space<hbm>> -> memref<50x64xf32, #tpu.memory_space<hbm>>
      %dma_start3A_1857 = arith.constant 100 : i32
      %dma_start3A_1858 = arith.constant 0 : i32
      %dma_start3A_1859 = tpu.memref_slice %arg6[%dma_start3A_1857, %dma_start3A_1858] : memref<800x64xf32, #tpu.memory_space<vmem>> -> memref<50x64xf32, #tpu.memory_space<vmem>>
      tpu.enqueue_dma source(%dma_start3A_1859 : memref<50x64xf32, #tpu.memory_space<vmem>>) target(%dma_start3A_1856 : memref<50x64xf32, #tpu.memory_space<hbm>>) target_semaphore(%arg10 : memref<!tpu.dma_semaphore, #tpu.memory_space<semaphore_mem>>)
      %add3A_1860 = arith.constant 3 : i32
      %add3A_1861 = arith.addi %add3A_1811, %add3A_1860 : i32
      %dma_start3A_1862 = arith.constant 150 : i32
      %dma_start3A_1863 = arith.constant 0 : i32
      %dma_start3A_1864 = tpu.memref_slice %arg6[%dma_start3A_1862, %dma_start3A_1863] : memref<800x64xf32, #tpu.memory_space<vmem>> -> memref<50x64xf32, #tpu.memory_space<vmem>>
      %dma_start3A_1865 = arith.constant 0 : i32
      %dma_start3A_1866 = arith.constant 0 : i32
      %dma_start3A_1867 = tpu.memref_slice %arg4[%add3A_1861, %dma_start3A_1865, %dma_start3A_1866] : memref<4096x56x128xf32, #tpu.memory_space<hbm>> -> memref<1x50x64xf32, #tpu.memory_space<hbm>>
      %dma_start3A_1868 = tpu.memref_squeeze %dma_start3A_1867 : memref<1x50x64xf32, #tpu.memory_space<hbm>> -> memref<50x64xf32, #tpu.memory_space<hbm>>
      %dma_start3A_1869 = arith.constant 0 : i32
      %dma_start3A_1870 = arith.constant 0 : i32
      %dma_start3A_1871 = tpu.memref_slice %arg4[%add3A_1861, %dma_start3A_1869, %dma_start3A_1870] : memref<4096x56x128xf32, #tpu.memory_space<hbm>> -> memref<1x50x64xf32, #tpu.memory_space<hbm>>
      %dma_start3A_1872 = tpu.memref_squeeze %dma_start3A_1871 : memref<1x50x64xf32, #tpu.memory_space<hbm>> -> memref<50x64xf32, #tpu.memory_space<hbm>>
      %dma_start3A_1873 = arith.constant 150 : i32
      %dma_start3A_1874 = arith.constant 0 : i32
      %dma_start3A_1875 = tpu.memref_slice %arg6[%dma_start3A_1873, %dma_start3A_1874] : memref<800x64xf32, #tpu.memory_space<vmem>> -> memref<50x64xf32, #tpu.memory_space<vmem>>
      tpu.enqueue_dma source(%dma_start3A_1875 : memref<50x64xf32, #tpu.memory_space<vmem>>) target(%dma_start3A_1872 : memref<50x64xf32, #tpu.memory_space<hbm>>) target_semaphore(%arg10 : memref<!tpu.dma_semaphore, #tpu.memory_space<semaphore_mem>>)
      %add3A_1876 = arith.constant 4 : i32
      %add3A_1877 = arith.addi %add3A_1811, %add3A_1876 : i32
      %dma_start3A_1878 = arith.constant 200 : i32
      %dma_start3A_1879 = arith.constant 0 : i32
      %dma_start3A_1880 = tpu.memref_slice %arg6[%dma_start3A_1878, %dma_start3A_1879] : memref<800x64xf32, #tpu.memory_space<vmem>> -> memref<50x64xf32, #tpu.memory_space<vmem>>
      %dma_start3A_1881 = arith.constant 0 : i32
      %dma_start3A_1882 = arith.constant 0 : i32
      %dma_start3A_1883 = tpu.memref_slice %arg4[%add3A_1877, %dma_start3A_1881, %dma_start3A_1882] : memref<4096x56x128xf32, #tpu.memory_space<hbm>> -> memref<1x50x64xf32, #tpu.memory_space<hbm>>
      %dma_start3A_1884 = tpu.memref_squeeze %dma_start3A_1883 : memref<1x50x64xf32, #tpu.memory_space<hbm>> -> memref<50x64xf32, #tpu.memory_space<hbm>>
      %dma_start3A_1885 = arith.constant 0 : i32
      %dma_start3A_1886 = arith.constant 0 : i32
      %dma_start3A_1887 = tpu.memref_slice %arg4[%add3A_1877, %dma_start3A_1885, %dma_start3A_1886] : memref<4096x56x128xf32, #tpu.memory_space<hbm>> -> memref<1x50x64xf32, #tpu.memory_space<hbm>>
      %dma_start3A_1888 = tpu.memref_squeeze %dma_start3A_1887 : memref<1x50x64xf32, #tpu.memory_space<hbm>> -> memref<50x64xf32, #tpu.memory_space<hbm>>
      %dma_start3A_1889 = arith.constant 200 : i32
      %dma_start3A_1890 = arith.constant 0 : i32
      %dma_start3A_1891 = tpu.memref_slice %arg6[%dma_start3A_1889, %dma_start3A_1890] : memref<800x64xf32, #tpu.memory_space<vmem>> -> memref<50x64xf32, #tpu.memory_space<vmem>>
      tpu.enqueue_dma source(%dma_start3A_1891 : memref<50x64xf32, #tpu.memory_space<vmem>>) target(%dma_start3A_1888 : memref<50x64xf32, #tpu.memory_space<hbm>>) target_semaphore(%arg10 : memref<!tpu.dma_semaphore, #tpu.memory_space<semaphore_mem>>)
      %add3A_1892 = arith.constant 5 : i32
      %add3A_1893 = arith.addi %add3A_1811, %add3A_1892 : i32
      %dma_start3A_1894 = arith.constant 250 : i32
      %dma_start3A_1895 = arith.constant 0 : i32
      %dma_start3A_1896 = tpu.memref_slice %arg6[%dma_start3A_1894, %dma_start3A_1895] : memref<800x64xf32, #tpu.memory_space<vmem>> -> memref<50x64xf32, #tpu.memory_space<vmem>>
      %dma_start3A_1897 = arith.constant 0 : i32
      %dma_start3A_1898 = arith.constant 0 : i32
      %dma_start3A_1899 = tpu.memref_slice %arg4[%add3A_1893, %dma_start3A_1897, %dma_start3A_1898] : memref<4096x56x128xf32, #tpu.memory_space<hbm>> -> memref<1x50x64xf32, #tpu.memory_space<hbm>>
      %dma_start3A_1900 = tpu.memref_squeeze %dma_start3A_1899 : memref<1x50x64xf32, #tpu.memory_space<hbm>> -> memref<50x64xf32, #tpu.memory_space<hbm>>
      %dma_start3A_1901 = arith.constant 0 : i32
      %dma_start3A_1902 = arith.constant 0 : i32
      %dma_start3A_1903 = tpu.memref_slice %arg4[%add3A_1893, %dma_start3A_1901, %dma_start3A_1902] : memref<4096x56x128xf32, #tpu.memory_space<hbm>> -> memref<1x50x64xf32, #tpu.memory_space<hbm>>
      %dma_start3A_1904 = tpu.memref_squeeze %dma_start3A_1903 : memref<1x50x64xf32, #tpu.memory_space<hbm>> -> memref<50x64xf32, #tpu.memory_space<hbm>>
      %dma_start3A_1905 = arith.constant 250 : i32
      %dma_start3A_1906 = arith.constant 0 : i32
      %dma_start3A_1907 = tpu.memref_slice %arg6[%dma_start3A_1905, %dma_start3A_1906] : memref<800x64xf32, #tpu.memory_space<vmem>> -> memref<50x64xf32, #tpu.memory_space<vmem>>
      tpu.enqueue_dma source(%dma_start3A_1907 : memref<50x64xf32, #tpu.memory_space<vmem>>) target(%dma_start3A_1904 : memref<50x64xf32, #tpu.memory_space<hbm>>) target_semaphore(%arg10 : memref<!tpu.dma_semaphore, #tpu.memory_space<semaphore_mem>>)
      %add3A_1908 = arith.constant 6 : i32
      %add3A_1909 = arith.addi %add3A_1811, %add3A_1908 : i32
      %dma_start3A_1910 = arith.constant 300 : i32
      %dma_start3A_1911 = arith.constant 0 : i32
      %dma_start3A_1912 = tpu.memref_slice %arg6[%dma_start3A_1910, %dma_start3A_1911] : memref<800x64xf32, #tpu.memory_space<vmem>> -> memref<50x64xf32, #tpu.memory_space<vmem>>
      %dma_start3A_1913 = arith.constant 0 : i32
      %dma_start3A_1914 = arith.constant 0 : i32
      %dma_start3A_1915 = tpu.memref_slice %arg4[%add3A_1909, %dma_start3A_1913, %dma_start3A_1914] : memref<4096x56x128xf32, #tpu.memory_space<hbm>> -> memref<1x50x64xf32, #tpu.memory_space<hbm>>
      %dma_start3A_1916 = tpu.memref_squeeze %dma_start3A_1915 : memref<1x50x64xf32, #tpu.memory_space<hbm>> -> memref<50x64xf32, #tpu.memory_space<hbm>>
      %dma_start3A_1917 = arith.constant 0 : i32
      %dma_start3A_1918 = arith.constant 0 : i32
      %dma_start3A_1919 = tpu.memref_slice %arg4[%add3A_1909, %dma_start3A_1917, %dma_start3A_1918] : memref<4096x56x128xf32, #tpu.memory_space<hbm>> -> memref<1x50x64xf32, #tpu.memory_space<hbm>>
      %dma_start3A_1920 = tpu.memref_squeeze %dma_start3A_1919 : memref<1x50x64xf32, #tpu.memory_space<hbm>> -> memref<50x64xf32, #tpu.memory_space<hbm>>
      %dma_start3A_1921 = arith.constant 300 : i32
      %dma_start3A_1922 = arith.constant 0 : i32
      %dma_start3A_1923 = tpu.memref_slice %arg6[%dma_start3A_1921, %dma_start3A_1922] : memref<800x64xf32, #tpu.memory_space<vmem>> -> memref<50x64xf32, #tpu.memory_space<vmem>>
      tpu.enqueue_dma source(%dma_start3A_1923 : memref<50x64xf32, #tpu.memory_space<vmem>>) target(%dma_start3A_1920 : memref<50x64xf32, #tpu.memory_space<hbm>>) target_semaphore(%arg10 : memref<!tpu.dma_semaphore, #tpu.memory_space<semaphore_mem>>)
      %add3A_1924 = arith.constant 7 : i32
      %add3A_1925 = arith.addi %add3A_1811, %add3A_1924 : i32
      %dma_start3A_1926 = arith.constant 350 : i32
      %dma_start3A_1927 = arith.constant 0 : i32
      %dma_start3A_1928 = tpu.memref_slice %arg6[%dma_start3A_1926, %dma_start3A_1927] : memref<800x64xf32, #tpu.memory_space<vmem>> -> memref<50x64xf32, #tpu.memory_space<vmem>>
      %dma_start3A_1929 = arith.constant 0 : i32
      %dma_start3A_1930 = arith.constant 0 : i32
      %dma_start3A_1931 = tpu.memref_slice %arg4[%add3A_1925, %dma_start3A_1929, %dma_start3A_1930] : memref<4096x56x128xf32, #tpu.memory_space<hbm>> -> memref<1x50x64xf32, #tpu.memory_space<hbm>>
      %dma_start3A_1932 = tpu.memref_squeeze %dma_start3A_1931 : memref<1x50x64xf32, #tpu.memory_space<hbm>> -> memref<50x64xf32, #tpu.memory_space<hbm>>
      %dma_start3A_1933 = arith.constant 0 : i32
      %dma_start3A_1934 = arith.constant 0 : i32
      %dma_start3A_1935 = tpu.memref_slice %arg4[%add3A_1925, %dma_start3A_1933, %dma_start3A_1934] : memref<4096x56x128xf32, #tpu.memory_space<hbm>> -> memref<1x50x64xf32, #tpu.memory_space<hbm>>
      %dma_start3A_1936 = tpu.memref_squeeze %dma_start3A_1935 : memref<1x50x64xf32, #tpu.memory_space<hbm>> -> memref<50x64xf32, #tpu.memory_space<hbm>>
      %dma_start3A_1937 = arith.constant 350 : i32
      %dma_start3A_1938 = arith.constant 0 : i32
      %dma_start3A_1939 = tpu.memref_slice %arg6[%dma_start3A_1937, %dma_start3A_1938] : memref<800x64xf32, #tpu.memory_space<vmem>> -> memref<50x64xf32, #tpu.memory_space<vmem>>
      tpu.enqueue_dma source(%dma_start3A_1939 : memref<50x64xf32, #tpu.memory_space<vmem>>) target(%dma_start3A_1936 : memref<50x64xf32, #tpu.memory_space<hbm>>) target_semaphore(%arg10 : memref<!tpu.dma_semaphore, #tpu.memory_space<semaphore_mem>>)
      %add3A_1940 = arith.constant 8 : i32
      %add3A_1941 = arith.addi %add3A_1811, %add3A_1940 : i32
      %dma_start3A_1942 = arith.constant 400 : i32
      %dma_start3A_1943 = arith.constant 0 : i32
      %dma_start3A_1944 = tpu.memref_slice %arg6[%dma_start3A_1942, %dma_start3A_1943] : memref<800x64xf32, #tpu.memory_space<vmem>> -> memref<50x64xf32, #tpu.memory_space<vmem>>
      %dma_start3A_1945 = arith.constant 0 : i32
      %dma_start3A_1946 = arith.constant 0 : i32
      %dma_start3A_1947 = tpu.memref_slice %arg4[%add3A_1941, %dma_start3A_1945, %dma_start3A_1946] : memref<4096x56x128xf32, #tpu.memory_space<hbm>> -> memref<1x50x64xf32, #tpu.memory_space<hbm>>
      %dma_start3A_1948 = tpu.memref_squeeze %dma_start3A_1947 : memref<1x50x64xf32, #tpu.memory_space<hbm>> -> memref<50x64xf32, #tpu.memory_space<hbm>>
      %dma_start3A_1949 = arith.constant 0 : i32
      %dma_start3A_1950 = arith.constant 0 : i32
      %dma_start3A_1951 = tpu.memref_slice %arg4[%add3A_1941, %dma_start3A_1949, %dma_start3A_1950] : memref<4096x56x128xf32, #tpu.memory_space<hbm>> -> memref<1x50x64xf32, #tpu.memory_space<hbm>>
      %dma_start3A_1952 = tpu.memref_squeeze %dma_start3A_1951 : memref<1x50x64xf32, #tpu.memory_space<hbm>> -> memref<50x64xf32, #tpu.memory_space<hbm>>
      %dma_start3A_1953 = arith.constant 400 : i32
      %dma_start3A_1954 = arith.constant 0 : i32
      %dma_start3A_1955 = tpu.memref_slice %arg6[%dma_start3A_1953, %dma_start3A_1954] : memref<800x64xf32, #tpu.memory_space<vmem>> -> memref<50x64xf32, #tpu.memory_space<vmem>>
      tpu.enqueue_dma source(%dma_start3A_1955 : memref<50x64xf32, #tpu.memory_space<vmem>>) target(%dma_start3A_1952 : memref<50x64xf32, #tpu.memory_space<hbm>>) target_semaphore(%arg10 : memref<!tpu.dma_semaphore, #tpu.memory_space<semaphore_mem>>)
      %add3A_1956 = arith.constant 9 : i32
      %add3A_1957 = arith.addi %add3A_1811, %add3A_1956 : i32
      %dma_start3A_1958 = arith.constant 450 : i32
      %dma_start3A_1959 = arith.constant 0 : i32
      %dma_start3A_1960 = tpu.memref_slice %arg6[%dma_start3A_1958, %dma_start3A_1959] : memref<800x64xf32, #tpu.memory_space<vmem>> -> memref<50x64xf32, #tpu.memory_space<vmem>>
      %dma_start3A_1961 = arith.constant 0 : i32
      %dma_start3A_1962 = arith.constant 0 : i32
      %dma_start3A_1963 = tpu.memref_slice %arg4[%add3A_1957, %dma_start3A_1961, %dma_start3A_1962] : memref<4096x56x128xf32, #tpu.memory_space<hbm>> -> memref<1x50x64xf32, #tpu.memory_space<hbm>>
      %dma_start3A_1964 = tpu.memref_squeeze %dma_start3A_1963 : memref<1x50x64xf32, #tpu.memory_space<hbm>> -> memref<50x64xf32, #tpu.memory_space<hbm>>
      %dma_start3A_1965 = arith.constant 0 : i32
      %dma_start3A_1966 = arith.constant 0 : i32
      %dma_start3A_1967 = tpu.memref_slice %arg4[%add3A_1957, %dma_start3A_1965, %dma_start3A_1966] : memref<4096x56x128xf32, #tpu.memory_space<hbm>> -> memref<1x50x64xf32, #tpu.memory_space<hbm>>
      %dma_start3A_1968 = tpu.memref_squeeze %dma_start3A_1967 : memref<1x50x64xf32, #tpu.memory_space<hbm>> -> memref<50x64xf32, #tpu.memory_space<hbm>>
      %dma_start3A_1969 = arith.constant 450 : i32
      %dma_start3A_1970 = arith.constant 0 : i32
      %dma_start3A_1971 = tpu.memref_slice %arg6[%dma_start3A_1969, %dma_start3A_1970] : memref<800x64xf32, #tpu.memory_space<vmem>> -> memref<50x64xf32, #tpu.memory_space<vmem>>
      tpu.enqueue_dma source(%dma_start3A_1971 : memref<50x64xf32, #tpu.memory_space<vmem>>) target(%dma_start3A_1968 : memref<50x64xf32, #tpu.memory_space<hbm>>) target_semaphore(%arg10 : memref<!tpu.dma_semaphore, #tpu.memory_space<semaphore_mem>>)
      %add3A_1972 = arith.constant 10 : i32
      %add3A_1973 = arith.addi %add3A_1811, %add3A_1972 : i32
      %dma_start3A_1974 = arith.constant 500 : i32
      %dma_start3A_1975 = arith.constant 0 : i32
      %dma_start3A_1976 = tpu.memref_slice %arg6[%dma_start3A_1974, %dma_start3A_1975] : memref<800x64xf32, #tpu.memory_space<vmem>> -> memref<50x64xf32, #tpu.memory_space<vmem>>
      %dma_start3A_1977 = arith.constant 0 : i32
      %dma_start3A_1978 = arith.constant 0 : i32
      %dma_start3A_1979 = tpu.memref_slice %arg4[%add3A_1973, %dma_start3A_1977, %dma_start3A_1978] : memref<4096x56x128xf32, #tpu.memory_space<hbm>> -> memref<1x50x64xf32, #tpu.memory_space<hbm>>
      %dma_start3A_1980 = tpu.memref_squeeze %dma_start3A_1979 : memref<1x50x64xf32, #tpu.memory_space<hbm>> -> memref<50x64xf32, #tpu.memory_space<hbm>>
      %dma_start3A_1981 = arith.constant 0 : i32
      %dma_start3A_1982 = arith.constant 0 : i32
      %dma_start3A_1983 = tpu.memref_slice %arg4[%add3A_1973, %dma_start3A_1981, %dma_start3A_1982] : memref<4096x56x128xf32, #tpu.memory_space<hbm>> -> memref<1x50x64xf32, #tpu.memory_space<hbm>>
      %dma_start3A_1984 = tpu.memref_squeeze %dma_start3A_1983 : memref<1x50x64xf32, #tpu.memory_space<hbm>> -> memref<50x64xf32, #tpu.memory_space<hbm>>
      %dma_start3A_1985 = arith.constant 500 : i32
      %dma_start3A_1986 = arith.constant 0 : i32
      %dma_start3A_1987 = tpu.memref_slice %arg6[%dma_start3A_1985, %dma_start3A_1986] : memref<800x64xf32, #tpu.memory_space<vmem>> -> memref<50x64xf32, #tpu.memory_space<vmem>>
      tpu.enqueue_dma source(%dma_start3A_1987 : memref<50x64xf32, #tpu.memory_space<vmem>>) target(%dma_start3A_1984 : memref<50x64xf32, #tpu.memory_space<hbm>>) target_semaphore(%arg10 : memref<!tpu.dma_semaphore, #tpu.memory_space<semaphore_mem>>)
      %add3A_1988 = arith.constant 11 : i32
      %add3A_1989 = arith.addi %add3A_1811, %add3A_1988 : i32
      %dma_start3A_1990 = arith.constant 550 : i32
      %dma_start3A_1991 = arith.constant 0 : i32
      %dma_start3A_1992 = tpu.memref_slice %arg6[%dma_start3A_1990, %dma_start3A_1991] : memref<800x64xf32, #tpu.memory_space<vmem>> -> memref<50x64xf32, #tpu.memory_space<vmem>>
      %dma_start3A_1993 = arith.constant 0 : i32
      %dma_start3A_1994 = arith.constant 0 : i32
      %dma_start3A_1995 = tpu.memref_slice %arg4[%add3A_1989, %dma_start3A_1993, %dma_start3A_1994] : memref<4096x56x128xf32, #tpu.memory_space<hbm>> -> memref<1x50x64xf32, #tpu.memory_space<hbm>>
      %dma_start3A_1996 = tpu.memref_squeeze %dma_start3A_1995 : memref<1x50x64xf32, #tpu.memory_space<hbm>> -> memref<50x64xf32, #tpu.memory_space<hbm>>
      %dma_start3A_1997 = arith.constant 0 : i32
      %dma_start3A_1998 = arith.constant 0 : i32
      %dma_start3A_1999 = tpu.memref_slice %arg4[%add3A_1989, %dma_start3A_1997, %dma_start3A_1998] : memref<4096x56x128xf32, #tpu.memory_space<hbm>> -> memref<1x50x64xf32, #tpu.memory_space<hbm>>
      %dma_start3A_2000 = tpu.memref_squeeze %dma_start3A_1999 : memref<1x50x64xf32, #tpu.memory_space<hbm>> -> memref<50x64xf32, #tpu.memory_space<hbm>>
      %dma_start3A_2001 = arith.constant 550 : i32
      %dma_start3A_2002 = arith.constant 0 : i32
      %dma_start3A_2003 = tpu.memref_slice %arg6[%dma_start3A_2001, %dma_start3A_2002] : memref<800x64xf32, #tpu.memory_space<vmem>> -> memref<50x64xf32, #tpu.memory_space<vmem>>
      tpu.enqueue_dma source(%dma_start3A_2003 : memref<50x64xf32, #tpu.memory_space<vmem>>) target(%dma_start3A_2000 : memref<50x64xf32, #tpu.memory_space<hbm>>) target_semaphore(%arg10 : memref<!tpu.dma_semaphore, #tpu.memory_space<semaphore_mem>>)
      %add3A_2004 = arith.constant 12 : i32
      %add3A_2005 = arith.addi %add3A_1811, %add3A_2004 : i32
      %dma_start3A_2006 = arith.constant 600 : i32
      %dma_start3A_2007 = arith.constant 0 : i32
      %dma_start3A_2008 = tpu.memref_slice %arg6[%dma_start3A_2006, %dma_start3A_2007] : memref<800x64xf32, #tpu.memory_space<vmem>> -> memref<50x64xf32, #tpu.memory_space<vmem>>
      %dma_start3A_2009 = arith.constant 0 : i32
      %dma_start3A_2010 = arith.constant 0 : i32
      %dma_start3A_2011 = tpu.memref_slice %arg4[%add3A_2005, %dma_start3A_2009, %dma_start3A_2010] : memref<4096x56x128xf32, #tpu.memory_space<hbm>> -> memref<1x50x64xf32, #tpu.memory_space<hbm>>
      %dma_start3A_2012 = tpu.memref_squeeze %dma_start3A_2011 : memref<1x50x64xf32, #tpu.memory_space<hbm>> -> memref<50x64xf32, #tpu.memory_space<hbm>>
      %dma_start3A_2013 = arith.constant 0 : i32
      %dma_start3A_2014 = arith.constant 0 : i32
      %dma_start3A_2015 = tpu.memref_slice %arg4[%add3A_2005, %dma_start3A_2013, %dma_start3A_2014] : memref<4096x56x128xf32, #tpu.memory_space<hbm>> -> memref<1x50x64xf32, #tpu.memory_space<hbm>>
      %dma_start3A_2016 = tpu.memref_squeeze %dma_start3A_2015 : memref<1x50x64xf32, #tpu.memory_space<hbm>> -> memref<50x64xf32, #tpu.memory_space<hbm>>
      %dma_start3A_2017 = arith.constant 600 : i32
      %dma_start3A_2018 = arith.constant 0 : i32
      %dma_start3A_2019 = tpu.memref_slice %arg6[%dma_start3A_2017, %dma_start3A_2018] : memref<800x64xf32, #tpu.memory_space<vmem>> -> memref<50x64xf32, #tpu.memory_space<vmem>>
      tpu.enqueue_dma source(%dma_start3A_2019 : memref<50x64xf32, #tpu.memory_space<vmem>>) target(%dma_start3A_2016 : memref<50x64xf32, #tpu.memory_space<hbm>>) target_semaphore(%arg10 : memref<!tpu.dma_semaphore, #tpu.memory_space<semaphore_mem>>)
      %add3A_2020 = arith.constant 13 : i32
      %add3A_2021 = arith.addi %add3A_1811, %add3A_2020 : i32
      %dma_start3A_2022 = arith.constant 650 : i32
      %dma_start3A_2023 = arith.constant 0 : i32
      %dma_start3A_2024 = tpu.memref_slice %arg6[%dma_start3A_2022, %dma_start3A_2023] : memref<800x64xf32, #tpu.memory_space<vmem>> -> memref<50x64xf32, #tpu.memory_space<vmem>>
      %dma_start3A_2025 = arith.constant 0 : i32
      %dma_start3A_2026 = arith.constant 0 : i32
      %dma_start3A_2027 = tpu.memref_slice %arg4[%add3A_2021, %dma_start3A_2025, %dma_start3A_2026] : memref<4096x56x128xf32, #tpu.memory_space<hbm>> -> memref<1x50x64xf32, #tpu.memory_space<hbm>>
      %dma_start3A_2028 = tpu.memref_squeeze %dma_start3A_2027 : memref<1x50x64xf32, #tpu.memory_space<hbm>> -> memref<50x64xf32, #tpu.memory_space<hbm>>
      %dma_start3A_2029 = arith.constant 0 : i32
      %dma_start3A_2030 = arith.constant 0 : i32
      %dma_start3A_2031 = tpu.memref_slice %arg4[%add3A_2021, %dma_start3A_2029, %dma_start3A_2030] : memref<4096x56x128xf32, #tpu.memory_space<hbm>> -> memref<1x50x64xf32, #tpu.memory_space<hbm>>
      %dma_start3A_2032 = tpu.memref_squeeze %dma_start3A_2031 : memref<1x50x64xf32, #tpu.memory_space<hbm>> -> memref<50x64xf32, #tpu.memory_space<hbm>>
      %dma_start3A_2033 = arith.constant 650 : i32
      %dma_start3A_2034 = arith.constant 0 : i32
      %dma_start3A_2035 = tpu.memref_slice %arg6[%dma_start3A_2033, %dma_start3A_2034] : memref<800x64xf32, #tpu.memory_space<vmem>> -> memref<50x64xf32, #tpu.memory_space<vmem>>
      tpu.enqueue_dma source(%dma_start3A_2035 : memref<50x64xf32, #tpu.memory_space<vmem>>) target(%dma_start3A_2032 : memref<50x64xf32, #tpu.memory_space<hbm>>) target_semaphore(%arg10 : memref<!tpu.dma_semaphore, #tpu.memory_space<semaphore_mem>>)
      %add3A_2036 = arith.constant 14 : i32
      %add3A_2037 = arith.addi %add3A_1811, %add3A_2036 : i32
      %dma_start3A_2038 = arith.constant 700 : i32
      %dma_start3A_2039 = arith.constant 0 : i32
      %dma_start3A_2040 = tpu.memref_slice %arg6[%dma_start3A_2038, %dma_start3A_2039] : memref<800x64xf32, #tpu.memory_space<vmem>> -> memref<50x64xf32, #tpu.memory_space<vmem>>
      %dma_start3A_2041 = arith.constant 0 : i32
      %dma_start3A_2042 = arith.constant 0 : i32
      %dma_start3A_2043 = tpu.memref_slice %arg4[%add3A_2037, %dma_start3A_2041, %dma_start3A_2042] : memref<4096x56x128xf32, #tpu.memory_space<hbm>> -> memref<1x50x64xf32, #tpu.memory_space<hbm>>
      %dma_start3A_2044 = tpu.memref_squeeze %dma_start3A_2043 : memref<1x50x64xf32, #tpu.memory_space<hbm>> -> memref<50x64xf32, #tpu.memory_space<hbm>>
      %dma_start3A_2045 = arith.constant 0 : i32
      %dma_start3A_2046 = arith.constant 0 : i32
      %dma_start3A_2047 = tpu.memref_slice %arg4[%add3A_2037, %dma_start3A_2045, %dma_start3A_2046] : memref<4096x56x128xf32, #tpu.memory_space<hbm>> -> memref<1x50x64xf32, #tpu.memory_space<hbm>>
      %dma_start3A_2048 = tpu.memref_squeeze %dma_start3A_2047 : memref<1x50x64xf32, #tpu.memory_space<hbm>> -> memref<50x64xf32, #tpu.memory_space<hbm>>
      %dma_start3A_2049 = arith.constant 700 : i32
      %dma_start3A_2050 = arith.constant 0 : i32
      %dma_start3A_2051 = tpu.memref_slice %arg6[%dma_start3A_2049, %dma_start3A_2050] : memref<800x64xf32, #tpu.memory_space<vmem>> -> memref<50x64xf32, #tpu.memory_space<vmem>>
      tpu.enqueue_dma source(%dma_start3A_2051 : memref<50x64xf32, #tpu.memory_space<vmem>>) target(%dma_start3A_2048 : memref<50x64xf32, #tpu.memory_space<hbm>>) target_semaphore(%arg10 : memref<!tpu.dma_semaphore, #tpu.memory_space<semaphore_mem>>)
      %add3A_2052 = arith.constant 15 : i32
      %add3A_2053 = arith.addi %add3A_1811, %add3A_2052 : i32
      %dma_start3A_2054 = arith.constant 750 : i32
      %dma_start3A_2055 = arith.constant 0 : i32
      %dma_start3A_2056 = tpu.memref_slice %arg6[%dma_start3A_2054, %dma_start3A_2055] : memref<800x64xf32, #tpu.memory_space<vmem>> -> memref<50x64xf32, #tpu.memory_space<vmem>>
      %dma_start3A_2057 = arith.constant 0 : i32
      %dma_start3A_2058 = arith.constant 0 : i32
      %dma_start3A_2059 = tpu.memref_slice %arg4[%add3A_2053, %dma_start3A_2057, %dma_start3A_2058] : memref<4096x56x128xf32, #tpu.memory_space<hbm>> -> memref<1x50x64xf32, #tpu.memory_space<hbm>>
      %dma_start3A_2060 = tpu.memref_squeeze %dma_start3A_2059 : memref<1x50x64xf32, #tpu.memory_space<hbm>> -> memref<50x64xf32, #tpu.memory_space<hbm>>
      %dma_start3A_2061 = arith.constant 0 : i32
      %dma_start3A_2062 = arith.constant 0 : i32
      %dma_start3A_2063 = tpu.memref_slice %arg4[%add3A_2053, %dma_start3A_2061, %dma_start3A_2062] : memref<4096x56x128xf32, #tpu.memory_space<hbm>> -> memref<1x50x64xf32, #tpu.memory_space<hbm>>
      %dma_start3A_2064 = tpu.memref_squeeze %dma_start3A_2063 : memref<1x50x64xf32, #tpu.memory_space<hbm>> -> memref<50x64xf32, #tpu.memory_space<hbm>>
      %dma_start3A_2065 = arith.constant 750 : i32
      %dma_start3A_2066 = arith.constant 0 : i32
      %dma_start3A_2067 = tpu.memref_slice %arg6[%dma_start3A_2065, %dma_start3A_2066] : memref<800x64xf32, #tpu.memory_space<vmem>> -> memref<50x64xf32, #tpu.memory_space<vmem>>
      tpu.enqueue_dma source(%dma_start3A_2067 : memref<50x64xf32, #tpu.memory_space<vmem>>) target(%dma_start3A_2064 : memref<50x64xf32, #tpu.memory_space<hbm>>) target_semaphore(%arg10 : memref<!tpu.dma_semaphore, #tpu.memory_space<semaphore_mem>>)
      %scan3A_2068 = arith.constant 0 : i32
      scf.yield %scan3A_2068 : i32
    }
    %scan3A_283 = arith.constant 3 : i32
    %dma_wait3A_284 = arith.constant 0 : i32
    %dma_wait3A_285 = tpu.memref_slice %arg5[%dma_wait3A_284] : memref<6400xi32, #tpu.memory_space<vmem>> -> memref<800xi32, #tpu.memory_space<vmem>>
    %dma_wait3A_286 = arith.constant 0 : i32
    %dma_wait3A_287 = arith.constant 0 : i32
    %dma_wait3A_288 = tpu.memref_slice %arg2[%dma_wait3A_286, %dma_wait3A_287] : memref<1000000x64xf32, #tpu.memory_space<hbm>> -> memref<1000000x64xf32, #tpu.memory_space<hbm>>
    tpu.wait_indirect_dma semaphore(%arg9 : memref<!tpu.dma_semaphore, #tpu.memory_space<semaphore_mem>>) src(%dma_wait3A_288 : memref<1000000x64xf32, #tpu.memory_space<hbm>>) dst(%arg7 : memref<800x64xf32, #tpu.memory_space<vmem>>)
    %parallel_loop3A_289 = arith.constant 0 : i32
    %parallel_loop3A_290 = arith.constant 800 : i32
    %parallel_loop3A_291 = arith.constant 1 : i32
    scf.for %parallel_loop3A_1030 = %parallel_loop3A_289 to %parallel_loop3A_290 step %parallel_loop3A_291  : i32 {
      %parallel_loop3A_1031 = arith.index_cast %parallel_loop3A_1030 : i32 to index
      %parallel_loop3A_1032 = arith.constant 0 : index
      %parallel_loop3A_1033 = tpu.vector_load %arg7[%parallel_loop3A_1031, %parallel_loop3A_1032] {strides = array<i32>} : memref<800x64xf32, #tpu.memory_space<vmem>>, vector<1x16xf32>,
      %parallel_loop3A_1034 = vector.shape_cast %parallel_loop3A_1033 : vector<1x16xf32> to vector<16xf32>
      %parallel_loop3A_1035 = arith.constant 8.000000e+00 : f32
      %parallel_loop3A_1036 = vector.broadcast %parallel_loop3A_1035 : f32 to vector<16xf32>
      %parallel_loop3A_1037 = arith.mulf %parallel_loop3A_1034, %parallel_loop3A_1036 : vector<16xf32>
      %parallel_loop3A_1038 = arith.index_cast %parallel_loop3A_1030 : i32 to index
      %parallel_loop3A_1039 = arith.constant 0 : index
      %parallel_loop3A_1040 = tpu.vector_load %arg7[%parallel_loop3A_1038, %parallel_loop3A_1039] {strides = array<i32>} : memref<800x64xf32, #tpu.memory_space<vmem>>, vector<1x16xf32>,
      %parallel_loop3A_1041 = vector.shape_cast %parallel_loop3A_1040 : vector<1x16xf32> to vector<16xf32>
      %parallel_loop3A_1042 = vector.shape_cast %parallel_loop3A_1037 : vector<16xf32> to vector<1x16xf32>
      tpu.vector_store %arg7[%parallel_loop3A_1038, %parallel_loop3A_1039], %parallel_loop3A_1042 {strides = array<i32>} : memref<800x64xf32, #tpu.memory_space<vmem>>, vector<1x16xf32>,
      %parallel_loop3A_1043 = arith.index_cast %parallel_loop3A_1030 : i32 to index
      %parallel_loop3A_1044 = arith.constant 16 : index
      %parallel_loop3A_1045 = tpu.vector_load %arg7[%parallel_loop3A_1043, %parallel_loop3A_1044] {strides = array<i32>} : memref<800x64xf32, #tpu.memory_space<vmem>>, vector<1x16xf32>,
      %parallel_loop3A_1046 = vector.shape_cast %parallel_loop3A_1045 : vector<1x16xf32> to vector<16xf32>
      %parallel_loop3A_1047 = arith.constant 8.000000e+00 : f32
      %parallel_loop3A_1048 = vector.broadcast %parallel_loop3A_1047 : f32 to vector<16xf32>
      %parallel_loop3A_1049 = arith.mulf %parallel_loop3A_1046, %parallel_loop3A_1048 : vector<16xf32>
      %parallel_loop3A_1050 = arith.index_cast %parallel_loop3A_1030 : i32 to index
      %parallel_loop3A_1051 = arith.constant 16 : index
      %parallel_loop3A_1052 = tpu.vector_load %arg7[%parallel_loop3A_1050, %parallel_loop3A_1051] {strides = array<i32>} : memref<800x64xf32, #tpu.memory_space<vmem>>, vector<1x16xf32>,
      %parallel_loop3A_1053 = vector.shape_cast %parallel_loop3A_1052 : vector<1x16xf32> to vector<16xf32>
      %parallel_loop3A_1054 = vector.shape_cast %parallel_loop3A_1049 : vector<16xf32> to vector<1x16xf32>
      tpu.vector_store %arg7[%parallel_loop3A_1050, %parallel_loop3A_1051], %parallel_loop3A_1054 {strides = array<i32>} : memref<800x64xf32, #tpu.memory_space<vmem>>, vector<1x16xf32>,
      %parallel_loop3A_1055 = arith.index_cast %parallel_loop3A_1030 : i32 to index
      %parallel_loop3A_1056 = arith.constant 32 : index
      %parallel_loop3A_1057 = tpu.vector_load %arg7[%parallel_loop3A_1055, %parallel_loop3A_1056] {strides = array<i32>} : memref<800x64xf32, #tpu.memory_space<vmem>>, vector<1x16xf32>,
      %parallel_loop3A_1058 = vector.shape_cast %parallel_loop3A_1057 : vector<1x16xf32> to vector<16xf32>
      %parallel_loop3A_1059 = arith.constant 8.000000e+00 : f32
      %parallel_loop3A_1060 = vector.broadcast %parallel_loop3A_1059 : f32 to vector<16xf32>
      %parallel_loop3A_1061 = arith.mulf %parallel_loop3A_1058, %parallel_loop3A_1060 : vector<16xf32>
      %parallel_loop3A_1062 = arith.index_cast %parallel_loop3A_1030 : i32 to index
      %parallel_loop3A_1063 = arith.constant 32 : index
      %parallel_loop3A_1064 = tpu.vector_load %arg7[%parallel_loop3A_1062, %parallel_loop3A_1063] {strides = array<i32>} : memref<800x64xf32, #tpu.memory_space<vmem>>, vector<1x16xf32>,
      %parallel_loop3A_1065 = vector.shape_cast %parallel_loop3A_1064 : vector<1x16xf32> to vector<16xf32>
      %parallel_loop3A_1066 = vector.shape_cast %parallel_loop3A_1061 : vector<16xf32> to vector<1x16xf32>
      tpu.vector_store %arg7[%parallel_loop3A_1062, %parallel_loop3A_1063], %parallel_loop3A_1066 {strides = array<i32>} : memref<800x64xf32, #tpu.memory_space<vmem>>, vector<1x16xf32>,
      %parallel_loop3A_1067 = arith.index_cast %parallel_loop3A_1030 : i32 to index
      %parallel_loop3A_1068 = arith.constant 48 : index
      %parallel_loop3A_1069 = tpu.vector_load %arg7[%parallel_loop3A_1067, %parallel_loop3A_1068] {strides = array<i32>} : memref<800x64xf32, #tpu.memory_space<vmem>>, vector<1x16xf32>,
      %parallel_loop3A_1070 = vector.shape_cast %parallel_loop3A_1069 : vector<1x16xf32> to vector<16xf32>
      %parallel_loop3A_1071 = arith.constant 8.000000e+00 : f32
      %parallel_loop3A_1072 = vector.broadcast %parallel_loop3A_1071 : f32 to vector<16xf32>
      %parallel_loop3A_1073 = arith.mulf %parallel_loop3A_1070, %parallel_loop3A_1072 : vector<16xf32>
      %parallel_loop3A_1074 = arith.index_cast %parallel_loop3A_1030 : i32 to index
      %parallel_loop3A_1075 = arith.constant 48 : index
      %parallel_loop3A_1076 = tpu.vector_load %arg7[%parallel_loop3A_1074, %parallel_loop3A_1075] {strides = array<i32>} : memref<800x64xf32, #tpu.memory_space<vmem>>, vector<1x16xf32>,
      %parallel_loop3A_1077 = vector.shape_cast %parallel_loop3A_1076 : vector<1x16xf32> to vector<16xf32>
      %parallel_loop3A_1078 = vector.shape_cast %parallel_loop3A_1073 : vector<16xf32> to vector<1x16xf32>
      tpu.vector_store %arg7[%parallel_loop3A_1074, %parallel_loop3A_1075], %parallel_loop3A_1078 {strides = array<i32>} : memref<800x64xf32, #tpu.memory_space<vmem>>, vector<1x16xf32>,
    } {sc.loop_unroll_factor = 4 : i64, sc.parallel_access}
    %add3A_292 = arith.constant 112 : i32
    %add3A_293 = arith.addi %mul3A_4, %add3A_292 : i32
    %add3A_294 = arith.constant 0 : i32
    %add3A_295 = arith.addi %add3A_293, %add3A_294 : i32
    %dma_start3A_296 = arith.constant 0 : i32
    %dma_start3A_297 = arith.constant 0 : i32
    %dma_start3A_298 = tpu.memref_slice %arg7[%dma_start3A_296, %dma_start3A_297] : memref<800x64xf32, #tpu.memory_space<vmem>> -> memref<50x64xf32, #tpu.memory_space<vmem>>
    %dma_start3A_299 = arith.constant 0 : i32
    %dma_start3A_300 = arith.constant 0 : i32
    %dma_start3A_301 = tpu.memref_slice %arg4[%add3A_295, %dma_start3A_299, %dma_start3A_300] : memref<4096x56x128xf32, #tpu.memory_space<hbm>> -> memref<1x50x64xf32, #tpu.memory_space<hbm>>
    %dma_start3A_302 = tpu.memref_squeeze %dma_start3A_301 : memref<1x50x64xf32, #tpu.memory_space<hbm>> -> memref<50x64xf32, #tpu.memory_space<hbm>>
    %dma_start3A_303 = arith.constant 0 : i32
    %dma_start3A_304 = arith.constant 0 : i32
    %dma_start3A_305 = tpu.memref_slice %arg4[%add3A_295, %dma_start3A_303, %dma_start3A_304] : memref<4096x56x128xf32, #tpu.memory_space<hbm>> -> memref<1x50x64xf32, #tpu.memory_space<hbm>>
    %dma_start3A_306 = tpu.memref_squeeze %dma_start3A_305 : memref<1x50x64xf32, #tpu.memory_space<hbm>> -> memref<50x64xf32, #tpu.memory_space<hbm>>
    %dma_start3A_307 = arith.constant 0 : i32
    %dma_start3A_308 = arith.constant 0 : i32
    %dma_start3A_309 = tpu.memref_slice %arg7[%dma_start3A_307, %dma_start3A_308] : memref<800x64xf32, #tpu.memory_space<vmem>> -> memref<50x64xf32, #tpu.memory_space<vmem>>
    tpu.enqueue_dma source(%dma_start3A_309 : memref<50x64xf32, #tpu.memory_space<vmem>>) target(%dma_start3A_306 : memref<50x64xf32, #tpu.memory_space<hbm>>) target_semaphore(%arg11 : memref<!tpu.dma_semaphore, #tpu.memory_space<semaphore_mem>>)
    %add3A_310 = arith.constant 1 : i32
    %add3A_311 = arith.addi %add3A_293, %add3A_310 : i32
    %dma_start3A_312 = arith.constant 50 : i32
    %dma_start3A_313 = arith.constant 0 : i32
    %dma_start3A_314 = tpu.memref_slice %arg7[%dma_start3A_312, %dma_start3A_313] : memref<800x64xf32, #tpu.memory_space<vmem>> -> memref<50x64xf32, #tpu.memory_space<vmem>>
    %dma_start3A_315 = arith.constant 0 : i32
    %dma_start3A_316 = arith.constant 0 : i32
    %dma_start3A_317 = tpu.memref_slice %arg4[%add3A_311, %dma_start3A_315, %dma_start3A_316] : memref<4096x56x128xf32, #tpu.memory_space<hbm>> -> memref<1x50x64xf32, #tpu.memory_space<hbm>>
    %dma_start3A_318 = tpu.memref_squeeze %dma_start3A_317 : memref<1x50x64xf32, #tpu.memory_space<hbm>> -> memref<50x64xf32, #tpu.memory_space<hbm>>
    %dma_start3A_319 = arith.constant 0 : i32
    %dma_start3A_320 = arith.constant 0 : i32
    %dma_start3A_321 = tpu.memref_slice %arg4[%add3A_311, %dma_start3A_319, %dma_start3A_320] : memref<4096x56x128xf32, #tpu.memory_space<hbm>> -> memref<1x50x64xf32, #tpu.memory_space<hbm>>
    %dma_start3A_322 = tpu.memref_squeeze %dma_start3A_321 : memref<1x50x64xf32, #tpu.memory_space<hbm>> -> memref<50x64xf32, #tpu.memory_space<hbm>>
    %dma_start3A_323 = arith.constant 50 : i32
    %dma_start3A_324 = arith.constant 0 : i32
    %dma_start3A_325 = tpu.memref_slice %arg7[%dma_start3A_323, %dma_start3A_324] : memref<800x64xf32, #tpu.memory_space<vmem>> -> memref<50x64xf32, #tpu.memory_space<vmem>>
    tpu.enqueue_dma source(%dma_start3A_325 : memref<50x64xf32, #tpu.memory_space<vmem>>) target(%dma_start3A_322 : memref<50x64xf32, #tpu.memory_space<hbm>>) target_semaphore(%arg11 : memref<!tpu.dma_semaphore, #tpu.memory_space<semaphore_mem>>)
    %add3A_326 = arith.constant 2 : i32
    %add3A_327 = arith.addi %add3A_293, %add3A_326 : i32
    %dma_start3A_328 = arith.constant 100 : i32
    %dma_start3A_329 = arith.constant 0 : i32
    %dma_start3A_330 = tpu.memref_slice %arg7[%dma_start3A_328, %dma_start3A_329] : memref<800x64xf32, #tpu.memory_space<vmem>> -> memref<50x64xf32, #tpu.memory_space<vmem>>
    %dma_start3A_331 = arith.constant 0 : i32
    %dma_start3A_332 = arith.constant 0 : i32
    %dma_start3A_333 = tpu.memref_slice %arg4[%add3A_327, %dma_start3A_331, %dma_start3A_332] : memref<4096x56x128xf32, #tpu.memory_space<hbm>> -> memref<1x50x64xf32, #tpu.memory_space<hbm>>
    %dma_start3A_334 = tpu.memref_squeeze %dma_start3A_333 : memref<1x50x64xf32, #tpu.memory_space<hbm>> -> memref<50x64xf32, #tpu.memory_space<hbm>>
    %dma_start3A_335 = arith.constant 0 : i32
    %dma_start3A_336 = arith.constant 0 : i32
    %dma_start3A_337 = tpu.memref_slice %arg4[%add3A_327, %dma_start3A_335, %dma_start3A_336] : memref<4096x56x128xf32, #tpu.memory_space<hbm>> -> memref<1x50x64xf32, #tpu.memory_space<hbm>>
    %dma_start3A_338 = tpu.memref_squeeze %dma_start3A_337 : memref<1x50x64xf32, #tpu.memory_space<hbm>> -> memref<50x64xf32, #tpu.memory_space<hbm>>
    %dma_start3A_339 = arith.constant 100 : i32
    %dma_start3A_340 = arith.constant 0 : i32
    %dma_start3A_341 = tpu.memref_slice %arg7[%dma_start3A_339, %dma_start3A_340] : memref<800x64xf32, #tpu.memory_space<vmem>> -> memref<50x64xf32, #tpu.memory_space<vmem>>
    tpu.enqueue_dma source(%dma_start3A_341 : memref<50x64xf32, #tpu.memory_space<vmem>>) target(%dma_start3A_338 : memref<50x64xf32, #tpu.memory_space<hbm>>) target_semaphore(%arg11 : memref<!tpu.dma_semaphore, #tpu.memory_space<semaphore_mem>>)
    %add3A_342 = arith.constant 3 : i32
    %add3A_343 = arith.addi %add3A_293, %add3A_342 : i32
    %dma_start3A_344 = arith.constant 150 : i32
    %dma_start3A_345 = arith.constant 0 : i32
    %dma_start3A_346 = tpu.memref_slice %arg7[%dma_start3A_344, %dma_start3A_345] : memref<800x64xf32, #tpu.memory_space<vmem>> -> memref<50x64xf32, #tpu.memory_space<vmem>>
    %dma_start3A_347 = arith.constant 0 : i32
    %dma_start3A_348 = arith.constant 0 : i32
    %dma_start3A_349 = tpu.memref_slice %arg4[%add3A_343, %dma_start3A_347, %dma_start3A_348] : memref<4096x56x128xf32, #tpu.memory_space<hbm>> -> memref<1x50x64xf32, #tpu.memory_space<hbm>>
    %dma_start3A_350 = tpu.memref_squeeze %dma_start3A_349 : memref<1x50x64xf32, #tpu.memory_space<hbm>> -> memref<50x64xf32, #tpu.memory_space<hbm>>
    %dma_start3A_351 = arith.constant 0 : i32
    %dma_start3A_352 = arith.constant 0 : i32
    %dma_start3A_353 = tpu.memref_slice %arg4[%add3A_343, %dma_start3A_351, %dma_start3A_352] : memref<4096x56x128xf32, #tpu.memory_space<hbm>> -> memref<1x50x64xf32, #tpu.memory_space<hbm>>
    %dma_start3A_354 = tpu.memref_squeeze %dma_start3A_353 : memref<1x50x64xf32, #tpu.memory_space<hbm>> -> memref<50x64xf32, #tpu.memory_space<hbm>>
    %dma_start3A_355 = arith.constant 150 : i32
    %dma_start3A_356 = arith.constant 0 : i32
    %dma_start3A_357 = tpu.memref_slice %arg7[%dma_start3A_355, %dma_start3A_356] : memref<800x64xf32, #tpu.memory_space<vmem>> -> memref<50x64xf32, #tpu.memory_space<vmem>>
    tpu.enqueue_dma source(%dma_start3A_357 : memref<50x64xf32, #tpu.memory_space<vmem>>) target(%dma_start3A_354 : memref<50x64xf32, #tpu.memory_space<hbm>>) target_semaphore(%arg11 : memref<!tpu.dma_semaphore, #tpu.memory_space<semaphore_mem>>)
    %add3A_358 = arith.constant 4 : i32
    %add3A_359 = arith.addi %add3A_293, %add3A_358 : i32
    %dma_start3A_360 = arith.constant 200 : i32
    %dma_start3A_361 = arith.constant 0 : i32
    %dma_start3A_362 = tpu.memref_slice %arg7[%dma_start3A_360, %dma_start3A_361] : memref<800x64xf32, #tpu.memory_space<vmem>> -> memref<50x64xf32, #tpu.memory_space<vmem>>
    %dma_start3A_363 = arith.constant 0 : i32
    %dma_start3A_364 = arith.constant 0 : i32
    %dma_start3A_365 = tpu.memref_slice %arg4[%add3A_359, %dma_start3A_363, %dma_start3A_364] : memref<4096x56x128xf32, #tpu.memory_space<hbm>> -> memref<1x50x64xf32, #tpu.memory_space<hbm>>
    %dma_start3A_366 = tpu.memref_squeeze %dma_start3A_365 : memref<1x50x64xf32, #tpu.memory_space<hbm>> -> memref<50x64xf32, #tpu.memory_space<hbm>>
    %dma_start3A_367 = arith.constant 0 : i32
    %dma_start3A_368 = arith.constant 0 : i32
    %dma_start3A_369 = tpu.memref_slice %arg4[%add3A_359, %dma_start3A_367, %dma_start3A_368] : memref<4096x56x128xf32, #tpu.memory_space<hbm>> -> memref<1x50x64xf32, #tpu.memory_space<hbm>>
    %dma_start3A_370 = tpu.memref_squeeze %dma_start3A_369 : memref<1x50x64xf32, #tpu.memory_space<hbm>> -> memref<50x64xf32, #tpu.memory_space<hbm>>
    %dma_start3A_371 = arith.constant 200 : i32
    %dma_start3A_372 = arith.constant 0 : i32
    %dma_start3A_373 = tpu.memref_slice %arg7[%dma_start3A_371, %dma_start3A_372] : memref<800x64xf32, #tpu.memory_space<vmem>> -> memref<50x64xf32, #tpu.memory_space<vmem>>
    tpu.enqueue_dma source(%dma_start3A_373 : memref<50x64xf32, #tpu.memory_space<vmem>>) target(%dma_start3A_370 : memref<50x64xf32, #tpu.memory_space<hbm>>) target_semaphore(%arg11 : memref<!tpu.dma_semaphore, #tpu.memory_space<semaphore_mem>>)
    %add3A_374 = arith.constant 5 : i32
    %add3A_375 = arith.addi %add3A_293, %add3A_374 : i32
    %dma_start3A_376 = arith.constant 250 : i32
    %dma_start3A_377 = arith.constant 0 : i32
    %dma_start3A_378 = tpu.memref_slice %arg7[%dma_start3A_376, %dma_start3A_377] : memref<800x64xf32, #tpu.memory_space<vmem>> -> memref<50x64xf32, #tpu.memory_space<vmem>>
    %dma_start3A_379 = arith.constant 0 : i32
    %dma_start3A_380 = arith.constant 0 : i32
    %dma_start3A_381 = tpu.memref_slice %arg4[%add3A_375, %dma_start3A_379, %dma_start3A_380] : memref<4096x56x128xf32, #tpu.memory_space<hbm>> -> memref<1x50x64xf32, #tpu.memory_space<hbm>>
    %dma_start3A_382 = tpu.memref_squeeze %dma_start3A_381 : memref<1x50x64xf32, #tpu.memory_space<hbm>> -> memref<50x64xf32, #tpu.memory_space<hbm>>
    %dma_start3A_383 = arith.constant 0 : i32
    %dma_start3A_384 = arith.constant 0 : i32
    %dma_start3A_385 = tpu.memref_slice %arg4[%add3A_375, %dma_start3A_383, %dma_start3A_384] : memref<4096x56x128xf32, #tpu.memory_space<hbm>> -> memref<1x50x64xf32, #tpu.memory_space<hbm>>
    %dma_start3A_386 = tpu.memref_squeeze %dma_start3A_385 : memref<1x50x64xf32, #tpu.memory_space<hbm>> -> memref<50x64xf32, #tpu.memory_space<hbm>>
    %dma_start3A_387 = arith.constant 250 : i32
    %dma_start3A_388 = arith.constant 0 : i32
    %dma_start3A_389 = tpu.memref_slice %arg7[%dma_start3A_387, %dma_start3A_388] : memref<800x64xf32, #tpu.memory_space<vmem>> -> memref<50x64xf32, #tpu.memory_space<vmem>>
    tpu.enqueue_dma source(%dma_start3A_389 : memref<50x64xf32, #tpu.memory_space<vmem>>) target(%dma_start3A_386 : memref<50x64xf32, #tpu.memory_space<hbm>>) target_semaphore(%arg11 : memref<!tpu.dma_semaphore, #tpu.memory_space<semaphore_mem>>)
    %add3A_390 = arith.constant 6 : i32
    %add3A_391 = arith.addi %add3A_293, %add3A_390 : i32
    %dma_start3A_392 = arith.constant 300 : i32
    %dma_start3A_393 = arith.constant 0 : i32
    %dma_start3A_394 = tpu.memref_slice %arg7[%dma_start3A_392, %dma_start3A_393] : memref<800x64xf32, #tpu.memory_space<vmem>> -> memref<50x64xf32, #tpu.memory_space<vmem>>
    %dma_start3A_395 = arith.constant 0 : i32
    %dma_start3A_396 = arith.constant 0 : i32
    %dma_start3A_397 = tpu.memref_slice %arg4[%add3A_391, %dma_start3A_395, %dma_start3A_396] : memref<4096x56x128xf32, #tpu.memory_space<hbm>> -> memref<1x50x64xf32, #tpu.memory_space<hbm>>
    %dma_start3A_398 = tpu.memref_squeeze %dma_start3A_397 : memref<1x50x64xf32, #tpu.memory_space<hbm>> -> memref<50x64xf32, #tpu.memory_space<hbm>>
    %dma_start3A_399 = arith.constant 0 : i32
    %dma_start3A_400 = arith.constant 0 : i32
    %dma_start3A_401 = tpu.memref_slice %arg4[%add3A_391, %dma_start3A_399, %dma_start3A_400] : memref<4096x56x128xf32, #tpu.memory_space<hbm>> -> memref<1x50x64xf32, #tpu.memory_space<hbm>>
    %dma_start3A_402 = tpu.memref_squeeze %dma_start3A_401 : memref<1x50x64xf32, #tpu.memory_space<hbm>> -> memref<50x64xf32, #tpu.memory_space<hbm>>
    %dma_start3A_403 = arith.constant 300 : i32
    %dma_start3A_404 = arith.constant 0 : i32
    %dma_start3A_405 = tpu.memref_slice %arg7[%dma_start3A_403, %dma_start3A_404] : memref<800x64xf32, #tpu.memory_space<vmem>> -> memref<50x64xf32, #tpu.memory_space<vmem>>
    tpu.enqueue_dma source(%dma_start3A_405 : memref<50x64xf32, #tpu.memory_space<vmem>>) target(%dma_start3A_402 : memref<50x64xf32, #tpu.memory_space<hbm>>) target_semaphore(%arg11 : memref<!tpu.dma_semaphore, #tpu.memory_space<semaphore_mem>>)
    %add3A_406 = arith.constant 7 : i32
    %add3A_407 = arith.addi %add3A_293, %add3A_406 : i32
    %dma_start3A_408 = arith.constant 350 : i32
    %dma_start3A_409 = arith.constant 0 : i32
    %dma_start3A_410 = tpu.memref_slice %arg7[%dma_start3A_408, %dma_start3A_409] : memref<800x64xf32, #tpu.memory_space<vmem>> -> memref<50x64xf32, #tpu.memory_space<vmem>>
    %dma_start3A_411 = arith.constant 0 : i32
    %dma_start3A_412 = arith.constant 0 : i32
    %dma_start3A_413 = tpu.memref_slice %arg4[%add3A_407, %dma_start3A_411, %dma_start3A_412] : memref<4096x56x128xf32, #tpu.memory_space<hbm>> -> memref<1x50x64xf32, #tpu.memory_space<hbm>>
    %dma_start3A_414 = tpu.memref_squeeze %dma_start3A_413 : memref<1x50x64xf32, #tpu.memory_space<hbm>> -> memref<50x64xf32, #tpu.memory_space<hbm>>
    %dma_start3A_415 = arith.constant 0 : i32
    %dma_start3A_416 = arith.constant 0 : i32
    %dma_start3A_417 = tpu.memref_slice %arg4[%add3A_407, %dma_start3A_415, %dma_start3A_416] : memref<4096x56x128xf32, #tpu.memory_space<hbm>> -> memref<1x50x64xf32, #tpu.memory_space<hbm>>
    %dma_start3A_418 = tpu.memref_squeeze %dma_start3A_417 : memref<1x50x64xf32, #tpu.memory_space<hbm>> -> memref<50x64xf32, #tpu.memory_space<hbm>>
    %dma_start3A_419 = arith.constant 350 : i32
    %dma_start3A_420 = arith.constant 0 : i32
    %dma_start3A_421 = tpu.memref_slice %arg7[%dma_start3A_419, %dma_start3A_420] : memref<800x64xf32, #tpu.memory_space<vmem>> -> memref<50x64xf32, #tpu.memory_space<vmem>>
    tpu.enqueue_dma source(%dma_start3A_421 : memref<50x64xf32, #tpu.memory_space<vmem>>) target(%dma_start3A_418 : memref<50x64xf32, #tpu.memory_space<hbm>>) target_semaphore(%arg11 : memref<!tpu.dma_semaphore, #tpu.memory_space<semaphore_mem>>)
    %add3A_422 = arith.constant 8 : i32
    %add3A_423 = arith.addi %add3A_293, %add3A_422 : i32
    %dma_start3A_424 = arith.constant 400 : i32
    %dma_start3A_425 = arith.constant 0 : i32
    %dma_start3A_426 = tpu.memref_slice %arg7[%dma_start3A_424, %dma_start3A_425] : memref<800x64xf32, #tpu.memory_space<vmem>> -> memref<50x64xf32, #tpu.memory_space<vmem>>
    %dma_start3A_427 = arith.constant 0 : i32
    %dma_start3A_428 = arith.constant 0 : i32
    %dma_start3A_429 = tpu.memref_slice %arg4[%add3A_423, %dma_start3A_427, %dma_start3A_428] : memref<4096x56x128xf32, #tpu.memory_space<hbm>> -> memref<1x50x64xf32, #tpu.memory_space<hbm>>
    %dma_start3A_430 = tpu.memref_squeeze %dma_start3A_429 : memref<1x50x64xf32, #tpu.memory_space<hbm>> -> memref<50x64xf32, #tpu.memory_space<hbm>>
    %dma_start3A_431 = arith.constant 0 : i32
    %dma_start3A_432 = arith.constant 0 : i32
    %dma_start3A_433 = tpu.memref_slice %arg4[%add3A_423, %dma_start3A_431, %dma_start3A_432] : memref<4096x56x128xf32, #tpu.memory_space<hbm>> -> memref<1x50x64xf32, #tpu.memory_space<hbm>>
    %dma_start3A_434 = tpu.memref_squeeze %dma_start3A_433 : memref<1x50x64xf32, #tpu.memory_space<hbm>> -> memref<50x64xf32, #tpu.memory_space<hbm>>
    %dma_start3A_435 = arith.constant 400 : i32
    %dma_start3A_436 = arith.constant 0 : i32
    %dma_start3A_437 = tpu.memref_slice %arg7[%dma_start3A_435, %dma_start3A_436] : memref<800x64xf32, #tpu.memory_space<vmem>> -> memref<50x64xf32, #tpu.memory_space<vmem>>
    tpu.enqueue_dma source(%dma_start3A_437 : memref<50x64xf32, #tpu.memory_space<vmem>>) target(%dma_start3A_434 : memref<50x64xf32, #tpu.memory_space<hbm>>) target_semaphore(%arg11 : memref<!tpu.dma_semaphore, #tpu.memory_space<semaphore_mem>>)
    %add3A_438 = arith.constant 9 : i32
    %add3A_439 = arith.addi %add3A_293, %add3A_438 : i32
    %dma_start3A_440 = arith.constant 450 : i32
    %dma_start3A_441 = arith.constant 0 : i32
    %dma_start3A_442 = tpu.memref_slice %arg7[%dma_start3A_440, %dma_start3A_441] : memref<800x64xf32, #tpu.memory_space<vmem>> -> memref<50x64xf32, #tpu.memory_space<vmem>>
    %dma_start3A_443 = arith.constant 0 : i32
    %dma_start3A_444 = arith.constant 0 : i32
    %dma_start3A_445 = tpu.memref_slice %arg4[%add3A_439, %dma_start3A_443, %dma_start3A_444] : memref<4096x56x128xf32, #tpu.memory_space<hbm>> -> memref<1x50x64xf32, #tpu.memory_space<hbm>>
    %dma_start3A_446 = tpu.memref_squeeze %dma_start3A_445 : memref<1x50x64xf32, #tpu.memory_space<hbm>> -> memref<50x64xf32, #tpu.memory_space<hbm>>
    %dma_start3A_447 = arith.constant 0 : i32
    %dma_start3A_448 = arith.constant 0 : i32
    %dma_start3A_449 = tpu.memref_slice %arg4[%add3A_439, %dma_start3A_447, %dma_start3A_448] : memref<4096x56x128xf32, #tpu.memory_space<hbm>> -> memref<1x50x64xf32, #tpu.memory_space<hbm>>
    %dma_start3A_450 = tpu.memref_squeeze %dma_start3A_449 : memref<1x50x64xf32, #tpu.memory_space<hbm>> -> memref<50x64xf32, #tpu.memory_space<hbm>>
    %dma_start3A_451 = arith.constant 450 : i32
    %dma_start3A_452 = arith.constant 0 : i32
    %dma_start3A_453 = tpu.memref_slice %arg7[%dma_start3A_451, %dma_start3A_452] : memref<800x64xf32, #tpu.memory_space<vmem>> -> memref<50x64xf32, #tpu.memory_space<vmem>>
    tpu.enqueue_dma source(%dma_start3A_453 : memref<50x64xf32, #tpu.memory_space<vmem>>) target(%dma_start3A_450 : memref<50x64xf32, #tpu.memory_space<hbm>>) target_semaphore(%arg11 : memref<!tpu.dma_semaphore, #tpu.memory_space<semaphore_mem>>)
    %add3A_454 = arith.constant 10 : i32
    %add3A_455 = arith.addi %add3A_293, %add3A_454 : i32
    %dma_start3A_456 = arith.constant 500 : i32
    %dma_start3A_457 = arith.constant 0 : i32
    %dma_start3A_458 = tpu.memref_slice %arg7[%dma_start3A_456, %dma_start3A_457] : memref<800x64xf32, #tpu.memory_space<vmem>> -> memref<50x64xf32, #tpu.memory_space<vmem>>
    %dma_start3A_459 = arith.constant 0 : i32
    %dma_start3A_460 = arith.constant 0 : i32
    %dma_start3A_461 = tpu.memref_slice %arg4[%add3A_455, %dma_start3A_459, %dma_start3A_460] : memref<4096x56x128xf32, #tpu.memory_space<hbm>> -> memref<1x50x64xf32, #tpu.memory_space<hbm>>
    %dma_start3A_462 = tpu.memref_squeeze %dma_start3A_461 : memref<1x50x64xf32, #tpu.memory_space<hbm>> -> memref<50x64xf32, #tpu.memory_space<hbm>>
    %dma_start3A_463 = arith.constant 0 : i32
    %dma_start3A_464 = arith.constant 0 : i32
    %dma_start3A_465 = tpu.memref_slice %arg4[%add3A_455, %dma_start3A_463, %dma_start3A_464] : memref<4096x56x128xf32, #tpu.memory_space<hbm>> -> memref<1x50x64xf32, #tpu.memory_space<hbm>>
    %dma_start3A_466 = tpu.memref_squeeze %dma_start3A_465 : memref<1x50x64xf32, #tpu.memory_space<hbm>> -> memref<50x64xf32, #tpu.memory_space<hbm>>
    %dma_start3A_467 = arith.constant 500 : i32
    %dma_start3A_468 = arith.constant 0 : i32
    %dma_start3A_469 = tpu.memref_slice %arg7[%dma_start3A_467, %dma_start3A_468] : memref<800x64xf32, #tpu.memory_space<vmem>> -> memref<50x64xf32, #tpu.memory_space<vmem>>
    tpu.enqueue_dma source(%dma_start3A_469 : memref<50x64xf32, #tpu.memory_space<vmem>>) target(%dma_start3A_466 : memref<50x64xf32, #tpu.memory_space<hbm>>) target_semaphore(%arg11 : memref<!tpu.dma_semaphore, #tpu.memory_space<semaphore_mem>>)
    %add3A_470 = arith.constant 11 : i32
    %add3A_471 = arith.addi %add3A_293, %add3A_470 : i32
    %dma_start3A_472 = arith.constant 550 : i32
    %dma_start3A_473 = arith.constant 0 : i32
    %dma_start3A_474 = tpu.memref_slice %arg7[%dma_start3A_472, %dma_start3A_473] : memref<800x64xf32, #tpu.memory_space<vmem>> -> memref<50x64xf32, #tpu.memory_space<vmem>>
    %dma_start3A_475 = arith.constant 0 : i32
    %dma_start3A_476 = arith.constant 0 : i32
    %dma_start3A_477 = tpu.memref_slice %arg4[%add3A_471, %dma_start3A_475, %dma_start3A_476] : memref<4096x56x128xf32, #tpu.memory_space<hbm>> -> memref<1x50x64xf32, #tpu.memory_space<hbm>>
    %dma_start3A_478 = tpu.memref_squeeze %dma_start3A_477 : memref<1x50x64xf32, #tpu.memory_space<hbm>> -> memref<50x64xf32, #tpu.memory_space<hbm>>
    %dma_start3A_479 = arith.constant 0 : i32
    %dma_start3A_480 = arith.constant 0 : i32
    %dma_start3A_481 = tpu.memref_slice %arg4[%add3A_471, %dma_start3A_479, %dma_start3A_480] : memref<4096x56x128xf32, #tpu.memory_space<hbm>> -> memref<1x50x64xf32, #tpu.memory_space<hbm>>
    %dma_start3A_482 = tpu.memref_squeeze %dma_start3A_481 : memref<1x50x64xf32, #tpu.memory_space<hbm>> -> memref<50x64xf32, #tpu.memory_space<hbm>>
    %dma_start3A_483 = arith.constant 550 : i32
    %dma_start3A_484 = arith.constant 0 : i32
    %dma_start3A_485 = tpu.memref_slice %arg7[%dma_start3A_483, %dma_start3A_484] : memref<800x64xf32, #tpu.memory_space<vmem>> -> memref<50x64xf32, #tpu.memory_space<vmem>>
    tpu.enqueue_dma source(%dma_start3A_485 : memref<50x64xf32, #tpu.memory_space<vmem>>) target(%dma_start3A_482 : memref<50x64xf32, #tpu.memory_space<hbm>>) target_semaphore(%arg11 : memref<!tpu.dma_semaphore, #tpu.memory_space<semaphore_mem>>)
    %add3A_486 = arith.constant 12 : i32
    %add3A_487 = arith.addi %add3A_293, %add3A_486 : i32
    %dma_start3A_488 = arith.constant 600 : i32
    %dma_start3A_489 = arith.constant 0 : i32
    %dma_start3A_490 = tpu.memref_slice %arg7[%dma_start3A_488, %dma_start3A_489] : memref<800x64xf32, #tpu.memory_space<vmem>> -> memref<50x64xf32, #tpu.memory_space<vmem>>
    %dma_start3A_491 = arith.constant 0 : i32
    %dma_start3A_492 = arith.constant 0 : i32
    %dma_start3A_493 = tpu.memref_slice %arg4[%add3A_487, %dma_start3A_491, %dma_start3A_492] : memref<4096x56x128xf32, #tpu.memory_space<hbm>> -> memref<1x50x64xf32, #tpu.memory_space<hbm>>
    %dma_start3A_494 = tpu.memref_squeeze %dma_start3A_493 : memref<1x50x64xf32, #tpu.memory_space<hbm>> -> memref<50x64xf32, #tpu.memory_space<hbm>>
    %dma_start3A_495 = arith.constant 0 : i32
    %dma_start3A_496 = arith.constant 0 : i32
    %dma_start3A_497 = tpu.memref_slice %arg4[%add3A_487, %dma_start3A_495, %dma_start3A_496] : memref<4096x56x128xf32, #tpu.memory_space<hbm>> -> memref<1x50x64xf32, #tpu.memory_space<hbm>>
    %dma_start3A_498 = tpu.memref_squeeze %dma_start3A_497 : memref<1x50x64xf32, #tpu.memory_space<hbm>> -> memref<50x64xf32, #tpu.memory_space<hbm>>
    %dma_start3A_499 = arith.constant 600 : i32
    %dma_start3A_500 = arith.constant 0 : i32
    %dma_start3A_501 = tpu.memref_slice %arg7[%dma_start3A_499, %dma_start3A_500] : memref<800x64xf32, #tpu.memory_space<vmem>> -> memref<50x64xf32, #tpu.memory_space<vmem>>
    tpu.enqueue_dma source(%dma_start3A_501 : memref<50x64xf32, #tpu.memory_space<vmem>>) target(%dma_start3A_498 : memref<50x64xf32, #tpu.memory_space<hbm>>) target_semaphore(%arg11 : memref<!tpu.dma_semaphore, #tpu.memory_space<semaphore_mem>>)
    %add3A_502 = arith.constant 13 : i32
    %add3A_503 = arith.addi %add3A_293, %add3A_502 : i32
    %dma_start3A_504 = arith.constant 650 : i32
    %dma_start3A_505 = arith.constant 0 : i32
    %dma_start3A_506 = tpu.memref_slice %arg7[%dma_start3A_504, %dma_start3A_505] : memref<800x64xf32, #tpu.memory_space<vmem>> -> memref<50x64xf32, #tpu.memory_space<vmem>>
    %dma_start3A_507 = arith.constant 0 : i32
    %dma_start3A_508 = arith.constant 0 : i32
    %dma_start3A_509 = tpu.memref_slice %arg4[%add3A_503, %dma_start3A_507, %dma_start3A_508] : memref<4096x56x128xf32, #tpu.memory_space<hbm>> -> memref<1x50x64xf32, #tpu.memory_space<hbm>>
    %dma_start3A_510 = tpu.memref_squeeze %dma_start3A_509 : memref<1x50x64xf32, #tpu.memory_space<hbm>> -> memref<50x64xf32, #tpu.memory_space<hbm>>
    %dma_start3A_511 = arith.constant 0 : i32
    %dma_start3A_512 = arith.constant 0 : i32
    %dma_start3A_513 = tpu.memref_slice %arg4[%add3A_503, %dma_start3A_511, %dma_start3A_512] : memref<4096x56x128xf32, #tpu.memory_space<hbm>> -> memref<1x50x64xf32, #tpu.memory_space<hbm>>
    %dma_start3A_514 = tpu.memref_squeeze %dma_start3A_513 : memref<1x50x64xf32, #tpu.memory_space<hbm>> -> memref<50x64xf32, #tpu.memory_space<hbm>>
    %dma_start3A_515 = arith.constant 650 : i32
    %dma_start3A_516 = arith.constant 0 : i32
    %dma_start3A_517 = tpu.memref_slice %arg7[%dma_start3A_515, %dma_start3A_516] : memref<800x64xf32, #tpu.memory_space<vmem>> -> memref<50x64xf32, #tpu.memory_space<vmem>>
    tpu.enqueue_dma source(%dma_start3A_517 : memref<50x64xf32, #tpu.memory_space<vmem>>) target(%dma_start3A_514 : memref<50x64xf32, #tpu.memory_space<hbm>>) target_semaphore(%arg11 : memref<!tpu.dma_semaphore, #tpu.memory_space<semaphore_mem>>)
    %add3A_518 = arith.constant 14 : i32
    %add3A_519 = arith.addi %add3A_293, %add3A_518 : i32
    %dma_start3A_520 = arith.constant 700 : i32
    %dma_start3A_521 = arith.constant 0 : i32
    %dma_start3A_522 = tpu.memref_slice %arg7[%dma_start3A_520, %dma_start3A_521] : memref<800x64xf32, #tpu.memory_space<vmem>> -> memref<50x64xf32, #tpu.memory_space<vmem>>
    %dma_start3A_523 = arith.constant 0 : i32
    %dma_start3A_524 = arith.constant 0 : i32
    %dma_start3A_525 = tpu.memref_slice %arg4[%add3A_519, %dma_start3A_523, %dma_start3A_524] : memref<4096x56x128xf32, #tpu.memory_space<hbm>> -> memref<1x50x64xf32, #tpu.memory_space<hbm>>
    %dma_start3A_526 = tpu.memref_squeeze %dma_start3A_525 : memref<1x50x64xf32, #tpu.memory_space<hbm>> -> memref<50x64xf32, #tpu.memory_space<hbm>>
    %dma_start3A_527 = arith.constant 0 : i32
    %dma_start3A_528 = arith.constant 0 : i32
    %dma_start3A_529 = tpu.memref_slice %arg4[%add3A_519, %dma_start3A_527, %dma_start3A_528] : memref<4096x56x128xf32, #tpu.memory_space<hbm>> -> memref<1x50x64xf32, #tpu.memory_space<hbm>>
    %dma_start3A_530 = tpu.memref_squeeze %dma_start3A_529 : memref<1x50x64xf32, #tpu.memory_space<hbm>> -> memref<50x64xf32, #tpu.memory_space<hbm>>
    %dma_start3A_531 = arith.constant 700 : i32
    %dma_start3A_532 = arith.constant 0 : i32
    %dma_start3A_533 = tpu.memref_slice %arg7[%dma_start3A_531, %dma_start3A_532] : memref<800x64xf32, #tpu.memory_space<vmem>> -> memref<50x64xf32, #tpu.memory_space<vmem>>
    tpu.enqueue_dma source(%dma_start3A_533 : memref<50x64xf32, #tpu.memory_space<vmem>>) target(%dma_start3A_530 : memref<50x64xf32, #tpu.memory_space<hbm>>) target_semaphore(%arg11 : memref<!tpu.dma_semaphore, #tpu.memory_space<semaphore_mem>>)
    %add3A_534 = arith.constant 15 : i32
    %add3A_535 = arith.addi %add3A_293, %add3A_534 : i32
    %dma_start3A_536 = arith.constant 750 : i32
    %dma_start3A_537 = arith.constant 0 : i32
    %dma_start3A_538 = tpu.memref_slice %arg7[%dma_start3A_536, %dma_start3A_537] : memref<800x64xf32, #tpu.memory_space<vmem>> -> memref<50x64xf32, #tpu.memory_space<vmem>>
    %dma_start3A_539 = arith.constant 0 : i32
    %dma_start3A_540 = arith.constant 0 : i32
    %dma_start3A_541 = tpu.memref_slice %arg4[%add3A_535, %dma_start3A_539, %dma_start3A_540] : memref<4096x56x128xf32, #tpu.memory_space<hbm>> -> memref<1x50x64xf32, #tpu.memory_space<hbm>>
    %dma_start3A_542 = tpu.memref_squeeze %dma_start3A_541 : memref<1x50x64xf32, #tpu.memory_space<hbm>> -> memref<50x64xf32, #tpu.memory_space<hbm>>
    %dma_start3A_543 = arith.constant 0 : i32
    %dma_start3A_544 = arith.constant 0 : i32
    %dma_start3A_545 = tpu.memref_slice %arg4[%add3A_535, %dma_start3A_543, %dma_start3A_544] : memref<4096x56x128xf32, #tpu.memory_space<hbm>> -> memref<1x50x64xf32, #tpu.memory_space<hbm>>
    %dma_start3A_546 = tpu.memref_squeeze %dma_start3A_545 : memref<1x50x64xf32, #tpu.memory_space<hbm>> -> memref<50x64xf32, #tpu.memory_space<hbm>>
    %dma_start3A_547 = arith.constant 750 : i32
    %dma_start3A_548 = arith.constant 0 : i32
    %dma_start3A_549 = tpu.memref_slice %arg7[%dma_start3A_547, %dma_start3A_548] : memref<800x64xf32, #tpu.memory_space<vmem>> -> memref<50x64xf32, #tpu.memory_space<vmem>>
    tpu.enqueue_dma source(%dma_start3A_549 : memref<50x64xf32, #tpu.memory_space<vmem>>) target(%dma_start3A_546 : memref<50x64xf32, #tpu.memory_space<hbm>>) target_semaphore(%arg11 : memref<!tpu.dma_semaphore, #tpu.memory_space<semaphore_mem>>)
    %dma_wait3A_550 = arith.constant 0 : i32
    %dma_wait3A_551 = arith.constant 0 : i32
    %dma_wait3A_552 = arith.constant 0 : i32
    %dma_wait3A_553 = tpu.memref_slice %arg6[%dma_wait3A_551, %dma_wait3A_552] : memref<800x64xf32, #tpu.memory_space<vmem>> -> memref<50x64xf32, #tpu.memory_space<vmem>>
    %dma_wait3A_554 = arith.constant 0 : i32
    %dma_wait3A_555 = arith.constant 0 : i32
    %dma_wait3A_556 = tpu.memref_slice %arg4[%dma_wait3A_550, %dma_wait3A_554, %dma_wait3A_555] : memref<4096x56x128xf32, #tpu.memory_space<hbm>> -> memref<1x50x64xf32, #tpu.memory_space<hbm>>
    %dma_wait3A_557 = tpu.memref_squeeze %dma_wait3A_556 : memref<1x50x64xf32, #tpu.memory_space<hbm>> -> memref<50x64xf32, #tpu.memory_space<hbm>>
    %dma_wait3A_558 = arith.constant 0 : i32
    %dma_wait3A_559 = arith.constant 0 : i32
    %dma_wait3A_560 = tpu.memref_slice %arg4[%dma_wait3A_550, %dma_wait3A_558, %dma_wait3A_559] : memref<4096x56x128xf32, #tpu.memory_space<hbm>> -> memref<1x50x64xf32, #tpu.memory_space<hbm>>
    %dma_wait3A_561 = tpu.memref_squeeze %dma_wait3A_560 : memref<1x50x64xf32, #tpu.memory_space<hbm>> -> memref<50x64xf32, #tpu.memory_space<hbm>>
    %dma_wait3A_562 = arith.constant 0 : i32
    %dma_wait3A_563 = arith.constant 0 : i32
    %dma_wait3A_564 = tpu.memref_slice %arg6[%dma_wait3A_562, %dma_wait3A_563] : memref<800x64xf32, #tpu.memory_space<vmem>> -> memref<50x64xf32, #tpu.memory_space<vmem>>
    tpu.wait_dma2 semaphore(%arg10 : memref<!tpu.dma_semaphore, #tpu.memory_space<semaphore_mem>>) src(%dma_wait3A_564 : memref<50x64xf32, #tpu.memory_space<vmem>>) dst(%dma_wait3A_561 : memref<50x64xf32, #tpu.memory_space<hbm>>)
    %dma_wait3A_565 = arith.constant 0 : i32
    %dma_wait3A_566 = arith.constant 50 : i32
    %dma_wait3A_567 = arith.constant 0 : i32
    %dma_wait3A_568 = tpu.memref_slice %arg6[%dma_wait3A_566, %dma_wait3A_567] : memref<800x64xf32, #tpu.memory_space<vmem>> -> memref<50x64xf32, #tpu.memory_space<vmem>>
    %dma_wait3A_569 = arith.constant 0 : i32
    %dma_wait3A_570 = arith.constant 0 : i32
    %dma_wait3A_571 = tpu.memref_slice %arg4[%dma_wait3A_565, %dma_wait3A_569, %dma_wait3A_570] : memref<4096x56x128xf32, #tpu.memory_space<hbm>> -> memref<1x50x64xf32, #tpu.memory_space<hbm>>
    %dma_wait3A_572 = tpu.memref_squeeze %dma_wait3A_571 : memref<1x50x64xf32, #tpu.memory_space<hbm>> -> memref<50x64xf32, #tpu.memory_space<hbm>>
    %dma_wait3A_573 = arith.constant 0 : i32
    %dma_wait3A_574 = arith.constant 0 : i32
    %dma_wait3A_575 = tpu.memref_slice %arg4[%dma_wait3A_565, %dma_wait3A_573, %dma_wait3A_574] : memref<4096x56x128xf32, #tpu.memory_space<hbm>> -> memref<1x50x64xf32, #tpu.memory_space<hbm>>
    %dma_wait3A_576 = tpu.memref_squeeze %dma_wait3A_575 : memref<1x50x64xf32, #tpu.memory_space<hbm>> -> memref<50x64xf32, #tpu.memory_space<hbm>>
    %dma_wait3A_577 = arith.constant 50 : i32
    %dma_wait3A_578 = arith.constant 0 : i32
    %dma_wait3A_579 = tpu.memref_slice %arg6[%dma_wait3A_577, %dma_wait3A_578] : memref<800x64xf32, #tpu.memory_space<vmem>> -> memref<50x64xf32, #tpu.memory_space<vmem>>
    tpu.wait_dma2 semaphore(%arg10 : memref<!tpu.dma_semaphore, #tpu.memory_space<semaphore_mem>>) src(%dma_wait3A_579 : memref<50x64xf32, #tpu.memory_space<vmem>>) dst(%dma_wait3A_576 : memref<50x64xf32, #tpu.memory_space<hbm>>)
    %dma_wait3A_580 = arith.constant 0 : i32
    %dma_wait3A_581 = arith.constant 100 : i32
    %dma_wait3A_582 = arith.constant 0 : i32
    %dma_wait3A_583 = tpu.memref_slice %arg6[%dma_wait3A_581, %dma_wait3A_582] : memref<800x64xf32, #tpu.memory_space<vmem>> -> memref<50x64xf32, #tpu.memory_space<vmem>>
    %dma_wait3A_584 = arith.constant 0 : i32
    %dma_wait3A_585 = arith.constant 0 : i32
    %dma_wait3A_586 = tpu.memref_slice %arg4[%dma_wait3A_580, %dma_wait3A_584, %dma_wait3A_585] : memref<4096x56x128xf32, #tpu.memory_space<hbm>> -> memref<1x50x64xf32, #tpu.memory_space<hbm>>
    %dma_wait3A_587 = tpu.memref_squeeze %dma_wait3A_586 : memref<1x50x64xf32, #tpu.memory_space<hbm>> -> memref<50x64xf32, #tpu.memory_space<hbm>>
    %dma_wait3A_588 = arith.constant 0 : i32
    %dma_wait3A_589 = arith.constant 0 : i32
    %dma_wait3A_590 = tpu.memref_slice %arg4[%dma_wait3A_580, %dma_wait3A_588, %dma_wait3A_589] : memref<4096x56x128xf32, #tpu.memory_space<hbm>> -> memref<1x50x64xf32, #tpu.memory_space<hbm>>
    %dma_wait3A_591 = tpu.memref_squeeze %dma_wait3A_590 : memref<1x50x64xf32, #tpu.memory_space<hbm>> -> memref<50x64xf32, #tpu.memory_space<hbm>>
    %dma_wait3A_592 = arith.constant 100 : i32
    %dma_wait3A_593 = arith.constant 0 : i32
    %dma_wait3A_594 = tpu.memref_slice %arg6[%dma_wait3A_592, %dma_wait3A_593] : memref<800x64xf32, #tpu.memory_space<vmem>> -> memref<50x64xf32, #tpu.memory_space<vmem>>
    tpu.wait_dma2 semaphore(%arg10 : memref<!tpu.dma_semaphore, #tpu.memory_space<semaphore_mem>>) src(%dma_wait3A_594 : memref<50x64xf32, #tpu.memory_space<vmem>>) dst(%dma_wait3A_591 : memref<50x64xf32, #tpu.memory_space<hbm>>)
    %dma_wait3A_595 = arith.constant 0 : i32
    %dma_wait3A_596 = arith.constant 150 : i32
    %dma_wait3A_597 = arith.constant 0 : i32
    %dma_wait3A_598 = tpu.memref_slice %arg6[%dma_wait3A_596, %dma_wait3A_597] : memref<800x64xf32, #tpu.memory_space<vmem>> -> memref<50x64xf32, #tpu.memory_space<vmem>>
    %dma_wait3A_599 = arith.constant 0 : i32
    %dma_wait3A_600 = arith.constant 0 : i32
    %dma_wait3A_601 = tpu.memref_slice %arg4[%dma_wait3A_595, %dma_wait3A_599, %dma_wait3A_600] : memref<4096x56x128xf32, #tpu.memory_space<hbm>> -> memref<1x50x64xf32, #tpu.memory_space<hbm>>
    %dma_wait3A_602 = tpu.memref_squeeze %dma_wait3A_601 : memref<1x50x64xf32, #tpu.memory_space<hbm>> -> memref<50x64xf32, #tpu.memory_space<hbm>>
    %dma_wait3A_603 = arith.constant 0 : i32
    %dma_wait3A_604 = arith.constant 0 : i32
    %dma_wait3A_605 = tpu.memref_slice %arg4[%dma_wait3A_595, %dma_wait3A_603, %dma_wait3A_604] : memref<4096x56x128xf32, #tpu.memory_space<hbm>> -> memref<1x50x64xf32, #tpu.memory_space<hbm>>
    %dma_wait3A_606 = tpu.memref_squeeze %dma_wait3A_605 : memref<1x50x64xf32, #tpu.memory_space<hbm>> -> memref<50x64xf32, #tpu.memory_space<hbm>>
    %dma_wait3A_607 = arith.constant 150 : i32
    %dma_wait3A_608 = arith.constant 0 : i32
    %dma_wait3A_609 = tpu.memref_slice %arg6[%dma_wait3A_607, %dma_wait3A_608] : memref<800x64xf32, #tpu.memory_space<vmem>> -> memref<50x64xf32, #tpu.memory_space<vmem>>
    tpu.wait_dma2 semaphore(%arg10 : memref<!tpu.dma_semaphore, #tpu.memory_space<semaphore_mem>>) src(%dma_wait3A_609 : memref<50x64xf32, #tpu.memory_space<vmem>>) dst(%dma_wait3A_606 : memref<50x64xf32, #tpu.memory_space<hbm>>)
    %dma_wait3A_610 = arith.constant 0 : i32
    %dma_wait3A_611 = arith.constant 200 : i32
    %dma_wait3A_612 = arith.constant 0 : i32
    %dma_wait3A_613 = tpu.memref_slice %arg6[%dma_wait3A_611, %dma_wait3A_612] : memref<800x64xf32, #tpu.memory_space<vmem>> -> memref<50x64xf32, #tpu.memory_space<vmem>>
    %dma_wait3A_614 = arith.constant 0 : i32
    %dma_wait3A_615 = arith.constant 0 : i32
    %dma_wait3A_616 = tpu.memref_slice %arg4[%dma_wait3A_610, %dma_wait3A_614, %dma_wait3A_615] : memref<4096x56x128xf32, #tpu.memory_space<hbm>> -> memref<1x50x64xf32, #tpu.memory_space<hbm>>
    %dma_wait3A_617 = tpu.memref_squeeze %dma_wait3A_616 : memref<1x50x64xf32, #tpu.memory_space<hbm>> -> memref<50x64xf32, #tpu.memory_space<hbm>>
    %dma_wait3A_618 = arith.constant 0 : i32
    %dma_wait3A_619 = arith.constant 0 : i32
    %dma_wait3A_620 = tpu.memref_slice %arg4[%dma_wait3A_610, %dma_wait3A_618, %dma_wait3A_619] : memref<4096x56x128xf32, #tpu.memory_space<hbm>> -> memref<1x50x64xf32, #tpu.memory_space<hbm>>
    %dma_wait3A_621 = tpu.memref_squeeze %dma_wait3A_620 : memref<1x50x64xf32, #tpu.memory_space<hbm>> -> memref<50x64xf32, #tpu.memory_space<hbm>>
    %dma_wait3A_622 = arith.constant 200 : i32
    %dma_wait3A_623 = arith.constant 0 : i32
    %dma_wait3A_624 = tpu.memref_slice %arg6[%dma_wait3A_622, %dma_wait3A_623] : memref<800x64xf32, #tpu.memory_space<vmem>> -> memref<50x64xf32, #tpu.memory_space<vmem>>
    tpu.wait_dma2 semaphore(%arg10 : memref<!tpu.dma_semaphore, #tpu.memory_space<semaphore_mem>>) src(%dma_wait3A_624 : memref<50x64xf32, #tpu.memory_space<vmem>>) dst(%dma_wait3A_621 : memref<50x64xf32, #tpu.memory_space<hbm>>)
    %dma_wait3A_625 = arith.constant 0 : i32
    %dma_wait3A_626 = arith.constant 250 : i32
    %dma_wait3A_627 = arith.constant 0 : i32
    %dma_wait3A_628 = tpu.memref_slice %arg6[%dma_wait3A_626, %dma_wait3A_627] : memref<800x64xf32, #tpu.memory_space<vmem>> -> memref<50x64xf32, #tpu.memory_space<vmem>>
    %dma_wait3A_629 = arith.constant 0 : i32
    %dma_wait3A_630 = arith.constant 0 : i32
    %dma_wait3A_631 = tpu.memref_slice %arg4[%dma_wait3A_625, %dma_wait3A_629, %dma_wait3A_630] : memref<4096x56x128xf32, #tpu.memory_space<hbm>> -> memref<1x50x64xf32, #tpu.memory_space<hbm>>
    %dma_wait3A_632 = tpu.memref_squeeze %dma_wait3A_631 : memref<1x50x64xf32, #tpu.memory_space<hbm>> -> memref<50x64xf32, #tpu.memory_space<hbm>>
    %dma_wait3A_633 = arith.constant 0 : i32
    %dma_wait3A_634 = arith.constant 0 : i32
    %dma_wait3A_635 = tpu.memref_slice %arg4[%dma_wait3A_625, %dma_wait3A_633, %dma_wait3A_634] : memref<4096x56x128xf32, #tpu.memory_space<hbm>> -> memref<1x50x64xf32, #tpu.memory_space<hbm>>
    %dma_wait3A_636 = tpu.memref_squeeze %dma_wait3A_635 : memref<1x50x64xf32, #tpu.memory_space<hbm>> -> memref<50x64xf32, #tpu.memory_space<hbm>>
    %dma_wait3A_637 = arith.constant 250 : i32
    %dma_wait3A_638 = arith.constant 0 : i32
    %dma_wait3A_639 = tpu.memref_slice %arg6[%dma_wait3A_637, %dma_wait3A_638] : memref<800x64xf32, #tpu.memory_space<vmem>> -> memref<50x64xf32, #tpu.memory_space<vmem>>
    tpu.wait_dma2 semaphore(%arg10 : memref<!tpu.dma_semaphore, #tpu.memory_space<semaphore_mem>>) src(%dma_wait3A_639 : memref<50x64xf32, #tpu.memory_space<vmem>>) dst(%dma_wait3A_636 : memref<50x64xf32, #tpu.memory_space<hbm>>)
    %dma_wait3A_640 = arith.constant 0 : i32
    %dma_wait3A_641 = arith.constant 300 : i32
    %dma_wait3A_642 = arith.constant 0 : i32
    %dma_wait3A_643 = tpu.memref_slice %arg6[%dma_wait3A_641, %dma_wait3A_642] : memref<800x64xf32, #tpu.memory_space<vmem>> -> memref<50x64xf32, #tpu.memory_space<vmem>>
    %dma_wait3A_644 = arith.constant 0 : i32
    %dma_wait3A_645 = arith.constant 0 : i32
    %dma_wait3A_646 = tpu.memref_slice %arg4[%dma_wait3A_640, %dma_wait3A_644, %dma_wait3A_645] : memref<4096x56x128xf32, #tpu.memory_space<hbm>> -> memref<1x50x64xf32, #tpu.memory_space<hbm>>
    %dma_wait3A_647 = tpu.memref_squeeze %dma_wait3A_646 : memref<1x50x64xf32, #tpu.memory_space<hbm>> -> memref<50x64xf32, #tpu.memory_space<hbm>>
    %dma_wait3A_648 = arith.constant 0 : i32
    %dma_wait3A_649 = arith.constant 0 : i32
    %dma_wait3A_650 = tpu.memref_slice %arg4[%dma_wait3A_640, %dma_wait3A_648, %dma_wait3A_649] : memref<4096x56x128xf32, #tpu.memory_space<hbm>> -> memref<1x50x64xf32, #tpu.memory_space<hbm>>
    %dma_wait3A_651 = tpu.memref_squeeze %dma_wait3A_650 : memref<1x50x64xf32, #tpu.memory_space<hbm>> -> memref<50x64xf32, #tpu.memory_space<hbm>>
    %dma_wait3A_652 = arith.constant 300 : i32
    %dma_wait3A_653 = arith.constant 0 : i32
    %dma_wait3A_654 = tpu.memref_slice %arg6[%dma_wait3A_652, %dma_wait3A_653] : memref<800x64xf32, #tpu.memory_space<vmem>> -> memref<50x64xf32, #tpu.memory_space<vmem>>
    tpu.wait_dma2 semaphore(%arg10 : memref<!tpu.dma_semaphore, #tpu.memory_space<semaphore_mem>>) src(%dma_wait3A_654 : memref<50x64xf32, #tpu.memory_space<vmem>>) dst(%dma_wait3A_651 : memref<50x64xf32, #tpu.memory_space<hbm>>)
    %dma_wait3A_655 = arith.constant 0 : i32
    %dma_wait3A_656 = arith.constant 350 : i32
    %dma_wait3A_657 = arith.constant 0 : i32
    %dma_wait3A_658 = tpu.memref_slice %arg6[%dma_wait3A_656, %dma_wait3A_657] : memref<800x64xf32, #tpu.memory_space<vmem>> -> memref<50x64xf32, #tpu.memory_space<vmem>>
    %dma_wait3A_659 = arith.constant 0 : i32
    %dma_wait3A_660 = arith.constant 0 : i32
    %dma_wait3A_661 = tpu.memref_slice %arg4[%dma_wait3A_655, %dma_wait3A_659, %dma_wait3A_660] : memref<4096x56x128xf32, #tpu.memory_space<hbm>> -> memref<1x50x64xf32, #tpu.memory_space<hbm>>
    %dma_wait3A_662 = tpu.memref_squeeze %dma_wait3A_661 : memref<1x50x64xf32, #tpu.memory_space<hbm>> -> memref<50x64xf32, #tpu.memory_space<hbm>>
    %dma_wait3A_663 = arith.constant 0 : i32
    %dma_wait3A_664 = arith.constant 0 : i32
    %dma_wait3A_665 = tpu.memref_slice %arg4[%dma_wait3A_655, %dma_wait3A_663, %dma_wait3A_664] : memref<4096x56x128xf32, #tpu.memory_space<hbm>> -> memref<1x50x64xf32, #tpu.memory_space<hbm>>
    %dma_wait3A_666 = tpu.memref_squeeze %dma_wait3A_665 : memref<1x50x64xf32, #tpu.memory_space<hbm>> -> memref<50x64xf32, #tpu.memory_space<hbm>>
    %dma_wait3A_667 = arith.constant 350 : i32
    %dma_wait3A_668 = arith.constant 0 : i32
    %dma_wait3A_669 = tpu.memref_slice %arg6[%dma_wait3A_667, %dma_wait3A_668] : memref<800x64xf32, #tpu.memory_space<vmem>> -> memref<50x64xf32, #tpu.memory_space<vmem>>
    tpu.wait_dma2 semaphore(%arg10 : memref<!tpu.dma_semaphore, #tpu.memory_space<semaphore_mem>>) src(%dma_wait3A_669 : memref<50x64xf32, #tpu.memory_space<vmem>>) dst(%dma_wait3A_666 : memref<50x64xf32, #tpu.memory_space<hbm>>)
    %dma_wait3A_670 = arith.constant 0 : i32
    %dma_wait3A_671 = arith.constant 400 : i32
    %dma_wait3A_672 = arith.constant 0 : i32
    %dma_wait3A_673 = tpu.memref_slice %arg6[%dma_wait3A_671, %dma_wait3A_672] : memref<800x64xf32, #tpu.memory_space<vmem>> -> memref<50x64xf32, #tpu.memory_space<vmem>>
    %dma_wait3A_674 = arith.constant 0 : i32
    %dma_wait3A_675 = arith.constant 0 : i32
    %dma_wait3A_676 = tpu.memref_slice %arg4[%dma_wait3A_670, %dma_wait3A_674, %dma_wait3A_675] : memref<4096x56x128xf32, #tpu.memory_space<hbm>> -> memref<1x50x64xf32, #tpu.memory_space<hbm>>
    %dma_wait3A_677 = tpu.memref_squeeze %dma_wait3A_676 : memref<1x50x64xf32, #tpu.memory_space<hbm>> -> memref<50x64xf32, #tpu.memory_space<hbm>>
    %dma_wait3A_678 = arith.constant 0 : i32
    %dma_wait3A_679 = arith.constant 0 : i32
    %dma_wait3A_680 = tpu.memref_slice %arg4[%dma_wait3A_670, %dma_wait3A_678, %dma_wait3A_679] : memref<4096x56x128xf32, #tpu.memory_space<hbm>> -> memref<1x50x64xf32, #tpu.memory_space<hbm>>
    %dma_wait3A_681 = tpu.memref_squeeze %dma_wait3A_680 : memref<1x50x64xf32, #tpu.memory_space<hbm>> -> memref<50x64xf32, #tpu.memory_space<hbm>>
    %dma_wait3A_682 = arith.constant 400 : i32
    %dma_wait3A_683 = arith.constant 0 : i32
    %dma_wait3A_684 = tpu.memref_slice %arg6[%dma_wait3A_682, %dma_wait3A_683] : memref<800x64xf32, #tpu.memory_space<vmem>> -> memref<50x64xf32, #tpu.memory_space<vmem>>
    tpu.wait_dma2 semaphore(%arg10 : memref<!tpu.dma_semaphore, #tpu.memory_space<semaphore_mem>>) src(%dma_wait3A_684 : memref<50x64xf32, #tpu.memory_space<vmem>>) dst(%dma_wait3A_681 : memref<50x64xf32, #tpu.memory_space<hbm>>)
    %dma_wait3A_685 = arith.constant 0 : i32
    %dma_wait3A_686 = arith.constant 450 : i32
    %dma_wait3A_687 = arith.constant 0 : i32
    %dma_wait3A_688 = tpu.memref_slice %arg6[%dma_wait3A_686, %dma_wait3A_687] : memref<800x64xf32, #tpu.memory_space<vmem>> -> memref<50x64xf32, #tpu.memory_space<vmem>>
    %dma_wait3A_689 = arith.constant 0 : i32
    %dma_wait3A_690 = arith.constant 0 : i32
    %dma_wait3A_691 = tpu.memref_slice %arg4[%dma_wait3A_685, %dma_wait3A_689, %dma_wait3A_690] : memref<4096x56x128xf32, #tpu.memory_space<hbm>> -> memref<1x50x64xf32, #tpu.memory_space<hbm>>
    %dma_wait3A_692 = tpu.memref_squeeze %dma_wait3A_691 : memref<1x50x64xf32, #tpu.memory_space<hbm>> -> memref<50x64xf32, #tpu.memory_space<hbm>>
    %dma_wait3A_693 = arith.constant 0 : i32
    %dma_wait3A_694 = arith.constant 0 : i32
    %dma_wait3A_695 = tpu.memref_slice %arg4[%dma_wait3A_685, %dma_wait3A_693, %dma_wait3A_694] : memref<4096x56x128xf32, #tpu.memory_space<hbm>> -> memref<1x50x64xf32, #tpu.memory_space<hbm>>
    %dma_wait3A_696 = tpu.memref_squeeze %dma_wait3A_695 : memref<1x50x64xf32, #tpu.memory_space<hbm>> -> memref<50x64xf32, #tpu.memory_space<hbm>>
    %dma_wait3A_697 = arith.constant 450 : i32
    %dma_wait3A_698 = arith.constant 0 : i32
    %dma_wait3A_699 = tpu.memref_slice %arg6[%dma_wait3A_697, %dma_wait3A_698] : memref<800x64xf32, #tpu.memory_space<vmem>> -> memref<50x64xf32, #tpu.memory_space<vmem>>
    tpu.wait_dma2 semaphore(%arg10 : memref<!tpu.dma_semaphore, #tpu.memory_space<semaphore_mem>>) src(%dma_wait3A_699 : memref<50x64xf32, #tpu.memory_space<vmem>>) dst(%dma_wait3A_696 : memref<50x64xf32, #tpu.memory_space<hbm>>)
    %dma_wait3A_700 = arith.constant 0 : i32
    %dma_wait3A_701 = arith.constant 500 : i32
    %dma_wait3A_702 = arith.constant 0 : i32
    %dma_wait3A_703 = tpu.memref_slice %arg6[%dma_wait3A_701, %dma_wait3A_702] : memref<800x64xf32, #tpu.memory_space<vmem>> -> memref<50x64xf32, #tpu.memory_space<vmem>>
    %dma_wait3A_704 = arith.constant 0 : i32
    %dma_wait3A_705 = arith.constant 0 : i32
    %dma_wait3A_706 = tpu.memref_slice %arg4[%dma_wait3A_700, %dma_wait3A_704, %dma_wait3A_705] : memref<4096x56x128xf32, #tpu.memory_space<hbm>> -> memref<1x50x64xf32, #tpu.memory_space<hbm>>
    %dma_wait3A_707 = tpu.memref_squeeze %dma_wait3A_706 : memref<1x50x64xf32, #tpu.memory_space<hbm>> -> memref<50x64xf32, #tpu.memory_space<hbm>>
    %dma_wait3A_708 = arith.constant 0 : i32
    %dma_wait3A_709 = arith.constant 0 : i32
    %dma_wait3A_710 = tpu.memref_slice %arg4[%dma_wait3A_700, %dma_wait3A_708, %dma_wait3A_709] : memref<4096x56x128xf32, #tpu.memory_space<hbm>> -> memref<1x50x64xf32, #tpu.memory_space<hbm>>
    %dma_wait3A_711 = tpu.memref_squeeze %dma_wait3A_710 : memref<1x50x64xf32, #tpu.memory_space<hbm>> -> memref<50x64xf32, #tpu.memory_space<hbm>>
    %dma_wait3A_712 = arith.constant 500 : i32
    %dma_wait3A_713 = arith.constant 0 : i32
    %dma_wait3A_714 = tpu.memref_slice %arg6[%dma_wait3A_712, %dma_wait3A_713] : memref<800x64xf32, #tpu.memory_space<vmem>> -> memref<50x64xf32, #tpu.memory_space<vmem>>
    tpu.wait_dma2 semaphore(%arg10 : memref<!tpu.dma_semaphore, #tpu.memory_space<semaphore_mem>>) src(%dma_wait3A_714 : memref<50x64xf32, #tpu.memory_space<vmem>>) dst(%dma_wait3A_711 : memref<50x64xf32, #tpu.memory_space<hbm>>)
    %dma_wait3A_715 = arith.constant 0 : i32
    %dma_wait3A_716 = arith.constant 550 : i32
    %dma_wait3A_717 = arith.constant 0 : i32
    %dma_wait3A_718 = tpu.memref_slice %arg6[%dma_wait3A_716, %dma_wait3A_717] : memref<800x64xf32, #tpu.memory_space<vmem>> -> memref<50x64xf32, #tpu.memory_space<vmem>>
    %dma_wait3A_719 = arith.constant 0 : i32
    %dma_wait3A_720 = arith.constant 0 : i32
    %dma_wait3A_721 = tpu.memref_slice %arg4[%dma_wait3A_715, %dma_wait3A_719, %dma_wait3A_720] : memref<4096x56x128xf32, #tpu.memory_space<hbm>> -> memref<1x50x64xf32, #tpu.memory_space<hbm>>
    %dma_wait3A_722 = tpu.memref_squeeze %dma_wait3A_721 : memref<1x50x64xf32, #tpu.memory_space<hbm>> -> memref<50x64xf32, #tpu.memory_space<hbm>>
    %dma_wait3A_723 = arith.constant 0 : i32
    %dma_wait3A_724 = arith.constant 0 : i32
    %dma_wait3A_725 = tpu.memref_slice %arg4[%dma_wait3A_715, %dma_wait3A_723, %dma_wait3A_724] : memref<4096x56x128xf32, #tpu.memory_space<hbm>> -> memref<1x50x64xf32, #tpu.memory_space<hbm>>
    %dma_wait3A_726 = tpu.memref_squeeze %dma_wait3A_725 : memref<1x50x64xf32, #tpu.memory_space<hbm>> -> memref<50x64xf32, #tpu.memory_space<hbm>>
    %dma_wait3A_727 = arith.constant 550 : i32
    %dma_wait3A_728 = arith.constant 0 : i32
    %dma_wait3A_729 = tpu.memref_slice %arg6[%dma_wait3A_727, %dma_wait3A_728] : memref<800x64xf32, #tpu.memory_space<vmem>> -> memref<50x64xf32, #tpu.memory_space<vmem>>
    tpu.wait_dma2 semaphore(%arg10 : memref<!tpu.dma_semaphore, #tpu.memory_space<semaphore_mem>>) src(%dma_wait3A_729 : memref<50x64xf32, #tpu.memory_space<vmem>>) dst(%dma_wait3A_726 : memref<50x64xf32, #tpu.memory_space<hbm>>)
    %dma_wait3A_730 = arith.constant 0 : i32
    %dma_wait3A_731 = arith.constant 600 : i32
    %dma_wait3A_732 = arith.constant 0 : i32
    %dma_wait3A_733 = tpu.memref_slice %arg6[%dma_wait3A_731, %dma_wait3A_732] : memref<800x64xf32, #tpu.memory_space<vmem>> -> memref<50x64xf32, #tpu.memory_space<vmem>>
    %dma_wait3A_734 = arith.constant 0 : i32
    %dma_wait3A_735 = arith.constant 0 : i32
    %dma_wait3A_736 = tpu.memref_slice %arg4[%dma_wait3A_730, %dma_wait3A_734, %dma_wait3A_735] : memref<4096x56x128xf32, #tpu.memory_space<hbm>> -> memref<1x50x64xf32, #tpu.memory_space<hbm>>
    %dma_wait3A_737 = tpu.memref_squeeze %dma_wait3A_736 : memref<1x50x64xf32, #tpu.memory_space<hbm>> -> memref<50x64xf32, #tpu.memory_space<hbm>>
    %dma_wait3A_738 = arith.constant 0 : i32
    %dma_wait3A_739 = arith.constant 0 : i32
    %dma_wait3A_740 = tpu.memref_slice %arg4[%dma_wait3A_730, %dma_wait3A_738, %dma_wait3A_739] : memref<4096x56x128xf32, #tpu.memory_space<hbm>> -> memref<1x50x64xf32, #tpu.memory_space<hbm>>
    %dma_wait3A_741 = tpu.memref_squeeze %dma_wait3A_740 : memref<1x50x64xf32, #tpu.memory_space<hbm>> -> memref<50x64xf32, #tpu.memory_space<hbm>>
    %dma_wait3A_742 = arith.constant 600 : i32
    %dma_wait3A_743 = arith.constant 0 : i32
    %dma_wait3A_744 = tpu.memref_slice %arg6[%dma_wait3A_742, %dma_wait3A_743] : memref<800x64xf32, #tpu.memory_space<vmem>> -> memref<50x64xf32, #tpu.memory_space<vmem>>
    tpu.wait_dma2 semaphore(%arg10 : memref<!tpu.dma_semaphore, #tpu.memory_space<semaphore_mem>>) src(%dma_wait3A_744 : memref<50x64xf32, #tpu.memory_space<vmem>>) dst(%dma_wait3A_741 : memref<50x64xf32, #tpu.memory_space<hbm>>)
    %dma_wait3A_745 = arith.constant 0 : i32
    %dma_wait3A_746 = arith.constant 650 : i32
    %dma_wait3A_747 = arith.constant 0 : i32
    %dma_wait3A_748 = tpu.memref_slice %arg6[%dma_wait3A_746, %dma_wait3A_747] : memref<800x64xf32, #tpu.memory_space<vmem>> -> memref<50x64xf32, #tpu.memory_space<vmem>>
    %dma_wait3A_749 = arith.constant 0 : i32
    %dma_wait3A_750 = arith.constant 0 : i32
    %dma_wait3A_751 = tpu.memref_slice %arg4[%dma_wait3A_745, %dma_wait3A_749, %dma_wait3A_750] : memref<4096x56x128xf32, #tpu.memory_space<hbm>> -> memref<1x50x64xf32, #tpu.memory_space<hbm>>
    %dma_wait3A_752 = tpu.memref_squeeze %dma_wait3A_751 : memref<1x50x64xf32, #tpu.memory_space<hbm>> -> memref<50x64xf32, #tpu.memory_space<hbm>>
    %dma_wait3A_753 = arith.constant 0 : i32
    %dma_wait3A_754 = arith.constant 0 : i32
    %dma_wait3A_755 = tpu.memref_slice %arg4[%dma_wait3A_745, %dma_wait3A_753, %dma_wait3A_754] : memref<4096x56x128xf32, #tpu.memory_space<hbm>> -> memref<1x50x64xf32, #tpu.memory_space<hbm>>
    %dma_wait3A_756 = tpu.memref_squeeze %dma_wait3A_755 : memref<1x50x64xf32, #tpu.memory_space<hbm>> -> memref<50x64xf32, #tpu.memory_space<hbm>>
    %dma_wait3A_757 = arith.constant 650 : i32
    %dma_wait3A_758 = arith.constant 0 : i32
    %dma_wait3A_759 = tpu.memref_slice %arg6[%dma_wait3A_757, %dma_wait3A_758] : memref<800x64xf32, #tpu.memory_space<vmem>> -> memref<50x64xf32, #tpu.memory_space<vmem>>
    tpu.wait_dma2 semaphore(%arg10 : memref<!tpu.dma_semaphore, #tpu.memory_space<semaphore_mem>>) src(%dma_wait3A_759 : memref<50x64xf32, #tpu.memory_space<vmem>>) dst(%dma_wait3A_756 : memref<50x64xf32, #tpu.memory_space<hbm>>)
    %dma_wait3A_760 = arith.constant 0 : i32
    %dma_wait3A_761 = arith.constant 700 : i32
    %dma_wait3A_762 = arith.constant 0 : i32
    %dma_wait3A_763 = tpu.memref_slice %arg6[%dma_wait3A_761, %dma_wait3A_762] : memref<800x64xf32, #tpu.memory_space<vmem>> -> memref<50x64xf32, #tpu.memory_space<vmem>>
    %dma_wait3A_764 = arith.constant 0 : i32
    %dma_wait3A_765 = arith.constant 0 : i32
    %dma_wait3A_766 = tpu.memref_slice %arg4[%dma_wait3A_760, %dma_wait3A_764, %dma_wait3A_765] : memref<4096x56x128xf32, #tpu.memory_space<hbm>> -> memref<1x50x64xf32, #tpu.memory_space<hbm>>
    %dma_wait3A_767 = tpu.memref_squeeze %dma_wait3A_766 : memref<1x50x64xf32, #tpu.memory_space<hbm>> -> memref<50x64xf32, #tpu.memory_space<hbm>>
    %dma_wait3A_768 = arith.constant 0 : i32
    %dma_wait3A_769 = arith.constant 0 : i32
    %dma_wait3A_770 = tpu.memref_slice %arg4[%dma_wait3A_760, %dma_wait3A_768, %dma_wait3A_769] : memref<4096x56x128xf32, #tpu.memory_space<hbm>> -> memref<1x50x64xf32, #tpu.memory_space<hbm>>
    %dma_wait3A_771 = tpu.memref_squeeze %dma_wait3A_770 : memref<1x50x64xf32, #tpu.memory_space<hbm>> -> memref<50x64xf32, #tpu.memory_space<hbm>>
    %dma_wait3A_772 = arith.constant 700 : i32
    %dma_wait3A_773 = arith.constant 0 : i32
    %dma_wait3A_774 = tpu.memref_slice %arg6[%dma_wait3A_772, %dma_wait3A_773] : memref<800x64xf32, #tpu.memory_space<vmem>> -> memref<50x64xf32, #tpu.memory_space<vmem>>
    tpu.wait_dma2 semaphore(%arg10 : memref<!tpu.dma_semaphore, #tpu.memory_space<semaphore_mem>>) src(%dma_wait3A_774 : memref<50x64xf32, #tpu.memory_space<vmem>>) dst(%dma_wait3A_771 : memref<50x64xf32, #tpu.memory_space<hbm>>)
    %dma_wait3A_775 = arith.constant 0 : i32
    %dma_wait3A_776 = arith.constant 750 : i32
    %dma_wait3A_777 = arith.constant 0 : i32
    %dma_wait3A_778 = tpu.memref_slice %arg6[%dma_wait3A_776, %dma_wait3A_777] : memref<800x64xf32, #tpu.memory_space<vmem>> -> memref<50x64xf32, #tpu.memory_space<vmem>>
    %dma_wait3A_779 = arith.constant 0 : i32
    %dma_wait3A_780 = arith.constant 0 : i32
    %dma_wait3A_781 = tpu.memref_slice %arg4[%dma_wait3A_775, %dma_wait3A_779, %dma_wait3A_780] : memref<4096x56x128xf32, #tpu.memory_space<hbm>> -> memref<1x50x64xf32, #tpu.memory_space<hbm>>
    %dma_wait3A_782 = tpu.memref_squeeze %dma_wait3A_781 : memref<1x50x64xf32, #tpu.memory_space<hbm>> -> memref<50x64xf32, #tpu.memory_space<hbm>>
    %dma_wait3A_783 = arith.constant 0 : i32
    %dma_wait3A_784 = arith.constant 0 : i32
    %dma_wait3A_785 = tpu.memref_slice %arg4[%dma_wait3A_775, %dma_wait3A_783, %dma_wait3A_784] : memref<4096x56x128xf32, #tpu.memory_space<hbm>> -> memref<1x50x64xf32, #tpu.memory_space<hbm>>
    %dma_wait3A_786 = tpu.memref_squeeze %dma_wait3A_785 : memref<1x50x64xf32, #tpu.memory_space<hbm>> -> memref<50x64xf32, #tpu.memory_space<hbm>>
    %dma_wait3A_787 = arith.constant 750 : i32
    %dma_wait3A_788 = arith.constant 0 : i32
    %dma_wait3A_789 = tpu.memref_slice %arg6[%dma_wait3A_787, %dma_wait3A_788] : memref<800x64xf32, #tpu.memory_space<vmem>> -> memref<50x64xf32, #tpu.memory_space<vmem>>
    tpu.wait_dma2 semaphore(%arg10 : memref<!tpu.dma_semaphore, #tpu.memory_space<semaphore_mem>>) src(%dma_wait3A_789 : memref<50x64xf32, #tpu.memory_space<vmem>>) dst(%dma_wait3A_786 : memref<50x64xf32, #tpu.memory_space<hbm>>)
    %dma_wait3A_790 = arith.constant 0 : i32
    %dma_wait3A_791 = arith.constant 0 : i32
    %dma_wait3A_792 = arith.constant 0 : i32
    %dma_wait3A_793 = tpu.memref_slice %arg7[%dma_wait3A_791, %dma_wait3A_792] : memref<800x64xf32, #tpu.memory_space<vmem>> -> memref<50x64xf32, #tpu.memory_space<vmem>>
    %dma_wait3A_794 = arith.constant 0 : i32
    %dma_wait3A_795 = arith.constant 0 : i32
    %dma_wait3A_796 = tpu.memref_slice %arg4[%dma_wait3A_790, %dma_wait3A_794, %dma_wait3A_795] : memref<4096x56x128xf32, #tpu.memory_space<hbm>> -> memref<1x50x64xf32, #tpu.memory_space<hbm>>
    %dma_wait3A_797 = tpu.memref_squeeze %dma_wait3A_796 : memref<1x50x64xf32, #tpu.memory_space<hbm>> -> memref<50x64xf32, #tpu.memory_space<hbm>>
    %dma_wait3A_798 = arith.constant 0 : i32
    %dma_wait3A_799 = arith.constant 0 : i32
    %dma_wait3A_800 = tpu.memref_slice %arg4[%dma_wait3A_790, %dma_wait3A_798, %dma_wait3A_799] : memref<4096x56x128xf32, #tpu.memory_space<hbm>> -> memref<1x50x64xf32, #tpu.memory_space<hbm>>
    %dma_wait3A_801 = tpu.memref_squeeze %dma_wait3A_800 : memref<1x50x64xf32, #tpu.memory_space<hbm>> -> memref<50x64xf32, #tpu.memory_space<hbm>>
    %dma_wait3A_802 = arith.constant 0 : i32
    %dma_wait3A_803 = arith.constant 0 : i32
    %dma_wait3A_804 = tpu.memref_slice %arg7[%dma_wait3A_802, %dma_wait3A_803] : memref<800x64xf32, #tpu.memory_space<vmem>> -> memref<50x64xf32, #tpu.memory_space<vmem>>
    tpu.wait_dma2 semaphore(%arg11 : memref<!tpu.dma_semaphore, #tpu.memory_space<semaphore_mem>>) src(%dma_wait3A_804 : memref<50x64xf32, #tpu.memory_space<vmem>>) dst(%dma_wait3A_801 : memref<50x64xf32, #tpu.memory_space<hbm>>)
    %dma_wait3A_805 = arith.constant 0 : i32
    %dma_wait3A_806 = arith.constant 50 : i32
    %dma_wait3A_807 = arith.constant 0 : i32
    %dma_wait3A_808 = tpu.memref_slice %arg7[%dma_wait3A_806, %dma_wait3A_807] : memref<800x64xf32, #tpu.memory_space<vmem>> -> memref<50x64xf32, #tpu.memory_space<vmem>>
    %dma_wait3A_809 = arith.constant 0 : i32
    %dma_wait3A_810 = arith.constant 0 : i32
    %dma_wait3A_811 = tpu.memref_slice %arg4[%dma_wait3A_805, %dma_wait3A_809, %dma_wait3A_810] : memref<4096x56x128xf32, #tpu.memory_space<hbm>> -> memref<1x50x64xf32, #tpu.memory_space<hbm>>
    %dma_wait3A_812 = tpu.memref_squeeze %dma_wait3A_811 : memref<1x50x64xf32, #tpu.memory_space<hbm>> -> memref<50x64xf32, #tpu.memory_space<hbm>>
    %dma_wait3A_813 = arith.constant 0 : i32
    %dma_wait3A_814 = arith.constant 0 : i32
    %dma_wait3A_815 = tpu.memref_slice %arg4[%dma_wait3A_805, %dma_wait3A_813, %dma_wait3A_814] : memref<4096x56x128xf32, #tpu.memory_space<hbm>> -> memref<1x50x64xf32, #tpu.memory_space<hbm>>
    %dma_wait3A_816 = tpu.memref_squeeze %dma_wait3A_815 : memref<1x50x64xf32, #tpu.memory_space<hbm>> -> memref<50x64xf32, #tpu.memory_space<hbm>>
    %dma_wait3A_817 = arith.constant 50 : i32
    %dma_wait3A_818 = arith.constant 0 : i32
    %dma_wait3A_819 = tpu.memref_slice %arg7[%dma_wait3A_817, %dma_wait3A_818] : memref<800x64xf32, #tpu.memory_space<vmem>> -> memref<50x64xf32, #tpu.memory_space<vmem>>
    tpu.wait_dma2 semaphore(%arg11 : memref<!tpu.dma_semaphore, #tpu.memory_space<semaphore_mem>>) src(%dma_wait3A_819 : memref<50x64xf32, #tpu.memory_space<vmem>>) dst(%dma_wait3A_816 : memref<50x64xf32, #tpu.memory_space<hbm>>)
    %dma_wait3A_820 = arith.constant 0 : i32
    %dma_wait3A_821 = arith.constant 100 : i32
    %dma_wait3A_822 = arith.constant 0 : i32
    %dma_wait3A_823 = tpu.memref_slice %arg7[%dma_wait3A_821, %dma_wait3A_822] : memref<800x64xf32, #tpu.memory_space<vmem>> -> memref<50x64xf32, #tpu.memory_space<vmem>>
    %dma_wait3A_824 = arith.constant 0 : i32
    %dma_wait3A_825 = arith.constant 0 : i32
    %dma_wait3A_826 = tpu.memref_slice %arg4[%dma_wait3A_820, %dma_wait3A_824, %dma_wait3A_825] : memref<4096x56x128xf32, #tpu.memory_space<hbm>> -> memref<1x50x64xf32, #tpu.memory_space<hbm>>
    %dma_wait3A_827 = tpu.memref_squeeze %dma_wait3A_826 : memref<1x50x64xf32, #tpu.memory_space<hbm>> -> memref<50x64xf32, #tpu.memory_space<hbm>>
    %dma_wait3A_828 = arith.constant 0 : i32
    %dma_wait3A_829 = arith.constant 0 : i32
    %dma_wait3A_830 = tpu.memref_slice %arg4[%dma_wait3A_820, %dma_wait3A_828, %dma_wait3A_829] : memref<4096x56x128xf32, #tpu.memory_space<hbm>> -> memref<1x50x64xf32, #tpu.memory_space<hbm>>
    %dma_wait3A_831 = tpu.memref_squeeze %dma_wait3A_830 : memref<1x50x64xf32, #tpu.memory_space<hbm>> -> memref<50x64xf32, #tpu.memory_space<hbm>>
    %dma_wait3A_832 = arith.constant 100 : i32
    %dma_wait3A_833 = arith.constant 0 : i32
    %dma_wait3A_834 = tpu.memref_slice %arg7[%dma_wait3A_832, %dma_wait3A_833] : memref<800x64xf32, #tpu.memory_space<vmem>> -> memref<50x64xf32, #tpu.memory_space<vmem>>
    tpu.wait_dma2 semaphore(%arg11 : memref<!tpu.dma_semaphore, #tpu.memory_space<semaphore_mem>>) src(%dma_wait3A_834 : memref<50x64xf32, #tpu.memory_space<vmem>>) dst(%dma_wait3A_831 : memref<50x64xf32, #tpu.memory_space<hbm>>)
    %dma_wait3A_835 = arith.constant 0 : i32
    %dma_wait3A_836 = arith.constant 150 : i32
    %dma_wait3A_837 = arith.constant 0 : i32
    %dma_wait3A_838 = tpu.memref_slice %arg7[%dma_wait3A_836, %dma_wait3A_837] : memref<800x64xf32, #tpu.memory_space<vmem>> -> memref<50x64xf32, #tpu.memory_space<vmem>>
    %dma_wait3A_839 = arith.constant 0 : i32
    %dma_wait3A_840 = arith.constant 0 : i32
    %dma_wait3A_841 = tpu.memref_slice %arg4[%dma_wait3A_835, %dma_wait3A_839, %dma_wait3A_840] : memref<4096x56x128xf32, #tpu.memory_space<hbm>> -> memref<1x50x64xf32, #tpu.memory_space<hbm>>
    %dma_wait3A_842 = tpu.memref_squeeze %dma_wait3A_841 : memref<1x50x64xf32, #tpu.memory_space<hbm>> -> memref<50x64xf32, #tpu.memory_space<hbm>>
    %dma_wait3A_843 = arith.constant 0 : i32
    %dma_wait3A_844 = arith.constant 0 : i32
    %dma_wait3A_845 = tpu.memref_slice %arg4[%dma_wait3A_835, %dma_wait3A_843, %dma_wait3A_844] : memref<4096x56x128xf32, #tpu.memory_space<hbm>> -> memref<1x50x64xf32, #tpu.memory_space<hbm>>
    %dma_wait3A_846 = tpu.memref_squeeze %dma_wait3A_845 : memref<1x50x64xf32, #tpu.memory_space<hbm>> -> memref<50x64xf32, #tpu.memory_space<hbm>>
    %dma_wait3A_847 = arith.constant 150 : i32
    %dma_wait3A_848 = arith.constant 0 : i32
    %dma_wait3A_849 = tpu.memref_slice %arg7[%dma_wait3A_847, %dma_wait3A_848] : memref<800x64xf32, #tpu.memory_space<vmem>> -> memref<50x64xf32, #tpu.memory_space<vmem>>
    tpu.wait_dma2 semaphore(%arg11 : memref<!tpu.dma_semaphore, #tpu.memory_space<semaphore_mem>>) src(%dma_wait3A_849 : memref<50x64xf32, #tpu.memory_space<vmem>>) dst(%dma_wait3A_846 : memref<50x64xf32, #tpu.memory_space<hbm>>)
    %dma_wait3A_850 = arith.constant 0 : i32
    %dma_wait3A_851 = arith.constant 200 : i32
    %dma_wait3A_852 = arith.constant 0 : i32
    %dma_wait3A_853 = tpu.memref_slice %arg7[%dma_wait3A_851, %dma_wait3A_852] : memref<800x64xf32, #tpu.memory_space<vmem>> -> memref<50x64xf32, #tpu.memory_space<vmem>>
    %dma_wait3A_854 = arith.constant 0 : i32
    %dma_wait3A_855 = arith.constant 0 : i32
    %dma_wait3A_856 = tpu.memref_slice %arg4[%dma_wait3A_850, %dma_wait3A_854, %dma_wait3A_855] : memref<4096x56x128xf32, #tpu.memory_space<hbm>> -> memref<1x50x64xf32, #tpu.memory_space<hbm>>
    %dma_wait3A_857 = tpu.memref_squeeze %dma_wait3A_856 : memref<1x50x64xf32, #tpu.memory_space<hbm>> -> memref<50x64xf32, #tpu.memory_space<hbm>>
    %dma_wait3A_858 = arith.constant 0 : i32
    %dma_wait3A_859 = arith.constant 0 : i32
    %dma_wait3A_860 = tpu.memref_slice %arg4[%dma_wait3A_850, %dma_wait3A_858, %dma_wait3A_859] : memref<4096x56x128xf32, #tpu.memory_space<hbm>> -> memref<1x50x64xf32, #tpu.memory_space<hbm>>
    %dma_wait3A_861 = tpu.memref_squeeze %dma_wait3A_860 : memref<1x50x64xf32, #tpu.memory_space<hbm>> -> memref<50x64xf32, #tpu.memory_space<hbm>>
    %dma_wait3A_862 = arith.constant 200 : i32
    %dma_wait3A_863 = arith.constant 0 : i32
    %dma_wait3A_864 = tpu.memref_slice %arg7[%dma_wait3A_862, %dma_wait3A_863] : memref<800x64xf32, #tpu.memory_space<vmem>> -> memref<50x64xf32, #tpu.memory_space<vmem>>
    tpu.wait_dma2 semaphore(%arg11 : memref<!tpu.dma_semaphore, #tpu.memory_space<semaphore_mem>>) src(%dma_wait3A_864 : memref<50x64xf32, #tpu.memory_space<vmem>>) dst(%dma_wait3A_861 : memref<50x64xf32, #tpu.memory_space<hbm>>)
    %dma_wait3A_865 = arith.constant 0 : i32
    %dma_wait3A_866 = arith.constant 250 : i32
    %dma_wait3A_867 = arith.constant 0 : i32
    %dma_wait3A_868 = tpu.memref_slice %arg7[%dma_wait3A_866, %dma_wait3A_867] : memref<800x64xf32, #tpu.memory_space<vmem>> -> memref<50x64xf32, #tpu.memory_space<vmem>>
    %dma_wait3A_869 = arith.constant 0 : i32
    %dma_wait3A_870 = arith.constant 0 : i32
    %dma_wait3A_871 = tpu.memref_slice %arg4[%dma_wait3A_865, %dma_wait3A_869, %dma_wait3A_870] : memref<4096x56x128xf32, #tpu.memory_space<hbm>> -> memref<1x50x64xf32, #tpu.memory_space<hbm>>
    %dma_wait3A_872 = tpu.memref_squeeze %dma_wait3A_871 : memref<1x50x64xf32, #tpu.memory_space<hbm>> -> memref<50x64xf32, #tpu.memory_space<hbm>>
    %dma_wait3A_873 = arith.constant 0 : i32
    %dma_wait3A_874 = arith.constant 0 : i32
    %dma_wait3A_875 = tpu.memref_slice %arg4[%dma_wait3A_865, %dma_wait3A_873, %dma_wait3A_874] : memref<4096x56x128xf32, #tpu.memory_space<hbm>> -> memref<1x50x64xf32, #tpu.memory_space<hbm>>
    %dma_wait3A_876 = tpu.memref_squeeze %dma_wait3A_875 : memref<1x50x64xf32, #tpu.memory_space<hbm>> -> memref<50x64xf32, #tpu.memory_space<hbm>>
    %dma_wait3A_877 = arith.constant 250 : i32
    %dma_wait3A_878 = arith.constant 0 : i32
    %dma_wait3A_879 = tpu.memref_slice %arg7[%dma_wait3A_877, %dma_wait3A_878] : memref<800x64xf32, #tpu.memory_space<vmem>> -> memref<50x64xf32, #tpu.memory_space<vmem>>
    tpu.wait_dma2 semaphore(%arg11 : memref<!tpu.dma_semaphore, #tpu.memory_space<semaphore_mem>>) src(%dma_wait3A_879 : memref<50x64xf32, #tpu.memory_space<vmem>>) dst(%dma_wait3A_876 : memref<50x64xf32, #tpu.memory_space<hbm>>)
    %dma_wait3A_880 = arith.constant 0 : i32
    %dma_wait3A_881 = arith.constant 300 : i32
    %dma_wait3A_882 = arith.constant 0 : i32
    %dma_wait3A_883 = tpu.memref_slice %arg7[%dma_wait3A_881, %dma_wait3A_882] : memref<800x64xf32, #tpu.memory_space<vmem>> -> memref<50x64xf32, #tpu.memory_space<vmem>>
    %dma_wait3A_884 = arith.constant 0 : i32
    %dma_wait3A_885 = arith.constant 0 : i32
    %dma_wait3A_886 = tpu.memref_slice %arg4[%dma_wait3A_880, %dma_wait3A_884, %dma_wait3A_885] : memref<4096x56x128xf32, #tpu.memory_space<hbm>> -> memref<1x50x64xf32, #tpu.memory_space<hbm>>
    %dma_wait3A_887 = tpu.memref_squeeze %dma_wait3A_886 : memref<1x50x64xf32, #tpu.memory_space<hbm>> -> memref<50x64xf32, #tpu.memory_space<hbm>>
    %dma_wait3A_888 = arith.constant 0 : i32
    %dma_wait3A_889 = arith.constant 0 : i32
    %dma_wait3A_890 = tpu.memref_slice %arg4[%dma_wait3A_880, %dma_wait3A_888, %dma_wait3A_889] : memref<4096x56x128xf32, #tpu.memory_space<hbm>> -> memref<1x50x64xf32, #tpu.memory_space<hbm>>
    %dma_wait3A_891 = tpu.memref_squeeze %dma_wait3A_890 : memref<1x50x64xf32, #tpu.memory_space<hbm>> -> memref<50x64xf32, #tpu.memory_space<hbm>>
    %dma_wait3A_892 = arith.constant 300 : i32
    %dma_wait3A_893 = arith.constant 0 : i32
    %dma_wait3A_894 = tpu.memref_slice %arg7[%dma_wait3A_892, %dma_wait3A_893] : memref<800x64xf32, #tpu.memory_space<vmem>> -> memref<50x64xf32, #tpu.memory_space<vmem>>
    tpu.wait_dma2 semaphore(%arg11 : memref<!tpu.dma_semaphore, #tpu.memory_space<semaphore_mem>>) src(%dma_wait3A_894 : memref<50x64xf32, #tpu.memory_space<vmem>>) dst(%dma_wait3A_891 : memref<50x64xf32, #tpu.memory_space<hbm>>)
    %dma_wait3A_895 = arith.constant 0 : i32
    %dma_wait3A_896 = arith.constant 350 : i32
    %dma_wait3A_897 = arith.constant 0 : i32
    %dma_wait3A_898 = tpu.memref_slice %arg7[%dma_wait3A_896, %dma_wait3A_897] : memref<800x64xf32, #tpu.memory_space<vmem>> -> memref<50x64xf32, #tpu.memory_space<vmem>>
    %dma_wait3A_899 = arith.constant 0 : i32
    %dma_wait3A_900 = arith.constant 0 : i32
    %dma_wait3A_901 = tpu.memref_slice %arg4[%dma_wait3A_895, %dma_wait3A_899, %dma_wait3A_900] : memref<4096x56x128xf32, #tpu.memory_space<hbm>> -> memref<1x50x64xf32, #tpu.memory_space<hbm>>
    %dma_wait3A_902 = tpu.memref_squeeze %dma_wait3A_901 : memref<1x50x64xf32, #tpu.memory_space<hbm>> -> memref<50x64xf32, #tpu.memory_space<hbm>>
    %dma_wait3A_903 = arith.constant 0 : i32
    %dma_wait3A_904 = arith.constant 0 : i32
    %dma_wait3A_905 = tpu.memref_slice %arg4[%dma_wait3A_895, %dma_wait3A_903, %dma_wait3A_904] : memref<4096x56x128xf32, #tpu.memory_space<hbm>> -> memref<1x50x64xf32, #tpu.memory_space<hbm>>
    %dma_wait3A_906 = tpu.memref_squeeze %dma_wait3A_905 : memref<1x50x64xf32, #tpu.memory_space<hbm>> -> memref<50x64xf32, #tpu.memory_space<hbm>>
    %dma_wait3A_907 = arith.constant 350 : i32
    %dma_wait3A_908 = arith.constant 0 : i32
    %dma_wait3A_909 = tpu.memref_slice %arg7[%dma_wait3A_907, %dma_wait3A_908] : memref<800x64xf32, #tpu.memory_space<vmem>> -> memref<50x64xf32, #tpu.memory_space<vmem>>
    tpu.wait_dma2 semaphore(%arg11 : memref<!tpu.dma_semaphore, #tpu.memory_space<semaphore_mem>>) src(%dma_wait3A_909 : memref<50x64xf32, #tpu.memory_space<vmem>>) dst(%dma_wait3A_906 : memref<50x64xf32, #tpu.memory_space<hbm>>)
    %dma_wait3A_910 = arith.constant 0 : i32
    %dma_wait3A_911 = arith.constant 400 : i32
    %dma_wait3A_912 = arith.constant 0 : i32
    %dma_wait3A_913 = tpu.memref_slice %arg7[%dma_wait3A_911, %dma_wait3A_912] : memref<800x64xf32, #tpu.memory_space<vmem>> -> memref<50x64xf32, #tpu.memory_space<vmem>>
    %dma_wait3A_914 = arith.constant 0 : i32
    %dma_wait3A_915 = arith.constant 0 : i32
    %dma_wait3A_916 = tpu.memref_slice %arg4[%dma_wait3A_910, %dma_wait3A_914, %dma_wait3A_915] : memref<4096x56x128xf32, #tpu.memory_space<hbm>> -> memref<1x50x64xf32, #tpu.memory_space<hbm>>
    %dma_wait3A_917 = tpu.memref_squeeze %dma_wait3A_916 : memref<1x50x64xf32, #tpu.memory_space<hbm>> -> memref<50x64xf32, #tpu.memory_space<hbm>>
    %dma_wait3A_918 = arith.constant 0 : i32
    %dma_wait3A_919 = arith.constant 0 : i32
    %dma_wait3A_920 = tpu.memref_slice %arg4[%dma_wait3A_910, %dma_wait3A_918, %dma_wait3A_919] : memref<4096x56x128xf32, #tpu.memory_space<hbm>> -> memref<1x50x64xf32, #tpu.memory_space<hbm>>
    %dma_wait3A_921 = tpu.memref_squeeze %dma_wait3A_920 : memref<1x50x64xf32, #tpu.memory_space<hbm>> -> memref<50x64xf32, #tpu.memory_space<hbm>>
    %dma_wait3A_922 = arith.constant 400 : i32
    %dma_wait3A_923 = arith.constant 0 : i32
    %dma_wait3A_924 = tpu.memref_slice %arg7[%dma_wait3A_922, %dma_wait3A_923] : memref<800x64xf32, #tpu.memory_space<vmem>> -> memref<50x64xf32, #tpu.memory_space<vmem>>
    tpu.wait_dma2 semaphore(%arg11 : memref<!tpu.dma_semaphore, #tpu.memory_space<semaphore_mem>>) src(%dma_wait3A_924 : memref<50x64xf32, #tpu.memory_space<vmem>>) dst(%dma_wait3A_921 : memref<50x64xf32, #tpu.memory_space<hbm>>)
    %dma_wait3A_925 = arith.constant 0 : i32
    %dma_wait3A_926 = arith.constant 450 : i32
    %dma_wait3A_927 = arith.constant 0 : i32
    %dma_wait3A_928 = tpu.memref_slice %arg7[%dma_wait3A_926, %dma_wait3A_927] : memref<800x64xf32, #tpu.memory_space<vmem>> -> memref<50x64xf32, #tpu.memory_space<vmem>>
    %dma_wait3A_929 = arith.constant 0 : i32
    %dma_wait3A_930 = arith.constant 0 : i32
    %dma_wait3A_931 = tpu.memref_slice %arg4[%dma_wait3A_925, %dma_wait3A_929, %dma_wait3A_930] : memref<4096x56x128xf32, #tpu.memory_space<hbm>> -> memref<1x50x64xf32, #tpu.memory_space<hbm>>
    %dma_wait3A_932 = tpu.memref_squeeze %dma_wait3A_931 : memref<1x50x64xf32, #tpu.memory_space<hbm>> -> memref<50x64xf32, #tpu.memory_space<hbm>>
    %dma_wait3A_933 = arith.constant 0 : i32
    %dma_wait3A_934 = arith.constant 0 : i32
    %dma_wait3A_935 = tpu.memref_slice %arg4[%dma_wait3A_925, %dma_wait3A_933, %dma_wait3A_934] : memref<4096x56x128xf32, #tpu.memory_space<hbm>> -> memref<1x50x64xf32, #tpu.memory_space<hbm>>
    %dma_wait3A_936 = tpu.memref_squeeze %dma_wait3A_935 : memref<1x50x64xf32, #tpu.memory_space<hbm>> -> memref<50x64xf32, #tpu.memory_space<hbm>>
    %dma_wait3A_937 = arith.constant 450 : i32
    %dma_wait3A_938 = arith.constant 0 : i32
    %dma_wait3A_939 = tpu.memref_slice %arg7[%dma_wait3A_937, %dma_wait3A_938] : memref<800x64xf32, #tpu.memory_space<vmem>> -> memref<50x64xf32, #tpu.memory_space<vmem>>
    tpu.wait_dma2 semaphore(%arg11 : memref<!tpu.dma_semaphore, #tpu.memory_space<semaphore_mem>>) src(%dma_wait3A_939 : memref<50x64xf32, #tpu.memory_space<vmem>>) dst(%dma_wait3A_936 : memref<50x64xf32, #tpu.memory_space<hbm>>)
    %dma_wait3A_940 = arith.constant 0 : i32
    %dma_wait3A_941 = arith.constant 500 : i32
    %dma_wait3A_942 = arith.constant 0 : i32
    %dma_wait3A_943 = tpu.memref_slice %arg7[%dma_wait3A_941, %dma_wait3A_942] : memref<800x64xf32, #tpu.memory_space<vmem>> -> memref<50x64xf32, #tpu.memory_space<vmem>>
    %dma_wait3A_944 = arith.constant 0 : i32
    %dma_wait3A_945 = arith.constant 0 : i32
    %dma_wait3A_946 = tpu.memref_slice %arg4[%dma_wait3A_940, %dma_wait3A_944, %dma_wait3A_945] : memref<4096x56x128xf32, #tpu.memory_space<hbm>> -> memref<1x50x64xf32, #tpu.memory_space<hbm>>
    %dma_wait3A_947 = tpu.memref_squeeze %dma_wait3A_946 : memref<1x50x64xf32, #tpu.memory_space<hbm>> -> memref<50x64xf32, #tpu.memory_space<hbm>>
    %dma_wait3A_948 = arith.constant 0 : i32
    %dma_wait3A_949 = arith.constant 0 : i32
    %dma_wait3A_950 = tpu.memref_slice %arg4[%dma_wait3A_940, %dma_wait3A_948, %dma_wait3A_949] : memref<4096x56x128xf32, #tpu.memory_space<hbm>> -> memref<1x50x64xf32, #tpu.memory_space<hbm>>
    %dma_wait3A_951 = tpu.memref_squeeze %dma_wait3A_950 : memref<1x50x64xf32, #tpu.memory_space<hbm>> -> memref<50x64xf32, #tpu.memory_space<hbm>>
    %dma_wait3A_952 = arith.constant 500 : i32
    %dma_wait3A_953 = arith.constant 0 : i32
    %dma_wait3A_954 = tpu.memref_slice %arg7[%dma_wait3A_952, %dma_wait3A_953] : memref<800x64xf32, #tpu.memory_space<vmem>> -> memref<50x64xf32, #tpu.memory_space<vmem>>
    tpu.wait_dma2 semaphore(%arg11 : memref<!tpu.dma_semaphore, #tpu.memory_space<semaphore_mem>>) src(%dma_wait3A_954 : memref<50x64xf32, #tpu.memory_space<vmem>>) dst(%dma_wait3A_951 : memref<50x64xf32, #tpu.memory_space<hbm>>)
    %dma_wait3A_955 = arith.constant 0 : i32
    %dma_wait3A_956 = arith.constant 550 : i32
    %dma_wait3A_957 = arith.constant 0 : i32
    %dma_wait3A_958 = tpu.memref_slice %arg7[%dma_wait3A_956, %dma_wait3A_957] : memref<800x64xf32, #tpu.memory_space<vmem>> -> memref<50x64xf32, #tpu.memory_space<vmem>>
    %dma_wait3A_959 = arith.constant 0 : i32
    %dma_wait3A_960 = arith.constant 0 : i32
    %dma_wait3A_961 = tpu.memref_slice %arg4[%dma_wait3A_955, %dma_wait3A_959, %dma_wait3A_960] : memref<4096x56x128xf32, #tpu.memory_space<hbm>> -> memref<1x50x64xf32, #tpu.memory_space<hbm>>
    %dma_wait3A_962 = tpu.memref_squeeze %dma_wait3A_961 : memref<1x50x64xf32, #tpu.memory_space<hbm>> -> memref<50x64xf32, #tpu.memory_space<hbm>>
    %dma_wait3A_963 = arith.constant 0 : i32
    %dma_wait3A_964 = arith.constant 0 : i32
    %dma_wait3A_965 = tpu.memref_slice %arg4[%dma_wait3A_955, %dma_wait3A_963, %dma_wait3A_964] : memref<4096x56x128xf32, #tpu.memory_space<hbm>> -> memref<1x50x64xf32, #tpu.memory_space<hbm>>
    %dma_wait3A_966 = tpu.memref_squeeze %dma_wait3A_965 : memref<1x50x64xf32, #tpu.memory_space<hbm>> -> memref<50x64xf32, #tpu.memory_space<hbm>>
    %dma_wait3A_967 = arith.constant 550 : i32
    %dma_wait3A_968 = arith.constant 0 : i32
    %dma_wait3A_969 = tpu.memref_slice %arg7[%dma_wait3A_967, %dma_wait3A_968] : memref<800x64xf32, #tpu.memory_space<vmem>> -> memref<50x64xf32, #tpu.memory_space<vmem>>
    tpu.wait_dma2 semaphore(%arg11 : memref<!tpu.dma_semaphore, #tpu.memory_space<semaphore_mem>>) src(%dma_wait3A_969 : memref<50x64xf32, #tpu.memory_space<vmem>>) dst(%dma_wait3A_966 : memref<50x64xf32, #tpu.memory_space<hbm>>)
    %dma_wait3A_970 = arith.constant 0 : i32
    %dma_wait3A_971 = arith.constant 600 : i32
    %dma_wait3A_972 = arith.constant 0 : i32
    %dma_wait3A_973 = tpu.memref_slice %arg7[%dma_wait3A_971, %dma_wait3A_972] : memref<800x64xf32, #tpu.memory_space<vmem>> -> memref<50x64xf32, #tpu.memory_space<vmem>>
    %dma_wait3A_974 = arith.constant 0 : i32
    %dma_wait3A_975 = arith.constant 0 : i32
    %dma_wait3A_976 = tpu.memref_slice %arg4[%dma_wait3A_970, %dma_wait3A_974, %dma_wait3A_975] : memref<4096x56x128xf32, #tpu.memory_space<hbm>> -> memref<1x50x64xf32, #tpu.memory_space<hbm>>
    %dma_wait3A_977 = tpu.memref_squeeze %dma_wait3A_976 : memref<1x50x64xf32, #tpu.memory_space<hbm>> -> memref<50x64xf32, #tpu.memory_space<hbm>>
    %dma_wait3A_978 = arith.constant 0 : i32
    %dma_wait3A_979 = arith.constant 0 : i32
    %dma_wait3A_980 = tpu.memref_slice %arg4[%dma_wait3A_970, %dma_wait3A_978, %dma_wait3A_979] : memref<4096x56x128xf32, #tpu.memory_space<hbm>> -> memref<1x50x64xf32, #tpu.memory_space<hbm>>
    %dma_wait3A_981 = tpu.memref_squeeze %dma_wait3A_980 : memref<1x50x64xf32, #tpu.memory_space<hbm>> -> memref<50x64xf32, #tpu.memory_space<hbm>>
    %dma_wait3A_982 = arith.constant 600 : i32
    %dma_wait3A_983 = arith.constant 0 : i32
    %dma_wait3A_984 = tpu.memref_slice %arg7[%dma_wait3A_982, %dma_wait3A_983] : memref<800x64xf32, #tpu.memory_space<vmem>> -> memref<50x64xf32, #tpu.memory_space<vmem>>
    tpu.wait_dma2 semaphore(%arg11 : memref<!tpu.dma_semaphore, #tpu.memory_space<semaphore_mem>>) src(%dma_wait3A_984 : memref<50x64xf32, #tpu.memory_space<vmem>>) dst(%dma_wait3A_981 : memref<50x64xf32, #tpu.memory_space<hbm>>)
    %dma_wait3A_985 = arith.constant 0 : i32
    %dma_wait3A_986 = arith.constant 650 : i32
    %dma_wait3A_987 = arith.constant 0 : i32
    %dma_wait3A_988 = tpu.memref_slice %arg7[%dma_wait3A_986, %dma_wait3A_987] : memref<800x64xf32, #tpu.memory_space<vmem>> -> memref<50x64xf32, #tpu.memory_space<vmem>>
    %dma_wait3A_989 = arith.constant 0 : i32
    %dma_wait3A_990 = arith.constant 0 : i32
    %dma_wait3A_991 = tpu.memref_slice %arg4[%dma_wait3A_985, %dma_wait3A_989, %dma_wait3A_990] : memref<4096x56x128xf32, #tpu.memory_space<hbm>> -> memref<1x50x64xf32, #tpu.memory_space<hbm>>
    %dma_wait3A_992 = tpu.memref_squeeze %dma_wait3A_991 : memref<1x50x64xf32, #tpu.memory_space<hbm>> -> memref<50x64xf32, #tpu.memory_space<hbm>>
    %dma_wait3A_993 = arith.constant 0 : i32
    %dma_wait3A_994 = arith.constant 0 : i32
    %dma_wait3A_995 = tpu.memref_slice %arg4[%dma_wait3A_985, %dma_wait3A_993, %dma_wait3A_994] : memref<4096x56x128xf32, #tpu.memory_space<hbm>> -> memref<1x50x64xf32, #tpu.memory_space<hbm>>
    %dma_wait3A_996 = tpu.memref_squeeze %dma_wait3A_995 : memref<1x50x64xf32, #tpu.memory_space<hbm>> -> memref<50x64xf32, #tpu.memory_space<hbm>>
    %dma_wait3A_997 = arith.constant 650 : i32
    %dma_wait3A_998 = arith.constant 0 : i32
    %dma_wait3A_999 = tpu.memref_slice %arg7[%dma_wait3A_997, %dma_wait3A_998] : memref<800x64xf32, #tpu.memory_space<vmem>> -> memref<50x64xf32, #tpu.memory_space<vmem>>
    tpu.wait_dma2 semaphore(%arg11 : memref<!tpu.dma_semaphore, #tpu.memory_space<semaphore_mem>>) src(%dma_wait3A_999 : memref<50x64xf32, #tpu.memory_space<vmem>>) dst(%dma_wait3A_996 : memref<50x64xf32, #tpu.memory_space<hbm>>)
    %dma_wait3A_1000 = arith.constant 0 : i32
    %dma_wait3A_1001 = arith.constant 700 : i32
    %dma_wait3A_1002 = arith.constant 0 : i32
    %dma_wait3A_1003 = tpu.memref_slice %arg7[%dma_wait3A_1001, %dma_wait3A_1002] : memref<800x64xf32, #tpu.memory_space<vmem>> -> memref<50x64xf32, #tpu.memory_space<vmem>>
    %dma_wait3A_1004 = arith.constant 0 : i32
    %dma_wait3A_1005 = arith.constant 0 : i32
    %dma_wait3A_1006 = tpu.memref_slice %arg4[%dma_wait3A_1000, %dma_wait3A_1004, %dma_wait3A_1005] : memref<4096x56x128xf32, #tpu.memory_space<hbm>> -> memref<1x50x64xf32, #tpu.memory_space<hbm>>
    %dma_wait3A_1007 = tpu.memref_squeeze %dma_wait3A_1006 : memref<1x50x64xf32, #tpu.memory_space<hbm>> -> memref<50x64xf32, #tpu.memory_space<hbm>>
    %dma_wait3A_1008 = arith.constant 0 : i32
    %dma_wait3A_1009 = arith.constant 0 : i32
    %dma_wait3A_1010 = tpu.memref_slice %arg4[%dma_wait3A_1000, %dma_wait3A_1008, %dma_wait3A_1009] : memref<4096x56x128xf32, #tpu.memory_space<hbm>> -> memref<1x50x64xf32, #tpu.memory_space<hbm>>
    %dma_wait3A_1011 = tpu.memref_squeeze %dma_wait3A_1010 : memref<1x50x64xf32, #tpu.memory_space<hbm>> -> memref<50x64xf32, #tpu.memory_space<hbm>>
    %dma_wait3A_1012 = arith.constant 700 : i32
    %dma_wait3A_1013 = arith.constant 0 : i32
    %dma_wait3A_1014 = tpu.memref_slice %arg7[%dma_wait3A_1012, %dma_wait3A_1013] : memref<800x64xf32, #tpu.memory_space<vmem>> -> memref<50x64xf32, #tpu.memory_space<vmem>>
    tpu.wait_dma2 semaphore(%arg11 : memref<!tpu.dma_semaphore, #tpu.memory_space<semaphore_mem>>) src(%dma_wait3A_1014 : memref<50x64xf32, #tpu.memory_space<vmem>>) dst(%dma_wait3A_1011 : memref<50x64xf32, #tpu.memory_space<hbm>>)
    %dma_wait3A_1015 = arith.constant 0 : i32
    %dma_wait3A_1016 = arith.constant 750 : i32
    %dma_wait3A_1017 = arith.constant 0 : i32
    %dma_wait3A_1018 = tpu.memref_slice %arg7[%dma_wait3A_1016, %dma_wait3A_1017] : memref<800x64xf32, #tpu.memory_space<vmem>> -> memref<50x64xf32, #tpu.memory_space<vmem>>
    %dma_wait3A_1019 = arith.constant 0 : i32
    %dma_wait3A_1020 = arith.constant 0 : i32
    %dma_wait3A_1021 = tpu.memref_slice %arg4[%dma_wait3A_1015, %dma_wait3A_1019, %dma_wait3A_1020] : memref<4096x56x128xf32, #tpu.memory_space<hbm>> -> memref<1x50x64xf32, #tpu.memory_space<hbm>>
    %dma_wait3A_1022 = tpu.memref_squeeze %dma_wait3A_1021 : memref<1x50x64xf32, #tpu.memory_space<hbm>> -> memref<50x64xf32, #tpu.memory_space<hbm>>
    %dma_wait3A_1023 = arith.constant 0 : i32
    %dma_wait3A_1024 = arith.constant 0 : i32
    %dma_wait3A_1025 = tpu.memref_slice %arg4[%dma_wait3A_1015, %dma_wait3A_1023, %dma_wait3A_1024] : memref<4096x56x128xf32, #tpu.memory_space<hbm>> -> memref<1x50x64xf32, #tpu.memory_space<hbm>>
    %dma_wait3A_1026 = tpu.memref_squeeze %dma_wait3A_1025 : memref<1x50x64xf32, #tpu.memory_space<hbm>> -> memref<50x64xf32, #tpu.memory_space<hbm>>
    %dma_wait3A_1027 = arith.constant 750 : i32
    %dma_wait3A_1028 = arith.constant 0 : i32
    %dma_wait3A_1029 = tpu.memref_slice %arg7[%dma_wait3A_1027, %dma_wait3A_1028] : memref<800x64xf32, #tpu.memory_space<vmem>> -> memref<50x64xf32, #tpu.memory_space<vmem>>
    tpu.wait_dma2 semaphore(%arg11 : memref<!tpu.dma_semaphore, #tpu.memory_space<semaphore_mem>>) src(%dma_wait3A_1029 : memref<50x64xf32, #tpu.memory_space<vmem>>) dst(%dma_wait3A_1026 : memref<50x64xf32, #tpu.memory_space<hbm>>)
    return
  }
}

</mosaic_0001>

<sc_bundles>
// kernel: kernel.4.cloned.1.call-start
scs
__scs_entry_jumppad:
0x0: {  	(pc) =	sbr.rel $0x88, $3  }
0x1: {  	(tag) =	ssettag $0x0;
	lr =	simm.s32 $0x1  }
0x2: {  	[smem:$0x3F9F] =	sst lr;
	_ =	strace $0xD0000000  }
0x3: {  	_ = 	snop  }
0x4: {  	_ = 	snop  }
0x5: {  	_ = 	snop  }
0x6: {  	_ = 	snop  }
0x7: {  	_ = 	snop  }
__scs_overlays_trampoline_lowered:
0x8: {  	[smem:$0x3FAE] =	sst s0  }
0x9: {  	[smem:$0x3FAF] =	sst s1  }
0xa: {  	[smem:$0x3FB0] =	sst s2  }
0xb: {  	[smem:$0x3FB1] =	sst s3  }
0xc: {  	[smem:$0x3FB2] =	sst s4  }
0xd: {  	[smem:$0x3FB3] =	sst s5  }
0xe: {  	[smem:$0x3FB4] =	sst s6  }
0xf: {  	[smem:$0x3FB5] =	sst s7  }
0x10: {  	[smem:$0x3FB6] =	sst s8  }
0x11: {  	[smem:$0x3FB7] =	sst s9;
	s0 =	simm.s32 @!p0 $0x0  }
0x12: {  	s1 =	sld [smem:$0x3F9D];
	s0 =	simm.s32 @p0 $0x1  }
0x13: {  	[smem:$0x3FB8] =	sst s0;
	s0 =	simm.s32 @!p1 $0x0  }
0x14: {  	s2 =	sld [smem:$0x3F9C];
	s0 =	simm.s32 @p1 $0x1  }
0x15: {  	[smem:$0x3FB9] =	sst s0;
	s0 =	simm.s32 @!p2 $0x0  }
0x16: {  	s3 =	sld [smem:$0x3FDB];
	s0 =	simm.s32 @p2 $0x1  }
0x17: {  	s4 =	simm.s32 $0x1BF5;
	[smem:$0x3FBB] =	sst s0  }
0x18: {  	s0 =	sld [smem:$0x3F9E];
	_ =	swait.ge [sflag:s4], $0x0  }
0x19: {  	s7 =	sld [smem:$0x3F9F]  }
0x1a: {  	s8 =	sadd.s32 $0xFFFFE003, lr  }
0x1b: {  	s9 =	sadd.s32 $0xFFFFFEF7, lr;
	s5 =	simm.s32 $0xFFFFFFFF;
	p2 =	slt.u32 s8, $0xFFFFF086  }
0x1c: {  	p1 =	slt.u32 s9, $0xF7A;
	s5 =	simm.s32 @!p2 $0x0  }
0x1d: {  	s5 =	simm.s32 @p1 $0x1;
	p0 =	seq.s32 s7, s2  }
0x1e: {  	s7 =	smul.u32 @!p0 $0xF7A, s2;
	p2 =	seq.s32 @!p0 s5, $0x0  }
0x1f: {  	s9 =	smul.u32 $0xF7A, s1;
	s8 =	simm.s32 @!p0 $0x1BF5;
	p2 =	por !p2, p0  }
0x20: {  	[sflag:s8] =	ssyncset.s32 @!p0 $0xFFFFF086;
	s6 =	sadd.s32 @!p0 s3, s7;
	s7 =	simm.s32 @!p0 $0x108  }
0x21: {  	s3 =	sadd.s32 s3, s9;
	s6 =	sadd.s32 @!p0 $0x88, s6;
	s7 =	simm.s32 @p2 $0x1082  }
0x22: {  	[simem:s7], [sflag:s8] =	dma.local @!p0 [hbm:s6], $0xF7A  }
0x23: {  	s9 =	sor.u32 $0xD0000000, s2;
	s6 =	simm.s32 $0x108;
	_ =	swait.ge @!p0 [sflag:s8], $0x0  }
0x24: {  	s3 =	sadd.s32 $0x88, s3;
	s6 =	simm.s32 @!p1 $0x1082;
	[sflag:s4] =	ssyncset.s32 $0xFFFFF086  }
0x25: {  	[simem:s6], [sflag:s4] =	dma.local [hbm:s3], $0xF7A  }
0x26: {  	[smem:$0x3F9F] =	sst s1;
	(tag) =	ssettag s2;
	_ =	strace s9  }
0x27: {  	s1 =	sld [smem:$0x3FAF]  }
0x28: {  	s2 =	sld [smem:$0x3FB0]  }
0x29: {  	s4 =	sld [smem:$0x3FB2]  }
0x2a: {  	p0 =	seq.s32 s5, $0x0;
	s5 =	sld [smem:$0x3FB3]  }
0x2b: {  	s6 =	sld [smem:$0x3FB4]  }
0x2c: {  	s7 =	sld [smem:$0x3FB5]  }
0x2d: {  	s3 =	simm.s32 $0x108;
	s8 =	sld [smem:$0x3FB6]  }
0x2e: {  	s3 =	simm.s32 @!p0 $0x1082;
	s9 =	sld [smem:$0x3FB7]  }
0x2f: {  	lr =	sadd.s32 s0, s3;
	s0 =	sld [smem:$0x3FAE]  }
0x30: {  	s3 =	sld [smem:$0x3FB1]  }
0x31: {  	[smem:$0x3FBA] =	sst s10  }
0x32: {  	s10 =	sld [smem:$0x3FB8];
	_ =	sdelay $0x3  }
0x33: {  	p0 =	seq.s32 s10, $0x1;
	s10 =	sld [smem:$0x3FBA];
	_ =	sdelay $0x3  }
0x34: {  	[smem:$0x3FBA] =	sst s10  }
0x35: {  	s10 =	sld [smem:$0x3FB9];
	_ =	sdelay $0x3  }
0x36: {  	p1 =	seq.s32 s10, $0x1;
	s10 =	sld [smem:$0x3FBA];
	_ =	sdelay $0x3  }
0x37: {  	[smem:$0x3FBA] =	sst s10  }
0x38: {  	s10 =	sld [smem:$0x3FBB]  }
0x39: {  	_ = 	snop;
	(pc) =	sbr.ind lr, $3  }
0x3a: {  	_ = 	snop  }
0x3b: {  	_ = 	snop  }
0x3c: {  	p2 =	seq.s32 s10, $0x1;
	s10 =	sld [smem:$0x3FBA]  }
0x3d: {  	_ =	shalt  }
0x3e: {  	_ =	shalt  }
0x3f: {  	_ =	shalt  }
0x40: {  	_ =	shalt  }
0x41: {  	_ =	shalt  }
0x42: {  	_ =	shalt  }
0x43: {  	_ =	shalt  }
0x44: {  	_ =	shalt  }
0x45: {  	_ =	shalt  }
0x46: {  	_ =	shalt  }
0x47: {  	_ =	shalt  }
0x48: {  	_ =	shalt  }
0x49: {  	_ =	shalt  }
0x4a: {  	_ =	shalt  }
0x4b: {  	_ =	shalt  }
0x4c: {  	_ =	shalt  }
0x4d: {  	_ =	shalt  }
0x4e: {  	_ =	shalt  }
0x4f: {  	_ =	shalt  }
0x50: {  	_ =	shalt  }
0x51: {  	_ =	shalt  }
0x52: {  	_ =	shalt  }
0x53: {  	_ =	shalt  }
0x54: {  	_ =	shalt  }
0x55: {  	_ =	shalt  }
0x56: {  	_ =	shalt  }
0x57: {  	_ =	shalt  }
0x58: {  	_ =	shalt  }
0x59: {  	_ =	shalt  }
0x5a: {  	_ =	shalt  }
0x5b: {  	_ =	shalt  }
0x5c: {  	_ =	shalt  }
0x5d: {  	_ =	shalt  }
0x5e: {  	_ =	shalt  }
0x5f: {  	_ =	shalt  }
0x60: {  	_ =	shalt  }
0x61: {  	_ =	shalt  }
0x62: {  	_ =	shalt  }
0x63: {  	_ =	shalt  }
0x64: {  	_ =	shalt  }
0x65: {  	_ =	shalt  }
0x66: {  	_ =	shalt  }
0x67: {  	_ =	shalt  }
0x68: {  	_ =	shalt  }
0x69: {  	_ =	shalt  }
0x6a: {  	_ =	shalt  }
0x6b: {  	_ =	shalt  }
0x6c: {  	_ =	shalt  }
0x6d: {  	_ =	shalt  }
0x6e: {  	_ =	shalt  }
0x6f: {  	_ =	shalt  }
0x70: {  	_ =	shalt  }
0x71: {  	_ =	shalt  }
0x72: {  	_ =	shalt  }
0x73: {  	_ =	shalt  }
0x74: {  	_ =	shalt  }
0x75: {  	_ =	shalt  }
0x76: {  	_ =	shalt  }
0x77: {  	_ =	shalt  }
0x78: {  	_ =	shalt  }
0x79: {  	_ =	shalt  }
0x7a: {  	_ =	shalt  }
0x7b: {  	_ =	shalt  }
0x7c: {  	_ =	shalt  }
0x7d: {  	_ =	shalt  }
0x7e: {  	_ =	shalt  }
0x7f: {  	_ =	shalt  }
0x80: {  	_ =	shalt  }
0x81: {  	_ =	shalt  }
0x82: {  	_ =	shalt  }
0x83: {  	_ =	shalt  }
0x84: {  	_ =	shalt  }
0x85: {  	_ =	shalt  }
0x86: {  	_ =	shalt  }
0x87: {  	_ =	shalt  }
.Lfunc_end0:
.L_simem_size_0:
called_computation.1_lowered:
.L_overlay_start_0:
0x88: {  	s2 =	sld [smem:$0x3FD9]  }
0x89: {  	s3 =	sld [smem:$0x3FFE];
	_ =	sdelay $0x1  }
0x8a: {  	s1 =	srdreg.scid  }
0x8b: {  	s0 =	sand.u32 $0x1, s1  }
0x8c: {  	s17 =	sshll.u32 s0, $0xA;
	s2 =	sadd.s32 s3, s2  }
0x8d: {  	s2 =	sadd.s32 s2, s17  }
0x8e: {  	[smem:$0x3FC6] =	sst s2  }
0x8f: {  	_ = 	snop  }
0x90: {  	s2 =	sld [smem:$0x3FD0];
	(tm) =	ssettm $0x1  }
0x91: {  	s18 =	sld [smem:$0x3FFB];
	_ =	sdelay $0x3  }
0x92: {  	_ =	strace s18  }
0x93: {  	s3 =	sld [smem:$0x3FFC];
	_ =	sdelay $0x3  }
0x94: {  	_ =	strace s3  }
0x95: {  	s3 =	sld [smem:$0x3FFD];
	_ =	sdelay $0x3  }
0x96: {  	_ =	strace s3  }
0x97: {  	_ =	strace $0x8FFFFFFF  }
0x98: {  	s19 =	sld [smem:$0x3FDB];
	_ =	sdelay $0x1  }
0x99: {  	s4 =	simm.s32 $_scs_section_size  }
0x9a: {  	s5 =	simm.s32 $_size__tile_overlayer_lowered;
	s6 =	simm.s32 $_tile_overlayer_lowered  }
0x9b: {  	s22 =	simm.s32 $0x1BFF;
	s21 =	sshll.u32 s6, $0x1;
	s3 =	sadd.s32 s4, s19  }
0x9c: {  	s7 =	simm.s32 $0x0;
	s20 =	sshll.u32 s5, $0x1;
	s5 =	sadd.s32 s21, s3  }
0x9d: {  	[timem:s7], [sflag:s22] =	dma.local [hbm:s5], s20  }
0x9e: {  	_ =	swait.ge [sflag:s22], s20  }
0x9f: {  	s4 =	ssub.s32 $0x0, s20;
	[sflag:s22] =	ssyncset.done $0x0  }
0xa0: {  	[sflag:s22] =	ssyncadd.s32 s4;
	_ =	sdelay $0x1  }
0xa1: {  	s23 =	simm.s32 $0x1B8B  }
0xa2: {  	_ =	swait.ge [sflag:s23], $0x1  }
0xa3: {  	[sflag:s23] =	ssyncset.done $0x0  }
0xa4: {  	s25 =	simm.s32 $0x1B8E;
	s24 =	sld [smem:$0x3FFE];
	[sflag:s23] =	ssyncadd.s32 $0xFFFFFFFF  }
0xa5: {  	s26 =	simm.s32 $execute0_lowered;
	[smem:$0x3FD2] =	sst s25  }
0xa6: {  	s5 =	sshll.u32 s26, $0x1;
	_ =	strace $0x80000046;
	[dreg:$0x1] =	wrdreg $0xFFFFFFFF  }
0xa7: {  	s28 =	simm.s32 $_size_execute0_lowered;
	s3 =	sadd.s32 s3, s5;
	[dreg:$0x0] =	wrdreg $0x0  }
0xa8: {  	s5 =	sshll.u32 s28, $0x1;
	[dreg:$0x2] =	wrdreg s3  }
0xa9: {  	[dreg:$0x3] =	wrdreg s5  }
0xaa: {  	[dreg:$0x4] =	wrdreg $0xC0  }
0xab: {  	_ =	task [dreg:s7], $0x5FFFF  }
0xac: {  	[dreg:$0x1] =	wrdreg $0xFFFFFFFF  }
0xad: {  	[dreg:$0x0] =	wrdreg $0x60  }
0xae: {  	[dreg:$0x2] =	wrdreg s2  }
0xaf: {  	[dreg:$0x3] =	wrdreg s24  }
0xb0: {  	[dreg:$0x4] =	wrdreg $0x9  }
0xb1: {  	_ =	task.clear_ibuf [dreg:s7], $0x5FFFF;
	_ =	strace $0x90000046  }
0xb2: {  	s29 =	simm.s32 $0x9;
	_ =	strace $0x80000048  }
0xb3: {  	_ =	swait.ge [sflag:s29], $0x1  }
0xb4: {  	[sflag:s29] =	ssyncadd.s32 $0xFFFFFFFF  }
0xb5: {  	_ =	strace $0x90000048  }
0xb6: {  	_ =	sfence  }
0xb7: {  	s30 =	sld [smem:$0x0];
	_ =	sdelay $0x2  }
0xb8: {  	s31 =	sshll.u32 s1, $0xD;
	s1 =	sshrl.u32 s1, $0x2  }
0xb9: {  	s3 =	sand.u32 $0x4000, s31;
	s1 =	sadd.s32 s1, s30  }
0xba: {  	s0 =	sor.u32 s3, s0;
	s1 =	sshll.u32 s1, $0x11  }
0xbb: {  	s0 =	sor.u32 s1, s0  }
0xbc: {  	s0 =	sadd.s32 $0x8F2B, s0  }
0xbd: {  	[sflag:s0] =	ssyncadd.remote.s32 $0x1  }
0xbe: {  	_ =	sfence.sel $0xFFFF  }
0xbf: {  	[dreg:$0x0] =	wrdreg $0xFFFFFFFF;
	(pc) =	sbr.abs _section_cstart, $3  }
0xc0: {  	[dreg:$0x1] =	wrdreg $0xFFFFFFFF  }
0xc1: {  	_ =	task.clear_ibuf [dreg:s7], $0x2FFFF;
	_ =	strace $0x9FFFFFFF  }
0xc2: {  	(tm) =	ssettm $0x7FFFFFFF  }
0xc3: {  	_ =	shalt  }
tec
execute0_lowered:
.L_overlay_start_1:
0x0: {  	(tag) =	ssettag $0x1  }
0x1: {  	s3 =	rddreg [dreg:$0x0];
	s1 =	srdreg.scid  }
0x2: {  	s0 =	stileid.u32;
	s4 =	rddreg [dreg:$0x1]  }
0x3: {  	s2 =	simm.s32 $0x0;
	s5 =	sand.u32 $0x1, s1;
	s1 =	rddreg [dreg:$0x2]  }
0x4: {  	s6 =	smul.u32 $0x3200, s0;
	[smem:$0x7FF] =	sst s2  }
0x5: {  	s8 =	sshll.u32 s0, $0xC;
	s7 =	smul.u32 $0x1900, s5;
	s30 =	ssub.s32 $0x2, s5  }
0x6: {  	_ =	strace $0x80000047;
	s5 =	sshll.u32 s5, $0xB;
	s9 =	sshrl.u32 s30, $0x1  }
0x7: {  	s5 =	sor.u32 s5, s8;
	s8 =	simm.s32 $0x1;
	s6 =	sadd.s32 s7, s6  }
0x8: {  	s31 =	ssub.s32 s30, s9;
	s3 =	sadd.s32 s3, s5;
	s6 =	sshrl.u32 s6, $0x3  }
0x9: {  	s7 =	simm.s32 $0x4000;
	s9 =	simm.s32 $0x0;
	s6 =	sadd.s32 s6, s4  }
0xa: {  	s4 =	smax.u32 s31, $0x1;
	s5 =	sadd.s32 $0xC00, s6;
	s6 =	simm.s32 $0x2  }
.LBB2_1:
0xb: {  	[tilespmem:s2], [sflag:$0x2] =	stream.linear.gather [hbm4b:s3+s2], $0x4000, $0x38;
	[tilespmem:$0x4100] =	vst v63  }
0xc: {  	_ =	swait.ge [sflag:s6], $0x4000  }
0xd: {  	[sflag:s6] =	ssyncset.done $0x0  }
0xe: {  	s10 =	simm.s32 $0x100;
	[sflag:s6] =	ssyncadd.s32 $0xFFFFC000  }
0xf: {  	v0 =	vld [tilespmem:s10+$0xFFFFFF00];
	_ =	sdelay $0x4  }
0x10: {  	[tilespmem:$0x4000] =	vst v0  }
0x11: {  	v0 =	vld [tilespmem:s10+$0xFFFFFF10];
	_ =	sdelay $0x4  }
0x12: {  	[tilespmem:$0x4010] =	vst v0  }
0x13: {  	v0 =	vld [tilespmem:s10+$0xFFFFFF20];
	_ =	sdelay $0x4  }
0x14: {  	[tilespmem:$0x4020] =	vst v0  }
0x15: {  	v0 =	vld [tilespmem:s10+$0xFFFFFF22];
	_ =	sdelay $0x4  }
0x16: {  	[tilespmem:$0x4022] =	vst v0  }
0x17: {  	v0 =	vld [tilespmem:s10+$0xFFFFFF80];
	_ =	sdelay $0x4  }
0x18: {  	[tilespmem:$0x4032] =	vst v0  }
0x19: {  	v0 =	vld [tilespmem:s10+$0xFFFFFF90];
	_ =	sdelay $0x4  }
0x1a: {  	[tilespmem:$0x4042] =	vst v0  }
0x1b: {  	v0 =	vld [tilespmem:s10+$0xFFFFFFA0];
	_ =	sdelay $0x4  }
0x1c: {  	[tilespmem:$0x4052] =	vst v0  }
0x1d: {  	v0 =	vld [tilespmem:s10+$0xFFFFFFA2];
	_ =	sdelay $0x4  }
0x1e: {  	[tilespmem:$0x4054] =	vst v0  }
0x1f: {  	v0 =	vld [tilespmem:s10+$0x0];
	_ =	sdelay $0x4  }
0x20: {  	[tilespmem:$0x4064] =	vst v0  }
0x21: {  	v0 =	vld [tilespmem:s10+$0x10];
	_ =	sdelay $0x4  }
0x22: {  	[tilespmem:$0x4074] =	vst v0  }
0x23: {  	v0 =	vld [tilespmem:s10+$0x20];
	_ =	sdelay $0x4  }
0x24: {  	[tilespmem:$0x4084] =	vst v0  }
0x25: {  	v0 =	vld [tilespmem:s10+$0x22];
	_ =	sdelay $0x4  }
0x26: {  	[tilespmem:$0x4086] =	vst v0  }
0x27: {  	v0 =	vld [tilespmem:s10+$0x80];
	_ =	sdelay $0x4  }
0x28: {  	[tilespmem:$0x4096] =	vst v0  }
0x29: {  	v0 =	vld [tilespmem:s10+$0x90];
	_ =	sdelay $0x4  }
0x2a: {  	[tilespmem:$0x40A6] =	vst v0  }
0x2b: {  	v0 =	vld [tilespmem:s10+$0xA0];
	_ =	sdelay $0x4  }
0x2c: {  	[tilespmem:$0x40B6] =	vst v0  }
0x2d: {  	v0 =	vld [tilespmem:s10+$0xA2];
	_ =	sdelay $0x4  }
0x2e: {  	s11 =	sadd.s32 $0x0, s5;
	[tilespmem:$0x40B8] =	vst v0  }
0x2f: {  	[hbm4b:s11+s2] =	stream.linear.scatter [tilespmem:s7], [sflag:$0x1], $0xC8, $0x38;
	[tilespmem:$0x4100] =	vst v63  }
0x30: {  	_ =	swait.ge [sflag:s8], $0xC8  }
0x31: {  	s11 =	simm.s32 $0x19;
	[sflag:s8] =	ssyncset.done $0x0  }
.LBB2_2:
0x32: {  	p0 =	sne.s32 s11, $0x307;
	[sflag:s8] =	ssyncadd.s32 $0xFFFFFF38;
	s10 =	sadd.s32 $0x200, s10  }
0x33: {  	s12 =	smov.u32 s11;
	s11 =	sadd.s32 $0x19, s11;
	v0 =	vld [tilespmem:s10+$0xFFFFFF00];
	_ =	sdelay $0x4  }
0x34: {  	[tilespmem:$0x4000] =	vst v0  }
0x35: {  	v0 =	vld [tilespmem:s10+$0xFFFFFF10];
	_ =	sdelay $0x4  }
0x36: {  	[tilespmem:$0x4010] =	vst v0  }
0x37: {  	v0 =	vld [tilespmem:s10+$0xFFFFFF20];
	_ =	sdelay $0x4  }
0x38: {  	[tilespmem:$0x4020] =	vst v0  }
0x39: {  	v0 =	vld [tilespmem:s10+$0xFFFFFF22];
	_ =	sdelay $0x4  }
0x3a: {  	[tilespmem:$0x4022] =	vst v0  }
0x3b: {  	v0 =	vld [tilespmem:s10+$0xFFFFFF80];
	_ =	sdelay $0x4  }
0x3c: {  	[tilespmem:$0x4032] =	vst v0  }
0x3d: {  	v0 =	vld [tilespmem:s10+$0xFFFFFF90];
	_ =	sdelay $0x4  }
0x3e: {  	[tilespmem:$0x4042] =	vst v0  }
0x3f: {  	v0 =	vld [tilespmem:s10+$0xFFFFFFA0];
	_ =	sdelay $0x4  }
0x40: {  	[tilespmem:$0x4052] =	vst v0  }
0x41: {  	v0 =	vld [tilespmem:s10+$0xFFFFFFA2];
	_ =	sdelay $0x4  }
0x42: {  	[tilespmem:$0x4054] =	vst v0  }
0x43: {  	v0 =	vld [tilespmem:s10+$0x0];
	_ =	sdelay $0x4  }
0x44: {  	[tilespmem:$0x4064] =	vst v0  }
0x45: {  	v0 =	vld [tilespmem:s10+$0x10];
	_ =	sdelay $0x4  }
0x46: {  	[tilespmem:$0x4074] =	vst v0  }
0x47: {  	v0 =	vld [tilespmem:s10+$0x20];
	_ =	sdelay $0x4  }
0x48: {  	[tilespmem:$0x4084] =	vst v0  }
0x49: {  	v0 =	vld [tilespmem:s10+$0x22];
	_ =	sdelay $0x4  }
0x4a: {  	[tilespmem:$0x4086] =	vst v0  }
0x4b: {  	v0 =	vld [tilespmem:s10+$0x80];
	_ =	sdelay $0x4  }
0x4c: {  	[tilespmem:$0x4096] =	vst v0  }
0x4d: {  	v0 =	vld [tilespmem:s10+$0x90];
	_ =	sdelay $0x4  }
0x4e: {  	[tilespmem:$0x40A6] =	vst v0  }
0x4f: {  	v0 =	vld [tilespmem:s10+$0xA0];
	_ =	sdelay $0x4  }
0x50: {  	[tilespmem:$0x40B6] =	vst v0  }
0x51: {  	v0 =	vld [tilespmem:s10+$0xA2];
	_ =	sdelay $0x3  }
.Ltmp0:
0x52: {  	(pc) =	sbr.rel @p0 .LBB2_2-.Ltmp0, $4  }
0x53: {  	s12 =	sadd.s32 s12, s5;
	[tilespmem:$0x40B8] =	vst v0  }
0x54: {  	[hbm4b:s12+s2] =	stream.linear.scatter [tilespmem:s7], [sflag:$0x1], $0xC8, $0x38;
	[tilespmem:$0x4100] =	vst v63  }
0x55: {  	_ =	swait.ge [sflag:s8], $0xC8  }
0x56: {  	[sflag:s8] =	ssyncset.done $0x0  }
0x57: {  	s9 =	sadd.s32 $0x1, s9  }
0x58: {  	p0 =	sne.s32 s9, s4  }
.Ltmp1:
0x59: {  	_ = 	snop;
	(pc) =	sbr.rel @p0 .LBB2_1-.Ltmp1, $2  }
0x5a: {  	_ =	sdelay $0x2  }
0x5b: {  	[sflag:s8] =	ssyncadd.s32 $0xFFFFFF38  }
0x5c: {  	_ =	sfence.sel $0x180000  }
0x5d: {  	[bflag:$0x0] =	sbarrier.arrive $0xFFFF  }
0x5e: {  	p0 =	sne.s32 s0, $0x0;
	_ =	strace $0x90000047  }
0x5f: {  	s0 =	sadd.s32 @!p0 $0x100000, s1;
	[bflag:$0x2] =	sbarrier.arrive $0xFFFF  }
0x60: {  	[sflag:s0] =	ssyncadd.tile.s32 @!p0 $0x1;
	_ =	shalt  }
.Lfunc_end2:
_tile_overlayer_lowered:
.L_overlay_start_2:
0x61: {  	(tag) =	ssettag $0x2  }
0x62: {  	s0 =	rddreg [dreg:$0x0];
	s2 =	stileid.u32  }
0x63: {  	s1 =	rddreg [dreg:$0x1];
	p0 =	sne.s32 s2, $0x0  }
0x64: {  	s3 =	rddreg [dreg:$0x2];
	[bflag:$0x3] =	sbarrier.arrive $0xFFFF;
	s2 =	simm.s32 @!p0 $0x1C02  }
0x65: {  	[timem:s3], [sflag:s2] =	dma.local @!p0 [hbm:s0], s1  }
0x66: {  	s0 =	simm.s32 @!p0 $0x2  }
0x67: {  	_ =	swait.ge @!p0 [sflag:s0], s1  }
0x68: {  	s1 =	ssub.s32 @!p0 $0x0, s1;
	[sflag:s0] =	ssyncset.done @!p0 $0x0  }
0x69: {  	[sflag:s0] =	ssyncadd.s32 @!p0 s1  }
0x6a: {  	[bflag:$0x3] =	sbarrier.arrive $0xFFFF  }
0x6b: {  	_ =	shalt  }

// kernel: kernel.7.cloned.1.call-start
scs
__scs_entry_jumppad:
0x0: {  	(pc) =	sbr.rel $0x88, $3  }
0x1: {  	(tag) =	ssettag $0x0;
	lr =	simm.s32 $0x1  }
0x2: {  	[smem:$0x3F9F] =	sst lr;
	_ =	strace $0xD0000000  }
0x3: {  	_ = 	snop  }
0x4: {  	_ = 	snop  }
0x5: {  	_ = 	snop  }
0x6: {  	_ = 	snop  }
0x7: {  	_ = 	snop  }
__scs_overlays_trampoline_lowered:
0x8: {  	[smem:$0x3FAE] =	sst s0  }
0x9: {  	[smem:$0x3FAF] =	sst s1  }
0xa: {  	[smem:$0x3FB0] =	sst s2  }
0xb: {  	[smem:$0x3FB1] =	sst s3  }
0xc: {  	[smem:$0x3FB2] =	sst s4  }
0xd: {  	[smem:$0x3FB3] =	sst s5  }
0xe: {  	[smem:$0x3FB4] =	sst s6  }
0xf: {  	[smem:$0x3FB5] =	sst s7  }
0x10: {  	[smem:$0x3FB6] =	sst s8  }
0x11: {  	[smem:$0x3FB7] =	sst s9;
	s0 =	simm.s32 @!p0 $0x0  }
0x12: {  	s1 =	sld [smem:$0x3F9D];
	s0 =	simm.s32 @p0 $0x1  }
0x13: {  	[smem:$0x3FB8] =	sst s0;
	s0 =	simm.s32 @!p1 $0x0  }
0x14: {  	s2 =	sld [smem:$0x3F9C];
	s0 =	simm.s32 @p1 $0x1  }
0x15: {  	[smem:$0x3FB9] =	sst s0;
	s0 =	simm.s32 @!p2 $0x0  }
0x16: {  	s3 =	sld [smem:$0x3FDB];
	s0 =	simm.s32 @p2 $0x1  }
0x17: {  	s4 =	simm.s32 $0x1BF5;
	[smem:$0x3FBB] =	sst s0  }
0x18: {  	s0 =	sld [smem:$0x3F9E];
	_ =	swait.ge [sflag:s4], $0x0  }
0x19: {  	s7 =	sld [smem:$0x3F9F]  }
0x1a: {  	s8 =	sadd.s32 $0xFFFFE003, lr  }
0x1b: {  	s9 =	sadd.s32 $0xFFFFFEF7, lr;
	s5 =	simm.s32 $0xFFFFFFFF;
	p2 =	slt.u32 s8, $0xFFFFF086  }
0x1c: {  	p1 =	slt.u32 s9, $0xF7A;
	s5 =	simm.s32 @!p2 $0x0  }
0x1d: {  	s5 =	simm.s32 @p1 $0x1;
	p0 =	seq.s32 s7, s2  }
0x1e: {  	s7 =	smul.u32 @!p0 $0xF7A, s2;
	p2 =	seq.s32 @!p0 s5, $0x0  }
0x1f: {  	s9 =	smul.u32 $0xF7A, s1;
	s8 =	simm.s32 @!p0 $0x1BF5;
	p2 =	por !p2, p0  }
0x20: {  	[sflag:s8] =	ssyncset.s32 @!p0 $0xFFFFF086;
	s6 =	sadd.s32 @!p0 s3, s7;
	s7 =	simm.s32 @!p0 $0x108  }
0x21: {  	s3 =	sadd.s32 s3, s9;
	s6 =	sadd.s32 @!p0 $0x88, s6;
	s7 =	simm.s32 @p2 $0x1082  }
0x22: {  	[simem:s7], [sflag:s8] =	dma.local @!p0 [hbm:s6], $0xF7A  }
0x23: {  	s9 =	sor.u32 $0xD0000000, s2;
	s6 =	simm.s32 $0x108;
	_ =	swait.ge @!p0 [sflag:s8], $0x0  }
0x24: {  	s3 =	sadd.s32 $0x88, s3;
	s6 =	simm.s32 @!p1 $0x1082;
	[sflag:s4] =	ssyncset.s32 $0xFFFFF086  }
0x25: {  	[simem:s6], [sflag:s4] =	dma.local [hbm:s3], $0xF7A  }
0x26: {  	[smem:$0x3F9F] =	sst s1;
	(tag) =	ssettag s2;
	_ =	strace s9  }
0x27: {  	s1 =	sld [smem:$0x3FAF]  }
0x28: {  	s2 =	sld [smem:$0x3FB0]  }
0x29: {  	s4 =	sld [smem:$0x3FB2]  }
0x2a: {  	p0 =	seq.s32 s5, $0x0;
	s5 =	sld [smem:$0x3FB3]  }
0x2b: {  	s6 =	sld [smem:$0x3FB4]  }
0x2c: {  	s7 =	sld [smem:$0x3FB5]  }
0x2d: {  	s3 =	simm.s32 $0x108;
	s8 =	sld [smem:$0x3FB6]  }
0x2e: {  	s3 =	simm.s32 @!p0 $0x1082;
	s9 =	sld [smem:$0x3FB7]  }
0x2f: {  	lr =	sadd.s32 s0, s3;
	s0 =	sld [smem:$0x3FAE]  }
0x30: {  	s3 =	sld [smem:$0x3FB1]  }
0x31: {  	[smem:$0x3FBA] =	sst s10  }
0x32: {  	s10 =	sld [smem:$0x3FB8];
	_ =	sdelay $0x3  }
0x33: {  	p0 =	seq.s32 s10, $0x1;
	s10 =	sld [smem:$0x3FBA];
	_ =	sdelay $0x3  }
0x34: {  	[smem:$0x3FBA] =	sst s10  }
0x35: {  	s10 =	sld [smem:$0x3FB9];
	_ =	sdelay $0x3  }
0x36: {  	p1 =	seq.s32 s10, $0x1;
	s10 =	sld [smem:$0x3FBA];
	_ =	sdelay $0x3  }
0x37: {  	[smem:$0x3FBA] =	sst s10  }
0x38: {  	s10 =	sld [smem:$0x3FBB]  }
0x39: {  	_ = 	snop;
	(pc) =	sbr.ind lr, $3  }
0x3a: {  	_ = 	snop  }
0x3b: {  	_ = 	snop  }
0x3c: {  	p2 =	seq.s32 s10, $0x1;
	s10 =	sld [smem:$0x3FBA]  }
0x3d: {  	_ =	shalt  }
0x3e: {  	_ =	shalt  }
0x3f: {  	_ =	shalt  }
0x40: {  	_ =	shalt  }
0x41: {  	_ =	shalt  }
0x42: {  	_ =	shalt  }
0x43: {  	_ =	shalt  }
0x44: {  	_ =	shalt  }
0x45: {  	_ =	shalt  }
0x46: {  	_ =	shalt  }
0x47: {  	_ =	shalt  }
0x48: {  	_ =	shalt  }
0x49: {  	_ =	shalt  }
0x4a: {  	_ =	shalt  }
0x4b: {  	_ =	shalt  }
0x4c: {  	_ =	shalt  }
0x4d: {  	_ =	shalt  }
0x4e: {  	_ =	shalt  }
0x4f: {  	_ =	shalt  }
0x50: {  	_ =	shalt  }
0x51: {  	_ =	shalt  }
0x52: {  	_ =	shalt  }
0x53: {  	_ =	shalt  }
0x54: {  	_ =	shalt  }
0x55: {  	_ =	shalt  }
0x56: {  	_ =	shalt  }
0x57: {  	_ =	shalt  }
0x58: {  	_ =	shalt  }
0x59: {  	_ =	shalt  }
0x5a: {  	_ =	shalt  }
0x5b: {  	_ =	shalt  }
0x5c: {  	_ =	shalt  }
0x5d: {  	_ =	shalt  }
0x5e: {  	_ =	shalt  }
0x5f: {  	_ =	shalt  }
0x60: {  	_ =	shalt  }
0x61: {  	_ =	shalt  }
0x62: {  	_ =	shalt  }
0x63: {  	_ =	shalt  }
0x64: {  	_ =	shalt  }
0x65: {  	_ =	shalt  }
0x66: {  	_ =	shalt  }
0x67: {  	_ =	shalt  }
0x68: {  	_ =	shalt  }
0x69: {  	_ =	shalt  }
0x6a: {  	_ =	shalt  }
0x6b: {  	_ =	shalt  }
0x6c: {  	_ =	shalt  }
0x6d: {  	_ =	shalt  }
0x6e: {  	_ =	shalt  }
0x6f: {  	_ =	shalt  }
0x70: {  	_ =	shalt  }
0x71: {  	_ =	shalt  }
0x72: {  	_ =	shalt  }
0x73: {  	_ =	shalt  }
0x74: {  	_ =	shalt  }
0x75: {  	_ =	shalt  }
0x76: {  	_ =	shalt  }
0x77: {  	_ =	shalt  }
0x78: {  	_ =	shalt  }
0x79: {  	_ =	shalt  }
0x7a: {  	_ =	shalt  }
0x7b: {  	_ =	shalt  }
0x7c: {  	_ =	shalt  }
0x7d: {  	_ =	shalt  }
0x7e: {  	_ =	shalt  }
0x7f: {  	_ =	shalt  }
0x80: {  	_ =	shalt  }
0x81: {  	_ =	shalt  }
0x82: {  	_ =	shalt  }
0x83: {  	_ =	shalt  }
0x84: {  	_ =	shalt  }
0x85: {  	_ =	shalt  }
0x86: {  	_ =	shalt  }
0x87: {  	_ =	shalt  }
.Lfunc_end0:
.L_simem_size_0:
called_computation.2_lowered:
.L_overlay_start_0:
0x88: {  	s2 =	sld [smem:$0x3FD9]  }
0x89: {  	s3 =	sld [smem:$0x3FFE];
	_ =	sdelay $0x1  }
0x8a: {  	s1 =	srdreg.scid  }
0x8b: {  	s0 =	sand.u32 $0x1, s1  }
0x8c: {  	s16 =	sshll.u32 s0, $0xA;
	s2 =	sadd.s32 s3, s2  }
0x8d: {  	s2 =	sadd.s32 s2, s16  }
0x8e: {  	[smem:$0x3FC6] =	sst s2  }
0x8f: {  	_ = 	snop  }
0x90: {  	(tm) =	ssettm $0x1  }
0x91: {  	s17 =	sld [smem:$0x3FFB];
	_ =	sdelay $0x3  }
0x92: {  	_ =	strace s17  }
0x93: {  	s2 =	sld [smem:$0x3FFC];
	_ =	sdelay $0x3  }
0x94: {  	_ =	strace s2  }
0x95: {  	s2 =	sld [smem:$0x3FFD];
	_ =	sdelay $0x3  }
0x96: {  	_ =	strace s2  }
0x97: {  	_ =	strace $0x8FFFFFFF  }
0x98: {  	s18 =	sld [smem:$0x3FDB];
	_ =	sdelay $0x1  }
0x99: {  	s19 =	simm.s32 $_scs_section_size  }
0x9a: {  	s4 =	simm.s32 $_size__tile_overlayer_lowered;
	s5 =	simm.s32 $_tile_overlayer_lowered  }
0x9b: {  	s22 =	simm.s32 $0x1BFF;
	s21 =	sshll.u32 s5, $0x1;
	s2 =	sadd.s32 s19, s18  }
0x9c: {  	s6 =	simm.s32 $0x0;
	s20 =	sshll.u32 s4, $0x1;
	s4 =	sadd.s32 s21, s2  }
0x9d: {  	[timem:s6], [sflag:s22] =	dma.local [hbm:s4], s20  }
0x9e: {  	_ =	swait.ge [sflag:s22], s20  }
0x9f: {  	s3 =	ssub.s32 $0x0, s20;
	[sflag:s22] =	ssyncset.done $0x0  }
0xa0: {  	[sflag:s22] =	ssyncadd.s32 s3;
	_ =	sdelay $0x1  }
0xa1: {  	s23 =	simm.s32 $0x1B8B  }
0xa2: {  	_ =	swait.ge [sflag:s23], $0x1  }
0xa3: {  	[sflag:s23] =	ssyncset.done $0x0  }
0xa4: {  	s25 =	simm.s32 $0x1B8E;
	s24 =	sld [smem:$0x3FFE];
	[sflag:s23] =	ssyncadd.s32 $0xFFFFFFFF  }
0xa5: {  	s26 =	simm.s32 $execute0_lowered;
	[smem:$0x3FD2] =	sst s25  }
0xa6: {  	s4 =	sshll.u32 s26, $0x1;
	_ =	strace $0x80000049;
	[dreg:$0x1] =	wrdreg $0xFFFFFFFF  }
0xa7: {  	s28 =	simm.s32 $_size_execute0_lowered;
	s2 =	sadd.s32 s2, s4;
	[dreg:$0x0] =	wrdreg $0x0  }
0xa8: {  	s4 =	sshll.u32 s28, $0x1;
	[dreg:$0x2] =	wrdreg s2  }
0xa9: {  	[dreg:$0x3] =	wrdreg s4  }
0xaa: {  	[dreg:$0x4] =	wrdreg $0xC0  }
0xab: {  	_ =	task [dreg:s6], $0x5FFFF  }
0xac: {  	[dreg:$0x1] =	wrdreg $0xFFFFFFFF  }
0xad: {  	[dreg:$0x0] =	wrdreg $0x60  }
0xae: {  	[dreg:$0x2] =	wrdreg s24  }
0xaf: {  	[dreg:$0x3] =	wrdreg $0x9  }
0xb0: {  	_ =	task.clear_ibuf [dreg:s6], $0x4FFFF;
	_ =	strace $0x90000049  }
0xb1: {  	s29 =	simm.s32 $0x9;
	_ =	strace $0x8000004B  }
0xb2: {  	_ =	swait.ge [sflag:s29], $0x1  }
0xb3: {  	[sflag:s29] =	ssyncadd.s32 $0xFFFFFFFF  }
0xb4: {  	_ =	strace $0x9000004B  }
0xb5: {  	_ =	sfence  }
0xb6: {  	s30 =	sld [smem:$0x0];
	_ =	sdelay $0x2  }
0xb7: {  	s31 =	sshll.u32 s1, $0xD;
	s1 =	sshrl.u32 s1, $0x2  }
0xb8: {  	s3 =	sand.u32 $0x4000, s31;
	s1 =	sadd.s32 s1, s30  }
0xb9: {  	s0 =	sor.u32 s3, s0;
	s1 =	sshll.u32 s1, $0x11  }
0xba: {  	s0 =	sor.u32 s1, s0  }
0xbb: {  	s0 =	sadd.s32 $0x8F2B, s0  }
0xbc: {  	[sflag:s0] =	ssyncadd.remote.s32 $0x1  }
0xbd: {  	_ =	sfence.sel $0xFFFF  }
0xbe: {  	[dreg:$0x0] =	wrdreg $0xFFFFFFFF;
	(pc) =	sbr.abs _section_cstart, $3  }
0xbf: {  	[dreg:$0x1] =	wrdreg $0xFFFFFFFF  }
0xc0: {  	_ =	task.clear_ibuf [dreg:s6], $0x2FFFF;
	_ =	strace $0x9FFFFFFF  }
0xc1: {  	(tm) =	ssettm $0x7FFFFFFF  }
tec
execute0_lowered:
.L_overlay_start_1:
0x0: {  	(tag) =	ssettag $0x1  }
0x1: {  	s0 =	srdreg.scid;
	s2 =	stileid.u32  }
0x2: {  	s1 =	rddreg [dreg:$0x0];
	s3 =	simm.s32 $0x0;
	s0 =	sand.u32 $0x1, s0  }
0x3: {  	s2 =	sshll.u32 s2, $0x1;
	[smem:$0x7FF] =	sst s3;
	s3 =	sadd.s32 $0xF49400, s1  }
0x4: {  	s8 =	sadd.s32 $0x7380, s1;
	s9 =	sadd.s32 $0x7700, s1;
	s2 =	sor.u32 s0, s2  }
0x5: {  	s12 =	sadd.s32 $0x7A80, s1;
	s0 =	ssub.s32 $0x2, s0;
	s7 =	smul.u32 $0x1C000, s2  }
0x6: {  	s13 =	sadd.s32 $0x7E00, s1;
	_ =	strace $0x8000004A;
	s5 =	sshrl.u32 s0, $0x1  }
0x7: {  	s4 =	smul.u32 $0x320, s2;
	s0 =	ssub.s32 s0, s5;
	s10 =	sadd.s32 s7, s8  }
0x8: {  	s5 =	sshll.u32 s2, $0x7;
	s16 =	sadd.s32 s7, s9;
	[dreg:$0x4] =	wrdreg s10  }
0x9: {  	s2 =	smul.u32 $0xE0000, s2;
	s17 =	sadd.s32 s7, s12;
	[dreg:$0x5] =	wrdreg s16  }
0xa: {  	s6 =	sadd.s32 s4, s1;
	s18 =	sadd.s32 s7, s13;
	[dreg:$0x6] =	wrdreg s17  }
0xb: {  	s4 =	sadd.s32 $0x7000, s1;
	s0 =	smax.u32 s0, $0x1;
	[dreg:$0x7] =	wrdreg s18  }
0xc: {  	s6 =	sadd.s32 $0xC00, s6;
	s2 =	sshrl.u32 s2, $0x3;
	[dreg:$0x18] =	wrdreg s0  }
0xd: {  	[dreg:$0x2] =	wrdreg s6;
	s6 =	sadd.s32 s4, s7;
	s1 =	sadd.s32 s4, s2  }
0xe: {  	s19 =	sadd.s32 $0x18800, s1;
	[dreg:$0x3] =	wrdreg s6  }
0xf: {  	s20 =	sadd.s32 $0x18B80, s1;
	[dreg:$0x8] =	wrdreg s19  }
0x10: {  	s21 =	sadd.s32 $0x18F00, s1;
	[dreg:$0x9] =	wrdreg s20  }
0x11: {  	s22 =	sadd.s32 $0x19280, s1;
	[dreg:$0xa] =	wrdreg s21  }
0x12: {  	s23 =	sadd.s32 $0x19600, s1;
	[dreg:$0xb] =	wrdreg s22  }
0x13: {  	s24 =	sadd.s32 $0x19980, s1;
	[dreg:$0xc] =	wrdreg s23  }
0x14: {  	s25 =	sadd.s32 $0x19D00, s1;
	[dreg:$0xd] =	wrdreg s24  }
0x15: {  	s26 =	sadd.s32 $0x1A080, s1;
	[dreg:$0xe] =	wrdreg s25  }
0x16: {  	s31 =	sadd.s32 $0x1A400, s1;
	[dreg:$0xf] =	wrdreg s26  }
0x17: {  	s7 =	sadd.s32 $0x1A780, s1;
	[dreg:$0x10] =	wrdreg s31  }
0x18: {  	s10 =	sadd.s32 $0x1AB00, s1;
	[dreg:$0x11] =	wrdreg s7  }
0x19: {  	s11 =	sadd.s32 $0x1AE80, s1;
	[dreg:$0x12] =	wrdreg s10  }
0x1a: {  	s14 =	sadd.s32 $0x1B200, s1;
	[dreg:$0x13] =	wrdreg s11  }
0x1b: {  	s15 =	sadd.s32 $0x1B580, s1;
	[dreg:$0x14] =	wrdreg s14  }
0x1c: {  	s16 =	sadd.s32 $0x1B900, s1;
	[dreg:$0x15] =	wrdreg s15  }
0x1d: {  	s28 =	simm.s32 $0x40;
	s1 =	sadd.s32 $0x1BC80, s1;
	[dreg:$0x16] =	wrdreg s16  }
0x1e: {  	s29 =	simm.s32 $0x80;
	s17 =	sadd.s32 $0x1180, s6;
	[dreg:$0x17] =	wrdreg s1  }
0x1f: {  	s30 =	simm.s32 $0x4;
	s18 =	sadd.s32 $0x1500, s6;
	[dreg:$0x19] =	wrdreg s17  }
0x20: {  	[dreg:$0x1a] =	wrdreg s18;
	s19 =	sadd.s32 $0x1880, s6;
	s20 =	sadd.s32 $0x1C00, s6  }
0x21: {  	s21 =	sadd.s32 $0x1F80, s6;
	s22 =	sadd.s32 $0x2300, s6;
	[dreg:$0x1b] =	wrdreg s19  }
0x22: {  	s23 =	sadd.s32 $0x2680, s6;
	s24 =	sadd.s32 $0x2A00, s6;
	[dreg:$0x1c] =	wrdreg s20  }
0x23: {  	s25 =	sadd.s32 $0x2D80, s6;
	s26 =	sadd.s32 $0x3100, s6;
	[dreg:$0x1d] =	wrdreg s21  }
0x24: {  	s31 =	sadd.s32 $0x3480, s6;
	s7 =	simm.s32 $0x3;
	[dreg:$0x1e] =	wrdreg s22  }
0x25: {  	s11 =	simm.s32 $0x14500;
	s14 =	simm.s32 $0x15180;
	[dreg:$0x1f] =	wrdreg s23  }
0x26: {  	s15 =	simm.s32 $0x15E00;
	s16 =	simm.s32 $0x16A80;
	[smem:$0x7FA] =	sst s24  }
0x27: {  	s17 =	simm.s32 $0x17700;
	s18 =	simm.s32 $0x18380;
	[smem:$0x7FB] =	sst s25  }
0x28: {  	s1 =	simm.s32 $0x0;
	s10 =	simm.s32 $0xED80;
	[smem:$0x7FC] =	sst s26  }
0x29: {  	[smem:$0x7FD] =	sst s31;
	s21 =	sor.u32 $0x10, s5;
	s23 =	simm.s32 $0x320  }
0x2a: {  	s24 =	simm.s32 $0x1900;
	s25 =	simm.s32 $0xE100;
	s26 =	simm.s32 $0x1  }
0x2b: {  	s22 =	simm.s32 $0x2;
	s19 =	simm.s32 $0x19000;
	s20 =	simm.s32 $0x19C80  }
.LBB2_1:
0x2c: {  	[smem:$0x7F9] =	sst s1  }
0x2d: {  	s0 =	simm.s32 $0x0;
	s6 =	rddreg [dreg:$0x2];
	s31 =	simm.s32 $0x5  }
0x2e: {  	[tilespmem:s0], [sflag:$0x5] =	stream.linear.gather [hbm4b:s6+s0], $0x1900, $0x38;
	[tilespmem:$0x1A900] =	vst v63  }
0x2f: {  	_ =	swait.ge [sflag:s31], $0x1900  }
0x30: {  	[sflag:s31] =	ssyncset.done $0x0  }
0x31: {  	[sflag:s31] =	ssyncadd.s32 $0xFFFFE700  }
0x32: {  	[tilespmem:s24], [sflag:$0x1] =	stream.indirect.gather [hbm4b:s3+s23], $0x40, s0, s23, $0xb8;
	[tilespmem:$0x1A900] =	vst v63  }
0x33: {  	_ = 	snop  }
0x34: {  	[tilespmem:s25], [sflag:$0x2] =	stream.indirect.gather [hbm4b:s3+s23], $0x40, s23, s23, $0xb8;
	[tilespmem:$0x1A900] =	vst v63  }
0x35: {  	_ =	swait.ge [sflag:s26], $0xC800  }
0x36: {  	[sflag:s26] =	ssyncset.done $0x0  }
0x37: {  	s0 =	simm.s32 $0x1980;
	[sflag:s26] =	ssyncadd.s32 $0xFFFF3800  }
0x38: {  	v0 =	vld [tilespmem:s0+$0x70]  }
0x39: {  	v1 =	vld [tilespmem:s0+$0xFFFFFF90]  }
0x3a: {  	v2 =	vld [tilespmem:s0+$0xFFFFFFA0]  }
0x3b: {  	v3 =	vld [tilespmem:s0+$0xFFFFFFB0]  }
0x3c: {  	v4 =	vld [tilespmem:s0+$0xFFFFFFC0]  }
0x3d: {  	v5 =	vld [tilespmem:s0+$0xFFFFFFD0];
	v0 =	vmul.f32 $8.000000000e+00, v0  }
0x3e: {  	v6 =	vld [tilespmem:s0+$0xFFFFFFE0];
	v1 =	vmul.f32 $8.000000000e+00, v1  }
0x3f: {  	v7 =	vld [tilespmem:s0+$0xFFFFFFF0];
	v2 =	vmul.f32 $8.000000000e+00, v2;
	[tilespmem:s0+$0x70] =	vst v0  }
0x40: {  	[tilespmem:s0+$0xFFFFFF90] =	vst v1;
	v0 =	vmul.f32 $8.000000000e+00, v3;
	v3 =	vld [tilespmem:s0+$0x0]  }
0x41: {  	[tilespmem:s0+$0xFFFFFFA0] =	vst v2;
	v1 =	vmul.f32 $8.000000000e+00, v4;
	v4 =	vld [tilespmem:s0+$0x10]  }
0x42: {  	v8 =	vld [tilespmem:s0+$0x20];
	v2 =	vmul.f32 $8.000000000e+00, v5;
	[tilespmem:s0+$0xFFFFFFB0] =	vst v0  }
0x43: {  	v5 =	vmul.f32 $8.000000000e+00, v6;
	[tilespmem:s0+$0xFFFFFFC0] =	vst v1;
	v0 =	vld [tilespmem:s0+$0x30]  }
0x44: {  	v6 =	vmul.f32 $8.000000000e+00, v7;
	[tilespmem:s0+$0xFFFFFFD0] =	vst v2;
	v1 =	vld [tilespmem:s0+$0x40]  }
0x45: {  	[tilespmem:s0+$0xFFFFFFE0] =	vst v5;
	v2 =	vld [tilespmem:s0+$0x50];
	v7 =	vmul.f32 $8.000000000e+00, v3  }
0x46: {  	[tilespmem:s0+$0xFFFFFFF0] =	vst v6;
	v3 =	vld [tilespmem:s0+$0x60];
	v5 =	vmul.f32 $8.000000000e+00, v4  }
0x47: {  	s1 =	simm.s32 $0x0;
	s2 =	simm.s32 $0x1A80;
	v6 =	vmul.f32 $8.000000000e+00, v8;
	v4 =	vld [tilespmem:s0+$0xFFFFFF80];
	[tilespmem:s0+$0x0] =	vst v7  }
.LBB2_2:
0x48: {  	v7 =	vld [tilespmem:s2+$0x70];
	s1 =	sadd.s32 $0x4, s1;
	[tilespmem:s0+$0x10] =	vst v5;
	v0 =	vmul.f32 $8.000000000e+00, v0  }
0x49: {  	v5 =	vld [tilespmem:s2+$0xFFFFFF90];
	p0 =	slt.u32 s1, $0x31C;
	[tilespmem:s0+$0x20] =	vst v6;
	v1 =	vmul.f32 $8.000000000e+00, v1  }
0x4a: {  	v6 =	vld [tilespmem:s2+$0xFFFFFFA0];
	[tilespmem:s0+$0x30] =	vst v0;
	v0 =	vmul.f32 $8.000000000e+00, v2  }
0x4b: {  	v2 =	vld [tilespmem:s2+$0xFFFFFFB0];
	[tilespmem:s0+$0x40] =	vst v1;
	v1 =	vmul.f32 $8.000000000e+00, v3  }
0x4c: {  	v3 =	vld [tilespmem:s2+$0xFFFFFFC0];
	v4 =	vmul.f32 $8.000000000e+00, v4;
	[tilespmem:s0+$0x50] =	vst v0  }
0x4d: {  	v0 =	vld [tilespmem:s2+$0xFFFFFFD0];
	v7 =	vmul.f32 $8.000000000e+00, v7;
	[tilespmem:s0+$0x60] =	vst v1  }
0x4e: {  	v1 =	vmul.f32 $8.000000000e+00, v5;
	v5 =	vld [tilespmem:s2+$0xFFFFFFE0];
	[tilespmem:s0+$0xFFFFFF80] =	vst v4;
	s0 =	smov.u32 s2  }
0x4f: {  	v4 =	vmul.f32 $8.000000000e+00, v6;
	v6 =	vld [tilespmem:s2+$0xFFFFFFF0];
	[tilespmem:s2+$0x70] =	vst v7  }
0x50: {  	[tilespmem:s2+$0xFFFFFF90] =	vst v1;
	v1 =	vmul.f32 $8.000000000e+00, v2;
	v2 =	vld [tilespmem:s2+$0x0]  }
0x51: {  	[tilespmem:s2+$0xFFFFFFA0] =	vst v4;
	v3 =	vmul.f32 $8.000000000e+00, v3;
	v4 =	vld [tilespmem:s2+$0x10]  }
0x52: {  	[tilespmem:s2+$0xFFFFFFB0] =	vst v1;
	v1 =	vmul.f32 $8.000000000e+00, v0;
	v7 =	vld [tilespmem:s2+$0x20]  }
.Ltmp0:
0x53: {  	[tilespmem:s2+$0xFFFFFFC0] =	vst v3;
	v3 =	vmul.f32 $8.000000000e+00, v5;
	v0 =	vld [tilespmem:s2+$0x30];
	(pc) =	sbr.rel @p0 .LBB2_2-.Ltmp0, $4  }
0x54: {  	[tilespmem:s2+$0xFFFFFFD0] =	vst v1;
	v5 =	vmul.f32 $8.000000000e+00, v6;
	v1 =	vld [tilespmem:s2+$0x40]  }
0x55: {  	[tilespmem:s2+$0xFFFFFFE0] =	vst v3;
	v6 =	vmul.f32 $8.000000000e+00, v2;
	v2 =	vld [tilespmem:s2+$0x50]  }
0x56: {  	[tilespmem:s2+$0xFFFFFFF0] =	vst v5;
	v5 =	vmul.f32 $8.000000000e+00, v4;
	v3 =	vld [tilespmem:s2+$0x60]  }
0x57: {  	s2 =	sadd.s32 $0x100, s2;
	v4 =	vld [tilespmem:s0+$0xFFFFFF80];
	[tilespmem:s0+$0x0] =	vst v6;
	v6 =	vmul.f32 $8.000000000e+00, v7  }
0x58: {  	[tilespmem:s0+$0x10] =	vst v5;
	v0 =	vmul.f32 $8.000000000e+00, v0  }
0x59: {  	[tilespmem:s0+$0x20] =	vst v6;
	v1 =	vmul.f32 $8.000000000e+00, v1  }
0x5a: {  	[tilespmem:s0+$0x30] =	vst v0;
	v61 =	vmul.f32 $8.000000000e+00, v2  }
0x5b: {  	[tilespmem:s0+$0x40] =	vst v1;
	v62 =	vmul.f32 $8.000000000e+00, v3  }
0x5c: {  	v63 =	vmul.f32 $8.000000000e+00, v4;
	[tilespmem:s0+$0x50] =	vst v61  }
0x5d: {  	[tilespmem:s0+$0x60] =	vst v62  }
0x5e: {  	[tilespmem:s0+$0xFFFFFF80] =	vst v63  }
0x5f: {  	s0 =	rddreg [dreg:$0x3]  }
0x60: {  	[hbm4b:s0+s28] =	stream.strided.scatter [tilespmem:s24], [sflag:$0x3], $0xC80, s29, s28, $0x38;
	[tilespmem:$0x1A900] =	vst v63  }
0x61: {  	s1 =	simm.s32 $0x2580;
	s6 =	rddreg [dreg:$0x4]  }
0x62: {  	[hbm4b:s6+s28] =	stream.strided.scatter [tilespmem:s1], [sflag:$0x3], $0xC80, s29, s28, $0x38;
	[tilespmem:$0x1A900] =	vst v63  }
0x63: {  	s2 =	rddreg [dreg:$0x5];
	s6 =	simm.s32 $0x3200  }
0x64: {  	[hbm4b:s2+s28] =	stream.strided.scatter [tilespmem:s6], [sflag:$0x3], $0xC80, s29, s28, $0x38;
	[tilespmem:$0x1A900] =	vst v63  }
0x65: {  	s2 =	rddreg [dreg:$0x6];
	s6 =	simm.s32 $0x3E80  }
0x66: {  	[hbm4b:s2+s28] =	stream.strided.scatter [tilespmem:s6], [sflag:$0x3], $0xC80, s29, s28, $0x38;
	[tilespmem:$0x1A900] =	vst v63  }
0x67: {  	s2 =	rddreg [dreg:$0x7];
	s6 =	simm.s32 $0x4B00  }
0x68: {  	[hbm4b:s2+s28] =	stream.strided.scatter [tilespmem:s6], [sflag:$0x3], $0xC80, s29, s28, $0x38;
	[tilespmem:$0x1A900] =	vst v63  }
0x69: {  	s2 =	rddreg [dreg:$0x19];
	s6 =	simm.s32 $0x5780  }
0x6a: {  	[hbm4b:s2+s28] =	stream.strided.scatter [tilespmem:s6], [sflag:$0x3], $0xC80, s29, s28, $0x38;
	[tilespmem:$0x1A900] =	vst v63  }
0x6b: {  	s2 =	rddreg [dreg:$0x1a];
	s6 =	simm.s32 $0x6400  }
0x6c: {  	[hbm4b:s2+s28] =	stream.strided.scatter [tilespmem:s6], [sflag:$0x3], $0xC80, s29, s28, $0x38;
	[tilespmem:$0x1A900] =	vst v63  }
0x6d: {  	s2 =	rddreg [dreg:$0x1b];
	s6 =	simm.s32 $0x7080  }
0x6e: {  	[hbm4b:s2+s28] =	stream.strided.scatter [tilespmem:s6], [sflag:$0x3], $0xC80, s29, s28, $0x38;
	[tilespmem:$0x1A900] =	vst v63  }
0x6f: {  	s2 =	rddreg [dreg:$0x1c];
	s6 =	simm.s32 $0x7D00  }
0x70: {  	[hbm4b:s2+s28] =	stream.strided.scatter [tilespmem:s6], [sflag:$0x3], $0xC80, s29, s28, $0x38;
	[tilespmem:$0x1A900] =	vst v63  }
0x71: {  	s2 =	rddreg [dreg:$0x1d];
	s6 =	simm.s32 $0x8980  }
0x72: {  	[hbm4b:s2+s28] =	stream.strided.scatter [tilespmem:s6], [sflag:$0x3], $0xC80, s29, s28, $0x38;
	[tilespmem:$0x1A900] =	vst v63  }
0x73: {  	s2 =	rddreg [dreg:$0x1e];
	s6 =	simm.s32 $0x9600  }
0x74: {  	[hbm4b:s2+s28] =	stream.strided.scatter [tilespmem:s6], [sflag:$0x3], $0xC80, s29, s28, $0x38;
	[tilespmem:$0x1A900] =	vst v63  }
0x75: {  	s2 =	rddreg [dreg:$0x1f];
	s6 =	simm.s32 $0xA280  }
0x76: {  	[hbm4b:s2+s28] =	stream.strided.scatter [tilespmem:s6], [sflag:$0x3], $0xC80, s29, s28, $0x38;
	[tilespmem:$0x1A900] =	vst v63  }
0x77: {  	s2 =	sld [smem:$0x7FA];
	_ =	sdelay $0x1  }
0x78: {  	s6 =	simm.s32 $0xAF00  }
0x79: {  	[hbm4b:s2+s28] =	stream.strided.scatter [tilespmem:s6], [sflag:$0x3], $0xC80, s29, s28, $0x38;
	[tilespmem:$0x1A900] =	vst v63  }
0x7a: {  	s2 =	sld [smem:$0x7FB];
	_ =	sdelay $0x1  }
0x7b: {  	s6 =	simm.s32 $0xBB80  }
0x7c: {  	[hbm4b:s2+s28] =	stream.strided.scatter [tilespmem:s6], [sflag:$0x3], $0xC80, s29, s28, $0x38;
	[tilespmem:$0x1A900] =	vst v63  }
0x7d: {  	s2 =	sld [smem:$0x7FC];
	_ =	sdelay $0x1  }
0x7e: {  	s6 =	simm.s32 $0xC800  }
0x7f: {  	[hbm4b:s2+s28] =	stream.strided.scatter [tilespmem:s6], [sflag:$0x3], $0xC80, s29, s28, $0x38;
	[tilespmem:$0x1A900] =	vst v63  }
0x80: {  	s2 =	sld [smem:$0x7FD];
	_ =	sdelay $0x1  }
0x81: {  	s31 =	simm.s32 $0x0;
	s6 =	simm.s32 $0xD480  }
0x82: {  	[hbm4b:s2+s28] =	stream.strided.scatter [tilespmem:s6], [sflag:$0x3], $0xC80, s29, s28, $0x38;
	[tilespmem:$0x1A900] =	vst v63  }
.LBB2_4:
0x83: {  	_ =	swait.ge [sflag:s7], $0xC80  }
0x84: {  	[sflag:s7] =	ssyncset.done $0x0  }
0x85: {  	[sflag:s7] =	ssyncadd.s32 $0xFFFFF380  }
0x86: {  	_ =	swait.ge [sflag:s7], $0xC80  }
0x87: {  	[sflag:s7] =	ssyncset.done $0x0  }
0x88: {  	[sflag:s7] =	ssyncadd.s32 $0xFFFFF380  }
0x89: {  	_ =	swait.ge [sflag:s7], $0xC80  }
0x8a: {  	[sflag:s7] =	ssyncset.done $0x0  }
0x8b: {  	[sflag:s7] =	ssyncadd.s32 $0xFFFFF380  }
0x8c: {  	_ =	swait.ge [sflag:s7], $0xC80  }
0x8d: {  	[sflag:s7] =	ssyncset.done $0x0  }
0x8e: {  	[sflag:s7] =	ssyncadd.s32 $0xFFFFF380  }
0x8f: {  	_ =	swait.ge [sflag:s7], $0xC80  }
0x90: {  	[sflag:s7] =	ssyncset.done $0x0  }
0x91: {  	[sflag:s7] =	ssyncadd.s32 $0xFFFFF380  }
0x92: {  	_ =	swait.ge [sflag:s7], $0xC80  }
0x93: {  	[sflag:s7] =	ssyncset.done $0x0  }
0x94: {  	[sflag:s7] =	ssyncadd.s32 $0xFFFFF380  }
0x95: {  	_ =	swait.ge [sflag:s7], $0xC80  }
0x96: {  	[sflag:s7] =	ssyncset.done $0x0  }
0x97: {  	[sflag:s7] =	ssyncadd.s32 $0xFFFFF380  }
0x98: {  	_ =	swait.ge [sflag:s7], $0xC80  }
0x99: {  	[sflag:s7] =	ssyncset.done $0x0  }
0x9a: {  	[sflag:s7] =	ssyncadd.s32 $0xFFFFF380  }
0x9b: {  	_ =	swait.ge [sflag:s7], $0xC80  }
0x9c: {  	[sflag:s7] =	ssyncset.done $0x0  }
0x9d: {  	[sflag:s7] =	ssyncadd.s32 $0xFFFFF380  }
0x9e: {  	_ =	swait.ge [sflag:s7], $0xC80  }
0x9f: {  	[sflag:s7] =	ssyncset.done $0x0  }
0xa0: {  	[sflag:s7] =	ssyncadd.s32 $0xFFFFF380  }
0xa1: {  	_ =	swait.ge [sflag:s7], $0xC80  }
0xa2: {  	[sflag:s7] =	ssyncset.done $0x0  }
0xa3: {  	[sflag:s7] =	ssyncadd.s32 $0xFFFFF380  }
0xa4: {  	_ =	swait.ge [sflag:s7], $0xC80  }
0xa5: {  	[sflag:s7] =	ssyncset.done $0x0  }
0xa6: {  	[sflag:s7] =	ssyncadd.s32 $0xFFFFF380  }
0xa7: {  	_ =	swait.ge [sflag:s7], $0xC80  }
0xa8: {  	[sflag:s7] =	ssyncset.done $0x0  }
0xa9: {  	[sflag:s7] =	ssyncadd.s32 $0xFFFFF380  }
0xaa: {  	_ =	swait.ge [sflag:s7], $0xC80  }
0xab: {  	[sflag:s7] =	ssyncset.done $0x0  }
0xac: {  	[sflag:s7] =	ssyncadd.s32 $0xFFFFF380  }
0xad: {  	_ =	swait.ge [sflag:s7], $0xC80  }
0xae: {  	s0 =	sshll.u32 s31, $0x1;
	[sflag:s7] =	ssyncset.done $0x0  }
0xaf: {  	s1 =	sadd.s32 $0x2, s0;
	[sflag:s7] =	ssyncadd.s32 $0xFFFFF380  }
0xb0: {  	s0 =	smul.u32 $0xC80, s1;
	_ =	swait.ge [sflag:s7], $0xC80  }
0xb1: {  	[sflag:s7] =	ssyncset.done $0x0  }
0xb2: {  	s0 =	sshra.s32 s0, $0x2;
	[sflag:s7] =	ssyncadd.s32 $0xFFFFF380  }
0xb3: {  	[tilespmem:s24], [sflag:$0x1] =	stream.indirect.gather [hbm4b:s3+s23], $0x40, s0, s23, $0xb8;
	[tilespmem:$0x1A900] =	vst v63  }
0xb4: {  	_ =	swait.ge [sflag:s22], $0xC800  }
0xb5: {  	[sflag:s22] =	ssyncset.done $0x0  }
0xb6: {  	s0 =	simm.s32 $0xE180;
	[sflag:s22] =	ssyncadd.s32 $0xFFFF3800  }
0xb7: {  	v0 =	vld [tilespmem:s0+$0x70]  }
0xb8: {  	v1 =	vld [tilespmem:s0+$0xFFFFFF90]  }
0xb9: {  	v2 =	vld [tilespmem:s0+$0xFFFFFFA0]  }
0xba: {  	v3 =	vld [tilespmem:s0+$0xFFFFFFB0]  }
0xbb: {  	v4 =	vld [tilespmem:s0+$0xFFFFFFC0]  }
0xbc: {  	v5 =	vld [tilespmem:s0+$0xFFFFFFD0];
	v0 =	vmul.f32 $8.000000000e+00, v0  }
0xbd: {  	v6 =	vld [tilespmem:s0+$0xFFFFFFE0];
	v1 =	vmul.f32 $8.000000000e+00, v1  }
0xbe: {  	v7 =	vld [tilespmem:s0+$0xFFFFFFF0];
	v2 =	vmul.f32 $8.000000000e+00, v2;
	[tilespmem:s0+$0x70] =	vst v0  }
0xbf: {  	[tilespmem:s0+$0xFFFFFF90] =	vst v1;
	v0 =	vmul.f32 $8.000000000e+00, v3;
	v3 =	vld [tilespmem:s0+$0x0]  }
0xc0: {  	v8 =	vld [tilespmem:s0+$0x10];
	[tilespmem:s0+$0xFFFFFFA0] =	vst v2;
	v1 =	vmul.f32 $8.000000000e+00, v4  }
0xc1: {  	v9 =	vld [tilespmem:s0+$0x20];
	v2 =	vmul.f32 $8.000000000e+00, v5;
	[tilespmem:s0+$0xFFFFFFB0] =	vst v0  }
0xc2: {  	v4 =	vmul.f32 $8.000000000e+00, v6;
	[tilespmem:s0+$0xFFFFFFC0] =	vst v1;
	v0 =	vld [tilespmem:s0+$0x30]  }
0xc3: {  	[tilespmem:s0+$0xFFFFFFD0] =	vst v2;
	v2 =	vmul.f32 $8.000000000e+00, v7;
	v1 =	vld [tilespmem:s0+$0x40]  }
0xc4: {  	[tilespmem:s0+$0xFFFFFFE0] =	vst v4;
	v4 =	vld [tilespmem:s0+$0x50];
	v6 =	vmul.f32 $8.000000000e+00, v3  }
0xc5: {  	v5 =	vmul.f32 $8.000000000e+00, v8;
	[tilespmem:s0+$0xFFFFFFF0] =	vst v2;
	v2 =	vld [tilespmem:s0+$0x60]  }
0xc6: {  	s2 =	simm.s32 $0x0;
	s6 =	simm.s32 $0xE280;
	v3 =	vld [tilespmem:s0+$0xFFFFFF80];
	[tilespmem:s0+$0x0] =	vst v6;
	v6 =	vmul.f32 $8.000000000e+00, v9  }
.LBB2_5:
0xc7: {  	v7 =	vld [tilespmem:s6+$0x70];
	s2 =	sadd.s32 $0x4, s2;
	[tilespmem:s0+$0x10] =	vst v5;
	v0 =	vmul.f32 $8.000000000e+00, v0  }
0xc8: {  	v5 =	vld [tilespmem:s6+$0xFFFFFF90];
	p0 =	slt.u32 s2, $0x31C;
	[tilespmem:s0+$0x20] =	vst v6;
	v1 =	vmul.f32 $8.000000000e+00, v1  }
0xc9: {  	v6 =	vld [tilespmem:s6+$0xFFFFFFA0];
	[tilespmem:s0+$0x30] =	vst v0;
	v0 =	vmul.f32 $8.000000000e+00, v4  }
0xca: {  	v4 =	vld [tilespmem:s6+$0xFFFFFFB0];
	[tilespmem:s0+$0x40] =	vst v1;
	v1 =	vmul.f32 $8.000000000e+00, v2  }
0xcb: {  	v2 =	vld [tilespmem:s6+$0xFFFFFFC0];
	v3 =	vmul.f32 $8.000000000e+00, v3;
	[tilespmem:s0+$0x50] =	vst v0  }
0xcc: {  	v0 =	vld [tilespmem:s6+$0xFFFFFFD0];
	v7 =	vmul.f32 $8.000000000e+00, v7;
	[tilespmem:s0+$0x60] =	vst v1  }
0xcd: {  	v1 =	vmul.f32 $8.000000000e+00, v5;
	v5 =	vld [tilespmem:s6+$0xFFFFFFE0];
	[tilespmem:s0+$0xFFFFFF80] =	vst v3;
	s0 =	smov.u32 s6  }
0xce: {  	v3 =	vmul.f32 $8.000000000e+00, v6;
	v6 =	vld [tilespmem:s6+$0xFFFFFFF0];
	[tilespmem:s6+$0x70] =	vst v7  }
0xcf: {  	[tilespmem:s6+$0xFFFFFF90] =	vst v1;
	v1 =	vmul.f32 $8.000000000e+00, v4;
	v4 =	vld [tilespmem:s6+$0x0]  }
0xd0: {  	[tilespmem:s6+$0xFFFFFFA0] =	vst v3;
	v2 =	vmul.f32 $8.000000000e+00, v2;
	v3 =	vld [tilespmem:s6+$0x10]  }
0xd1: {  	[tilespmem:s6+$0xFFFFFFB0] =	vst v1;
	v1 =	vmul.f32 $8.000000000e+00, v0;
	v7 =	vld [tilespmem:s6+$0x20]  }
.Ltmp1:
0xd2: {  	[tilespmem:s6+$0xFFFFFFC0] =	vst v2;
	v2 =	vmul.f32 $8.000000000e+00, v5;
	v0 =	vld [tilespmem:s6+$0x30];
	(pc) =	sbr.rel @p0 .LBB2_5-.Ltmp1, $4  }
0xd3: {  	[tilespmem:s6+$0xFFFFFFD0] =	vst v1;
	v5 =	vmul.f32 $8.000000000e+00, v6;
	v1 =	vld [tilespmem:s6+$0x40]  }
0xd4: {  	[tilespmem:s6+$0xFFFFFFE0] =	vst v2;
	v6 =	vmul.f32 $8.000000000e+00, v4;
	v4 =	vld [tilespmem:s6+$0x50]  }
0xd5: {  	[tilespmem:s6+$0xFFFFFFF0] =	vst v5;
	v5 =	vmul.f32 $8.000000000e+00, v3;
	v2 =	vld [tilespmem:s6+$0x60]  }
0xd6: {  	s6 =	sadd.s32 $0x100, s6;
	v3 =	vld [tilespmem:s0+$0xFFFFFF80];
	[tilespmem:s0+$0x0] =	vst v6;
	v6 =	vmul.f32 $8.000000000e+00, v7  }
0xd7: {  	[tilespmem:s0+$0x10] =	vst v5;
	v0 =	vmul.f32 $8.000000000e+00, v0  }
0xd8: {  	[tilespmem:s0+$0x20] =	vst v6;
	v1 =	vmul.f32 $8.000000000e+00, v1  }
0xd9: {  	s2 =	sshll.u32 s31, $0x5;
	[tilespmem:s0+$0x30] =	vst v0;
	v0 =	vmul.f32 $8.000000000e+00, v4  }
0xda: {  	s2 =	sadd.s32 s21, s2;
	[tilespmem:s0+$0x40] =	vst v1;
	v1 =	vmul.f32 $8.000000000e+00, v2  }
0xdb: {  	s6 =	smul.u32 $0x380, s2;
	v2 =	vmul.f32 $8.000000000e+00, v3;
	[tilespmem:s0+$0x50] =	vst v0  }
0xdc: {  	[tilespmem:s0+$0x60] =	vst v1  }
0xdd: {  	[tilespmem:s0+$0xFFFFFF80] =	vst v2;
	s0 =	sadd.s32 s4, s6  }
0xde: {  	[hbm4b:s0+s28] =	stream.strided.scatter [tilespmem:s25], [sflag:$0x4], $0xC80, s29, s28, $0x38;
	[tilespmem:$0x1A900] =	vst v63  }
0xdf: {  	s2 =	smul.u32 $0x1C00, s2;
	s0 =	sadd.s32 s6, s8  }
0xe0: {  	[hbm4b:s0+s28] =	stream.strided.scatter [tilespmem:s10], [sflag:$0x4], $0xC80, s29, s28, $0x38;
	[tilespmem:$0x1A900] =	vst v63  }
0xe1: {  	s2 =	sshrl.u32 s2, $0x3;
	s0 =	sadd.s32 s6, s9;
	s6 =	simm.s32 $0xFA00  }
0xe2: {  	[hbm4b:s0+s28] =	stream.strided.scatter [tilespmem:s6], [sflag:$0x4], $0xC80, s29, s28, $0x38;
	[tilespmem:$0x1A900] =	vst v63  }
0xe3: {  	s0 =	sadd.s32 s4, s2  }
0xe4: {  	s6 =	simm.s32 $0x10680;
	s2 =	sadd.s32 $0xA80, s0  }
0xe5: {  	[hbm4b:s2+s28] =	stream.strided.scatter [tilespmem:s6], [sflag:$0x4], $0xC80, s29, s28, $0x38;
	[tilespmem:$0x1A900] =	vst v63  }
0xe6: {  	s2 =	sadd.s32 $0xE00, s0;
	s6 =	simm.s32 $0x11300  }
0xe7: {  	[hbm4b:s2+s28] =	stream.strided.scatter [tilespmem:s6], [sflag:$0x4], $0xC80, s29, s28, $0x38;
	[tilespmem:$0x1A900] =	vst v63  }
0xe8: {  	s2 =	sadd.s32 $0x1180, s0;
	s6 =	simm.s32 $0x11F80  }
0xe9: {  	[hbm4b:s2+s28] =	stream.strided.scatter [tilespmem:s6], [sflag:$0x4], $0xC80, s29, s28, $0x38;
	[tilespmem:$0x1A900] =	vst v63  }
0xea: {  	s2 =	sadd.s32 $0x1500, s0;
	s6 =	simm.s32 $0x12C00  }
0xeb: {  	[hbm4b:s2+s28] =	stream.strided.scatter [tilespmem:s6], [sflag:$0x4], $0xC80, s29, s28, $0x38;
	[tilespmem:$0x1A900] =	vst v63  }
0xec: {  	s2 =	sadd.s32 $0x1880, s0;
	s6 =	simm.s32 $0x13880  }
0xed: {  	[hbm4b:s2+s28] =	stream.strided.scatter [tilespmem:s6], [sflag:$0x4], $0xC80, s29, s28, $0x38;
	[tilespmem:$0x1A900] =	vst v63  }
0xee: {  	s6 =	sadd.s32 $0x1C00, s0  }
0xef: {  	[hbm4b:s6+s28] =	stream.strided.scatter [tilespmem:s11], [sflag:$0x4], $0xC80, s29, s28, $0x38;
	[tilespmem:$0x1A900] =	vst v63  }
0xf0: {  	s6 =	sadd.s32 $0x1F80, s0  }
0xf1: {  	[hbm4b:s6+s28] =	stream.strided.scatter [tilespmem:s14], [sflag:$0x4], $0xC80, s29, s28, $0x38;
	[tilespmem:$0x1A900] =	vst v63  }
0xf2: {  	s6 =	sadd.s32 $0x2300, s0  }
0xf3: {  	[hbm4b:s6+s28] =	stream.strided.scatter [tilespmem:s15], [sflag:$0x4], $0xC80, s29, s28, $0x38;
	[tilespmem:$0x1A900] =	vst v63  }
0xf4: {  	s6 =	sadd.s32 $0x2680, s0  }
0xf5: {  	[hbm4b:s6+s28] =	stream.strided.scatter [tilespmem:s16], [sflag:$0x4], $0xC80, s29, s28, $0x38;
	[tilespmem:$0x1A900] =	vst v63  }
0xf6: {  	s6 =	sadd.s32 $0x2A00, s0  }
0xf7: {  	[hbm4b:s6+s28] =	stream.strided.scatter [tilespmem:s17], [sflag:$0x4], $0xC80, s29, s28, $0x38;
	[tilespmem:$0x1A900] =	vst v63  }
0xf8: {  	s6 =	sadd.s32 $0x2D80, s0  }
0xf9: {  	[hbm4b:s6+s28] =	stream.strided.scatter [tilespmem:s18], [sflag:$0x4], $0xC80, s29, s28, $0x38;
	[tilespmem:$0x1A900] =	vst v63  }
0xfa: {  	s6 =	sadd.s32 $0x3100, s0  }
0xfb: {  	[hbm4b:s6+s28] =	stream.strided.scatter [tilespmem:s19], [sflag:$0x4], $0xC80, s29, s28, $0x38;
	[tilespmem:$0x1A900] =	vst v63  }
0xfc: {  	s0 =	sadd.s32 $0x3480, s0  }
0xfd: {  	[hbm4b:s0+s28] =	stream.strided.scatter [tilespmem:s20], [sflag:$0x4], $0xC80, s29, s28, $0x38;
	[tilespmem:$0x1A900] =	vst v63  }
0xfe: {  	_ =	swait.ge [sflag:s30], $0xC80  }
0xff: {  	[sflag:s30] =	ssyncset.done $0x0  }
0x100: {  	[sflag:s30] =	ssyncadd.s32 $0xFFFFF380  }
0x101: {  	_ =	swait.ge [sflag:s30], $0xC80  }
0x102: {  	[sflag:s30] =	ssyncset.done $0x0  }
0x103: {  	[sflag:s30] =	ssyncadd.s32 $0xFFFFF380  }
0x104: {  	_ =	swait.ge [sflag:s30], $0xC80  }
0x105: {  	[sflag:s30] =	ssyncset.done $0x0  }
0x106: {  	[sflag:s30] =	ssyncadd.s32 $0xFFFFF380  }
0x107: {  	_ =	swait.ge [sflag:s30], $0xC80  }
0x108: {  	[sflag:s30] =	ssyncset.done $0x0  }
0x109: {  	[sflag:s30] =	ssyncadd.s32 $0xFFFFF380  }
0x10a: {  	_ =	swait.ge [sflag:s30], $0xC80  }
0x10b: {  	[sflag:s30] =	ssyncset.done $0x0  }
0x10c: {  	[sflag:s30] =	ssyncadd.s32 $0xFFFFF380  }
0x10d: {  	_ =	swait.ge [sflag:s30], $0xC80  }
0x10e: {  	[sflag:s30] =	ssyncset.done $0x0  }
0x10f: {  	[sflag:s30] =	ssyncadd.s32 $0xFFFFF380  }
0x110: {  	_ =	swait.ge [sflag:s30], $0xC80  }
0x111: {  	[sflag:s30] =	ssyncset.done $0x0  }
0x112: {  	[sflag:s30] =	ssyncadd.s32 $0xFFFFF380  }
0x113: {  	_ =	swait.ge [sflag:s30], $0xC80  }
0x114: {  	[sflag:s30] =	ssyncset.done $0x0  }
0x115: {  	[sflag:s30] =	ssyncadd.s32 $0xFFFFF380  }
0x116: {  	_ =	swait.ge [sflag:s30], $0xC80  }
0x117: {  	[sflag:s30] =	ssyncset.done $0x0  }
0x118: {  	[sflag:s30] =	ssyncadd.s32 $0xFFFFF380  }
0x119: {  	_ =	swait.ge [sflag:s30], $0xC80  }
0x11a: {  	[sflag:s30] =	ssyncset.done $0x0  }
0x11b: {  	[sflag:s30] =	ssyncadd.s32 $0xFFFFF380  }
0x11c: {  	_ =	swait.ge [sflag:s30], $0xC80  }
0x11d: {  	[sflag:s30] =	ssyncset.done $0x0  }
0x11e: {  	[sflag:s30] =	ssyncadd.s32 $0xFFFFF380  }
0x11f: {  	_ =	swait.ge [sflag:s30], $0xC80  }
0x120: {  	[sflag:s30] =	ssyncset.done $0x0  }
0x121: {  	[sflag:s30] =	ssyncadd.s32 $0xFFFFF380  }
0x122: {  	_ =	swait.ge [sflag:s30], $0xC80  }
0x123: {  	[sflag:s30] =	ssyncset.done $0x0  }
0x124: {  	[sflag:s30] =	ssyncadd.s32 $0xFFFFF380  }
0x125: {  	_ =	swait.ge [sflag:s30], $0xC80  }
0x126: {  	[sflag:s30] =	ssyncset.done $0x0  }
0x127: {  	[sflag:s30] =	ssyncadd.s32 $0xFFFFF380  }
0x128: {  	_ =	swait.ge [sflag:s30], $0xC80  }
0x129: {  	[sflag:s30] =	ssyncset.done $0x0  }
0x12a: {  	s6 =	smul.u32 $0x1900, s31;
	[sflag:s30] =	ssyncadd.s32 $0xFFFFF380  }
0x12b: {  	_ =	swait.ge [sflag:s30], $0xC80  }
0x12c: {  	s0 =	sshra.s32 s6, $0x2;
	[sflag:s30] =	ssyncset.done $0x0  }
0x12d: {  	s0 =	sadd.s32 $0x960, s0;
	[sflag:s30] =	ssyncadd.s32 $0xFFFFF380  }
0x12e: {  	[tilespmem:s25], [sflag:$0x2] =	stream.indirect.gather [hbm4b:s3+s23], $0x40, s0, s23, $0xb8;
	[tilespmem:$0x1A900] =	vst v63  }
0x12f: {  	_ =	swait.ge [sflag:s26], $0xC800  }
0x130: {  	[sflag:s26] =	ssyncset.done $0x0  }
0x131: {  	s0 =	simm.s32 $0x1980;
	[sflag:s26] =	ssyncadd.s32 $0xFFFF3800  }
0x132: {  	v0 =	vld [tilespmem:s0+$0x70]  }
0x133: {  	v1 =	vld [tilespmem:s0+$0xFFFFFF90]  }
0x134: {  	v2 =	vld [tilespmem:s0+$0xFFFFFFA0]  }
0x135: {  	v3 =	vld [tilespmem:s0+$0xFFFFFFB0]  }
0x136: {  	v4 =	vld [tilespmem:s0+$0xFFFFFFC0]  }
0x137: {  	v5 =	vld [tilespmem:s0+$0xFFFFFFD0];
	v0 =	vmul.f32 $8.000000000e+00, v0  }
0x138: {  	v6 =	vld [tilespmem:s0+$0xFFFFFFE0];
	v1 =	vmul.f32 $8.000000000e+00, v1  }
0x139: {  	v7 =	vld [tilespmem:s0+$0xFFFFFFF0];
	v2 =	vmul.f32 $8.000000000e+00, v2;
	[tilespmem:s0+$0x70] =	vst v0  }
0x13a: {  	[tilespmem:s0+$0xFFFFFF90] =	vst v1;
	v0 =	vmul.f32 $8.000000000e+00, v3;
	v3 =	vld [tilespmem:s0+$0x0]  }
0x13b: {  	v8 =	vld [tilespmem:s0+$0x10];
	[tilespmem:s0+$0xFFFFFFA0] =	vst v2;
	v1 =	vmul.f32 $8.000000000e+00, v4  }
0x13c: {  	v9 =	vld [tilespmem:s0+$0x20];
	v2 =	vmul.f32 $8.000000000e+00, v5;
	[tilespmem:s0+$0xFFFFFFB0] =	vst v0  }
0x13d: {  	v4 =	vmul.f32 $8.000000000e+00, v6;
	[tilespmem:s0+$0xFFFFFFC0] =	vst v1;
	v0 =	vld [tilespmem:s0+$0x30]  }
0x13e: {  	[tilespmem:s0+$0xFFFFFFD0] =	vst v2;
	v2 =	vmul.f32 $8.000000000e+00, v7;
	v1 =	vld [tilespmem:s0+$0x40]  }
0x13f: {  	[tilespmem:s0+$0xFFFFFFE0] =	vst v4;
	v4 =	vld [tilespmem:s0+$0x50];
	v6 =	vmul.f32 $8.000000000e+00, v3  }
0x140: {  	v5 =	vmul.f32 $8.000000000e+00, v8;
	[tilespmem:s0+$0xFFFFFFF0] =	vst v2;
	v2 =	vld [tilespmem:s0+$0x60]  }
0x141: {  	s2 =	simm.s32 $0x0;
	s6 =	simm.s32 $0x1A80;
	v3 =	vld [tilespmem:s0+$0xFFFFFF80];
	[tilespmem:s0+$0x0] =	vst v6;
	v6 =	vmul.f32 $8.000000000e+00, v9  }
.LBB2_7:
0x142: {  	v7 =	vld [tilespmem:s6+$0x70];
	s2 =	sadd.s32 $0x4, s2;
	[tilespmem:s0+$0x10] =	vst v5;
	v0 =	vmul.f32 $8.000000000e+00, v0  }
0x143: {  	v5 =	vld [tilespmem:s6+$0xFFFFFF90];
	p0 =	slt.u32 s2, $0x31C;
	[tilespmem:s0+$0x20] =	vst v6;
	v1 =	vmul.f32 $8.000000000e+00, v1  }
0x144: {  	v6 =	vld [tilespmem:s6+$0xFFFFFFA0];
	[tilespmem:s0+$0x30] =	vst v0;
	v0 =	vmul.f32 $8.000000000e+00, v4  }
0x145: {  	v4 =	vld [tilespmem:s6+$0xFFFFFFB0];
	[tilespmem:s0+$0x40] =	vst v1;
	v1 =	vmul.f32 $8.000000000e+00, v2  }
0x146: {  	v2 =	vld [tilespmem:s6+$0xFFFFFFC0];
	v3 =	vmul.f32 $8.000000000e+00, v3;
	[tilespmem:s0+$0x50] =	vst v0  }
0x147: {  	v0 =	vld [tilespmem:s6+$0xFFFFFFD0];
	v7 =	vmul.f32 $8.000000000e+00, v7;
	[tilespmem:s0+$0x60] =	vst v1  }
0x148: {  	v1 =	vmul.f32 $8.000000000e+00, v5;
	v5 =	vld [tilespmem:s6+$0xFFFFFFE0];
	[tilespmem:s0+$0xFFFFFF80] =	vst v3;
	s0 =	smov.u32 s6  }
0x149: {  	v3 =	vmul.f32 $8.000000000e+00, v6;
	v6 =	vld [tilespmem:s6+$0xFFFFFFF0];
	[tilespmem:s6+$0x70] =	vst v7  }
0x14a: {  	[tilespmem:s6+$0xFFFFFF90] =	vst v1;
	v1 =	vmul.f32 $8.000000000e+00, v4;
	v4 =	vld [tilespmem:s6+$0x0]  }
0x14b: {  	[tilespmem:s6+$0xFFFFFFA0] =	vst v3;
	v2 =	vmul.f32 $8.000000000e+00, v2;
	v3 =	vld [tilespmem:s6+$0x10]  }
0x14c: {  	[tilespmem:s6+$0xFFFFFFB0] =	vst v1;
	v1 =	vmul.f32 $8.000000000e+00, v0;
	v7 =	vld [tilespmem:s6+$0x20]  }
.Ltmp2:
0x14d: {  	[tilespmem:s6+$0xFFFFFFC0] =	vst v2;
	v2 =	vmul.f32 $8.000000000e+00, v5;
	v0 =	vld [tilespmem:s6+$0x30];
	(pc) =	sbr.rel @p0 .LBB2_7-.Ltmp2, $4  }
0x14e: {  	[tilespmem:s6+$0xFFFFFFD0] =	vst v1;
	v5 =	vmul.f32 $8.000000000e+00, v6;
	v1 =	vld [tilespmem:s6+$0x40]  }
0x14f: {  	[tilespmem:s6+$0xFFFFFFE0] =	vst v2;
	v6 =	vmul.f32 $8.000000000e+00, v4;
	v4 =	vld [tilespmem:s6+$0x50]  }
0x150: {  	[tilespmem:s6+$0xFFFFFFF0] =	vst v5;
	v5 =	vmul.f32 $8.000000000e+00, v3;
	v2 =	vld [tilespmem:s6+$0x60]  }
0x151: {  	s6 =	sadd.s32 $0x100, s6;
	v3 =	vld [tilespmem:s0+$0xFFFFFF80];
	[tilespmem:s0+$0x0] =	vst v6;
	v6 =	vmul.f32 $8.000000000e+00, v7  }
0x152: {  	[tilespmem:s0+$0x10] =	vst v5;
	v0 =	vmul.f32 $8.000000000e+00, v0  }
0x153: {  	[tilespmem:s0+$0x20] =	vst v6;
	v1 =	vmul.f32 $8.000000000e+00, v1  }
0x154: {  	s1 =	sshll.u32 s1, $0x4;
	[tilespmem:s0+$0x30] =	vst v0;
	v61 =	vmul.f32 $8.000000000e+00, v4  }
0x155: {  	s1 =	sadd.s32 s5, s1;
	[tilespmem:s0+$0x40] =	vst v1;
	v62 =	vmul.f32 $8.000000000e+00, v2  }
0x156: {  	s2 =	smul.u32 $0x380, s1;
	v63 =	vmul.f32 $8.000000000e+00, v3;
	[tilespmem:s0+$0x50] =	vst v61  }
0x157: {  	[tilespmem:s0+$0x60] =	vst v62  }
0x158: {  	s6 =	sadd.s32 s4, s2;
	[tilespmem:s0+$0xFFFFFF80] =	vst v63  }
0x159: {  	[hbm4b:s6+s28] =	stream.strided.scatter [tilespmem:s24], [sflag:$0x3], $0xC80, s29, s28, $0x38;
	[tilespmem:$0x1A900] =	vst v63  }
0x15a: {  	s0 =	sadd.s32 s2, s8;
	s6 =	simm.s32 $0x2580  }
0x15b: {  	[hbm4b:s0+s28] =	stream.strided.scatter [tilespmem:s6], [sflag:$0x3], $0xC80, s29, s28, $0x38;
	[tilespmem:$0x1A900] =	vst v63  }
0x15c: {  	s1 =	smul.u32 $0x1C00, s1;
	s0 =	sadd.s32 s2, s9;
	s6 =	simm.s32 $0x3200  }
0x15d: {  	[hbm4b:s0+s28] =	stream.strided.scatter [tilespmem:s6], [sflag:$0x3], $0xC80, s29, s28, $0x38;
	[tilespmem:$0x1A900] =	vst v63  }
0x15e: {  	s1 =	sshrl.u32 s1, $0x3;
	s0 =	sadd.s32 s2, s12;
	s6 =	simm.s32 $0x3E80  }
0x15f: {  	[hbm4b:s0+s28] =	stream.strided.scatter [tilespmem:s6], [sflag:$0x3], $0xC80, s29, s28, $0x38;
	[tilespmem:$0x1A900] =	vst v63  }
0x160: {  	s2 =	sadd.s32 s2, s13;
	s6 =	simm.s32 $0x4B00;
	s0 =	sadd.s32 s4, s1  }
0x161: {  	[hbm4b:s2+s28] =	stream.strided.scatter [tilespmem:s6], [sflag:$0x3], $0xC80, s29, s28, $0x38;
	[tilespmem:$0x1A900] =	vst v63  }
0x162: {  	s2 =	sadd.s32 $0x1180, s0;
	s6 =	simm.s32 $0x5780  }
0x163: {  	[hbm4b:s2+s28] =	stream.strided.scatter [tilespmem:s6], [sflag:$0x3], $0xC80, s29, s28, $0x38;
	[tilespmem:$0x1A900] =	vst v63  }
0x164: {  	s2 =	sadd.s32 $0x1500, s0;
	s6 =	simm.s32 $0x6400  }
0x165: {  	[hbm4b:s2+s28] =	stream.strided.scatter [tilespmem:s6], [sflag:$0x3], $0xC80, s29, s28, $0x38;
	[tilespmem:$0x1A900] =	vst v63  }
0x166: {  	s2 =	sadd.s32 $0x1880, s0;
	s6 =	simm.s32 $0x7080  }
0x167: {  	[hbm4b:s2+s28] =	stream.strided.scatter [tilespmem:s6], [sflag:$0x3], $0xC80, s29, s28, $0x38;
	[tilespmem:$0x1A900] =	vst v63  }
0x168: {  	s2 =	sadd.s32 $0x1C00, s0;
	s6 =	simm.s32 $0x7D00  }
0x169: {  	[hbm4b:s2+s28] =	stream.strided.scatter [tilespmem:s6], [sflag:$0x3], $0xC80, s29, s28, $0x38;
	[tilespmem:$0x1A900] =	vst v63  }
0x16a: {  	s2 =	sadd.s32 $0x1F80, s0;
	s6 =	simm.s32 $0x8980  }
0x16b: {  	[hbm4b:s2+s28] =	stream.strided.scatter [tilespmem:s6], [sflag:$0x3], $0xC80, s29, s28, $0x38;
	[tilespmem:$0x1A900] =	vst v63  }
0x16c: {  	s2 =	sadd.s32 $0x2300, s0;
	s6 =	simm.s32 $0x9600  }
0x16d: {  	[hbm4b:s2+s28] =	stream.strided.scatter [tilespmem:s6], [sflag:$0x3], $0xC80, s29, s28, $0x38;
	[tilespmem:$0x1A900] =	vst v63  }
0x16e: {  	s2 =	sadd.s32 $0x2680, s0;
	s6 =	simm.s32 $0xA280  }
0x16f: {  	[hbm4b:s2+s28] =	stream.strided.scatter [tilespmem:s6], [sflag:$0x3], $0xC80, s29, s28, $0x38;
	[tilespmem:$0x1A900] =	vst v63  }
0x170: {  	s31 =	sadd.s32 $0x1, s31;
	s2 =	sadd.s32 $0x2A00, s0;
	s6 =	simm.s32 $0xAF00  }
0x171: {  	[hbm4b:s2+s28] =	stream.strided.scatter [tilespmem:s6], [sflag:$0x3], $0xC80, s29, s28, $0x38;
	[tilespmem:$0x1A900] =	vst v63  }
0x172: {  	p0 =	sne.s32 s31, $0x3;
	s2 =	sadd.s32 $0x2D80, s0;
	s6 =	simm.s32 $0xBB80  }
0x173: {  	[hbm4b:s2+s28] =	stream.strided.scatter [tilespmem:s6], [sflag:$0x3], $0xC80, s29, s28, $0x38;
	[tilespmem:$0x1A900] =	vst v63  }
.Ltmp3:
0x174: {  	_ = 	snop;
	(pc) =	sbr.rel @p0 .LBB2_4-.Ltmp3, $4  }
0x175: {  	s2 =	sadd.s32 $0x3100, s0;
	s6 =	simm.s32 $0xC800  }
0x176: {  	[hbm4b:s2+s28] =	stream.strided.scatter [tilespmem:s6], [sflag:$0x3], $0xC80, s29, s28, $0x38;
	[tilespmem:$0x1A900] =	vst v63  }
0x177: {  	s0 =	sadd.s32 $0x3480, s0;
	s6 =	simm.s32 $0xD480  }
0x178: {  	[hbm4b:s0+s28] =	stream.strided.scatter [tilespmem:s6], [sflag:$0x3], $0xC80, s29, s28, $0x38;
	[tilespmem:$0x1A900] =	vst v63  }
0x179: {  	_ =	swait.ge [sflag:s22], $0xC800  }
0x17a: {  	[sflag:s22] =	ssyncset.done $0x0  }
0x17b: {  	s0 =	simm.s32 $0xE180;
	[sflag:s22] =	ssyncadd.s32 $0xFFFF3800  }
0x17c: {  	v0 =	vld [tilespmem:s0+$0x70]  }
0x17d: {  	v1 =	vld [tilespmem:s0+$0xFFFFFF90]  }
0x17e: {  	v2 =	vld [tilespmem:s0+$0xFFFFFFA0]  }
0x17f: {  	v3 =	vld [tilespmem:s0+$0xFFFFFFB0]  }
0x180: {  	v4 =	vld [tilespmem:s0+$0xFFFFFFC0]  }
0x181: {  	v5 =	vld [tilespmem:s0+$0xFFFFFFD0];
	v0 =	vmul.f32 $8.000000000e+00, v0  }
0x182: {  	v6 =	vld [tilespmem:s0+$0xFFFFFFE0];
	v1 =	vmul.f32 $8.000000000e+00, v1  }
0x183: {  	v7 =	vld [tilespmem:s0+$0xFFFFFFF0];
	v2 =	vmul.f32 $8.000000000e+00, v2;
	[tilespmem:s0+$0x70] =	vst v0  }
0x184: {  	[tilespmem:s0+$0xFFFFFF90] =	vst v1;
	v0 =	vmul.f32 $8.000000000e+00, v3;
	v3 =	vld [tilespmem:s0+$0x0]  }
0x185: {  	[tilespmem:s0+$0xFFFFFFA0] =	vst v2;
	v1 =	vmul.f32 $8.000000000e+00, v4;
	v4 =	vld [tilespmem:s0+$0x10]  }
0x186: {  	v8 =	vld [tilespmem:s0+$0x20];
	v2 =	vmul.f32 $8.000000000e+00, v5;
	[tilespmem:s0+$0xFFFFFFB0] =	vst v0  }
0x187: {  	v5 =	vmul.f32 $8.000000000e+00, v6;
	[tilespmem:s0+$0xFFFFFFC0] =	vst v1;
	v0 =	vld [tilespmem:s0+$0x30]  }
0x188: {  	v6 =	vmul.f32 $8.000000000e+00, v7;
	[tilespmem:s0+$0xFFFFFFD0] =	vst v2;
	v1 =	vld [tilespmem:s0+$0x40]  }
0x189: {  	[tilespmem:s0+$0xFFFFFFE0] =	vst v5;
	v2 =	vld [tilespmem:s0+$0x50];
	v7 =	vmul.f32 $8.000000000e+00, v3  }
0x18a: {  	[tilespmem:s0+$0xFFFFFFF0] =	vst v6;
	v3 =	vld [tilespmem:s0+$0x60];
	v5 =	vmul.f32 $8.000000000e+00, v4  }
0x18b: {  	s1 =	simm.s32 $0x0;
	s2 =	simm.s32 $0xE280;
	v6 =	vmul.f32 $8.000000000e+00, v8;
	v4 =	vld [tilespmem:s0+$0xFFFFFF80];
	[tilespmem:s0+$0x0] =	vst v7  }
.LBB2_10:
0x18c: {  	v7 =	vld [tilespmem:s2+$0x70];
	s1 =	sadd.s32 $0x4, s1;
	[tilespmem:s0+$0x10] =	vst v5;
	v0 =	vmul.f32 $8.000000000e+00, v0  }
0x18d: {  	v5 =	vld [tilespmem:s2+$0xFFFFFF90];
	p0 =	slt.u32 s1, $0x31C;
	[tilespmem:s0+$0x20] =	vst v6;
	v1 =	vmul.f32 $8.000000000e+00, v1  }
0x18e: {  	v6 =	vld [tilespmem:s2+$0xFFFFFFA0];
	[tilespmem:s0+$0x30] =	vst v0;
	v0 =	vmul.f32 $8.000000000e+00, v2  }
0x18f: {  	v2 =	vld [tilespmem:s2+$0xFFFFFFB0];
	[tilespmem:s0+$0x40] =	vst v1;
	v1 =	vmul.f32 $8.000000000e+00, v3  }
0x190: {  	v3 =	vld [tilespmem:s2+$0xFFFFFFC0];
	v4 =	vmul.f32 $8.000000000e+00, v4;
	[tilespmem:s0+$0x50] =	vst v0  }
0x191: {  	v0 =	vld [tilespmem:s2+$0xFFFFFFD0];
	v7 =	vmul.f32 $8.000000000e+00, v7;
	[tilespmem:s0+$0x60] =	vst v1  }
0x192: {  	v1 =	vmul.f32 $8.000000000e+00, v5;
	v5 =	vld [tilespmem:s2+$0xFFFFFFE0];
	[tilespmem:s0+$0xFFFFFF80] =	vst v4;
	s0 =	smov.u32 s2  }
0x193: {  	v4 =	vmul.f32 $8.000000000e+00, v6;
	v6 =	vld [tilespmem:s2+$0xFFFFFFF0];
	[tilespmem:s2+$0x70] =	vst v7  }
0x194: {  	[tilespmem:s2+$0xFFFFFF90] =	vst v1;
	v1 =	vmul.f32 $8.000000000e+00, v2;
	v2 =	vld [tilespmem:s2+$0x0]  }
0x195: {  	[tilespmem:s2+$0xFFFFFFA0] =	vst v4;
	v3 =	vmul.f32 $8.000000000e+00, v3;
	v4 =	vld [tilespmem:s2+$0x10]  }
0x196: {  	[tilespmem:s2+$0xFFFFFFB0] =	vst v1;
	v1 =	vmul.f32 $8.000000000e+00, v0;
	v7 =	vld [tilespmem:s2+$0x20]  }
.Ltmp4:
0x197: {  	[tilespmem:s2+$0xFFFFFFC0] =	vst v3;
	v3 =	vmul.f32 $8.000000000e+00, v5;
	v0 =	vld [tilespmem:s2+$0x30];
	(pc) =	sbr.rel @p0 .LBB2_10-.Ltmp4, $4  }
0x198: {  	[tilespmem:s2+$0xFFFFFFD0] =	vst v1;
	v5 =	vmul.f32 $8.000000000e+00, v6;
	v1 =	vld [tilespmem:s2+$0x40]  }
0x199: {  	[tilespmem:s2+$0xFFFFFFE0] =	vst v3;
	v6 =	vmul.f32 $8.000000000e+00, v2;
	v2 =	vld [tilespmem:s2+$0x50]  }
0x19a: {  	[tilespmem:s2+$0xFFFFFFF0] =	vst v5;
	v5 =	vmul.f32 $8.000000000e+00, v4;
	v3 =	vld [tilespmem:s2+$0x60]  }
0x19b: {  	s2 =	sadd.s32 $0x100, s2;
	v4 =	vld [tilespmem:s0+$0xFFFFFF80];
	[tilespmem:s0+$0x0] =	vst v6;
	v6 =	vmul.f32 $8.000000000e+00, v7  }
0x19c: {  	[tilespmem:s0+$0x10] =	vst v5;
	v0 =	vmul.f32 $8.000000000e+00, v0  }
0x19d: {  	[tilespmem:s0+$0x20] =	vst v6;
	v1 =	vmul.f32 $8.000000000e+00, v1  }
0x19e: {  	[tilespmem:s0+$0x30] =	vst v0;
	v61 =	vmul.f32 $8.000000000e+00, v2  }
0x19f: {  	[tilespmem:s0+$0x40] =	vst v1;
	v62 =	vmul.f32 $8.000000000e+00, v3  }
0x1a0: {  	v63 =	vmul.f32 $8.000000000e+00, v4;
	[tilespmem:s0+$0x50] =	vst v61  }
0x1a1: {  	[tilespmem:s0+$0x60] =	vst v62  }
0x1a2: {  	[tilespmem:s0+$0xFFFFFF80] =	vst v63  }
0x1a3: {  	s0 =	rddreg [dreg:$0x8]  }
0x1a4: {  	[hbm4b:s0+s28] =	stream.strided.scatter [tilespmem:s25], [sflag:$0x4], $0xC80, s29, s28, $0x38;
	[tilespmem:$0x1A900] =	vst v63  }
0x1a5: {  	s1 =	simm.s32 $0xED80;
	s2 =	rddreg [dreg:$0x9]  }
0x1a6: {  	[hbm4b:s2+s28] =	stream.strided.scatter [tilespmem:s1], [sflag:$0x4], $0xC80, s29, s28, $0x38;
	[tilespmem:$0x1A900] =	vst v63  }
0x1a7: {  	s31 =	simm.s32 $0xFA00;
	s6 =	rddreg [dreg:$0xa]  }
0x1a8: {  	[hbm4b:s6+s28] =	stream.strided.scatter [tilespmem:s31], [sflag:$0x4], $0xC80, s29, s28, $0x38;
	[tilespmem:$0x1A900] =	vst v63  }
0x1a9: {  	s1 =	rddreg [dreg:$0xb];
	s2 =	simm.s32 $0x10680  }
0x1aa: {  	[hbm4b:s1+s28] =	stream.strided.scatter [tilespmem:s2], [sflag:$0x4], $0xC80, s29, s28, $0x38;
	[tilespmem:$0x1A900] =	vst v63  }
0x1ab: {  	s6 =	rddreg [dreg:$0xc];
	s31 =	simm.s32 $0x11300  }
0x1ac: {  	[hbm4b:s6+s28] =	stream.strided.scatter [tilespmem:s31], [sflag:$0x4], $0xC80, s29, s28, $0x38;
	[tilespmem:$0x1A900] =	vst v63  }
0x1ad: {  	s1 =	rddreg [dreg:$0xd];
	s2 =	simm.s32 $0x11F80  }
0x1ae: {  	[hbm4b:s1+s28] =	stream.strided.scatter [tilespmem:s2], [sflag:$0x4], $0xC80, s29, s28, $0x38;
	[tilespmem:$0x1A900] =	vst v63  }
0x1af: {  	s6 =	rddreg [dreg:$0xe];
	s31 =	simm.s32 $0x12C00  }
0x1b0: {  	[hbm4b:s6+s28] =	stream.strided.scatter [tilespmem:s31], [sflag:$0x4], $0xC80, s29, s28, $0x38;
	[tilespmem:$0x1A900] =	vst v63  }
0x1b1: {  	s1 =	rddreg [dreg:$0xf];
	s2 =	simm.s32 $0x13880  }
0x1b2: {  	[hbm4b:s1+s28] =	stream.strided.scatter [tilespmem:s2], [sflag:$0x4], $0xC80, s29, s28, $0x38;
	[tilespmem:$0x1A900] =	vst v63  }
0x1b3: {  	s6 =	rddreg [dreg:$0x10]  }
0x1b4: {  	[hbm4b:s6+s28] =	stream.strided.scatter [tilespmem:s11], [sflag:$0x4], $0xC80, s29, s28, $0x38;
	[tilespmem:$0x1A900] =	vst v63  }
0x1b5: {  	s31 =	rddreg [dreg:$0x11]  }
0x1b6: {  	[hbm4b:s31+s28] =	stream.strided.scatter [tilespmem:s14], [sflag:$0x4], $0xC80, s29, s28, $0x38;
	[tilespmem:$0x1A900] =	vst v63  }
0x1b7: {  	s1 =	rddreg [dreg:$0x12]  }
0x1b8: {  	[hbm4b:s1+s28] =	stream.strided.scatter [tilespmem:s15], [sflag:$0x4], $0xC80, s29, s28, $0x38;
	[tilespmem:$0x1A900] =	vst v63  }
0x1b9: {  	s2 =	rddreg [dreg:$0x13]  }
0x1ba: {  	[hbm4b:s2+s28] =	stream.strided.scatter [tilespmem:s16], [sflag:$0x4], $0xC80, s29, s28, $0x38;
	[tilespmem:$0x1A900] =	vst v63  }
0x1bb: {  	s6 =	rddreg [dreg:$0x14]  }
0x1bc: {  	[hbm4b:s6+s28] =	stream.strided.scatter [tilespmem:s17], [sflag:$0x4], $0xC80, s29, s28, $0x38;
	[tilespmem:$0x1A900] =	vst v63  }
0x1bd: {  	s31 =	rddreg [dreg:$0x15]  }
0x1be: {  	[hbm4b:s31+s28] =	stream.strided.scatter [tilespmem:s18], [sflag:$0x4], $0xC80, s29, s28, $0x38;
	[tilespmem:$0x1A900] =	vst v63  }
0x1bf: {  	s1 =	rddreg [dreg:$0x16]  }
0x1c0: {  	[hbm4b:s1+s28] =	stream.strided.scatter [tilespmem:s19], [sflag:$0x4], $0xC80, s29, s28, $0x38;
	[tilespmem:$0x1A900] =	vst v63  }
0x1c1: {  	s2 =	rddreg [dreg:$0x17]  }
0x1c2: {  	[hbm4b:s2+s28] =	stream.strided.scatter [tilespmem:s20], [sflag:$0x4], $0xC80, s29, s28, $0x38;
	[tilespmem:$0x1A900] =	vst v63  }
0x1c3: {  	_ =	swait.ge [sflag:s7], $0xC80  }
0x1c4: {  	[sflag:s7] =	ssyncset.done $0x0  }
0x1c5: {  	[sflag:s7] =	ssyncadd.s32 $0xFFFFF380  }
0x1c6: {  	_ =	swait.ge [sflag:s7], $0xC80  }
0x1c7: {  	[sflag:s7] =	ssyncset.done $0x0  }
0x1c8: {  	[sflag:s7] =	ssyncadd.s32 $0xFFFFF380  }
0x1c9: {  	_ =	swait.ge [sflag:s7], $0xC80  }
0x1ca: {  	[sflag:s7] =	ssyncset.done $0x0  }
0x1cb: {  	[sflag:s7] =	ssyncadd.s32 $0xFFFFF380  }
0x1cc: {  	_ =	swait.ge [sflag:s7], $0xC80  }
0x1cd: {  	[sflag:s7] =	ssyncset.done $0x0  }
0x1ce: {  	[sflag:s7] =	ssyncadd.s32 $0xFFFFF380  }
0x1cf: {  	_ =	swait.ge [sflag:s7], $0xC80  }
0x1d0: {  	[sflag:s7] =	ssyncset.done $0x0  }
0x1d1: {  	[sflag:s7] =	ssyncadd.s32 $0xFFFFF380  }
0x1d2: {  	_ =	swait.ge [sflag:s7], $0xC80  }
0x1d3: {  	[sflag:s7] =	ssyncset.done $0x0  }
0x1d4: {  	[sflag:s7] =	ssyncadd.s32 $0xFFFFF380  }
0x1d5: {  	_ =	swait.ge [sflag:s7], $0xC80  }
0x1d6: {  	[sflag:s7] =	ssyncset.done $0x0  }
0x1d7: {  	[sflag:s7] =	ssyncadd.s32 $0xFFFFF380  }
0x1d8: {  	_ =	swait.ge [sflag:s7], $0xC80  }
0x1d9: {  	[sflag:s7] =	ssyncset.done $0x0  }
0x1da: {  	[sflag:s7] =	ssyncadd.s32 $0xFFFFF380  }
0x1db: {  	_ =	swait.ge [sflag:s7], $0xC80  }
0x1dc: {  	[sflag:s7] =	ssyncset.done $0x0  }
0x1dd: {  	[sflag:s7] =	ssyncadd.s32 $0xFFFFF380  }
0x1de: {  	_ =	swait.ge [sflag:s7], $0xC80  }
0x1df: {  	[sflag:s7] =	ssyncset.done $0x0  }
0x1e0: {  	[sflag:s7] =	ssyncadd.s32 $0xFFFFF380  }
0x1e1: {  	_ =	swait.ge [sflag:s7], $0xC80  }
0x1e2: {  	[sflag:s7] =	ssyncset.done $0x0  }
0x1e3: {  	[sflag:s7] =	ssyncadd.s32 $0xFFFFF380  }
0x1e4: {  	_ =	swait.ge [sflag:s7], $0xC80  }
0x1e5: {  	[sflag:s7] =	ssyncset.done $0x0  }
0x1e6: {  	[sflag:s7] =	ssyncadd.s32 $0xFFFFF380  }
0x1e7: {  	_ =	swait.ge [sflag:s7], $0xC80  }
0x1e8: {  	[sflag:s7] =	ssyncset.done $0x0  }
0x1e9: {  	[sflag:s7] =	ssyncadd.s32 $0xFFFFF380  }
0x1ea: {  	_ =	swait.ge [sflag:s7], $0xC80  }
0x1eb: {  	[sflag:s7] =	ssyncset.done $0x0  }
0x1ec: {  	[sflag:s7] =	ssyncadd.s32 $0xFFFFF380  }
0x1ed: {  	_ =	swait.ge [sflag:s7], $0xC80  }
0x1ee: {  	[sflag:s7] =	ssyncset.done $0x0  }
0x1ef: {  	[sflag:s7] =	ssyncadd.s32 $0xFFFFF380  }
0x1f0: {  	_ =	swait.ge [sflag:s7], $0xC80  }
0x1f1: {  	[sflag:s7] =	ssyncset.done $0x0  }
0x1f2: {  	[sflag:s7] =	ssyncadd.s32 $0xFFFFF380  }
0x1f3: {  	_ =	swait.ge [sflag:s30], $0xC80  }
0x1f4: {  	[sflag:s30] =	ssyncset.done $0x0  }
0x1f5: {  	[sflag:s30] =	ssyncadd.s32 $0xFFFFF380  }
0x1f6: {  	_ =	swait.ge [sflag:s30], $0xC80  }
0x1f7: {  	[sflag:s30] =	ssyncset.done $0x0  }
0x1f8: {  	[sflag:s30] =	ssyncadd.s32 $0xFFFFF380  }
0x1f9: {  	_ =	swait.ge [sflag:s30], $0xC80  }
0x1fa: {  	[sflag:s30] =	ssyncset.done $0x0  }
0x1fb: {  	[sflag:s30] =	ssyncadd.s32 $0xFFFFF380  }
0x1fc: {  	_ =	swait.ge [sflag:s30], $0xC80  }
0x1fd: {  	[sflag:s30] =	ssyncset.done $0x0  }
0x1fe: {  	[sflag:s30] =	ssyncadd.s32 $0xFFFFF380  }
0x1ff: {  	_ =	swait.ge [sflag:s30], $0xC80  }
0x200: {  	[sflag:s30] =	ssyncset.done $0x0  }
0x201: {  	[sflag:s30] =	ssyncadd.s32 $0xFFFFF380  }
0x202: {  	_ =	swait.ge [sflag:s30], $0xC80  }
0x203: {  	[sflag:s30] =	ssyncset.done $0x0  }
0x204: {  	[sflag:s30] =	ssyncadd.s32 $0xFFFFF380  }
0x205: {  	_ =	swait.ge [sflag:s30], $0xC80  }
0x206: {  	[sflag:s30] =	ssyncset.done $0x0  }
0x207: {  	[sflag:s30] =	ssyncadd.s32 $0xFFFFF380  }
0x208: {  	_ =	swait.ge [sflag:s30], $0xC80  }
0x209: {  	[sflag:s30] =	ssyncset.done $0x0  }
0x20a: {  	[sflag:s30] =	ssyncadd.s32 $0xFFFFF380  }
0x20b: {  	_ =	swait.ge [sflag:s30], $0xC80  }
0x20c: {  	[sflag:s30] =	ssyncset.done $0x0  }
0x20d: {  	[sflag:s30] =	ssyncadd.s32 $0xFFFFF380  }
0x20e: {  	_ =	swait.ge [sflag:s30], $0xC80  }
0x20f: {  	[sflag:s30] =	ssyncset.done $0x0  }
0x210: {  	[sflag:s30] =	ssyncadd.s32 $0xFFFFF380  }
0x211: {  	_ =	swait.ge [sflag:s30], $0xC80  }
0x212: {  	[sflag:s30] =	ssyncset.done $0x0  }
0x213: {  	[sflag:s30] =	ssyncadd.s32 $0xFFFFF380  }
0x214: {  	_ =	swait.ge [sflag:s30], $0xC80  }
0x215: {  	[sflag:s30] =	ssyncset.done $0x0  }
0x216: {  	[sflag:s30] =	ssyncadd.s32 $0xFFFFF380  }
0x217: {  	_ =	swait.ge [sflag:s30], $0xC80  }
0x218: {  	[sflag:s30] =	ssyncset.done $0x0  }
0x219: {  	[sflag:s30] =	ssyncadd.s32 $0xFFFFF380  }
0x21a: {  	_ =	swait.ge [sflag:s30], $0xC80  }
0x21b: {  	[sflag:s30] =	ssyncset.done $0x0  }
0x21c: {  	[sflag:s30] =	ssyncadd.s32 $0xFFFFF380  }
0x21d: {  	_ =	swait.ge [sflag:s30], $0xC80  }
0x21e: {  	[sflag:s30] =	ssyncset.done $0x0  }
0x21f: {  	[sflag:s30] =	ssyncadd.s32 $0xFFFFF380  }
0x220: {  	_ =	swait.ge [sflag:s30], $0xC80  }
0x221: {  	s6 =	sld [smem:$0x7F9];
	_ =	sdelay $0x2  }
0x222: {  	s31 =	rddreg [dreg:$0x18];
	s1 =	sadd.s32 $0x1, s6  }
0x223: {  	p0 =	sne.s32 s1, s31  }
.Ltmp5:
0x224: {  	_ = 	snop;
	(pc) =	sbr.rel @p0 .LBB2_1-.Ltmp5, $3  }
0x225: {  	_ =	sdelay $0x1  }
0x226: {  	[sflag:s30] =	ssyncset.done $0x0  }
0x227: {  	[sflag:s30] =	ssyncadd.s32 $0xFFFFF380  }
0x228: {  	_ =	sfence.sel $0x180000  }
0x229: {  	[bflag:$0x0] =	sbarrier.arrive $0xFFFF  }
0x22a: {  	_ =	strace $0x9000004A  }
0x22b: {  	s0 =	stileid.u32;
	[bflag:$0x2] =	sbarrier.arrive $0xFFFF  }
0x22c: {  	p0 =	sne.s32 s0, $0x0;
	s0 =	rddreg [dreg:$0x1]  }
0x22d: {  	s0 =	sadd.s32 @!p0 $0x100000, s0  }
0x22e: {  	[sflag:s0] =	ssyncadd.tile.s32 @!p0 $0x1;
	_ =	shalt  }
.Lfunc_end2:
_tile_overlayer_lowered:
.L_overlay_start_2:
0x22f: {  	(tag) =	ssettag $0x2  }
0x230: {  	s0 =	rddreg [dreg:$0x0];
	s2 =	stileid.u32  }
0x231: {  	s1 =	rddreg [dreg:$0x1];
	p0 =	sne.s32 s2, $0x0  }
0x232: {  	s3 =	rddreg [dreg:$0x2];
	[bflag:$0x3] =	sbarrier.arrive $0xFFFF;
	s2 =	simm.s32 @!p0 $0x1C05  }
0x233: {  	[timem:s3], [sflag:s2] =	dma.local @!p0 [hbm:s0], s1  }
0x234: {  	s0 =	simm.s32 @!p0 $0x5  }
0x235: {  	_ =	swait.ge @!p0 [sflag:s0], s1  }
0x236: {  	s1 =	ssub.s32 @!p0 $0x0, s1;
	[sflag:s0] =	ssyncset.done @!p0 $0x0  }
0x237: {  	[sflag:s0] =	ssyncadd.s32 @!p0 s1  }
0x238: {  	[bflag:$0x3] =	sbarrier.arrive $0xFFFF  }
0x239: {  	_ =	shalt  }

// kernel: sparse-core-data-format-call.cloned.1.call-start
scs
called_computation_lowered:
.L_overlay_start_0:
0x0: {  	s2 =	sld [smem:$0x3FD9]  }
0x1: {  	s3 =	sld [smem:$0x3FFE];
	_ =	sdelay $0x1  }
0x2: {  	s1 =	srdreg.scid  }
0x3: {  	s0 =	sand.u32 $0x1, s1  }
0x4: {  	s18 =	sshll.u32 s0, $0xA;
	s2 =	sadd.s32 s3, s2  }
0x5: {  	s2 =	sadd.s32 s2, s18  }
0x6: {  	[smem:$0x3FC6] =	sst s2  }
0x7: {  	_ = 	snop  }
0x8: {  	s2 =	sld [smem:$0x3FD0];
	(tm) =	ssettm $0x1  }
0x9: {  	s19 =	sld [smem:$0x3FFB];
	_ =	sdelay $0x3  }
0xa: {  	_ =	strace s19  }
0xb: {  	s3 =	sld [smem:$0x3FFC];
	_ =	sdelay $0x3  }
0xc: {  	_ =	strace s3  }
0xd: {  	s3 =	sld [smem:$0x3FFD];
	_ =	sdelay $0x3  }
0xe: {  	_ =	strace s3  }
0xf: {  	_ =	strace $0x8FFFFFFF  }
0x10: {  	s20 =	sld [smem:$0x3FDB];
	_ =	sdelay $0x1  }
0x11: {  	s4 =	simm.s32 $_scs_section_size  }
0x12: {  	s5 =	simm.s32 $_size__tile_overlayer_lowered;
	s6 =	simm.s32 $_tile_overlayer_lowered  }
0x13: {  	s23 =	simm.s32 $0x1BFF;
	s22 =	sshll.u32 s6, $0x1;
	s3 =	sadd.s32 s4, s20  }
0x14: {  	s7 =	simm.s32 $0x0;
	s21 =	sshll.u32 s5, $0x1;
	s5 =	sadd.s32 s22, s3  }
0x15: {  	[timem:s7], [sflag:s23] =	dma.local [hbm:s5], s21  }
0x16: {  	_ =	swait.ge [sflag:s23], s21  }
0x17: {  	s4 =	ssub.s32 $0x0, s21;
	[sflag:s23] =	ssyncset.done $0x0  }
0x18: {  	[sflag:s23] =	ssyncadd.s32 s4;
	_ =	sdelay $0x1  }
0x19: {  	s24 =	simm.s32 $0x1B8B  }
0x1a: {  	_ =	swait.ge [sflag:s24], $0x1  }
0x1b: {  	[sflag:s24] =	ssyncset.done $0x0  }
0x1c: {  	s26 =	simm.s32 $0x1B8E;
	s25 =	sld [smem:$0x3FFE];
	[sflag:s24] =	ssyncadd.s32 $0xFFFFFFFF  }
0x1d: {  	s27 =	simm.s32 $execute0_lowered;
	[smem:$0x3FD2] =	sst s26  }
0x1e: {  	s5 =	sshll.u32 s27, $0x1;
	_ =	strace $0x8000004C;
	[dreg:$0x1] =	wrdreg $0xFFFFFFFF  }
0x1f: {  	s28 =	simm.s32 $_size_execute0_lowered;
	s3 =	sadd.s32 s3, s5;
	[dreg:$0x0] =	wrdreg $0x0  }
0x20: {  	s5 =	sshll.u32 s28, $0x1;
	[dreg:$0x2] =	wrdreg s3  }
0x21: {  	[dreg:$0x3] =	wrdreg s5  }
0x22: {  	[dreg:$0x4] =	wrdreg $0xC0  }
0x23: {  	_ =	task [dreg:s7], $0x5FFFF  }
0x24: {  	[dreg:$0x1] =	wrdreg $0xFFFFFFFF  }
0x25: {  	[dreg:$0x0] =	wrdreg $0x60  }
0x26: {  	[dreg:$0x2] =	wrdreg s25  }
0x27: {  	[dreg:$0x3] =	wrdreg s2  }
0x28: {  	[dreg:$0x4] =	wrdreg $0x9  }
0x29: {  	_ =	task.clear_ibuf [dreg:s7], $0x5FFFF;
	_ =	strace $0x9000004C  }
0x2a: {  	s29 =	simm.s32 $0x9;
	_ =	strace $0x8000004E  }
0x2b: {  	_ =	swait.ge [sflag:s29], $0x1  }
0x2c: {  	[sflag:s29] =	ssyncadd.s32 $0xFFFFFFFF  }
0x2d: {  	_ =	strace $0x9000004E  }
0x2e: {  	_ =	sfence  }
0x2f: {  	s30 =	sld [smem:$0x0];
	_ =	sdelay $0x2  }
0x30: {  	s31 =	sshll.u32 s1, $0xD;
	s1 =	sshrl.u32 s1, $0x2  }
0x31: {  	s3 =	sand.u32 $0x4000, s31;
	s1 =	sadd.s32 s1, s30  }
0x32: {  	s0 =	sor.u32 s3, s0;
	s1 =	sshll.u32 s1, $0x11  }
0x33: {  	s0 =	sor.u32 s1, s0  }
0x34: {  	s0 =	sadd.s32 $0x8F2B, s0  }
0x35: {  	[sflag:s0] =	ssyncadd.remote.s32 $0x1  }
0x36: {  	_ =	sfence.sel $0xFFFF  }
0x37: {  	[dreg:$0x0] =	wrdreg $0xFFFFFFFF;
	(pc) =	sbr.abs _section_cstart, $3  }
0x38: {  	[dreg:$0x1] =	wrdreg $0xFFFFFFFF  }
0x39: {  	_ =	task.clear_ibuf [dreg:s7], $0x2FFFF;
	_ =	strace $0x9FFFFFFF  }
0x3a: {  	(tm) =	ssettm $0x7FFFFFFF  }
0x3b: {  	_ =	shalt  }
tec
execute0_lowered:
.L_overlay_start_1:
0x0: {  	(tag) =	ssettag $0x1  }
0x1: {  	s0 =	srdreg.scid  }
0x2: {  	s1 =	sshll.u32 s0, $0x4  }
0x3: {  	s0 =	stileid.u32;
	s1 =	sand.u32 $0x10, s1  }
0x4: {  	s1 =	sor.u32 s0, s1  }
0x5: {  	s6 =	rddreg [dreg:$0x0];
	s4 =	simm.s32 $0x1;
	s2 =	sshll.u32 s1, $0x7  }
0x6: {  	s7 =	simm.s32 $0x2;
	s12 =	simm.s32 $0x0;
	s1 =	ssub.s32 $0x1000, s2  }
0x7: {  	s8 =	simm.s32 $0x8000;
	s13 =	simm.s32 $0x0;
	s3 =	sand.u32 $0xF80, s1  }
0x8: {  	s9 =	simm.s32 $0x0;
	s5 =	sshrl.u32 s1, $0xC;
	p0 =	sne.s32 s3, $0x0  }
.Ltmp0:
0x9: {  	s1 =	rddreg [dreg:$0x2];
	s4 =	simm.s32 @!p0 $0x0;
	(pc) =	sbr.rel .LBB1_1-.Ltmp0, $4  }
0xa: {  	s11 =	simm.s32 $0x0;
	s3 =	rddreg [dreg:$0x1];
	s5 =	sadd.s32 s4, s5  }
0xb: {  	_ =	strace $0x8000004D;
	s4 =	simm.s32 $0x1;
	s5 =	smul.u32 $0x32, s5  }
0xc: {  	s6 =	sadd.s32 $0x7000, s6;
	s10 =	smov.u32 s2;
	[sflag:s4] =	ssyncpa.u1 $0x0  }
0xd: {  	p0 =	por $0x0, $0x0;
	[sflag:s7] =	ssyncpa.u1 $0x0;
	s7 =	sor.u32 $0x1, s5  }
.LBB1_4:
0xe: {  	s16 =	sshll.u32 s13, $0x3;
	s17 =	sand.u32 $0x78, s13  }
0xf: {  	s30 =	sand.u32 $0x7E00, s13;
	s12 =	sshll.u32 s12, $0xF;
	s16 =	sand.u32 $0xC00, s16  }
0x10: {  	[tilespmem:s15+$0x810 ss:$0x81] =	vst.msk $0xffff, v2;
	s31 =	sand.u32 $0x7, s13;
	s16 =	sor.u32 s17, s16;
	s17 =	sadd.s32 s3, s30  }
0x11: {  	[tilespmem:s15+$0x1020 ss:$0x81] =	vst.msk $0xffff, v0;
	s13 =	sshll.u32 s31, $0x12;
	s12 =	sadd.s32 s12, s17;
	s16 =	sshrl.u32 s16, $0x3  }
0x12: {  	[tilespmem:s15+$0x0 ss:$0x81] =	vst.msk $0xffff, v1;
	s13 =	sor.u32 $0x400, s13;
	s12 =	sadd.s32 s16, s12  }
0x13: {  	[hbm4b:s12+s13] =	stream.strided.scatter [tilespmem:s14], [sflag:$0x2], $0x2000, s8, s13, $0x20;
	[tilespmem:$0x8080] =	vst v63  }
.LBB1_5:
0x14: {  	s14 =	sadd.s32 $0x1, s9  }
0x15: {  	s12 =	sadd.s32 $0x1000, s10;
	s16 =	smov.u32 s10;
	p2 =	sgt.s32 s14, $0x31  }
0x16: {  	s16 =	smov.u32 @p2 s12  }
0x17: {  	s14 =	simm.s32 @p2 $0x0;
	p2 =	sgt.s32 s16, $0xFFF  }
0x18: {  	s16 =	smov.u32 @p2 s2;
	p2 =	sne.s32 s11, s7  }
.Ltmp1:
0x19: {  	p1 =	slt.u32 s11, $0x2;
	(pc) =	sbr.rel @!p2 .LBB1_6-.Ltmp1, $4  }
0x1a: {  	s15 =	simm.s32 @!p1 $0x2  }
0x1b: {  	s13 =	smov.u32 s10;
	p0 =	por !p0, !p0;
	_ =	swait.ge @!p1 [sflag:s15], $0x2000  }
0x1c: {  	s12 =	smov.u32 s9;
	[sflag:s15] =	ssyncset.done @!p1 $0x0;
	s9 =	smov.u32 s14  }
0x1d: {  	s11 =	sadd.s32 $0x1, s11;
	[sflag:s15] =	ssyncadd.s32 @!p1 $0xFFFFE000;
	s10 =	smov.u32 s16  }
.LBB1_1:
0x1e: {  	p1 =	sge.u32 s11, s5  }
0x1f: {  	s14 =	sand.u32 @!p1 $0x1FFFFFF, s9  }
0x20: {  	s15 =	smulhi.u32 @!p1 $0x4924925, s14;
	_ =	sdelay $0x1  }
0x21: {  	s15 =	smul.u32 @!p1 $0x38, s15  }
0x22: {  	s16 =	sxor.u32 @!p1 $0xFFFFFFFF, s11;
	s17 =	smul.u32 @!p1 $0x380, s10  }
0x23: {  	s31 =	sadd.s32 $0xFFFFFFFF, s11;
	s16 =	sshll.u32 @!p1 s16, $0xD;
	s14 =	ssub.s32 @!p1 s14, s15  }
0x24: {  	s15 =	sand.u32 @!p1 $0x2000, s16;
	s16 =	sadd.s32 @!p1 s6, s17;
	s14 =	sshll.u32 @!p1 s14, $0x4  }
0x25: {  	s17 =	simm.s32 @!p1 $0x1C00;
	s14 =	sadd.s32 @!p1 s14, s16;
	s16 =	simm.s32 @!p1 $0x40  }
0x26: {  	[tilespmem:s15], [sflag:$0x1] =	stream.strided.gather @!p1 [hbm4b:s14+s16], $0x2000, s17, s16, $0x38;
	[tilespmem:$0x8080] =	vst v63  }
0x27: {  	p1 =	sge.u32 s31, s5  }
.Ltmp2:
0x28: {  	_ = 	snop;
	(pc) =	sbr.rel @p1 .LBB1_5-.Ltmp2, $1  }
0x29: {  	_ =	sdelay $0x3  }
0x2a: {  	s14 =	simm.s32 $0x1  }
0x2b: {  	_ =	swait.ge [sflag:s4], $0x2000;
	s14 =	simm.s32 @!p0 $0x0  }
0x2c: {  	[sflag:s4] =	ssyncset.done $0x0;
	s15 =	sshll.u32 s14, $0xD  }
0x2d: {  	[sflag:s4] =	ssyncadd.s32 $0xFFFFE000;
	s18 =	sor.u32 $0x20, s15  }
0x2e: {  	s14 =	smul.u32 $0x8100, s14;
	v3 =	vld [tilespmem:s18+$0x10]  }
0x2f: {  	s30 =	sand.u32 $0x1, s11;
	v2 =	vld [tilespmem:s18+$0xFFFFFFF0]  }
0x30: {  	s15 =	smul.u32 $0x8100, s30;
	s14 =	sshrl.u32 s14, $0x2;
	v0 =	vld [tilespmem:s18+$0x0]  }
0x31: {  	v1 =	vld [tilespmem:s18+$0xFFFFFFE0];
	s16 =	sor.u32 $0x4000, s14  }
0x32: {  	s31 =	sshrl.u32 s15, $0x2;
	s15 =	sadd.s32 $0x0, s16  }
0x33: {  	s17 =	simm.s32 $0x4;
	s18 =	sadd.s32 $0x40, s18;
	s14 =	sor.u32 $0x4000, s31;
	[tilespmem:s15+$0x1830 ss:$0x81] =	vst.msk $0xffff, v3  }
.LBB1_3:
0x34: {  	v3 =	vld [tilespmem:s18+$0x10];
	p1 =	sne.s32 s17, $0x1FC;
	[tilespmem:s15+$0x810 ss:$0x81] =	vst.msk $0xffff, v2;
	s19 =	smov.u32 s17;
	s17 =	sadd.s32 $0x4, s17  }
.Ltmp3:
0x35: {  	v2 =	vld [tilespmem:s18+$0xFFFFFFF0];
	[tilespmem:s15+$0x1020 ss:$0x81] =	vst.msk $0xffff, v0;
	(pc) =	sbr.rel @p1 .LBB1_3-.Ltmp3, $4  }
0x36: {  	v0 =	vld [tilespmem:s18+$0x0];
	[tilespmem:s15+$0x0 ss:$0x81] =	vst.msk $0xffff, v1  }
0x37: {  	s15 =	sshra.s32 s19, $0x2;
	v1 =	vld [tilespmem:s18+$0xFFFFFFE0]  }
0x38: {  	s15 =	sadd.s32 s15, s16  }
0x39: {  	s18 =	sadd.s32 $0x40, s18;
	[tilespmem:s15+$0x1830 ss:$0x81] =	vst.msk $0xffff, v3  }
.Ltmp4:
0x3a: {  	_ = 	snop;
	(pc) =	sbr.rel .LBB1_4-.Ltmp4, $1  }
0x3b: {  	_ =	sdelay $0x3  }
.LBB1_6:
0x3c: {  	_ =	sfence.sel $0x180000  }
0x3d: {  	s2 =	simm.s32 $0x1;
	[bflag:$0x0] =	sbarrier.arrive $0xFFFF  }
0x3e: {  	s31 =	simm.s32 $0x2;
	[sflag:s2] =	ssyncpa.u1 $0x1  }
0x3f: {  	[sflag:s31] =	ssyncpa.u1 $0x1  }
0x40: {  	p0 =	sne.s32 s0, $0x0;
	_ =	strace $0x9000004D  }
0x41: {  	s0 =	sadd.s32 @!p0 $0x100000, s1;
	[bflag:$0x2] =	sbarrier.arrive $0xFFFF  }
0x42: {  	[sflag:s0] =	ssyncadd.tile.s32 @!p0 $0x1;
	_ =	shalt  }
.Lfunc_end1:
_tile_overlayer_lowered:
.L_overlay_start_2:
0x43: {  	(tag) =	ssettag $0x2  }
0x44: {  	s0 =	rddreg [dreg:$0x0];
	s2 =	stileid.u32  }
0x45: {  	s1 =	rddreg [dreg:$0x1];
	p0 =	sne.s32 s2, $0x0  }
0x46: {  	s3 =	rddreg [dreg:$0x2];
	[bflag:$0x3] =	sbarrier.arrive $0xFFFF;
	s2 =	simm.s32 @!p0 $0x1C01  }
0x47: {  	[timem:s3], [sflag:s2] =	dma.local @!p0 [hbm:s0], s1  }
0x48: {  	s0 =	simm.s32 @!p0 $0x1  }
0x49: {  	_ =	swait.ge @!p0 [sflag:s0], s1  }
0x4a: {  	s1 =	ssub.s32 @!p0 $0x0, s1;
	[sflag:s0] =	ssyncset.done @!p0 $0x0  }
0x4b: {  	[sflag:s0] =	ssyncadd.s32 @!p0 s1  }
0x4c: {  	[bflag:$0x3] =	sbarrier.arrive $0xFFFF  }
0x4d: {  	_ =	shalt  }

</sc_bundles>
